<compile_context>
chip_gen: v7x
topology: tpu7x:2x2x1
jax: 0.10.2.dev20260603
libtpu: 0.0.44.dev20260713+nightly
codegen_flags: <defaults>
</compile_context>

<pallas_src>
import functools

import jax
import jax.numpy as jnp
from jax import lax
from jax.experimental import pallas as pl
from jax.experimental.pallas import tpu as pltpu
from jax.experimental.pallas import tpu_sc as plsc

VOCAB = 100000
D = 64
B = 16384

NC = 2
NS = 16
L = 16
NW = NC * NS
BPW = B // NW
HALF = BPW // 2
NBLK = HALF // L
ROWS_PER_STEP = 16


def _rsqrt16(x):
    i = lax.bitcast_convert_type(x, jnp.int32)
    i = jnp.int32(0x5F3759DF) - (i >> 1)
    y = lax.bitcast_convert_type(i, jnp.float32)
    half_x = x * 0.5
    for _ in range(3):
        y = y * (1.5 - half_x * y * y)
    return y


def _sc_body(center_hbm, context_hbm, ctab_hbm, xtab_hbm, out_hbm,
             cidx_v, xidx_v, crows_v, xrows_v, cout_v, sem):
    wid = lax.axis_index("s") * NC + lax.axis_index("c")
    base = wid * BPW

    pltpu.sync_copy(center_hbm.at[pl.ds(base, BPW)], cidx_v)
    pltpu.sync_copy(context_hbm.at[pl.ds(base, BPW)], xidx_v)

    lane = lax.iota(jnp.int32, L)

    for half in range(2):
        hbase = half * HALF

        def fetch(step, _):
            r0 = step * ROWS_PER_STEP
            cvec = cidx_v[pl.ds(hbase + r0, ROWS_PER_STEP)]
            xvec = xidx_v[pl.ds(hbase + r0, ROWS_PER_STEP)]
            for k in range(ROWS_PER_STEP):
                pltpu.async_copy(ctab_hbm.at[pl.ds(cvec[k], 1)],
                                 crows_v.at[pl.ds(r0 + k, 1)], sem)
                pltpu.async_copy(xtab_hbm.at[pl.ds(xvec[k], 1)],
                                 xrows_v.at[pl.ds(r0 + k, 1)], sem)
            return 0

        lax.fori_loop(0, HALF // ROWS_PER_STEP, fetch, 0)

        pltpu.make_async_copy(ctab_hbm.at[pl.ds(0, HALF)], crows_v, sem).wait()
        pltpu.make_async_copy(xtab_hbm.at[pl.ds(0, HALF)], xrows_v, sem).wait()

        def blk(b, _):
            rowv = lane + b * L
            acc = [jnp.zeros((L,), jnp.float32) for _ in range(12)]
            for d in range(D):
                colv = jnp.full((L,), d, jnp.int32)
                cv = plsc.load_gather(crows_v, [rowv, colv])
                xv = plsc.load_gather(xrows_v, [rowv, colv])
                o = 3 * (d & 3)
                acc[o] = acc[o] + cv * xv
                acc[o + 1] = acc[o + 1] + cv * cv
                acc[o + 2] = acc[o + 2] + xv * xv
            dot = (acc[0] + acc[3]) + (acc[6] + acc[9])
            cc = (acc[1] + acc[4]) + (acc[7] + acc[10])
            xx = (acc[2] + acc[5]) + (acc[8] + acc[11])
            m = jnp.maximum(cc, 1e-12) * jnp.maximum(xx, 1e-12)
            prob = (1.0 + dot * _rsqrt16(m)) * 0.5
            cout_v[pl.ds(hbase + b * L, L)] = prob
            return 0

        lax.fori_loop(0, NBLK, blk, 0)

    pltpu.sync_copy(cout_v, out_hbm.at[pl.ds(base, BPW)])


_sc_call = functools.partial(
    pl.kernel,
    out_type=jax.ShapeDtypeStruct((B,), jnp.float32),
    mesh=plsc.VectorSubcoreMesh(core_axis_name="c", subcore_axis_name="s",
                                num_cores=NC, num_subcores=NS),
    compiler_params=pltpu.CompilerParams(needs_layout_passes=False,
                                         use_tc_tiling_on_sc=True),
    scratch_types=[
        pltpu.VMEM((BPW,), jnp.int32),
        pltpu.VMEM((BPW,), jnp.int32),
        pltpu.VMEM((HALF, D), jnp.float32),
        pltpu.VMEM((HALF, D), jnp.float32),
        pltpu.VMEM((BPW,), jnp.float32),
        pltpu.SemaphoreType.DMA,
    ],
)(_sc_body)


@jax.jit
def kernel(center, context, center_table, context_table):
    out = _sc_call(center, context, center_table, context_table)
    return out.reshape(B, 1)

# --- scband reference (transcript-rebuilt; emitter-appended) ---
"""Pipeline reference for scband-word2-vec-78580721648274 (READ-ONLY COPY).

The authoritative reference and input builder live on the scoring server;
editing this copy changes nothing except your own understanding.
"""

import jax, jax.numpy as jnp
import numpy as np

VOCAB = 100000
EMBED_DIM = 64
BATCH = 16384


def _l2_normalize(x, axis=1, eps=1e-12):
    sq = jnp.sum(jnp.square(x), axis=axis, keepdims=True)
    return x * jax.lax.rsqrt(jnp.maximum(sq, eps))


def setup_inputs(seed: int = 0) -> dict:
    key = jax.random.key(seed)
    k1, k2, k3, k4 = jax.random.split(key, 4)
    center = jax.random.randint(k1, (BATCH,), 0, VOCAB, dtype=jnp.int32)
    context = jax.random.randint(k2, (BATCH,), 0, VOCAB, dtype=jnp.int32)
    # Embedding tables (Keras Embedding default init is uniform(-0.05, 0.05))
    center_table = jax.random.uniform(k3, (VOCAB, EMBED_DIM), dtype=jnp.float32, minval=-0.05, maxval=0.05)
    context_table = jax.random.uniform(k4, (VOCAB, EMBED_DIM), dtype=jnp.float32, minval=-0.05, maxval=0.05)
    return {"center": center, "context": context, "center_table": center_table, "context_table": context_table}


def reference(center, context, center_table, context_table):
    # Embedding lookups (gather)
    center_emb = jnp.take(center_table, center, axis=0)   # [B, D]
    context_emb = jnp.take(context_table, context, axis=0)  # [B, D]
    # Keras Dot(axes=1, normalize=True) == cosine similarity along feature axis
    cn = _l2_normalize(center_emb, axis=1)
    xn = _l2_normalize(context_emb, axis=1)
    similarity = jnp.sum(cn * xn, axis=1, keepdims=True)  # [B, 1]
    probability = (1.0 + similarity) / 2.0
    return probability

if __name__ == "__main__":
    import jax
    _d = setup_inputs()
    print(jax.jit(kernel)(*tuple(_d.values())))

</pallas_src>

<mosaic_0001>
#map = affine_map<(d0, d1) -> (0)>
#map1 = affine_map<(d0, d1) -> (0, 0)>
module attributes {stable_mosaic.version = 14 : i64} {
  func.func @_sc_body(%arg0: i32, %arg1: i32, %arg2: memref<16384xi32, #tpu.memory_space<hbm>>, %arg3: memref<16384xi32, #tpu.memory_space<hbm>>, %arg4: memref<100000x64xf32, #tpu.memory_space<hbm>>, %arg5: memref<100000x64xf32, #tpu.memory_space<hbm>>, %arg6: memref<16384xf32, #tpu.memory_space<hbm>>, %arg7: memref<512xi32, #tpu.memory_space<vmem>>, %arg8: memref<512xi32, #tpu.memory_space<vmem>>, %arg9: memref<256x64xf32, #tpu.memory_space<vmem>>, %arg10: memref<256x64xf32, #tpu.memory_space<vmem>>, %arg11: memref<512xf32, #tpu.memory_space<vmem>>, %arg12: memref<!tpu.dma_semaphore, #tpu.memory_space<semaphore_mem>>) attributes {dimension_semantics = [#tpu.dimension_semantics<core_parallel>, #tpu.dimension_semantics<subcore_parallel>], iteration_bounds = array<i64: 2, 16>, scalar_prefetch = 0 : i64, scratch_operands = 6 : i64, tpu.core_type = #tpu.core_type<sc_vector_subcore>, window_params = [{transform_indices = #map}, {transform_indices = #map}, {transform_indices = #map1}, {transform_indices = #map1}, {transform_indices = #map}]} {
    %mul3A = arith.constant 2 : i32
    %mul3A_0 = arith.muli %arg1, %mul3A : i32
    %add3A = arith.addi %mul3A_0, %arg0 : i32
    %mul3A_1 = arith.constant 512 : i32
    %mul3A_2 = arith.muli %add3A, %mul3A_1 : i32
    "tpu.region"() ({
      %run_scoped3A = tpu.sem_alloc : memref<!tpu.dma_semaphore, #tpu.memory_space<semaphore_mem>>
      %dma_start3A = tpu.memref_slice %arg2[%mul3A_2] : memref<16384xi32, #tpu.memory_space<hbm>> -> memref<512xi32, #tpu.memory_space<hbm>>
      %dma_start3A_53 = tpu.memref_slice %arg2[%mul3A_2] : memref<16384xi32, #tpu.memory_space<hbm>> -> memref<512xi32, #tpu.memory_space<hbm>>
      tpu.enqueue_dma source(%dma_start3A_53 : memref<512xi32, #tpu.memory_space<hbm>>) target(%arg7 : memref<512xi32, #tpu.memory_space<vmem>>) target_semaphore(%run_scoped3A : memref<!tpu.dma_semaphore, #tpu.memory_space<semaphore_mem>>)
      %dma_wait3A_54 = tpu.memref_slice %arg2[%mul3A_2] : memref<16384xi32, #tpu.memory_space<hbm>> -> memref<512xi32, #tpu.memory_space<hbm>>
      %dma_wait3A_55 = tpu.memref_slice %arg2[%mul3A_2] : memref<16384xi32, #tpu.memory_space<hbm>> -> memref<512xi32, #tpu.memory_space<hbm>>
      tpu.wait_dma2 semaphore(%run_scoped3A : memref<!tpu.dma_semaphore, #tpu.memory_space<semaphore_mem>>) src(%dma_wait3A_55 : memref<512xi32, #tpu.memory_space<hbm>>) dst(%arg7 : memref<512xi32, #tpu.memory_space<vmem>>)
      tpu.yield
    }) : () -> ()
    "tpu.region"() ({
      %run_scoped3A = tpu.sem_alloc : memref<!tpu.dma_semaphore, #tpu.memory_space<semaphore_mem>>
      %dma_start3A = tpu.memref_slice %arg3[%mul3A_2] : memref<16384xi32, #tpu.memory_space<hbm>> -> memref<512xi32, #tpu.memory_space<hbm>>
      %dma_start3A_53 = tpu.memref_slice %arg3[%mul3A_2] : memref<16384xi32, #tpu.memory_space<hbm>> -> memref<512xi32, #tpu.memory_space<hbm>>
      tpu.enqueue_dma source(%dma_start3A_53 : memref<512xi32, #tpu.memory_space<hbm>>) target(%arg8 : memref<512xi32, #tpu.memory_space<vmem>>) target_semaphore(%run_scoped3A : memref<!tpu.dma_semaphore, #tpu.memory_space<semaphore_mem>>)
      %dma_wait3A_54 = tpu.memref_slice %arg3[%mul3A_2] : memref<16384xi32, #tpu.memory_space<hbm>> -> memref<512xi32, #tpu.memory_space<hbm>>
      %dma_wait3A_55 = tpu.memref_slice %arg3[%mul3A_2] : memref<16384xi32, #tpu.memory_space<hbm>> -> memref<512xi32, #tpu.memory_space<hbm>>
      tpu.wait_dma2 semaphore(%run_scoped3A : memref<!tpu.dma_semaphore, #tpu.memory_space<semaphore_mem>>) src(%dma_wait3A_55 : memref<512xi32, #tpu.memory_space<hbm>>) dst(%arg8 : memref<512xi32, #tpu.memory_space<vmem>>)
      tpu.yield
    }) : () -> ()
    %iota3A = tpu.iota {dimensions = array<i32: 0>} : vector<16xi32>
    %scan3A = arith.constant 0 : i32
    %scan3A_3 = arith.constant 0 : i32
    %scan3A_4 = arith.constant 16 : i32
    %scan3A_5 = arith.addi %scan3A_3, %scan3A_4 : i32
    %scan3A_6 = arith.constant 1 : i32
    %scan3A_7 = scf.for %scan3A_53 = %scan3A_3 to %scan3A_5 step %scan3A_6 iter_args(%scan3A_54 = %scan3A) -> (i32)  : i32 {
      %mul3A_55 = arith.constant 16 : i32
      %mul3A_56 = arith.muli %scan3A_53, %mul3A_55 : i32
      %add3A_57 = arith.constant 0 : i32
      %add3A_58 = arith.addi %add3A_57, %mul3A_56 : i32
      %get3A = arith.index_cast %add3A_58 : i32 to index
      %get3A_59 = tpu.vector_load %arg7[%get3A] {strides = array<i32>} : memref<512xi32, #tpu.memory_space<vmem>>, vector<16xi32>,
      %add3A_60 = arith.constant 0 : i32
      %add3A_61 = arith.addi %add3A_60, %mul3A_56 : i32
      %get3A_62 = arith.index_cast %add3A_61 : i32 to index
      %get3A_63 = tpu.vector_load %arg8[%get3A_62] {strides = array<i32>} : memref<512xi32, #tpu.memory_space<vmem>>, vector<16xi32>,
      %slice3A = vector.extract_strided_slice %get3A_59 {offsets = [0], sizes = [1], strides = [1]} : vector<16xi32> to vector<1xi32>
      %squeeze3A = vector.extract %slice3A[0] : i32 from vector<1xi32>
      %add3A_64 = arith.constant 0 : i32
      %add3A_65 = arith.addi %mul3A_56, %add3A_64 : i32
      %dma_start3A = arith.constant 0 : i32
      %dma_start3A_66 = tpu.memref_slice %arg9[%add3A_65, %dma_start3A] : memref<256x64xf32, #tpu.memory_space<vmem>> -> memref<1x64xf32, #tpu.memory_space<vmem>>
      %dma_start3A_67 = arith.constant 0 : i32
      %dma_start3A_68 = tpu.memref_slice %arg4[%squeeze3A, %dma_start3A_67] : memref<100000x64xf32, #tpu.memory_space<hbm>> -> memref<1x64xf32, #tpu.memory_space<hbm>>
      %dma_start3A_69 = arith.constant 0 : i32
      %dma_start3A_70 = tpu.memref_slice %arg9[%add3A_65, %dma_start3A_69] : memref<256x64xf32, #tpu.memory_space<vmem>> -> memref<1x64xf32, #tpu.memory_space<vmem>>
      %dma_start3A_71 = arith.constant 0 : i32
      %dma_start3A_72 = tpu.memref_slice %arg4[%squeeze3A, %dma_start3A_71] : memref<100000x64xf32, #tpu.memory_space<hbm>> -> memref<1x64xf32, #tpu.memory_space<hbm>>
      tpu.enqueue_dma source(%dma_start3A_72 : memref<1x64xf32, #tpu.memory_space<hbm>>) target(%dma_start3A_70 : memref<1x64xf32, #tpu.memory_space<vmem>>) target_semaphore(%arg12 : memref<!tpu.dma_semaphore, #tpu.memory_space<semaphore_mem>>)
      %slice3A_73 = vector.extract_strided_slice %get3A_63 {offsets = [0], sizes = [1], strides = [1]} : vector<16xi32> to vector<1xi32>
      %squeeze3A_74 = vector.extract %slice3A_73[0] : i32 from vector<1xi32>
      %add3A_75 = arith.constant 0 : i32
      %add3A_76 = arith.addi %mul3A_56, %add3A_75 : i32
      %dma_start3A_77 = arith.constant 0 : i32
      %dma_start3A_78 = tpu.memref_slice %arg10[%add3A_76, %dma_start3A_77] : memref<256x64xf32, #tpu.memory_space<vmem>> -> memref<1x64xf32, #tpu.memory_space<vmem>>
      %dma_start3A_79 = arith.constant 0 : i32
      %dma_start3A_80 = tpu.memref_slice %arg5[%squeeze3A_74, %dma_start3A_79] : memref<100000x64xf32, #tpu.memory_space<hbm>> -> memref<1x64xf32, #tpu.memory_space<hbm>>
      %dma_start3A_81 = arith.constant 0 : i32
      %dma_start3A_82 = tpu.memref_slice %arg10[%add3A_76, %dma_start3A_81] : memref<256x64xf32, #tpu.memory_space<vmem>> -> memref<1x64xf32, #tpu.memory_space<vmem>>
      %dma_start3A_83 = arith.constant 0 : i32
      %dma_start3A_84 = tpu.memref_slice %arg5[%squeeze3A_74, %dma_start3A_83] : memref<100000x64xf32, #tpu.memory_space<hbm>> -> memref<1x64xf32, #tpu.memory_space<hbm>>
      tpu.enqueue_dma source(%dma_start3A_84 : memref<1x64xf32, #tpu.memory_space<hbm>>) target(%dma_start3A_82 : memref<1x64xf32, #tpu.memory_space<vmem>>) target_semaphore(%arg12 : memref<!tpu.dma_semaphore, #tpu.memory_space<semaphore_mem>>)
      %slice3A_85 = vector.extract_strided_slice %get3A_59 {offsets = [1], sizes = [1], strides = [1]} : vector<16xi32> to vector<1xi32>
      %squeeze3A_86 = vector.extract %slice3A_85[0] : i32 from vector<1xi32>
      %add3A_87 = arith.constant 1 : i32
      %add3A_88 = arith.addi %mul3A_56, %add3A_87 : i32
      %dma_start3A_89 = arith.constant 0 : i32
      %dma_start3A_90 = tpu.memref_slice %arg9[%add3A_88, %dma_start3A_89] : memref<256x64xf32, #tpu.memory_space<vmem>> -> memref<1x64xf32, #tpu.memory_space<vmem>>
      %dma_start3A_91 = arith.constant 0 : i32
      %dma_start3A_92 = tpu.memref_slice %arg4[%squeeze3A_86, %dma_start3A_91] : memref<100000x64xf32, #tpu.memory_space<hbm>> -> memref<1x64xf32, #tpu.memory_space<hbm>>
      %dma_start3A_93 = arith.constant 0 : i32
      %dma_start3A_94 = tpu.memref_slice %arg9[%add3A_88, %dma_start3A_93] : memref<256x64xf32, #tpu.memory_space<vmem>> -> memref<1x64xf32, #tpu.memory_space<vmem>>
      %dma_start3A_95 = arith.constant 0 : i32
      %dma_start3A_96 = tpu.memref_slice %arg4[%squeeze3A_86, %dma_start3A_95] : memref<100000x64xf32, #tpu.memory_space<hbm>> -> memref<1x64xf32, #tpu.memory_space<hbm>>
      tpu.enqueue_dma source(%dma_start3A_96 : memref<1x64xf32, #tpu.memory_space<hbm>>) target(%dma_start3A_94 : memref<1x64xf32, #tpu.memory_space<vmem>>) target_semaphore(%arg12 : memref<!tpu.dma_semaphore, #tpu.memory_space<semaphore_mem>>)
      %slice3A_97 = vector.extract_strided_slice %get3A_63 {offsets = [1], sizes = [1], strides = [1]} : vector<16xi32> to vector<1xi32>
      %squeeze3A_98 = vector.extract %slice3A_97[0] : i32 from vector<1xi32>
      %add3A_99 = arith.constant 1 : i32
      %add3A_100 = arith.addi %mul3A_56, %add3A_99 : i32
      %dma_start3A_101 = arith.constant 0 : i32
      %dma_start3A_102 = tpu.memref_slice %arg10[%add3A_100, %dma_start3A_101] : memref<256x64xf32, #tpu.memory_space<vmem>> -> memref<1x64xf32, #tpu.memory_space<vmem>>
      %dma_start3A_103 = arith.constant 0 : i32
      %dma_start3A_104 = tpu.memref_slice %arg5[%squeeze3A_98, %dma_start3A_103] : memref<100000x64xf32, #tpu.memory_space<hbm>> -> memref<1x64xf32, #tpu.memory_space<hbm>>
      %dma_start3A_105 = arith.constant 0 : i32
      %dma_start3A_106 = tpu.memref_slice %arg10[%add3A_100, %dma_start3A_105] : memref<256x64xf32, #tpu.memory_space<vmem>> -> memref<1x64xf32, #tpu.memory_space<vmem>>
      %dma_start3A_107 = arith.constant 0 : i32
      %dma_start3A_108 = tpu.memref_slice %arg5[%squeeze3A_98, %dma_start3A_107] : memref<100000x64xf32, #tpu.memory_space<hbm>> -> memref<1x64xf32, #tpu.memory_space<hbm>>
      tpu.enqueue_dma source(%dma_start3A_108 : memref<1x64xf32, #tpu.memory_space<hbm>>) target(%dma_start3A_106 : memref<1x64xf32, #tpu.memory_space<vmem>>) target_semaphore(%arg12 : memref<!tpu.dma_semaphore, #tpu.memory_space<semaphore_mem>>)
      %slice3A_109 = vector.extract_strided_slice %get3A_59 {offsets = [2], sizes = [1], strides = [1]} : vector<16xi32> to vector<1xi32>
      %squeeze3A_110 = vector.extract %slice3A_109[0] : i32 from vector<1xi32>
      %add3A_111 = arith.constant 2 : i32
      %add3A_112 = arith.addi %mul3A_56, %add3A_111 : i32
      %dma_start3A_113 = arith.constant 0 : i32
      %dma_start3A_114 = tpu.memref_slice %arg9[%add3A_112, %dma_start3A_113] : memref<256x64xf32, #tpu.memory_space<vmem>> -> memref<1x64xf32, #tpu.memory_space<vmem>>
      %dma_start3A_115 = arith.constant 0 : i32
      %dma_start3A_116 = tpu.memref_slice %arg4[%squeeze3A_110, %dma_start3A_115] : memref<100000x64xf32, #tpu.memory_space<hbm>> -> memref<1x64xf32, #tpu.memory_space<hbm>>
      %dma_start3A_117 = arith.constant 0 : i32
      %dma_start3A_118 = tpu.memref_slice %arg9[%add3A_112, %dma_start3A_117] : memref<256x64xf32, #tpu.memory_space<vmem>> -> memref<1x64xf32, #tpu.memory_space<vmem>>
      %dma_start3A_119 = arith.constant 0 : i32
      %dma_start3A_120 = tpu.memref_slice %arg4[%squeeze3A_110, %dma_start3A_119] : memref<100000x64xf32, #tpu.memory_space<hbm>> -> memref<1x64xf32, #tpu.memory_space<hbm>>
      tpu.enqueue_dma source(%dma_start3A_120 : memref<1x64xf32, #tpu.memory_space<hbm>>) target(%dma_start3A_118 : memref<1x64xf32, #tpu.memory_space<vmem>>) target_semaphore(%arg12 : memref<!tpu.dma_semaphore, #tpu.memory_space<semaphore_mem>>)
      %slice3A_121 = vector.extract_strided_slice %get3A_63 {offsets = [2], sizes = [1], strides = [1]} : vector<16xi32> to vector<1xi32>
      %squeeze3A_122 = vector.extract %slice3A_121[0] : i32 from vector<1xi32>
      %add3A_123 = arith.constant 2 : i32
      %add3A_124 = arith.addi %mul3A_56, %add3A_123 : i32
      %dma_start3A_125 = arith.constant 0 : i32
      %dma_start3A_126 = tpu.memref_slice %arg10[%add3A_124, %dma_start3A_125] : memref<256x64xf32, #tpu.memory_space<vmem>> -> memref<1x64xf32, #tpu.memory_space<vmem>>
      %dma_start3A_127 = arith.constant 0 : i32
      %dma_start3A_128 = tpu.memref_slice %arg5[%squeeze3A_122, %dma_start3A_127] : memref<100000x64xf32, #tpu.memory_space<hbm>> -> memref<1x64xf32, #tpu.memory_space<hbm>>
      %dma_start3A_129 = arith.constant 0 : i32
      %dma_start3A_130 = tpu.memref_slice %arg10[%add3A_124, %dma_start3A_129] : memref<256x64xf32, #tpu.memory_space<vmem>> -> memref<1x64xf32, #tpu.memory_space<vmem>>
      %dma_start3A_131 = arith.constant 0 : i32
      %dma_start3A_132 = tpu.memref_slice %arg5[%squeeze3A_122, %dma_start3A_131] : memref<100000x64xf32, #tpu.memory_space<hbm>> -> memref<1x64xf32, #tpu.memory_space<hbm>>
      tpu.enqueue_dma source(%dma_start3A_132 : memref<1x64xf32, #tpu.memory_space<hbm>>) target(%dma_start3A_130 : memref<1x64xf32, #tpu.memory_space<vmem>>) target_semaphore(%arg12 : memref<!tpu.dma_semaphore, #tpu.memory_space<semaphore_mem>>)
      %slice3A_133 = vector.extract_strided_slice %get3A_59 {offsets = [3], sizes = [1], strides = [1]} : vector<16xi32> to vector<1xi32>
      %squeeze3A_134 = vector.extract %slice3A_133[0] : i32 from vector<1xi32>
      %add3A_135 = arith.constant 3 : i32
      %add3A_136 = arith.addi %mul3A_56, %add3A_135 : i32
      %dma_start3A_137 = arith.constant 0 : i32
      %dma_start3A_138 = tpu.memref_slice %arg9[%add3A_136, %dma_start3A_137] : memref<256x64xf32, #tpu.memory_space<vmem>> -> memref<1x64xf32, #tpu.memory_space<vmem>>
      %dma_start3A_139 = arith.constant 0 : i32
      %dma_start3A_140 = tpu.memref_slice %arg4[%squeeze3A_134, %dma_start3A_139] : memref<100000x64xf32, #tpu.memory_space<hbm>> -> memref<1x64xf32, #tpu.memory_space<hbm>>
      %dma_start3A_141 = arith.constant 0 : i32
      %dma_start3A_142 = tpu.memref_slice %arg9[%add3A_136, %dma_start3A_141] : memref<256x64xf32, #tpu.memory_space<vmem>> -> memref<1x64xf32, #tpu.memory_space<vmem>>
      %dma_start3A_143 = arith.constant 0 : i32
      %dma_start3A_144 = tpu.memref_slice %arg4[%squeeze3A_134, %dma_start3A_143] : memref<100000x64xf32, #tpu.memory_space<hbm>> -> memref<1x64xf32, #tpu.memory_space<hbm>>
      tpu.enqueue_dma source(%dma_start3A_144 : memref<1x64xf32, #tpu.memory_space<hbm>>) target(%dma_start3A_142 : memref<1x64xf32, #tpu.memory_space<vmem>>) target_semaphore(%arg12 : memref<!tpu.dma_semaphore, #tpu.memory_space<semaphore_mem>>)
      %slice3A_145 = vector.extract_strided_slice %get3A_63 {offsets = [3], sizes = [1], strides = [1]} : vector<16xi32> to vector<1xi32>
      %squeeze3A_146 = vector.extract %slice3A_145[0] : i32 from vector<1xi32>
      %add3A_147 = arith.constant 3 : i32
      %add3A_148 = arith.addi %mul3A_56, %add3A_147 : i32
      %dma_start3A_149 = arith.constant 0 : i32
      %dma_start3A_150 = tpu.memref_slice %arg10[%add3A_148, %dma_start3A_149] : memref<256x64xf32, #tpu.memory_space<vmem>> -> memref<1x64xf32, #tpu.memory_space<vmem>>
      %dma_start3A_151 = arith.constant 0 : i32
      %dma_start3A_152 = tpu.memref_slice %arg5[%squeeze3A_146, %dma_start3A_151] : memref<100000x64xf32, #tpu.memory_space<hbm>> -> memref<1x64xf32, #tpu.memory_space<hbm>>
      %dma_start3A_153 = arith.constant 0 : i32
      %dma_start3A_154 = tpu.memref_slice %arg10[%add3A_148, %dma_start3A_153] : memref<256x64xf32, #tpu.memory_space<vmem>> -> memref<1x64xf32, #tpu.memory_space<vmem>>
      %dma_start3A_155 = arith.constant 0 : i32
      %dma_start3A_156 = tpu.memref_slice %arg5[%squeeze3A_146, %dma_start3A_155] : memref<100000x64xf32, #tpu.memory_space<hbm>> -> memref<1x64xf32, #tpu.memory_space<hbm>>
      tpu.enqueue_dma source(%dma_start3A_156 : memref<1x64xf32, #tpu.memory_space<hbm>>) target(%dma_start3A_154 : memref<1x64xf32, #tpu.memory_space<vmem>>) target_semaphore(%arg12 : memref<!tpu.dma_semaphore, #tpu.memory_space<semaphore_mem>>)
      %slice3A_157 = vector.extract_strided_slice %get3A_59 {offsets = [4], sizes = [1], strides = [1]} : vector<16xi32> to vector<1xi32>
      %squeeze3A_158 = vector.extract %slice3A_157[0] : i32 from vector<1xi32>
      %add3A_159 = arith.constant 4 : i32
      %add3A_160 = arith.addi %mul3A_56, %add3A_159 : i32
      %dma_start3A_161 = arith.constant 0 : i32
      %dma_start3A_162 = tpu.memref_slice %arg9[%add3A_160, %dma_start3A_161] : memref<256x64xf32, #tpu.memory_space<vmem>> -> memref<1x64xf32, #tpu.memory_space<vmem>>
      %dma_start3A_163 = arith.constant 0 : i32
      %dma_start3A_164 = tpu.memref_slice %arg4[%squeeze3A_158, %dma_start3A_163] : memref<100000x64xf32, #tpu.memory_space<hbm>> -> memref<1x64xf32, #tpu.memory_space<hbm>>
      %dma_start3A_165 = arith.constant 0 : i32
      %dma_start3A_166 = tpu.memref_slice %arg9[%add3A_160, %dma_start3A_165] : memref<256x64xf32, #tpu.memory_space<vmem>> -> memref<1x64xf32, #tpu.memory_space<vmem>>
      %dma_start3A_167 = arith.constant 0 : i32
      %dma_start3A_168 = tpu.memref_slice %arg4[%squeeze3A_158, %dma_start3A_167] : memref<100000x64xf32, #tpu.memory_space<hbm>> -> memref<1x64xf32, #tpu.memory_space<hbm>>
      tpu.enqueue_dma source(%dma_start3A_168 : memref<1x64xf32, #tpu.memory_space<hbm>>) target(%dma_start3A_166 : memref<1x64xf32, #tpu.memory_space<vmem>>) target_semaphore(%arg12 : memref<!tpu.dma_semaphore, #tpu.memory_space<semaphore_mem>>)
      %slice3A_169 = vector.extract_strided_slice %get3A_63 {offsets = [4], sizes = [1], strides = [1]} : vector<16xi32> to vector<1xi32>
      %squeeze3A_170 = vector.extract %slice3A_169[0] : i32 from vector<1xi32>
      %add3A_171 = arith.constant 4 : i32
      %add3A_172 = arith.addi %mul3A_56, %add3A_171 : i32
      %dma_start3A_173 = arith.constant 0 : i32
      %dma_start3A_174 = tpu.memref_slice %arg10[%add3A_172, %dma_start3A_173] : memref<256x64xf32, #tpu.memory_space<vmem>> -> memref<1x64xf32, #tpu.memory_space<vmem>>
      %dma_start3A_175 = arith.constant 0 : i32
      %dma_start3A_176 = tpu.memref_slice %arg5[%squeeze3A_170, %dma_start3A_175] : memref<100000x64xf32, #tpu.memory_space<hbm>> -> memref<1x64xf32, #tpu.memory_space<hbm>>
      %dma_start3A_177 = arith.constant 0 : i32
      %dma_start3A_178 = tpu.memref_slice %arg10[%add3A_172, %dma_start3A_177] : memref<256x64xf32, #tpu.memory_space<vmem>> -> memref<1x64xf32, #tpu.memory_space<vmem>>
      %dma_start3A_179 = arith.constant 0 : i32
      %dma_start3A_180 = tpu.memref_slice %arg5[%squeeze3A_170, %dma_start3A_179] : memref<100000x64xf32, #tpu.memory_space<hbm>> -> memref<1x64xf32, #tpu.memory_space<hbm>>
      tpu.enqueue_dma source(%dma_start3A_180 : memref<1x64xf32, #tpu.memory_space<hbm>>) target(%dma_start3A_178 : memref<1x64xf32, #tpu.memory_space<vmem>>) target_semaphore(%arg12 : memref<!tpu.dma_semaphore, #tpu.memory_space<semaphore_mem>>)
      %slice3A_181 = vector.extract_strided_slice %get3A_59 {offsets = [5], sizes = [1], strides = [1]} : vector<16xi32> to vector<1xi32>
      %squeeze3A_182 = vector.extract %slice3A_181[0] : i32 from vector<1xi32>
      %add3A_183 = arith.constant 5 : i32
      %add3A_184 = arith.addi %mul3A_56, %add3A_183 : i32
      %dma_start3A_185 = arith.constant 0 : i32
      %dma_start3A_186 = tpu.memref_slice %arg9[%add3A_184, %dma_start3A_185] : memref<256x64xf32, #tpu.memory_space<vmem>> -> memref<1x64xf32, #tpu.memory_space<vmem>>
      %dma_start3A_187 = arith.constant 0 : i32
      %dma_start3A_188 = tpu.memref_slice %arg4[%squeeze3A_182, %dma_start3A_187] : memref<100000x64xf32, #tpu.memory_space<hbm>> -> memref<1x64xf32, #tpu.memory_space<hbm>>
      %dma_start3A_189 = arith.constant 0 : i32
      %dma_start3A_190 = tpu.memref_slice %arg9[%add3A_184, %dma_start3A_189] : memref<256x64xf32, #tpu.memory_space<vmem>> -> memref<1x64xf32, #tpu.memory_space<vmem>>
      %dma_start3A_191 = arith.constant 0 : i32
      %dma_start3A_192 = tpu.memref_slice %arg4[%squeeze3A_182, %dma_start3A_191] : memref<100000x64xf32, #tpu.memory_space<hbm>> -> memref<1x64xf32, #tpu.memory_space<hbm>>
      tpu.enqueue_dma source(%dma_start3A_192 : memref<1x64xf32, #tpu.memory_space<hbm>>) target(%dma_start3A_190 : memref<1x64xf32, #tpu.memory_space<vmem>>) target_semaphore(%arg12 : memref<!tpu.dma_semaphore, #tpu.memory_space<semaphore_mem>>)
      %slice3A_193 = vector.extract_strided_slice %get3A_63 {offsets = [5], sizes = [1], strides = [1]} : vector<16xi32> to vector<1xi32>
      %squeeze3A_194 = vector.extract %slice3A_193[0] : i32 from vector<1xi32>
      %add3A_195 = arith.constant 5 : i32
      %add3A_196 = arith.addi %mul3A_56, %add3A_195 : i32
      %dma_start3A_197 = arith.constant 0 : i32
      %dma_start3A_198 = tpu.memref_slice %arg10[%add3A_196, %dma_start3A_197] : memref<256x64xf32, #tpu.memory_space<vmem>> -> memref<1x64xf32, #tpu.memory_space<vmem>>
      %dma_start3A_199 = arith.constant 0 : i32
      %dma_start3A_200 = tpu.memref_slice %arg5[%squeeze3A_194, %dma_start3A_199] : memref<100000x64xf32, #tpu.memory_space<hbm>> -> memref<1x64xf32, #tpu.memory_space<hbm>>
      %dma_start3A_201 = arith.constant 0 : i32
      %dma_start3A_202 = tpu.memref_slice %arg10[%add3A_196, %dma_start3A_201] : memref<256x64xf32, #tpu.memory_space<vmem>> -> memref<1x64xf32, #tpu.memory_space<vmem>>
      %dma_start3A_203 = arith.constant 0 : i32
      %dma_start3A_204 = tpu.memref_slice %arg5[%squeeze3A_194, %dma_start3A_203] : memref<100000x64xf32, #tpu.memory_space<hbm>> -> memref<1x64xf32, #tpu.memory_space<hbm>>
      tpu.enqueue_dma source(%dma_start3A_204 : memref<1x64xf32, #tpu.memory_space<hbm>>) target(%dma_start3A_202 : memref<1x64xf32, #tpu.memory_space<vmem>>) target_semaphore(%arg12 : memref<!tpu.dma_semaphore, #tpu.memory_space<semaphore_mem>>)
      %slice3A_205 = vector.extract_strided_slice %get3A_59 {offsets = [6], sizes = [1], strides = [1]} : vector<16xi32> to vector<1xi32>
      %squeeze3A_206 = vector.extract %slice3A_205[0] : i32 from vector<1xi32>
      %add3A_207 = arith.constant 6 : i32
      %add3A_208 = arith.addi %mul3A_56, %add3A_207 : i32
      %dma_start3A_209 = arith.constant 0 : i32
      %dma_start3A_210 = tpu.memref_slice %arg9[%add3A_208, %dma_start3A_209] : memref<256x64xf32, #tpu.memory_space<vmem>> -> memref<1x64xf32, #tpu.memory_space<vmem>>
      %dma_start3A_211 = arith.constant 0 : i32
      %dma_start3A_212 = tpu.memref_slice %arg4[%squeeze3A_206, %dma_start3A_211] : memref<100000x64xf32, #tpu.memory_space<hbm>> -> memref<1x64xf32, #tpu.memory_space<hbm>>
      %dma_start3A_213 = arith.constant 0 : i32
      %dma_start3A_214 = tpu.memref_slice %arg9[%add3A_208, %dma_start3A_213] : memref<256x64xf32, #tpu.memory_space<vmem>> -> memref<1x64xf32, #tpu.memory_space<vmem>>
      %dma_start3A_215 = arith.constant 0 : i32
      %dma_start3A_216 = tpu.memref_slice %arg4[%squeeze3A_206, %dma_start3A_215] : memref<100000x64xf32, #tpu.memory_space<hbm>> -> memref<1x64xf32, #tpu.memory_space<hbm>>
      tpu.enqueue_dma source(%dma_start3A_216 : memref<1x64xf32, #tpu.memory_space<hbm>>) target(%dma_start3A_214 : memref<1x64xf32, #tpu.memory_space<vmem>>) target_semaphore(%arg12 : memref<!tpu.dma_semaphore, #tpu.memory_space<semaphore_mem>>)
      %slice3A_217 = vector.extract_strided_slice %get3A_63 {offsets = [6], sizes = [1], strides = [1]} : vector<16xi32> to vector<1xi32>
      %squeeze3A_218 = vector.extract %slice3A_217[0] : i32 from vector<1xi32>
      %add3A_219 = arith.constant 6 : i32
      %add3A_220 = arith.addi %mul3A_56, %add3A_219 : i32
      %dma_start3A_221 = arith.constant 0 : i32
      %dma_start3A_222 = tpu.memref_slice %arg10[%add3A_220, %dma_start3A_221] : memref<256x64xf32, #tpu.memory_space<vmem>> -> memref<1x64xf32, #tpu.memory_space<vmem>>
      %dma_start3A_223 = arith.constant 0 : i32
      %dma_start3A_224 = tpu.memref_slice %arg5[%squeeze3A_218, %dma_start3A_223] : memref<100000x64xf32, #tpu.memory_space<hbm>> -> memref<1x64xf32, #tpu.memory_space<hbm>>
      %dma_start3A_225 = arith.constant 0 : i32
      %dma_start3A_226 = tpu.memref_slice %arg10[%add3A_220, %dma_start3A_225] : memref<256x64xf32, #tpu.memory_space<vmem>> -> memref<1x64xf32, #tpu.memory_space<vmem>>
      %dma_start3A_227 = arith.constant 0 : i32
      %dma_start3A_228 = tpu.memref_slice %arg5[%squeeze3A_218, %dma_start3A_227] : memref<100000x64xf32, #tpu.memory_space<hbm>> -> memref<1x64xf32, #tpu.memory_space<hbm>>
      tpu.enqueue_dma source(%dma_start3A_228 : memref<1x64xf32, #tpu.memory_space<hbm>>) target(%dma_start3A_226 : memref<1x64xf32, #tpu.memory_space<vmem>>) target_semaphore(%arg12 : memref<!tpu.dma_semaphore, #tpu.memory_space<semaphore_mem>>)
      %slice3A_229 = vector.extract_strided_slice %get3A_59 {offsets = [7], sizes = [1], strides = [1]} : vector<16xi32> to vector<1xi32>
      %squeeze3A_230 = vector.extract %slice3A_229[0] : i32 from vector<1xi32>
      %add3A_231 = arith.constant 7 : i32
      %add3A_232 = arith.addi %mul3A_56, %add3A_231 : i32
      %dma_start3A_233 = arith.constant 0 : i32
      %dma_start3A_234 = tpu.memref_slice %arg9[%add3A_232, %dma_start3A_233] : memref<256x64xf32, #tpu.memory_space<vmem>> -> memref<1x64xf32, #tpu.memory_space<vmem>>
      %dma_start3A_235 = arith.constant 0 : i32
      %dma_start3A_236 = tpu.memref_slice %arg4[%squeeze3A_230, %dma_start3A_235] : memref<100000x64xf32, #tpu.memory_space<hbm>> -> memref<1x64xf32, #tpu.memory_space<hbm>>
      %dma_start3A_237 = arith.constant 0 : i32
      %dma_start3A_238 = tpu.memref_slice %arg9[%add3A_232, %dma_start3A_237] : memref<256x64xf32, #tpu.memory_space<vmem>> -> memref<1x64xf32, #tpu.memory_space<vmem>>
      %dma_start3A_239 = arith.constant 0 : i32
      %dma_start3A_240 = tpu.memref_slice %arg4[%squeeze3A_230, %dma_start3A_239] : memref<100000x64xf32, #tpu.memory_space<hbm>> -> memref<1x64xf32, #tpu.memory_space<hbm>>
      tpu.enqueue_dma source(%dma_start3A_240 : memref<1x64xf32, #tpu.memory_space<hbm>>) target(%dma_start3A_238 : memref<1x64xf32, #tpu.memory_space<vmem>>) target_semaphore(%arg12 : memref<!tpu.dma_semaphore, #tpu.memory_space<semaphore_mem>>)
      %slice3A_241 = vector.extract_strided_slice %get3A_63 {offsets = [7], sizes = [1], strides = [1]} : vector<16xi32> to vector<1xi32>
      %squeeze3A_242 = vector.extract %slice3A_241[0] : i32 from vector<1xi32>
      %add3A_243 = arith.constant 7 : i32
      %add3A_244 = arith.addi %mul3A_56, %add3A_243 : i32
      %dma_start3A_245 = arith.constant 0 : i32
      %dma_start3A_246 = tpu.memref_slice %arg10[%add3A_244, %dma_start3A_245] : memref<256x64xf32, #tpu.memory_space<vmem>> -> memref<1x64xf32, #tpu.memory_space<vmem>>
      %dma_start3A_247 = arith.constant 0 : i32
      %dma_start3A_248 = tpu.memref_slice %arg5[%squeeze3A_242, %dma_start3A_247] : memref<100000x64xf32, #tpu.memory_space<hbm>> -> memref<1x64xf32, #tpu.memory_space<hbm>>
      %dma_start3A_249 = arith.constant 0 : i32
      %dma_start3A_250 = tpu.memref_slice %arg10[%add3A_244, %dma_start3A_249] : memref<256x64xf32, #tpu.memory_space<vmem>> -> memref<1x64xf32, #tpu.memory_space<vmem>>
      %dma_start3A_251 = arith.constant 0 : i32
      %dma_start3A_252 = tpu.memref_slice %arg5[%squeeze3A_242, %dma_start3A_251] : memref<100000x64xf32, #tpu.memory_space<hbm>> -> memref<1x64xf32, #tpu.memory_space<hbm>>
      tpu.enqueue_dma source(%dma_start3A_252 : memref<1x64xf32, #tpu.memory_space<hbm>>) target(%dma_start3A_250 : memref<1x64xf32, #tpu.memory_space<vmem>>) target_semaphore(%arg12 : memref<!tpu.dma_semaphore, #tpu.memory_space<semaphore_mem>>)
      %slice3A_253 = vector.extract_strided_slice %get3A_59 {offsets = [8], sizes = [1], strides = [1]} : vector<16xi32> to vector<1xi32>
      %squeeze3A_254 = vector.extract %slice3A_253[0] : i32 from vector<1xi32>
      %add3A_255 = arith.constant 8 : i32
      %add3A_256 = arith.addi %mul3A_56, %add3A_255 : i32
      %dma_start3A_257 = arith.constant 0 : i32
      %dma_start3A_258 = tpu.memref_slice %arg9[%add3A_256, %dma_start3A_257] : memref<256x64xf32, #tpu.memory_space<vmem>> -> memref<1x64xf32, #tpu.memory_space<vmem>>
      %dma_start3A_259 = arith.constant 0 : i32
      %dma_start3A_260 = tpu.memref_slice %arg4[%squeeze3A_254, %dma_start3A_259] : memref<100000x64xf32, #tpu.memory_space<hbm>> -> memref<1x64xf32, #tpu.memory_space<hbm>>
      %dma_start3A_261 = arith.constant 0 : i32
      %dma_start3A_262 = tpu.memref_slice %arg9[%add3A_256, %dma_start3A_261] : memref<256x64xf32, #tpu.memory_space<vmem>> -> memref<1x64xf32, #tpu.memory_space<vmem>>
      %dma_start3A_263 = arith.constant 0 : i32
      %dma_start3A_264 = tpu.memref_slice %arg4[%squeeze3A_254, %dma_start3A_263] : memref<100000x64xf32, #tpu.memory_space<hbm>> -> memref<1x64xf32, #tpu.memory_space<hbm>>
      tpu.enqueue_dma source(%dma_start3A_264 : memref<1x64xf32, #tpu.memory_space<hbm>>) target(%dma_start3A_262 : memref<1x64xf32, #tpu.memory_space<vmem>>) target_semaphore(%arg12 : memref<!tpu.dma_semaphore, #tpu.memory_space<semaphore_mem>>)
      %slice3A_265 = vector.extract_strided_slice %get3A_63 {offsets = [8], sizes = [1], strides = [1]} : vector<16xi32> to vector<1xi32>
      %squeeze3A_266 = vector.extract %slice3A_265[0] : i32 from vector<1xi32>
      %add3A_267 = arith.constant 8 : i32
      %add3A_268 = arith.addi %mul3A_56, %add3A_267 : i32
      %dma_start3A_269 = arith.constant 0 : i32
      %dma_start3A_270 = tpu.memref_slice %arg10[%add3A_268, %dma_start3A_269] : memref<256x64xf32, #tpu.memory_space<vmem>> -> memref<1x64xf32, #tpu.memory_space<vmem>>
      %dma_start3A_271 = arith.constant 0 : i32
      %dma_start3A_272 = tpu.memref_slice %arg5[%squeeze3A_266, %dma_start3A_271] : memref<100000x64xf32, #tpu.memory_space<hbm>> -> memref<1x64xf32, #tpu.memory_space<hbm>>
      %dma_start3A_273 = arith.constant 0 : i32
      %dma_start3A_274 = tpu.memref_slice %arg10[%add3A_268, %dma_start3A_273] : memref<256x64xf32, #tpu.memory_space<vmem>> -> memref<1x64xf32, #tpu.memory_space<vmem>>
      %dma_start3A_275 = arith.constant 0 : i32
      %dma_start3A_276 = tpu.memref_slice %arg5[%squeeze3A_266, %dma_start3A_275] : memref<100000x64xf32, #tpu.memory_space<hbm>> -> memref<1x64xf32, #tpu.memory_space<hbm>>
      tpu.enqueue_dma source(%dma_start3A_276 : memref<1x64xf32, #tpu.memory_space<hbm>>) target(%dma_start3A_274 : memref<1x64xf32, #tpu.memory_space<vmem>>) target_semaphore(%arg12 : memref<!tpu.dma_semaphore, #tpu.memory_space<semaphore_mem>>)
      %slice3A_277 = vector.extract_strided_slice %get3A_59 {offsets = [9], sizes = [1], strides = [1]} : vector<16xi32> to vector<1xi32>
      %squeeze3A_278 = vector.extract %slice3A_277[0] : i32 from vector<1xi32>
      %add3A_279 = arith.constant 9 : i32
      %add3A_280 = arith.addi %mul3A_56, %add3A_279 : i32
      %dma_start3A_281 = arith.constant 0 : i32
      %dma_start3A_282 = tpu.memref_slice %arg9[%add3A_280, %dma_start3A_281] : memref<256x64xf32, #tpu.memory_space<vmem>> -> memref<1x64xf32, #tpu.memory_space<vmem>>
      %dma_start3A_283 = arith.constant 0 : i32
      %dma_start3A_284 = tpu.memref_slice %arg4[%squeeze3A_278, %dma_start3A_283] : memref<100000x64xf32, #tpu.memory_space<hbm>> -> memref<1x64xf32, #tpu.memory_space<hbm>>
      %dma_start3A_285 = arith.constant 0 : i32
      %dma_start3A_286 = tpu.memref_slice %arg9[%add3A_280, %dma_start3A_285] : memref<256x64xf32, #tpu.memory_space<vmem>> -> memref<1x64xf32, #tpu.memory_space<vmem>>
      %dma_start3A_287 = arith.constant 0 : i32
      %dma_start3A_288 = tpu.memref_slice %arg4[%squeeze3A_278, %dma_start3A_287] : memref<100000x64xf32, #tpu.memory_space<hbm>> -> memref<1x64xf32, #tpu.memory_space<hbm>>
      tpu.enqueue_dma source(%dma_start3A_288 : memref<1x64xf32, #tpu.memory_space<hbm>>) target(%dma_start3A_286 : memref<1x64xf32, #tpu.memory_space<vmem>>) target_semaphore(%arg12 : memref<!tpu.dma_semaphore, #tpu.memory_space<semaphore_mem>>)
      %slice3A_289 = vector.extract_strided_slice %get3A_63 {offsets = [9], sizes = [1], strides = [1]} : vector<16xi32> to vector<1xi32>
      %squeeze3A_290 = vector.extract %slice3A_289[0] : i32 from vector<1xi32>
      %add3A_291 = arith.constant 9 : i32
      %add3A_292 = arith.addi %mul3A_56, %add3A_291 : i32
      %dma_start3A_293 = arith.constant 0 : i32
      %dma_start3A_294 = tpu.memref_slice %arg10[%add3A_292, %dma_start3A_293] : memref<256x64xf32, #tpu.memory_space<vmem>> -> memref<1x64xf32, #tpu.memory_space<vmem>>
      %dma_start3A_295 = arith.constant 0 : i32
      %dma_start3A_296 = tpu.memref_slice %arg5[%squeeze3A_290, %dma_start3A_295] : memref<100000x64xf32, #tpu.memory_space<hbm>> -> memref<1x64xf32, #tpu.memory_space<hbm>>
      %dma_start3A_297 = arith.constant 0 : i32
      %dma_start3A_298 = tpu.memref_slice %arg10[%add3A_292, %dma_start3A_297] : memref<256x64xf32, #tpu.memory_space<vmem>> -> memref<1x64xf32, #tpu.memory_space<vmem>>
      %dma_start3A_299 = arith.constant 0 : i32
      %dma_start3A_300 = tpu.memref_slice %arg5[%squeeze3A_290, %dma_start3A_299] : memref<100000x64xf32, #tpu.memory_space<hbm>> -> memref<1x64xf32, #tpu.memory_space<hbm>>
      tpu.enqueue_dma source(%dma_start3A_300 : memref<1x64xf32, #tpu.memory_space<hbm>>) target(%dma_start3A_298 : memref<1x64xf32, #tpu.memory_space<vmem>>) target_semaphore(%arg12 : memref<!tpu.dma_semaphore, #tpu.memory_space<semaphore_mem>>)
      %slice3A_301 = vector.extract_strided_slice %get3A_59 {offsets = [10], sizes = [1], strides = [1]} : vector<16xi32> to vector<1xi32>
      %squeeze3A_302 = vector.extract %slice3A_301[0] : i32 from vector<1xi32>
      %add3A_303 = arith.constant 10 : i32
      %add3A_304 = arith.addi %mul3A_56, %add3A_303 : i32
      %dma_start3A_305 = arith.constant 0 : i32
      %dma_start3A_306 = tpu.memref_slice %arg9[%add3A_304, %dma_start3A_305] : memref<256x64xf32, #tpu.memory_space<vmem>> -> memref<1x64xf32, #tpu.memory_space<vmem>>
      %dma_start3A_307 = arith.constant 0 : i32
      %dma_start3A_308 = tpu.memref_slice %arg4[%squeeze3A_302, %dma_start3A_307] : memref<100000x64xf32, #tpu.memory_space<hbm>> -> memref<1x64xf32, #tpu.memory_space<hbm>>
      %dma_start3A_309 = arith.constant 0 : i32
      %dma_start3A_310 = tpu.memref_slice %arg9[%add3A_304, %dma_start3A_309] : memref<256x64xf32, #tpu.memory_space<vmem>> -> memref<1x64xf32, #tpu.memory_space<vmem>>
      %dma_start3A_311 = arith.constant 0 : i32
      %dma_start3A_312 = tpu.memref_slice %arg4[%squeeze3A_302, %dma_start3A_311] : memref<100000x64xf32, #tpu.memory_space<hbm>> -> memref<1x64xf32, #tpu.memory_space<hbm>>
      tpu.enqueue_dma source(%dma_start3A_312 : memref<1x64xf32, #tpu.memory_space<hbm>>) target(%dma_start3A_310 : memref<1x64xf32, #tpu.memory_space<vmem>>) target_semaphore(%arg12 : memref<!tpu.dma_semaphore, #tpu.memory_space<semaphore_mem>>)
      %slice3A_313 = vector.extract_strided_slice %get3A_63 {offsets = [10], sizes = [1], strides = [1]} : vector<16xi32> to vector<1xi32>
      %squeeze3A_314 = vector.extract %slice3A_313[0] : i32 from vector<1xi32>
      %add3A_315 = arith.constant 10 : i32
      %add3A_316 = arith.addi %mul3A_56, %add3A_315 : i32
      %dma_start3A_317 = arith.constant 0 : i32
      %dma_start3A_318 = tpu.memref_slice %arg10[%add3A_316, %dma_start3A_317] : memref<256x64xf32, #tpu.memory_space<vmem>> -> memref<1x64xf32, #tpu.memory_space<vmem>>
      %dma_start3A_319 = arith.constant 0 : i32
      %dma_start3A_320 = tpu.memref_slice %arg5[%squeeze3A_314, %dma_start3A_319] : memref<100000x64xf32, #tpu.memory_space<hbm>> -> memref<1x64xf32, #tpu.memory_space<hbm>>
      %dma_start3A_321 = arith.constant 0 : i32
      %dma_start3A_322 = tpu.memref_slice %arg10[%add3A_316, %dma_start3A_321] : memref<256x64xf32, #tpu.memory_space<vmem>> -> memref<1x64xf32, #tpu.memory_space<vmem>>
      %dma_start3A_323 = arith.constant 0 : i32
      %dma_start3A_324 = tpu.memref_slice %arg5[%squeeze3A_314, %dma_start3A_323] : memref<100000x64xf32, #tpu.memory_space<hbm>> -> memref<1x64xf32, #tpu.memory_space<hbm>>
      tpu.enqueue_dma source(%dma_start3A_324 : memref<1x64xf32, #tpu.memory_space<hbm>>) target(%dma_start3A_322 : memref<1x64xf32, #tpu.memory_space<vmem>>) target_semaphore(%arg12 : memref<!tpu.dma_semaphore, #tpu.memory_space<semaphore_mem>>)
      %slice3A_325 = vector.extract_strided_slice %get3A_59 {offsets = [11], sizes = [1], strides = [1]} : vector<16xi32> to vector<1xi32>
      %squeeze3A_326 = vector.extract %slice3A_325[0] : i32 from vector<1xi32>
      %add3A_327 = arith.constant 11 : i32
      %add3A_328 = arith.addi %mul3A_56, %add3A_327 : i32
      %dma_start3A_329 = arith.constant 0 : i32
      %dma_start3A_330 = tpu.memref_slice %arg9[%add3A_328, %dma_start3A_329] : memref<256x64xf32, #tpu.memory_space<vmem>> -> memref<1x64xf32, #tpu.memory_space<vmem>>
      %dma_start3A_331 = arith.constant 0 : i32
      %dma_start3A_332 = tpu.memref_slice %arg4[%squeeze3A_326, %dma_start3A_331] : memref<100000x64xf32, #tpu.memory_space<hbm>> -> memref<1x64xf32, #tpu.memory_space<hbm>>
      %dma_start3A_333 = arith.constant 0 : i32
      %dma_start3A_334 = tpu.memref_slice %arg9[%add3A_328, %dma_start3A_333] : memref<256x64xf32, #tpu.memory_space<vmem>> -> memref<1x64xf32, #tpu.memory_space<vmem>>
      %dma_start3A_335 = arith.constant 0 : i32
      %dma_start3A_336 = tpu.memref_slice %arg4[%squeeze3A_326, %dma_start3A_335] : memref<100000x64xf32, #tpu.memory_space<hbm>> -> memref<1x64xf32, #tpu.memory_space<hbm>>
      tpu.enqueue_dma source(%dma_start3A_336 : memref<1x64xf32, #tpu.memory_space<hbm>>) target(%dma_start3A_334 : memref<1x64xf32, #tpu.memory_space<vmem>>) target_semaphore(%arg12 : memref<!tpu.dma_semaphore, #tpu.memory_space<semaphore_mem>>)
      %slice3A_337 = vector.extract_strided_slice %get3A_63 {offsets = [11], sizes = [1], strides = [1]} : vector<16xi32> to vector<1xi32>
      %squeeze3A_338 = vector.extract %slice3A_337[0] : i32 from vector<1xi32>
      %add3A_339 = arith.constant 11 : i32
      %add3A_340 = arith.addi %mul3A_56, %add3A_339 : i32
      %dma_start3A_341 = arith.constant 0 : i32
      %dma_start3A_342 = tpu.memref_slice %arg10[%add3A_340, %dma_start3A_341] : memref<256x64xf32, #tpu.memory_space<vmem>> -> memref<1x64xf32, #tpu.memory_space<vmem>>
      %dma_start3A_343 = arith.constant 0 : i32
      %dma_start3A_344 = tpu.memref_slice %arg5[%squeeze3A_338, %dma_start3A_343] : memref<100000x64xf32, #tpu.memory_space<hbm>> -> memref<1x64xf32, #tpu.memory_space<hbm>>
      %dma_start3A_345 = arith.constant 0 : i32
      %dma_start3A_346 = tpu.memref_slice %arg10[%add3A_340, %dma_start3A_345] : memref<256x64xf32, #tpu.memory_space<vmem>> -> memref<1x64xf32, #tpu.memory_space<vmem>>
      %dma_start3A_347 = arith.constant 0 : i32
      %dma_start3A_348 = tpu.memref_slice %arg5[%squeeze3A_338, %dma_start3A_347] : memref<100000x64xf32, #tpu.memory_space<hbm>> -> memref<1x64xf32, #tpu.memory_space<hbm>>
      tpu.enqueue_dma source(%dma_start3A_348 : memref<1x64xf32, #tpu.memory_space<hbm>>) target(%dma_start3A_346 : memref<1x64xf32, #tpu.memory_space<vmem>>) target_semaphore(%arg12 : memref<!tpu.dma_semaphore, #tpu.memory_space<semaphore_mem>>)
      %slice3A_349 = vector.extract_strided_slice %get3A_59 {offsets = [12], sizes = [1], strides = [1]} : vector<16xi32> to vector<1xi32>
      %squeeze3A_350 = vector.extract %slice3A_349[0] : i32 from vector<1xi32>
      %add3A_351 = arith.constant 12 : i32
      %add3A_352 = arith.addi %mul3A_56, %add3A_351 : i32
      %dma_start3A_353 = arith.constant 0 : i32
      %dma_start3A_354 = tpu.memref_slice %arg9[%add3A_352, %dma_start3A_353] : memref<256x64xf32, #tpu.memory_space<vmem>> -> memref<1x64xf32, #tpu.memory_space<vmem>>
      %dma_start3A_355 = arith.constant 0 : i32
      %dma_start3A_356 = tpu.memref_slice %arg4[%squeeze3A_350, %dma_start3A_355] : memref<100000x64xf32, #tpu.memory_space<hbm>> -> memref<1x64xf32, #tpu.memory_space<hbm>>
      %dma_start3A_357 = arith.constant 0 : i32
      %dma_start3A_358 = tpu.memref_slice %arg9[%add3A_352, %dma_start3A_357] : memref<256x64xf32, #tpu.memory_space<vmem>> -> memref<1x64xf32, #tpu.memory_space<vmem>>
      %dma_start3A_359 = arith.constant 0 : i32
      %dma_start3A_360 = tpu.memref_slice %arg4[%squeeze3A_350, %dma_start3A_359] : memref<100000x64xf32, #tpu.memory_space<hbm>> -> memref<1x64xf32, #tpu.memory_space<hbm>>
      tpu.enqueue_dma source(%dma_start3A_360 : memref<1x64xf32, #tpu.memory_space<hbm>>) target(%dma_start3A_358 : memref<1x64xf32, #tpu.memory_space<vmem>>) target_semaphore(%arg12 : memref<!tpu.dma_semaphore, #tpu.memory_space<semaphore_mem>>)
      %slice3A_361 = vector.extract_strided_slice %get3A_63 {offsets = [12], sizes = [1], strides = [1]} : vector<16xi32> to vector<1xi32>
      %squeeze3A_362 = vector.extract %slice3A_361[0] : i32 from vector<1xi32>
      %add3A_363 = arith.constant 12 : i32
      %add3A_364 = arith.addi %mul3A_56, %add3A_363 : i32
      %dma_start3A_365 = arith.constant 0 : i32
      %dma_start3A_366 = tpu.memref_slice %arg10[%add3A_364, %dma_start3A_365] : memref<256x64xf32, #tpu.memory_space<vmem>> -> memref<1x64xf32, #tpu.memory_space<vmem>>
      %dma_start3A_367 = arith.constant 0 : i32
      %dma_start3A_368 = tpu.memref_slice %arg5[%squeeze3A_362, %dma_start3A_367] : memref<100000x64xf32, #tpu.memory_space<hbm>> -> memref<1x64xf32, #tpu.memory_space<hbm>>
      %dma_start3A_369 = arith.constant 0 : i32
      %dma_start3A_370 = tpu.memref_slice %arg10[%add3A_364, %dma_start3A_369] : memref<256x64xf32, #tpu.memory_space<vmem>> -> memref<1x64xf32, #tpu.memory_space<vmem>>
      %dma_start3A_371 = arith.constant 0 : i32
      %dma_start3A_372 = tpu.memref_slice %arg5[%squeeze3A_362, %dma_start3A_371] : memref<100000x64xf32, #tpu.memory_space<hbm>> -> memref<1x64xf32, #tpu.memory_space<hbm>>
      tpu.enqueue_dma source(%dma_start3A_372 : memref<1x64xf32, #tpu.memory_space<hbm>>) target(%dma_start3A_370 : memref<1x64xf32, #tpu.memory_space<vmem>>) target_semaphore(%arg12 : memref<!tpu.dma_semaphore, #tpu.memory_space<semaphore_mem>>)
      %slice3A_373 = vector.extract_strided_slice %get3A_59 {offsets = [13], sizes = [1], strides = [1]} : vector<16xi32> to vector<1xi32>
      %squeeze3A_374 = vector.extract %slice3A_373[0] : i32 from vector<1xi32>
      %add3A_375 = arith.constant 13 : i32
      %add3A_376 = arith.addi %mul3A_56, %add3A_375 : i32
      %dma_start3A_377 = arith.constant 0 : i32
      %dma_start3A_378 = tpu.memref_slice %arg9[%add3A_376, %dma_start3A_377] : memref<256x64xf32, #tpu.memory_space<vmem>> -> memref<1x64xf32, #tpu.memory_space<vmem>>
      %dma_start3A_379 = arith.constant 0 : i32
      %dma_start3A_380 = tpu.memref_slice %arg4[%squeeze3A_374, %dma_start3A_379] : memref<100000x64xf32, #tpu.memory_space<hbm>> -> memref<1x64xf32, #tpu.memory_space<hbm>>
      %dma_start3A_381 = arith.constant 0 : i32
      %dma_start3A_382 = tpu.memref_slice %arg9[%add3A_376, %dma_start3A_381] : memref<256x64xf32, #tpu.memory_space<vmem>> -> memref<1x64xf32, #tpu.memory_space<vmem>>
      %dma_start3A_383 = arith.constant 0 : i32
      %dma_start3A_384 = tpu.memref_slice %arg4[%squeeze3A_374, %dma_start3A_383] : memref<100000x64xf32, #tpu.memory_space<hbm>> -> memref<1x64xf32, #tpu.memory_space<hbm>>
      tpu.enqueue_dma source(%dma_start3A_384 : memref<1x64xf32, #tpu.memory_space<hbm>>) target(%dma_start3A_382 : memref<1x64xf32, #tpu.memory_space<vmem>>) target_semaphore(%arg12 : memref<!tpu.dma_semaphore, #tpu.memory_space<semaphore_mem>>)
      %slice3A_385 = vector.extract_strided_slice %get3A_63 {offsets = [13], sizes = [1], strides = [1]} : vector<16xi32> to vector<1xi32>
      %squeeze3A_386 = vector.extract %slice3A_385[0] : i32 from vector<1xi32>
      %add3A_387 = arith.constant 13 : i32
      %add3A_388 = arith.addi %mul3A_56, %add3A_387 : i32
      %dma_start3A_389 = arith.constant 0 : i32
      %dma_start3A_390 = tpu.memref_slice %arg10[%add3A_388, %dma_start3A_389] : memref<256x64xf32, #tpu.memory_space<vmem>> -> memref<1x64xf32, #tpu.memory_space<vmem>>
      %dma_start3A_391 = arith.constant 0 : i32
      %dma_start3A_392 = tpu.memref_slice %arg5[%squeeze3A_386, %dma_start3A_391] : memref<100000x64xf32, #tpu.memory_space<hbm>> -> memref<1x64xf32, #tpu.memory_space<hbm>>
      %dma_start3A_393 = arith.constant 0 : i32
      %dma_start3A_394 = tpu.memref_slice %arg10[%add3A_388, %dma_start3A_393] : memref<256x64xf32, #tpu.memory_space<vmem>> -> memref<1x64xf32, #tpu.memory_space<vmem>>
      %dma_start3A_395 = arith.constant 0 : i32
      %dma_start3A_396 = tpu.memref_slice %arg5[%squeeze3A_386, %dma_start3A_395] : memref<100000x64xf32, #tpu.memory_space<hbm>> -> memref<1x64xf32, #tpu.memory_space<hbm>>
      tpu.enqueue_dma source(%dma_start3A_396 : memref<1x64xf32, #tpu.memory_space<hbm>>) target(%dma_start3A_394 : memref<1x64xf32, #tpu.memory_space<vmem>>) target_semaphore(%arg12 : memref<!tpu.dma_semaphore, #tpu.memory_space<semaphore_mem>>)
      %slice3A_397 = vector.extract_strided_slice %get3A_59 {offsets = [14], sizes = [1], strides = [1]} : vector<16xi32> to vector<1xi32>
      %squeeze3A_398 = vector.extract %slice3A_397[0] : i32 from vector<1xi32>
      %add3A_399 = arith.constant 14 : i32
      %add3A_400 = arith.addi %mul3A_56, %add3A_399 : i32
      %dma_start3A_401 = arith.constant 0 : i32
      %dma_start3A_402 = tpu.memref_slice %arg9[%add3A_400, %dma_start3A_401] : memref<256x64xf32, #tpu.memory_space<vmem>> -> memref<1x64xf32, #tpu.memory_space<vmem>>
      %dma_start3A_403 = arith.constant 0 : i32
      %dma_start3A_404 = tpu.memref_slice %arg4[%squeeze3A_398, %dma_start3A_403] : memref<100000x64xf32, #tpu.memory_space<hbm>> -> memref<1x64xf32, #tpu.memory_space<hbm>>
      %dma_start3A_405 = arith.constant 0 : i32
      %dma_start3A_406 = tpu.memref_slice %arg9[%add3A_400, %dma_start3A_405] : memref<256x64xf32, #tpu.memory_space<vmem>> -> memref<1x64xf32, #tpu.memory_space<vmem>>
      %dma_start3A_407 = arith.constant 0 : i32
      %dma_start3A_408 = tpu.memref_slice %arg4[%squeeze3A_398, %dma_start3A_407] : memref<100000x64xf32, #tpu.memory_space<hbm>> -> memref<1x64xf32, #tpu.memory_space<hbm>>
      tpu.enqueue_dma source(%dma_start3A_408 : memref<1x64xf32, #tpu.memory_space<hbm>>) target(%dma_start3A_406 : memref<1x64xf32, #tpu.memory_space<vmem>>) target_semaphore(%arg12 : memref<!tpu.dma_semaphore, #tpu.memory_space<semaphore_mem>>)
      %slice3A_409 = vector.extract_strided_slice %get3A_63 {offsets = [14], sizes = [1], strides = [1]} : vector<16xi32> to vector<1xi32>
      %squeeze3A_410 = vector.extract %slice3A_409[0] : i32 from vector<1xi32>
      %add3A_411 = arith.constant 14 : i32
      %add3A_412 = arith.addi %mul3A_56, %add3A_411 : i32
      %dma_start3A_413 = arith.constant 0 : i32
      %dma_start3A_414 = tpu.memref_slice %arg10[%add3A_412, %dma_start3A_413] : memref<256x64xf32, #tpu.memory_space<vmem>> -> memref<1x64xf32, #tpu.memory_space<vmem>>
      %dma_start3A_415 = arith.constant 0 : i32
      %dma_start3A_416 = tpu.memref_slice %arg5[%squeeze3A_410, %dma_start3A_415] : memref<100000x64xf32, #tpu.memory_space<hbm>> -> memref<1x64xf32, #tpu.memory_space<hbm>>
      %dma_start3A_417 = arith.constant 0 : i32
      %dma_start3A_418 = tpu.memref_slice %arg10[%add3A_412, %dma_start3A_417] : memref<256x64xf32, #tpu.memory_space<vmem>> -> memref<1x64xf32, #tpu.memory_space<vmem>>
      %dma_start3A_419 = arith.constant 0 : i32
      %dma_start3A_420 = tpu.memref_slice %arg5[%squeeze3A_410, %dma_start3A_419] : memref<100000x64xf32, #tpu.memory_space<hbm>> -> memref<1x64xf32, #tpu.memory_space<hbm>>
      tpu.enqueue_dma source(%dma_start3A_420 : memref<1x64xf32, #tpu.memory_space<hbm>>) target(%dma_start3A_418 : memref<1x64xf32, #tpu.memory_space<vmem>>) target_semaphore(%arg12 : memref<!tpu.dma_semaphore, #tpu.memory_space<semaphore_mem>>)
      %slice3A_421 = vector.extract_strided_slice %get3A_59 {offsets = [15], sizes = [1], strides = [1]} : vector<16xi32> to vector<1xi32>
      %squeeze3A_422 = vector.extract %slice3A_421[0] : i32 from vector<1xi32>
      %add3A_423 = arith.constant 15 : i32
      %add3A_424 = arith.addi %mul3A_56, %add3A_423 : i32
      %dma_start3A_425 = arith.constant 0 : i32
      %dma_start3A_426 = tpu.memref_slice %arg9[%add3A_424, %dma_start3A_425] : memref<256x64xf32, #tpu.memory_space<vmem>> -> memref<1x64xf32, #tpu.memory_space<vmem>>
      %dma_start3A_427 = arith.constant 0 : i32
      %dma_start3A_428 = tpu.memref_slice %arg4[%squeeze3A_422, %dma_start3A_427] : memref<100000x64xf32, #tpu.memory_space<hbm>> -> memref<1x64xf32, #tpu.memory_space<hbm>>
      %dma_start3A_429 = arith.constant 0 : i32
      %dma_start3A_430 = tpu.memref_slice %arg9[%add3A_424, %dma_start3A_429] : memref<256x64xf32, #tpu.memory_space<vmem>> -> memref<1x64xf32, #tpu.memory_space<vmem>>
      %dma_start3A_431 = arith.constant 0 : i32
      %dma_start3A_432 = tpu.memref_slice %arg4[%squeeze3A_422, %dma_start3A_431] : memref<100000x64xf32, #tpu.memory_space<hbm>> -> memref<1x64xf32, #tpu.memory_space<hbm>>
      tpu.enqueue_dma source(%dma_start3A_432 : memref<1x64xf32, #tpu.memory_space<hbm>>) target(%dma_start3A_430 : memref<1x64xf32, #tpu.memory_space<vmem>>) target_semaphore(%arg12 : memref<!tpu.dma_semaphore, #tpu.memory_space<semaphore_mem>>)
      %slice3A_433 = vector.extract_strided_slice %get3A_63 {offsets = [15], sizes = [1], strides = [1]} : vector<16xi32> to vector<1xi32>
      %squeeze3A_434 = vector.extract %slice3A_433[0] : i32 from vector<1xi32>
      %add3A_435 = arith.constant 15 : i32
      %add3A_436 = arith.addi %mul3A_56, %add3A_435 : i32
      %dma_start3A_437 = arith.constant 0 : i32
      %dma_start3A_438 = tpu.memref_slice %arg10[%add3A_436, %dma_start3A_437] : memref<256x64xf32, #tpu.memory_space<vmem>> -> memref<1x64xf32, #tpu.memory_space<vmem>>
      %dma_start3A_439 = arith.constant 0 : i32
      %dma_start3A_440 = tpu.memref_slice %arg5[%squeeze3A_434, %dma_start3A_439] : memref<100000x64xf32, #tpu.memory_space<hbm>> -> memref<1x64xf32, #tpu.memory_space<hbm>>
      %dma_start3A_441 = arith.constant 0 : i32
      %dma_start3A_442 = tpu.memref_slice %arg10[%add3A_436, %dma_start3A_441] : memref<256x64xf32, #tpu.memory_space<vmem>> -> memref<1x64xf32, #tpu.memory_space<vmem>>
      %dma_start3A_443 = arith.constant 0 : i32
      %dma_start3A_444 = tpu.memref_slice %arg5[%squeeze3A_434, %dma_start3A_443] : memref<100000x64xf32, #tpu.memory_space<hbm>> -> memref<1x64xf32, #tpu.memory_space<hbm>>
      tpu.enqueue_dma source(%dma_start3A_444 : memref<1x64xf32, #tpu.memory_space<hbm>>) target(%dma_start3A_442 : memref<1x64xf32, #tpu.memory_space<vmem>>) target_semaphore(%arg12 : memref<!tpu.dma_semaphore, #tpu.memory_space<semaphore_mem>>)
      %scan3A_445 = arith.constant 0 : i32
      scf.yield %scan3A_445 : i32
    }
    %scan3A_8 = arith.constant 16 : i32
    %dma_wait3A = arith.constant 0 : i32
    %dma_wait3A_9 = arith.constant 0 : i32
    %dma_wait3A_10 = tpu.memref_slice %arg4[%dma_wait3A, %dma_wait3A_9] : memref<100000x64xf32, #tpu.memory_space<hbm>> -> memref<256x64xf32, #tpu.memory_space<hbm>>
    %dma_wait3A_11 = arith.constant 0 : i32
    %dma_wait3A_12 = arith.constant 0 : i32
    %dma_wait3A_13 = tpu.memref_slice %arg4[%dma_wait3A_11, %dma_wait3A_12] : memref<100000x64xf32, #tpu.memory_space<hbm>> -> memref<256x64xf32, #tpu.memory_space<hbm>>
    tpu.wait_dma2 semaphore(%arg12 : memref<!tpu.dma_semaphore, #tpu.memory_space<semaphore_mem>>) src(%dma_wait3A_13 : memref<256x64xf32, #tpu.memory_space<hbm>>) dst(%arg9 : memref<256x64xf32, #tpu.memory_space<vmem>>)
    %dma_wait3A_14 = arith.constant 0 : i32
    %dma_wait3A_15 = arith.constant 0 : i32
    %dma_wait3A_16 = tpu.memref_slice %arg5[%dma_wait3A_14, %dma_wait3A_15] : memref<100000x64xf32, #tpu.memory_space<hbm>> -> memref<256x64xf32, #tpu.memory_space<hbm>>
    %dma_wait3A_17 = arith.constant 0 : i32
    %dma_wait3A_18 = arith.constant 0 : i32
    %dma_wait3A_19 = tpu.memref_slice %arg5[%dma_wait3A_17, %dma_wait3A_18] : memref<100000x64xf32, #tpu.memory_space<hbm>> -> memref<256x64xf32, #tpu.memory_space<hbm>>
    tpu.wait_dma2 semaphore(%arg12 : memref<!tpu.dma_semaphore, #tpu.memory_space<semaphore_mem>>) src(%dma_wait3A_19 : memref<256x64xf32, #tpu.memory_space<hbm>>) dst(%arg10 : memref<256x64xf32, #tpu.memory_space<vmem>>)
    %scan3A_20 = arith.constant 0 : i32
    %scan3A_21 = arith.constant 0 : i32
    %scan3A_22 = arith.constant 16 : i32
    %scan3A_23 = arith.addi %scan3A_21, %scan3A_22 : i32
    %scan3A_24 = arith.constant 1 : i32
    %scan3A_25 = scf.for %scan3A_53 = %scan3A_21 to %scan3A_23 step %scan3A_24 iter_args(%scan3A_54 = %scan3A_20) -> (i32)  : i32 {
      %mul3A_55 = arith.constant 16 : i32
      %mul3A_56 = arith.muli %scan3A_53, %mul3A_55 : i32
      %add3A_57 = vector.broadcast %mul3A_56 : i32 to vector<16xi32>
      %add3A_58 = arith.addi %iota3A, %add3A_57 : vector<16xi32>
      %broadcast_in_dim3A = arith.constant 0.000000e+00 : f32
      %broadcast_in_dim3A_59 = vector.broadcast %broadcast_in_dim3A : f32 to vector<16xf32>
      %broadcast_in_dim3A_60 = arith.constant 0.000000e+00 : f32
      %broadcast_in_dim3A_61 = vector.broadcast %broadcast_in_dim3A_60 : f32 to vector<16xf32>
      %broadcast_in_dim3A_62 = arith.constant 0.000000e+00 : f32
      %broadcast_in_dim3A_63 = vector.broadcast %broadcast_in_dim3A_62 : f32 to vector<16xf32>
      %broadcast_in_dim3A_64 = arith.constant 0.000000e+00 : f32
      %broadcast_in_dim3A_65 = vector.broadcast %broadcast_in_dim3A_64 : f32 to vector<16xf32>
      %broadcast_in_dim3A_66 = arith.constant 0.000000e+00 : f32
      %broadcast_in_dim3A_67 = vector.broadcast %broadcast_in_dim3A_66 : f32 to vector<16xf32>
      %broadcast_in_dim3A_68 = arith.constant 0.000000e+00 : f32
      %broadcast_in_dim3A_69 = vector.broadcast %broadcast_in_dim3A_68 : f32 to vector<16xf32>
      %broadcast_in_dim3A_70 = arith.constant 0.000000e+00 : f32
      %broadcast_in_dim3A_71 = vector.broadcast %broadcast_in_dim3A_70 : f32 to vector<16xf32>
      %broadcast_in_dim3A_72 = arith.constant 0.000000e+00 : f32
      %broadcast_in_dim3A_73 = vector.broadcast %broadcast_in_dim3A_72 : f32 to vector<16xf32>
      %broadcast_in_dim3A_74 = arith.constant 0.000000e+00 : f32
      %broadcast_in_dim3A_75 = vector.broadcast %broadcast_in_dim3A_74 : f32 to vector<16xf32>
      %broadcast_in_dim3A_76 = arith.constant 0.000000e+00 : f32
      %broadcast_in_dim3A_77 = vector.broadcast %broadcast_in_dim3A_76 : f32 to vector<16xf32>
      %broadcast_in_dim3A_78 = arith.constant 0.000000e+00 : f32
      %broadcast_in_dim3A_79 = vector.broadcast %broadcast_in_dim3A_78 : f32 to vector<16xf32>
      %broadcast_in_dim3A_80 = arith.constant 0.000000e+00 : f32
      %broadcast_in_dim3A_81 = vector.broadcast %broadcast_in_dim3A_80 : f32 to vector<16xf32>
      %broadcast_in_dim3A_82 = arith.constant 0 : i32
      %broadcast_in_dim3A_83 = vector.broadcast %broadcast_in_dim3A_82 : i32 to vector<16xi32>
      %gather3A = tpu.vector_load_idx %arg9[%add3A_58, %broadcast_in_dim3A_83] : memref<256x64xf32, #tpu.memory_space<vmem>>[vector<16xi32>, vector<16xi32>], vector<16xf32>,
      %gather3A_84 = tpu.vector_load_idx %arg10[%add3A_58, %broadcast_in_dim3A_83] : memref<256x64xf32, #tpu.memory_space<vmem>>[vector<16xi32>, vector<16xi32>], vector<16xf32>,
      %mul3A_85 = arith.mulf %gather3A, %gather3A_84 : vector<16xf32>
      %add3A_86 = arith.addf %broadcast_in_dim3A_59, %mul3A_85 : vector<16xf32>
      %mul3A_87 = arith.mulf %gather3A, %gather3A : vector<16xf32>
      %add3A_88 = arith.addf %broadcast_in_dim3A_61, %mul3A_87 : vector<16xf32>
      %mul3A_89 = arith.mulf %gather3A_84, %gather3A_84 : vector<16xf32>
      %add3A_90 = arith.addf %broadcast_in_dim3A_63, %mul3A_89 : vector<16xf32>
      %broadcast_in_dim3A_91 = arith.constant 1 : i32
      %broadcast_in_dim3A_92 = vector.broadcast %broadcast_in_dim3A_91 : i32 to vector<16xi32>
      %gather3A_93 = tpu.vector_load_idx %arg9[%add3A_58, %broadcast_in_dim3A_92] : memref<256x64xf32, #tpu.memory_space<vmem>>[vector<16xi32>, vector<16xi32>], vector<16xf32>,
      %gather3A_94 = tpu.vector_load_idx %arg10[%add3A_58, %broadcast_in_dim3A_92] : memref<256x64xf32, #tpu.memory_space<vmem>>[vector<16xi32>, vector<16xi32>], vector<16xf32>,
      %mul3A_95 = arith.mulf %gather3A_93, %gather3A_94 : vector<16xf32>
      %add3A_96 = arith.addf %broadcast_in_dim3A_65, %mul3A_95 : vector<16xf32>
      %mul3A_97 = arith.mulf %gather3A_93, %gather3A_93 : vector<16xf32>
      %add3A_98 = arith.addf %broadcast_in_dim3A_67, %mul3A_97 : vector<16xf32>
      %mul3A_99 = arith.mulf %gather3A_94, %gather3A_94 : vector<16xf32>
      %add3A_100 = arith.addf %broadcast_in_dim3A_69, %mul3A_99 : vector<16xf32>
      %broadcast_in_dim3A_101 = arith.constant 2 : i32
      %broadcast_in_dim3A_102 = vector.broadcast %broadcast_in_dim3A_101 : i32 to vector<16xi32>
      %gather3A_103 = tpu.vector_load_idx %arg9[%add3A_58, %broadcast_in_dim3A_102] : memref<256x64xf32, #tpu.memory_space<vmem>>[vector<16xi32>, vector<16xi32>], vector<16xf32>,
      %gather3A_104 = tpu.vector_load_idx %arg10[%add3A_58, %broadcast_in_dim3A_102] : memref<256x64xf32, #tpu.memory_space<vmem>>[vector<16xi32>, vector<16xi32>], vector<16xf32>,
      %mul3A_105 = arith.mulf %gather3A_103, %gather3A_104 : vector<16xf32>
      %add3A_106 = arith.addf %broadcast_in_dim3A_71, %mul3A_105 : vector<16xf32>
      %mul3A_107 = arith.mulf %gather3A_103, %gather3A_103 : vector<16xf32>
      %add3A_108 = arith.addf %broadcast_in_dim3A_73, %mul3A_107 : vector<16xf32>
      %mul3A_109 = arith.mulf %gather3A_104, %gather3A_104 : vector<16xf32>
      %add3A_110 = arith.addf %broadcast_in_dim3A_75, %mul3A_109 : vector<16xf32>
      %broadcast_in_dim3A_111 = arith.constant 3 : i32
      %broadcast_in_dim3A_112 = vector.broadcast %broadcast_in_dim3A_111 : i32 to vector<16xi32>
      %gather3A_113 = tpu.vector_load_idx %arg9[%add3A_58, %broadcast_in_dim3A_112] : memref<256x64xf32, #tpu.memory_space<vmem>>[vector<16xi32>, vector<16xi32>], vector<16xf32>,
      %gather3A_114 = tpu.vector_load_idx %arg10[%add3A_58, %broadcast_in_dim3A_112] : memref<256x64xf32, #tpu.memory_space<vmem>>[vector<16xi32>, vector<16xi32>], vector<16xf32>,
      %mul3A_115 = arith.mulf %gather3A_113, %gather3A_114 : vector<16xf32>
      %add3A_116 = arith.addf %broadcast_in_dim3A_77, %mul3A_115 : vector<16xf32>
      %mul3A_117 = arith.mulf %gather3A_113, %gather3A_113 : vector<16xf32>
      %add3A_118 = arith.addf %broadcast_in_dim3A_79, %mul3A_117 : vector<16xf32>
      %mul3A_119 = arith.mulf %gather3A_114, %gather3A_114 : vector<16xf32>
      %add3A_120 = arith.addf %broadcast_in_dim3A_81, %mul3A_119 : vector<16xf32>
      %broadcast_in_dim3A_121 = arith.constant 4 : i32
      %broadcast_in_dim3A_122 = vector.broadcast %broadcast_in_dim3A_121 : i32 to vector<16xi32>
      %gather3A_123 = tpu.vector_load_idx %arg9[%add3A_58, %broadcast_in_dim3A_122] : memref<256x64xf32, #tpu.memory_space<vmem>>[vector<16xi32>, vector<16xi32>], vector<16xf32>,
      %gather3A_124 = tpu.vector_load_idx %arg10[%add3A_58, %broadcast_in_dim3A_122] : memref<256x64xf32, #tpu.memory_space<vmem>>[vector<16xi32>, vector<16xi32>], vector<16xf32>,
      %mul3A_125 = arith.mulf %gather3A_123, %gather3A_124 : vector<16xf32>
      %add3A_126 = arith.addf %add3A_86, %mul3A_125 : vector<16xf32>
      %mul3A_127 = arith.mulf %gather3A_123, %gather3A_123 : vector<16xf32>
      %add3A_128 = arith.addf %add3A_88, %mul3A_127 : vector<16xf32>
      %mul3A_129 = arith.mulf %gather3A_124, %gather3A_124 : vector<16xf32>
      %add3A_130 = arith.addf %add3A_90, %mul3A_129 : vector<16xf32>
      %broadcast_in_dim3A_131 = arith.constant 5 : i32
      %broadcast_in_dim3A_132 = vector.broadcast %broadcast_in_dim3A_131 : i32 to vector<16xi32>
      %gather3A_133 = tpu.vector_load_idx %arg9[%add3A_58, %broadcast_in_dim3A_132] : memref<256x64xf32, #tpu.memory_space<vmem>>[vector<16xi32>, vector<16xi32>], vector<16xf32>,
      %gather3A_134 = tpu.vector_load_idx %arg10[%add3A_58, %broadcast_in_dim3A_132] : memref<256x64xf32, #tpu.memory_space<vmem>>[vector<16xi32>, vector<16xi32>], vector<16xf32>,
      %mul3A_135 = arith.mulf %gather3A_133, %gather3A_134 : vector<16xf32>
      %add3A_136 = arith.addf %add3A_96, %mul3A_135 : vector<16xf32>
      %mul3A_137 = arith.mulf %gather3A_133, %gather3A_133 : vector<16xf32>
      %add3A_138 = arith.addf %add3A_98, %mul3A_137 : vector<16xf32>
      %mul3A_139 = arith.mulf %gather3A_134, %gather3A_134 : vector<16xf32>
      %add3A_140 = arith.addf %add3A_100, %mul3A_139 : vector<16xf32>
      %broadcast_in_dim3A_141 = arith.constant 6 : i32
      %broadcast_in_dim3A_142 = vector.broadcast %broadcast_in_dim3A_141 : i32 to vector<16xi32>
      %gather3A_143 = tpu.vector_load_idx %arg9[%add3A_58, %broadcast_in_dim3A_142] : memref<256x64xf32, #tpu.memory_space<vmem>>[vector<16xi32>, vector<16xi32>], vector<16xf32>,
      %gather3A_144 = tpu.vector_load_idx %arg10[%add3A_58, %broadcast_in_dim3A_142] : memref<256x64xf32, #tpu.memory_space<vmem>>[vector<16xi32>, vector<16xi32>], vector<16xf32>,
      %mul3A_145 = arith.mulf %gather3A_143, %gather3A_144 : vector<16xf32>
      %add3A_146 = arith.addf %add3A_106, %mul3A_145 : vector<16xf32>
      %mul3A_147 = arith.mulf %gather3A_143, %gather3A_143 : vector<16xf32>
      %add3A_148 = arith.addf %add3A_108, %mul3A_147 : vector<16xf32>
      %mul3A_149 = arith.mulf %gather3A_144, %gather3A_144 : vector<16xf32>
      %add3A_150 = arith.addf %add3A_110, %mul3A_149 : vector<16xf32>
      %broadcast_in_dim3A_151 = arith.constant 7 : i32
      %broadcast_in_dim3A_152 = vector.broadcast %broadcast_in_dim3A_151 : i32 to vector<16xi32>
      %gather3A_153 = tpu.vector_load_idx %arg9[%add3A_58, %broadcast_in_dim3A_152] : memref<256x64xf32, #tpu.memory_space<vmem>>[vector<16xi32>, vector<16xi32>], vector<16xf32>,
      %gather3A_154 = tpu.vector_load_idx %arg10[%add3A_58, %broadcast_in_dim3A_152] : memref<256x64xf32, #tpu.memory_space<vmem>>[vector<16xi32>, vector<16xi32>], vector<16xf32>,
      %mul3A_155 = arith.mulf %gather3A_153, %gather3A_154 : vector<16xf32>
      %add3A_156 = arith.addf %add3A_116, %mul3A_155 : vector<16xf32>
      %mul3A_157 = arith.mulf %gather3A_153, %gather3A_153 : vector<16xf32>
      %add3A_158 = arith.addf %add3A_118, %mul3A_157 : vector<16xf32>
      %mul3A_159 = arith.mulf %gather3A_154, %gather3A_154 : vector<16xf32>
      %add3A_160 = arith.addf %add3A_120, %mul3A_159 : vector<16xf32>
      %broadcast_in_dim3A_161 = arith.constant 8 : i32
      %broadcast_in_dim3A_162 = vector.broadcast %broadcast_in_dim3A_161 : i32 to vector<16xi32>
      %gather3A_163 = tpu.vector_load_idx %arg9[%add3A_58, %broadcast_in_dim3A_162] : memref<256x64xf32, #tpu.memory_space<vmem>>[vector<16xi32>, vector<16xi32>], vector<16xf32>,
      %gather3A_164 = tpu.vector_load_idx %arg10[%add3A_58, %broadcast_in_dim3A_162] : memref<256x64xf32, #tpu.memory_space<vmem>>[vector<16xi32>, vector<16xi32>], vector<16xf32>,
      %mul3A_165 = arith.mulf %gather3A_163, %gather3A_164 : vector<16xf32>
      %add3A_166 = arith.addf %add3A_126, %mul3A_165 : vector<16xf32>
      %mul3A_167 = arith.mulf %gather3A_163, %gather3A_163 : vector<16xf32>
      %add3A_168 = arith.addf %add3A_128, %mul3A_167 : vector<16xf32>
      %mul3A_169 = arith.mulf %gather3A_164, %gather3A_164 : vector<16xf32>
      %add3A_170 = arith.addf %add3A_130, %mul3A_169 : vector<16xf32>
      %broadcast_in_dim3A_171 = arith.constant 9 : i32
      %broadcast_in_dim3A_172 = vector.broadcast %broadcast_in_dim3A_171 : i32 to vector<16xi32>
      %gather3A_173 = tpu.vector_load_idx %arg9[%add3A_58, %broadcast_in_dim3A_172] : memref<256x64xf32, #tpu.memory_space<vmem>>[vector<16xi32>, vector<16xi32>], vector<16xf32>,
      %gather3A_174 = tpu.vector_load_idx %arg10[%add3A_58, %broadcast_in_dim3A_172] : memref<256x64xf32, #tpu.memory_space<vmem>>[vector<16xi32>, vector<16xi32>], vector<16xf32>,
      %mul3A_175 = arith.mulf %gather3A_173, %gather3A_174 : vector<16xf32>
      %add3A_176 = arith.addf %add3A_136, %mul3A_175 : vector<16xf32>
      %mul3A_177 = arith.mulf %gather3A_173, %gather3A_173 : vector<16xf32>
      %add3A_178 = arith.addf %add3A_138, %mul3A_177 : vector<16xf32>
      %mul3A_179 = arith.mulf %gather3A_174, %gather3A_174 : vector<16xf32>
      %add3A_180 = arith.addf %add3A_140, %mul3A_179 : vector<16xf32>
      %broadcast_in_dim3A_181 = arith.constant 10 : i32
      %broadcast_in_dim3A_182 = vector.broadcast %broadcast_in_dim3A_181 : i32 to vector<16xi32>
      %gather3A_183 = tpu.vector_load_idx %arg9[%add3A_58, %broadcast_in_dim3A_182] : memref<256x64xf32, #tpu.memory_space<vmem>>[vector<16xi32>, vector<16xi32>], vector<16xf32>,
      %gather3A_184 = tpu.vector_load_idx %arg10[%add3A_58, %broadcast_in_dim3A_182] : memref<256x64xf32, #tpu.memory_space<vmem>>[vector<16xi32>, vector<16xi32>], vector<16xf32>,
      %mul3A_185 = arith.mulf %gather3A_183, %gather3A_184 : vector<16xf32>
      %add3A_186 = arith.addf %add3A_146, %mul3A_185 : vector<16xf32>
      %mul3A_187 = arith.mulf %gather3A_183, %gather3A_183 : vector<16xf32>
      %add3A_188 = arith.addf %add3A_148, %mul3A_187 : vector<16xf32>
      %mul3A_189 = arith.mulf %gather3A_184, %gather3A_184 : vector<16xf32>
      %add3A_190 = arith.addf %add3A_150, %mul3A_189 : vector<16xf32>
      %broadcast_in_dim3A_191 = arith.constant 11 : i32
      %broadcast_in_dim3A_192 = vector.broadcast %broadcast_in_dim3A_191 : i32 to vector<16xi32>
      %gather3A_193 = tpu.vector_load_idx %arg9[%add3A_58, %broadcast_in_dim3A_192] : memref<256x64xf32, #tpu.memory_space<vmem>>[vector<16xi32>, vector<16xi32>], vector<16xf32>,
      %gather3A_194 = tpu.vector_load_idx %arg10[%add3A_58, %broadcast_in_dim3A_192] : memref<256x64xf32, #tpu.memory_space<vmem>>[vector<16xi32>, vector<16xi32>], vector<16xf32>,
      %mul3A_195 = arith.mulf %gather3A_193, %gather3A_194 : vector<16xf32>
      %add3A_196 = arith.addf %add3A_156, %mul3A_195 : vector<16xf32>
      %mul3A_197 = arith.mulf %gather3A_193, %gather3A_193 : vector<16xf32>
      %add3A_198 = arith.addf %add3A_158, %mul3A_197 : vector<16xf32>
      %mul3A_199 = arith.mulf %gather3A_194, %gather3A_194 : vector<16xf32>
      %add3A_200 = arith.addf %add3A_160, %mul3A_199 : vector<16xf32>
      %broadcast_in_dim3A_201 = arith.constant 12 : i32
      %broadcast_in_dim3A_202 = vector.broadcast %broadcast_in_dim3A_201 : i32 to vector<16xi32>
      %gather3A_203 = tpu.vector_load_idx %arg9[%add3A_58, %broadcast_in_dim3A_202] : memref<256x64xf32, #tpu.memory_space<vmem>>[vector<16xi32>, vector<16xi32>], vector<16xf32>,
      %gather3A_204 = tpu.vector_load_idx %arg10[%add3A_58, %broadcast_in_dim3A_202] : memref<256x64xf32, #tpu.memory_space<vmem>>[vector<16xi32>, vector<16xi32>], vector<16xf32>,
      %mul3A_205 = arith.mulf %gather3A_203, %gather3A_204 : vector<16xf32>
      %add3A_206 = arith.addf %add3A_166, %mul3A_205 : vector<16xf32>
      %mul3A_207 = arith.mulf %gather3A_203, %gather3A_203 : vector<16xf32>
      %add3A_208 = arith.addf %add3A_168, %mul3A_207 : vector<16xf32>
      %mul3A_209 = arith.mulf %gather3A_204, %gather3A_204 : vector<16xf32>
      %add3A_210 = arith.addf %add3A_170, %mul3A_209 : vector<16xf32>
      %broadcast_in_dim3A_211 = arith.constant 13 : i32
      %broadcast_in_dim3A_212 = vector.broadcast %broadcast_in_dim3A_211 : i32 to vector<16xi32>
      %gather3A_213 = tpu.vector_load_idx %arg9[%add3A_58, %broadcast_in_dim3A_212] : memref<256x64xf32, #tpu.memory_space<vmem>>[vector<16xi32>, vector<16xi32>], vector<16xf32>,
      %gather3A_214 = tpu.vector_load_idx %arg10[%add3A_58, %broadcast_in_dim3A_212] : memref<256x64xf32, #tpu.memory_space<vmem>>[vector<16xi32>, vector<16xi32>], vector<16xf32>,
      %mul3A_215 = arith.mulf %gather3A_213, %gather3A_214 : vector<16xf32>
      %add3A_216 = arith.addf %add3A_176, %mul3A_215 : vector<16xf32>
      %mul3A_217 = arith.mulf %gather3A_213, %gather3A_213 : vector<16xf32>
      %add3A_218 = arith.addf %add3A_178, %mul3A_217 : vector<16xf32>
      %mul3A_219 = arith.mulf %gather3A_214, %gather3A_214 : vector<16xf32>
      %add3A_220 = arith.addf %add3A_180, %mul3A_219 : vector<16xf32>
      %broadcast_in_dim3A_221 = arith.constant 14 : i32
      %broadcast_in_dim3A_222 = vector.broadcast %broadcast_in_dim3A_221 : i32 to vector<16xi32>
      %gather3A_223 = tpu.vector_load_idx %arg9[%add3A_58, %broadcast_in_dim3A_222] : memref<256x64xf32, #tpu.memory_space<vmem>>[vector<16xi32>, vector<16xi32>], vector<16xf32>,
      %gather3A_224 = tpu.vector_load_idx %arg10[%add3A_58, %broadcast_in_dim3A_222] : memref<256x64xf32, #tpu.memory_space<vmem>>[vector<16xi32>, vector<16xi32>], vector<16xf32>,
      %mul3A_225 = arith.mulf %gather3A_223, %gather3A_224 : vector<16xf32>
      %add3A_226 = arith.addf %add3A_186, %mul3A_225 : vector<16xf32>
      %mul3A_227 = arith.mulf %gather3A_223, %gather3A_223 : vector<16xf32>
      %add3A_228 = arith.addf %add3A_188, %mul3A_227 : vector<16xf32>
      %mul3A_229 = arith.mulf %gather3A_224, %gather3A_224 : vector<16xf32>
      %add3A_230 = arith.addf %add3A_190, %mul3A_229 : vector<16xf32>
      %broadcast_in_dim3A_231 = arith.constant 15 : i32
      %broadcast_in_dim3A_232 = vector.broadcast %broadcast_in_dim3A_231 : i32 to vector<16xi32>
      %gather3A_233 = tpu.vector_load_idx %arg9[%add3A_58, %broadcast_in_dim3A_232] : memref<256x64xf32, #tpu.memory_space<vmem>>[vector<16xi32>, vector<16xi32>], vector<16xf32>,
      %gather3A_234 = tpu.vector_load_idx %arg10[%add3A_58, %broadcast_in_dim3A_232] : memref<256x64xf32, #tpu.memory_space<vmem>>[vector<16xi32>, vector<16xi32>], vector<16xf32>,
      %mul3A_235 = arith.mulf %gather3A_233, %gather3A_234 : vector<16xf32>
      %add3A_236 = arith.addf %add3A_196, %mul3A_235 : vector<16xf32>
      %mul3A_237 = arith.mulf %gather3A_233, %gather3A_233 : vector<16xf32>
      %add3A_238 = arith.addf %add3A_198, %mul3A_237 : vector<16xf32>
      %mul3A_239 = arith.mulf %gather3A_234, %gather3A_234 : vector<16xf32>
      %add3A_240 = arith.addf %add3A_200, %mul3A_239 : vector<16xf32>
      %broadcast_in_dim3A_241 = arith.constant 16 : i32
      %broadcast_in_dim3A_242 = vector.broadcast %broadcast_in_dim3A_241 : i32 to vector<16xi32>
      %gather3A_243 = tpu.vector_load_idx %arg9[%add3A_58, %broadcast_in_dim3A_242] : memref<256x64xf32, #tpu.memory_space<vmem>>[vector<16xi32>, vector<16xi32>], vector<16xf32>,
      %gather3A_244 = tpu.vector_load_idx %arg10[%add3A_58, %broadcast_in_dim3A_242] : memref<256x64xf32, #tpu.memory_space<vmem>>[vector<16xi32>, vector<16xi32>], vector<16xf32>,
      %mul3A_245 = arith.mulf %gather3A_243, %gather3A_244 : vector<16xf32>
      %add3A_246 = arith.addf %add3A_206, %mul3A_245 : vector<16xf32>
      %mul3A_247 = arith.mulf %gather3A_243, %gather3A_243 : vector<16xf32>
      %add3A_248 = arith.addf %add3A_208, %mul3A_247 : vector<16xf32>
      %mul3A_249 = arith.mulf %gather3A_244, %gather3A_244 : vector<16xf32>
      %add3A_250 = arith.addf %add3A_210, %mul3A_249 : vector<16xf32>
      %broadcast_in_dim3A_251 = arith.constant 17 : i32
      %broadcast_in_dim3A_252 = vector.broadcast %broadcast_in_dim3A_251 : i32 to vector<16xi32>
      %gather3A_253 = tpu.vector_load_idx %arg9[%add3A_58, %broadcast_in_dim3A_252] : memref<256x64xf32, #tpu.memory_space<vmem>>[vector<16xi32>, vector<16xi32>], vector<16xf32>,
      %gather3A_254 = tpu.vector_load_idx %arg10[%add3A_58, %broadcast_in_dim3A_252] : memref<256x64xf32, #tpu.memory_space<vmem>>[vector<16xi32>, vector<16xi32>], vector<16xf32>,
      %mul3A_255 = arith.mulf %gather3A_253, %gather3A_254 : vector<16xf32>
      %add3A_256 = arith.addf %add3A_216, %mul3A_255 : vector<16xf32>
      %mul3A_257 = arith.mulf %gather3A_253, %gather3A_253 : vector<16xf32>
      %add3A_258 = arith.addf %add3A_218, %mul3A_257 : vector<16xf32>
      %mul3A_259 = arith.mulf %gather3A_254, %gather3A_254 : vector<16xf32>
      %add3A_260 = arith.addf %add3A_220, %mul3A_259 : vector<16xf32>
      %broadcast_in_dim3A_261 = arith.constant 18 : i32
      %broadcast_in_dim3A_262 = vector.broadcast %broadcast_in_dim3A_261 : i32 to vector<16xi32>
      %gather3A_263 = tpu.vector_load_idx %arg9[%add3A_58, %broadcast_in_dim3A_262] : memref<256x64xf32, #tpu.memory_space<vmem>>[vector<16xi32>, vector<16xi32>], vector<16xf32>,
      %gather3A_264 = tpu.vector_load_idx %arg10[%add3A_58, %broadcast_in_dim3A_262] : memref<256x64xf32, #tpu.memory_space<vmem>>[vector<16xi32>, vector<16xi32>], vector<16xf32>,
      %mul3A_265 = arith.mulf %gather3A_263, %gather3A_264 : vector<16xf32>
      %add3A_266 = arith.addf %add3A_226, %mul3A_265 : vector<16xf32>
      %mul3A_267 = arith.mulf %gather3A_263, %gather3A_263 : vector<16xf32>
      %add3A_268 = arith.addf %add3A_228, %mul3A_267 : vector<16xf32>
      %mul3A_269 = arith.mulf %gather3A_264, %gather3A_264 : vector<16xf32>
      %add3A_270 = arith.addf %add3A_230, %mul3A_269 : vector<16xf32>
      %broadcast_in_dim3A_271 = arith.constant 19 : i32
      %broadcast_in_dim3A_272 = vector.broadcast %broadcast_in_dim3A_271 : i32 to vector<16xi32>
      %gather3A_273 = tpu.vector_load_idx %arg9[%add3A_58, %broadcast_in_dim3A_272] : memref<256x64xf32, #tpu.memory_space<vmem>>[vector<16xi32>, vector<16xi32>], vector<16xf32>,
      %gather3A_274 = tpu.vector_load_idx %arg10[%add3A_58, %broadcast_in_dim3A_272] : memref<256x64xf32, #tpu.memory_space<vmem>>[vector<16xi32>, vector<16xi32>], vector<16xf32>,
      %mul3A_275 = arith.mulf %gather3A_273, %gather3A_274 : vector<16xf32>
      %add3A_276 = arith.addf %add3A_236, %mul3A_275 : vector<16xf32>
      %mul3A_277 = arith.mulf %gather3A_273, %gather3A_273 : vector<16xf32>
      %add3A_278 = arith.addf %add3A_238, %mul3A_277 : vector<16xf32>
      %mul3A_279 = arith.mulf %gather3A_274, %gather3A_274 : vector<16xf32>
      %add3A_280 = arith.addf %add3A_240, %mul3A_279 : vector<16xf32>
      %broadcast_in_dim3A_281 = arith.constant 20 : i32
      %broadcast_in_dim3A_282 = vector.broadcast %broadcast_in_dim3A_281 : i32 to vector<16xi32>
      %gather3A_283 = tpu.vector_load_idx %arg9[%add3A_58, %broadcast_in_dim3A_282] : memref<256x64xf32, #tpu.memory_space<vmem>>[vector<16xi32>, vector<16xi32>], vector<16xf32>,
      %gather3A_284 = tpu.vector_load_idx %arg10[%add3A_58, %broadcast_in_dim3A_282] : memref<256x64xf32, #tpu.memory_space<vmem>>[vector<16xi32>, vector<16xi32>], vector<16xf32>,
      %mul3A_285 = arith.mulf %gather3A_283, %gather3A_284 : vector<16xf32>
      %add3A_286 = arith.addf %add3A_246, %mul3A_285 : vector<16xf32>
      %mul3A_287 = arith.mulf %gather3A_283, %gather3A_283 : vector<16xf32>
      %add3A_288 = arith.addf %add3A_248, %mul3A_287 : vector<16xf32>
      %mul3A_289 = arith.mulf %gather3A_284, %gather3A_284 : vector<16xf32>
      %add3A_290 = arith.addf %add3A_250, %mul3A_289 : vector<16xf32>
      %broadcast_in_dim3A_291 = arith.constant 21 : i32
      %broadcast_in_dim3A_292 = vector.broadcast %broadcast_in_dim3A_291 : i32 to vector<16xi32>
      %gather3A_293 = tpu.vector_load_idx %arg9[%add3A_58, %broadcast_in_dim3A_292] : memref<256x64xf32, #tpu.memory_space<vmem>>[vector<16xi32>, vector<16xi32>], vector<16xf32>,
      %gather3A_294 = tpu.vector_load_idx %arg10[%add3A_58, %broadcast_in_dim3A_292] : memref<256x64xf32, #tpu.memory_space<vmem>>[vector<16xi32>, vector<16xi32>], vector<16xf32>,
      %mul3A_295 = arith.mulf %gather3A_293, %gather3A_294 : vector<16xf32>
      %add3A_296 = arith.addf %add3A_256, %mul3A_295 : vector<16xf32>
      %mul3A_297 = arith.mulf %gather3A_293, %gather3A_293 : vector<16xf32>
      %add3A_298 = arith.addf %add3A_258, %mul3A_297 : vector<16xf32>
      %mul3A_299 = arith.mulf %gather3A_294, %gather3A_294 : vector<16xf32>
      %add3A_300 = arith.addf %add3A_260, %mul3A_299 : vector<16xf32>
      %broadcast_in_dim3A_301 = arith.constant 22 : i32
      %broadcast_in_dim3A_302 = vector.broadcast %broadcast_in_dim3A_301 : i32 to vector<16xi32>
      %gather3A_303 = tpu.vector_load_idx %arg9[%add3A_58, %broadcast_in_dim3A_302] : memref<256x64xf32, #tpu.memory_space<vmem>>[vector<16xi32>, vector<16xi32>], vector<16xf32>,
      %gather3A_304 = tpu.vector_load_idx %arg10[%add3A_58, %broadcast_in_dim3A_302] : memref<256x64xf32, #tpu.memory_space<vmem>>[vector<16xi32>, vector<16xi32>], vector<16xf32>,
      %mul3A_305 = arith.mulf %gather3A_303, %gather3A_304 : vector<16xf32>
      %add3A_306 = arith.addf %add3A_266, %mul3A_305 : vector<16xf32>
      %mul3A_307 = arith.mulf %gather3A_303, %gather3A_303 : vector<16xf32>
      %add3A_308 = arith.addf %add3A_268, %mul3A_307 : vector<16xf32>
      %mul3A_309 = arith.mulf %gather3A_304, %gather3A_304 : vector<16xf32>
      %add3A_310 = arith.addf %add3A_270, %mul3A_309 : vector<16xf32>
      %broadcast_in_dim3A_311 = arith.constant 23 : i32
      %broadcast_in_dim3A_312 = vector.broadcast %broadcast_in_dim3A_311 : i32 to vector<16xi32>
      %gather3A_313 = tpu.vector_load_idx %arg9[%add3A_58, %broadcast_in_dim3A_312] : memref<256x64xf32, #tpu.memory_space<vmem>>[vector<16xi32>, vector<16xi32>], vector<16xf32>,
      %gather3A_314 = tpu.vector_load_idx %arg10[%add3A_58, %broadcast_in_dim3A_312] : memref<256x64xf32, #tpu.memory_space<vmem>>[vector<16xi32>, vector<16xi32>], vector<16xf32>,
      %mul3A_315 = arith.mulf %gather3A_313, %gather3A_314 : vector<16xf32>
      %add3A_316 = arith.addf %add3A_276, %mul3A_315 : vector<16xf32>
      %mul3A_317 = arith.mulf %gather3A_313, %gather3A_313 : vector<16xf32>
      %add3A_318 = arith.addf %add3A_278, %mul3A_317 : vector<16xf32>
      %mul3A_319 = arith.mulf %gather3A_314, %gather3A_314 : vector<16xf32>
      %add3A_320 = arith.addf %add3A_280, %mul3A_319 : vector<16xf32>
      %broadcast_in_dim3A_321 = arith.constant 24 : i32
      %broadcast_in_dim3A_322 = vector.broadcast %broadcast_in_dim3A_321 : i32 to vector<16xi32>
      %gather3A_323 = tpu.vector_load_idx %arg9[%add3A_58, %broadcast_in_dim3A_322] : memref<256x64xf32, #tpu.memory_space<vmem>>[vector<16xi32>, vector<16xi32>], vector<16xf32>,
      %gather3A_324 = tpu.vector_load_idx %arg10[%add3A_58, %broadcast_in_dim3A_322] : memref<256x64xf32, #tpu.memory_space<vmem>>[vector<16xi32>, vector<16xi32>], vector<16xf32>,
      %mul3A_325 = arith.mulf %gather3A_323, %gather3A_324 : vector<16xf32>
      %add3A_326 = arith.addf %add3A_286, %mul3A_325 : vector<16xf32>
      %mul3A_327 = arith.mulf %gather3A_323, %gather3A_323 : vector<16xf32>
      %add3A_328 = arith.addf %add3A_288, %mul3A_327 : vector<16xf32>
      %mul3A_329 = arith.mulf %gather3A_324, %gather3A_324 : vector<16xf32>
      %add3A_330 = arith.addf %add3A_290, %mul3A_329 : vector<16xf32>
      %broadcast_in_dim3A_331 = arith.constant 25 : i32
      %broadcast_in_dim3A_332 = vector.broadcast %broadcast_in_dim3A_331 : i32 to vector<16xi32>
      %gather3A_333 = tpu.vector_load_idx %arg9[%add3A_58, %broadcast_in_dim3A_332] : memref<256x64xf32, #tpu.memory_space<vmem>>[vector<16xi32>, vector<16xi32>], vector<16xf32>,
      %gather3A_334 = tpu.vector_load_idx %arg10[%add3A_58, %broadcast_in_dim3A_332] : memref<256x64xf32, #tpu.memory_space<vmem>>[vector<16xi32>, vector<16xi32>], vector<16xf32>,
      %mul3A_335 = arith.mulf %gather3A_333, %gather3A_334 : vector<16xf32>
      %add3A_336 = arith.addf %add3A_296, %mul3A_335 : vector<16xf32>
      %mul3A_337 = arith.mulf %gather3A_333, %gather3A_333 : vector<16xf32>
      %add3A_338 = arith.addf %add3A_298, %mul3A_337 : vector<16xf32>
      %mul3A_339 = arith.mulf %gather3A_334, %gather3A_334 : vector<16xf32>
      %add3A_340 = arith.addf %add3A_300, %mul3A_339 : vector<16xf32>
      %broadcast_in_dim3A_341 = arith.constant 26 : i32
      %broadcast_in_dim3A_342 = vector.broadcast %broadcast_in_dim3A_341 : i32 to vector<16xi32>
      %gather3A_343 = tpu.vector_load_idx %arg9[%add3A_58, %broadcast_in_dim3A_342] : memref<256x64xf32, #tpu.memory_space<vmem>>[vector<16xi32>, vector<16xi32>], vector<16xf32>,
      %gather3A_344 = tpu.vector_load_idx %arg10[%add3A_58, %broadcast_in_dim3A_342] : memref<256x64xf32, #tpu.memory_space<vmem>>[vector<16xi32>, vector<16xi32>], vector<16xf32>,
      %mul3A_345 = arith.mulf %gather3A_343, %gather3A_344 : vector<16xf32>
      %add3A_346 = arith.addf %add3A_306, %mul3A_345 : vector<16xf32>
      %mul3A_347 = arith.mulf %gather3A_343, %gather3A_343 : vector<16xf32>
      %add3A_348 = arith.addf %add3A_308, %mul3A_347 : vector<16xf32>
      %mul3A_349 = arith.mulf %gather3A_344, %gather3A_344 : vector<16xf32>
      %add3A_350 = arith.addf %add3A_310, %mul3A_349 : vector<16xf32>
      %broadcast_in_dim3A_351 = arith.constant 27 : i32
      %broadcast_in_dim3A_352 = vector.broadcast %broadcast_in_dim3A_351 : i32 to vector<16xi32>
      %gather3A_353 = tpu.vector_load_idx %arg9[%add3A_58, %broadcast_in_dim3A_352] : memref<256x64xf32, #tpu.memory_space<vmem>>[vector<16xi32>, vector<16xi32>], vector<16xf32>,
      %gather3A_354 = tpu.vector_load_idx %arg10[%add3A_58, %broadcast_in_dim3A_352] : memref<256x64xf32, #tpu.memory_space<vmem>>[vector<16xi32>, vector<16xi32>], vector<16xf32>,
      %mul3A_355 = arith.mulf %gather3A_353, %gather3A_354 : vector<16xf32>
      %add3A_356 = arith.addf %add3A_316, %mul3A_355 : vector<16xf32>
      %mul3A_357 = arith.mulf %gather3A_353, %gather3A_353 : vector<16xf32>
      %add3A_358 = arith.addf %add3A_318, %mul3A_357 : vector<16xf32>
      %mul3A_359 = arith.mulf %gather3A_354, %gather3A_354 : vector<16xf32>
      %add3A_360 = arith.addf %add3A_320, %mul3A_359 : vector<16xf32>
      %broadcast_in_dim3A_361 = arith.constant 28 : i32
      %broadcast_in_dim3A_362 = vector.broadcast %broadcast_in_dim3A_361 : i32 to vector<16xi32>
      %gather3A_363 = tpu.vector_load_idx %arg9[%add3A_58, %broadcast_in_dim3A_362] : memref<256x64xf32, #tpu.memory_space<vmem>>[vector<16xi32>, vector<16xi32>], vector<16xf32>,
      %gather3A_364 = tpu.vector_load_idx %arg10[%add3A_58, %broadcast_in_dim3A_362] : memref<256x64xf32, #tpu.memory_space<vmem>>[vector<16xi32>, vector<16xi32>], vector<16xf32>,
      %mul3A_365 = arith.mulf %gather3A_363, %gather3A_364 : vector<16xf32>
      %add3A_366 = arith.addf %add3A_326, %mul3A_365 : vector<16xf32>
      %mul3A_367 = arith.mulf %gather3A_363, %gather3A_363 : vector<16xf32>
      %add3A_368 = arith.addf %add3A_328, %mul3A_367 : vector<16xf32>
      %mul3A_369 = arith.mulf %gather3A_364, %gather3A_364 : vector<16xf32>
      %add3A_370 = arith.addf %add3A_330, %mul3A_369 : vector<16xf32>
      %broadcast_in_dim3A_371 = arith.constant 29 : i32
      %broadcast_in_dim3A_372 = vector.broadcast %broadcast_in_dim3A_371 : i32 to vector<16xi32>
      %gather3A_373 = tpu.vector_load_idx %arg9[%add3A_58, %broadcast_in_dim3A_372] : memref<256x64xf32, #tpu.memory_space<vmem>>[vector<16xi32>, vector<16xi32>], vector<16xf32>,
      %gather3A_374 = tpu.vector_load_idx %arg10[%add3A_58, %broadcast_in_dim3A_372] : memref<256x64xf32, #tpu.memory_space<vmem>>[vector<16xi32>, vector<16xi32>], vector<16xf32>,
      %mul3A_375 = arith.mulf %gather3A_373, %gather3A_374 : vector<16xf32>
      %add3A_376 = arith.addf %add3A_336, %mul3A_375 : vector<16xf32>
      %mul3A_377 = arith.mulf %gather3A_373, %gather3A_373 : vector<16xf32>
      %add3A_378 = arith.addf %add3A_338, %mul3A_377 : vector<16xf32>
      %mul3A_379 = arith.mulf %gather3A_374, %gather3A_374 : vector<16xf32>
      %add3A_380 = arith.addf %add3A_340, %mul3A_379 : vector<16xf32>
      %broadcast_in_dim3A_381 = arith.constant 30 : i32
      %broadcast_in_dim3A_382 = vector.broadcast %broadcast_in_dim3A_381 : i32 to vector<16xi32>
      %gather3A_383 = tpu.vector_load_idx %arg9[%add3A_58, %broadcast_in_dim3A_382] : memref<256x64xf32, #tpu.memory_space<vmem>>[vector<16xi32>, vector<16xi32>], vector<16xf32>,
      %gather3A_384 = tpu.vector_load_idx %arg10[%add3A_58, %broadcast_in_dim3A_382] : memref<256x64xf32, #tpu.memory_space<vmem>>[vector<16xi32>, vector<16xi32>], vector<16xf32>,
      %mul3A_385 = arith.mulf %gather3A_383, %gather3A_384 : vector<16xf32>
      %add3A_386 = arith.addf %add3A_346, %mul3A_385 : vector<16xf32>
      %mul3A_387 = arith.mulf %gather3A_383, %gather3A_383 : vector<16xf32>
      %add3A_388 = arith.addf %add3A_348, %mul3A_387 : vector<16xf32>
      %mul3A_389 = arith.mulf %gather3A_384, %gather3A_384 : vector<16xf32>
      %add3A_390 = arith.addf %add3A_350, %mul3A_389 : vector<16xf32>
      %broadcast_in_dim3A_391 = arith.constant 31 : i32
      %broadcast_in_dim3A_392 = vector.broadcast %broadcast_in_dim3A_391 : i32 to vector<16xi32>
      %gather3A_393 = tpu.vector_load_idx %arg9[%add3A_58, %broadcast_in_dim3A_392] : memref<256x64xf32, #tpu.memory_space<vmem>>[vector<16xi32>, vector<16xi32>], vector<16xf32>,
      %gather3A_394 = tpu.vector_load_idx %arg10[%add3A_58, %broadcast_in_dim3A_392] : memref<256x64xf32, #tpu.memory_space<vmem>>[vector<16xi32>, vector<16xi32>], vector<16xf32>,
      %mul3A_395 = arith.mulf %gather3A_393, %gather3A_394 : vector<16xf32>
      %add3A_396 = arith.addf %add3A_356, %mul3A_395 : vector<16xf32>
      %mul3A_397 = arith.mulf %gather3A_393, %gather3A_393 : vector<16xf32>
      %add3A_398 = arith.addf %add3A_358, %mul3A_397 : vector<16xf32>
      %mul3A_399 = arith.mulf %gather3A_394, %gather3A_394 : vector<16xf32>
      %add3A_400 = arith.addf %add3A_360, %mul3A_399 : vector<16xf32>
      %broadcast_in_dim3A_401 = arith.constant 32 : i32
      %broadcast_in_dim3A_402 = vector.broadcast %broadcast_in_dim3A_401 : i32 to vector<16xi32>
      %gather3A_403 = tpu.vector_load_idx %arg9[%add3A_58, %broadcast_in_dim3A_402] : memref<256x64xf32, #tpu.memory_space<vmem>>[vector<16xi32>, vector<16xi32>], vector<16xf32>,
      %gather3A_404 = tpu.vector_load_idx %arg10[%add3A_58, %broadcast_in_dim3A_402] : memref<256x64xf32, #tpu.memory_space<vmem>>[vector<16xi32>, vector<16xi32>], vector<16xf32>,
      %mul3A_405 = arith.mulf %gather3A_403, %gather3A_404 : vector<16xf32>
      %add3A_406 = arith.addf %add3A_366, %mul3A_405 : vector<16xf32>
      %mul3A_407 = arith.mulf %gather3A_403, %gather3A_403 : vector<16xf32>
      %add3A_408 = arith.addf %add3A_368, %mul3A_407 : vector<16xf32>
      %mul3A_409 = arith.mulf %gather3A_404, %gather3A_404 : vector<16xf32>
      %add3A_410 = arith.addf %add3A_370, %mul3A_409 : vector<16xf32>
      %broadcast_in_dim3A_411 = arith.constant 33 : i32
      %broadcast_in_dim3A_412 = vector.broadcast %broadcast_in_dim3A_411 : i32 to vector<16xi32>
      %gather3A_413 = tpu.vector_load_idx %arg9[%add3A_58, %broadcast_in_dim3A_412] : memref<256x64xf32, #tpu.memory_space<vmem>>[vector<16xi32>, vector<16xi32>], vector<16xf32>,
      %gather3A_414 = tpu.vector_load_idx %arg10[%add3A_58, %broadcast_in_dim3A_412] : memref<256x64xf32, #tpu.memory_space<vmem>>[vector<16xi32>, vector<16xi32>], vector<16xf32>,
      %mul3A_415 = arith.mulf %gather3A_413, %gather3A_414 : vector<16xf32>
      %add3A_416 = arith.addf %add3A_376, %mul3A_415 : vector<16xf32>
      %mul3A_417 = arith.mulf %gather3A_413, %gather3A_413 : vector<16xf32>
      %add3A_418 = arith.addf %add3A_378, %mul3A_417 : vector<16xf32>
      %mul3A_419 = arith.mulf %gather3A_414, %gather3A_414 : vector<16xf32>
      %add3A_420 = arith.addf %add3A_380, %mul3A_419 : vector<16xf32>
      %broadcast_in_dim3A_421 = arith.constant 34 : i32
      %broadcast_in_dim3A_422 = vector.broadcast %broadcast_in_dim3A_421 : i32 to vector<16xi32>
      %gather3A_423 = tpu.vector_load_idx %arg9[%add3A_58, %broadcast_in_dim3A_422] : memref<256x64xf32, #tpu.memory_space<vmem>>[vector<16xi32>, vector<16xi32>], vector<16xf32>,
      %gather3A_424 = tpu.vector_load_idx %arg10[%add3A_58, %broadcast_in_dim3A_422] : memref<256x64xf32, #tpu.memory_space<vmem>>[vector<16xi32>, vector<16xi32>], vector<16xf32>,
      %mul3A_425 = arith.mulf %gather3A_423, %gather3A_424 : vector<16xf32>
      %add3A_426 = arith.addf %add3A_386, %mul3A_425 : vector<16xf32>
      %mul3A_427 = arith.mulf %gather3A_423, %gather3A_423 : vector<16xf32>
      %add3A_428 = arith.addf %add3A_388, %mul3A_427 : vector<16xf32>
      %mul3A_429 = arith.mulf %gather3A_424, %gather3A_424 : vector<16xf32>
      %add3A_430 = arith.addf %add3A_390, %mul3A_429 : vector<16xf32>
      %broadcast_in_dim3A_431 = arith.constant 35 : i32
      %broadcast_in_dim3A_432 = vector.broadcast %broadcast_in_dim3A_431 : i32 to vector<16xi32>
      %gather3A_433 = tpu.vector_load_idx %arg9[%add3A_58, %broadcast_in_dim3A_432] : memref<256x64xf32, #tpu.memory_space<vmem>>[vector<16xi32>, vector<16xi32>], vector<16xf32>,
      %gather3A_434 = tpu.vector_load_idx %arg10[%add3A_58, %broadcast_in_dim3A_432] : memref<256x64xf32, #tpu.memory_space<vmem>>[vector<16xi32>, vector<16xi32>], vector<16xf32>,
      %mul3A_435 = arith.mulf %gather3A_433, %gather3A_434 : vector<16xf32>
      %add3A_436 = arith.addf %add3A_396, %mul3A_435 : vector<16xf32>
      %mul3A_437 = arith.mulf %gather3A_433, %gather3A_433 : vector<16xf32>
      %add3A_438 = arith.addf %add3A_398, %mul3A_437 : vector<16xf32>
      %mul3A_439 = arith.mulf %gather3A_434, %gather3A_434 : vector<16xf32>
      %add3A_440 = arith.addf %add3A_400, %mul3A_439 : vector<16xf32>
      %broadcast_in_dim3A_441 = arith.constant 36 : i32
      %broadcast_in_dim3A_442 = vector.broadcast %broadcast_in_dim3A_441 : i32 to vector<16xi32>
      %gather3A_443 = tpu.vector_load_idx %arg9[%add3A_58, %broadcast_in_dim3A_442] : memref<256x64xf32, #tpu.memory_space<vmem>>[vector<16xi32>, vector<16xi32>], vector<16xf32>,
      %gather3A_444 = tpu.vector_load_idx %arg10[%add3A_58, %broadcast_in_dim3A_442] : memref<256x64xf32, #tpu.memory_space<vmem>>[vector<16xi32>, vector<16xi32>], vector<16xf32>,
      %mul3A_445 = arith.mulf %gather3A_443, %gather3A_444 : vector<16xf32>
      %add3A_446 = arith.addf %add3A_406, %mul3A_445 : vector<16xf32>
      %mul3A_447 = arith.mulf %gather3A_443, %gather3A_443 : vector<16xf32>
      %add3A_448 = arith.addf %add3A_408, %mul3A_447 : vector<16xf32>
      %mul3A_449 = arith.mulf %gather3A_444, %gather3A_444 : vector<16xf32>
      %add3A_450 = arith.addf %add3A_410, %mul3A_449 : vector<16xf32>
      %broadcast_in_dim3A_451 = arith.constant 37 : i32
      %broadcast_in_dim3A_452 = vector.broadcast %broadcast_in_dim3A_451 : i32 to vector<16xi32>
      %gather3A_453 = tpu.vector_load_idx %arg9[%add3A_58, %broadcast_in_dim3A_452] : memref<256x64xf32, #tpu.memory_space<vmem>>[vector<16xi32>, vector<16xi32>], vector<16xf32>,
      %gather3A_454 = tpu.vector_load_idx %arg10[%add3A_58, %broadcast_in_dim3A_452] : memref<256x64xf32, #tpu.memory_space<vmem>>[vector<16xi32>, vector<16xi32>], vector<16xf32>,
      %mul3A_455 = arith.mulf %gather3A_453, %gather3A_454 : vector<16xf32>
      %add3A_456 = arith.addf %add3A_416, %mul3A_455 : vector<16xf32>
      %mul3A_457 = arith.mulf %gather3A_453, %gather3A_453 : vector<16xf32>
      %add3A_458 = arith.addf %add3A_418, %mul3A_457 : vector<16xf32>
      %mul3A_459 = arith.mulf %gather3A_454, %gather3A_454 : vector<16xf32>
      %add3A_460 = arith.addf %add3A_420, %mul3A_459 : vector<16xf32>
      %broadcast_in_dim3A_461 = arith.constant 38 : i32
      %broadcast_in_dim3A_462 = vector.broadcast %broadcast_in_dim3A_461 : i32 to vector<16xi32>
      %gather3A_463 = tpu.vector_load_idx %arg9[%add3A_58, %broadcast_in_dim3A_462] : memref<256x64xf32, #tpu.memory_space<vmem>>[vector<16xi32>, vector<16xi32>], vector<16xf32>,
      %gather3A_464 = tpu.vector_load_idx %arg10[%add3A_58, %broadcast_in_dim3A_462] : memref<256x64xf32, #tpu.memory_space<vmem>>[vector<16xi32>, vector<16xi32>], vector<16xf32>,
      %mul3A_465 = arith.mulf %gather3A_463, %gather3A_464 : vector<16xf32>
      %add3A_466 = arith.addf %add3A_426, %mul3A_465 : vector<16xf32>
      %mul3A_467 = arith.mulf %gather3A_463, %gather3A_463 : vector<16xf32>
      %add3A_468 = arith.addf %add3A_428, %mul3A_467 : vector<16xf32>
      %mul3A_469 = arith.mulf %gather3A_464, %gather3A_464 : vector<16xf32>
      %add3A_470 = arith.addf %add3A_430, %mul3A_469 : vector<16xf32>
      %broadcast_in_dim3A_471 = arith.constant 39 : i32
      %broadcast_in_dim3A_472 = vector.broadcast %broadcast_in_dim3A_471 : i32 to vector<16xi32>
      %gather3A_473 = tpu.vector_load_idx %arg9[%add3A_58, %broadcast_in_dim3A_472] : memref<256x64xf32, #tpu.memory_space<vmem>>[vector<16xi32>, vector<16xi32>], vector<16xf32>,
      %gather3A_474 = tpu.vector_load_idx %arg10[%add3A_58, %broadcast_in_dim3A_472] : memref<256x64xf32, #tpu.memory_space<vmem>>[vector<16xi32>, vector<16xi32>], vector<16xf32>,
      %mul3A_475 = arith.mulf %gather3A_473, %gather3A_474 : vector<16xf32>
      %add3A_476 = arith.addf %add3A_436, %mul3A_475 : vector<16xf32>
      %mul3A_477 = arith.mulf %gather3A_473, %gather3A_473 : vector<16xf32>
      %add3A_478 = arith.addf %add3A_438, %mul3A_477 : vector<16xf32>
      %mul3A_479 = arith.mulf %gather3A_474, %gather3A_474 : vector<16xf32>
      %add3A_480 = arith.addf %add3A_440, %mul3A_479 : vector<16xf32>
      %broadcast_in_dim3A_481 = arith.constant 40 : i32
      %broadcast_in_dim3A_482 = vector.broadcast %broadcast_in_dim3A_481 : i32 to vector<16xi32>
      %gather3A_483 = tpu.vector_load_idx %arg9[%add3A_58, %broadcast_in_dim3A_482] : memref<256x64xf32, #tpu.memory_space<vmem>>[vector<16xi32>, vector<16xi32>], vector<16xf32>,
      %gather3A_484 = tpu.vector_load_idx %arg10[%add3A_58, %broadcast_in_dim3A_482] : memref<256x64xf32, #tpu.memory_space<vmem>>[vector<16xi32>, vector<16xi32>], vector<16xf32>,
      %mul3A_485 = arith.mulf %gather3A_483, %gather3A_484 : vector<16xf32>
      %add3A_486 = arith.addf %add3A_446, %mul3A_485 : vector<16xf32>
      %mul3A_487 = arith.mulf %gather3A_483, %gather3A_483 : vector<16xf32>
      %add3A_488 = arith.addf %add3A_448, %mul3A_487 : vector<16xf32>
      %mul3A_489 = arith.mulf %gather3A_484, %gather3A_484 : vector<16xf32>
      %add3A_490 = arith.addf %add3A_450, %mul3A_489 : vector<16xf32>
      %broadcast_in_dim3A_491 = arith.constant 41 : i32
      %broadcast_in_dim3A_492 = vector.broadcast %broadcast_in_dim3A_491 : i32 to vector<16xi32>
      %gather3A_493 = tpu.vector_load_idx %arg9[%add3A_58, %broadcast_in_dim3A_492] : memref<256x64xf32, #tpu.memory_space<vmem>>[vector<16xi32>, vector<16xi32>], vector<16xf32>,
      %gather3A_494 = tpu.vector_load_idx %arg10[%add3A_58, %broadcast_in_dim3A_492] : memref<256x64xf32, #tpu.memory_space<vmem>>[vector<16xi32>, vector<16xi32>], vector<16xf32>,
      %mul3A_495 = arith.mulf %gather3A_493, %gather3A_494 : vector<16xf32>
      %add3A_496 = arith.addf %add3A_456, %mul3A_495 : vector<16xf32>
      %mul3A_497 = arith.mulf %gather3A_493, %gather3A_493 : vector<16xf32>
      %add3A_498 = arith.addf %add3A_458, %mul3A_497 : vector<16xf32>
      %mul3A_499 = arith.mulf %gather3A_494, %gather3A_494 : vector<16xf32>
      %add3A_500 = arith.addf %add3A_460, %mul3A_499 : vector<16xf32>
      %broadcast_in_dim3A_501 = arith.constant 42 : i32
      %broadcast_in_dim3A_502 = vector.broadcast %broadcast_in_dim3A_501 : i32 to vector<16xi32>
      %gather3A_503 = tpu.vector_load_idx %arg9[%add3A_58, %broadcast_in_dim3A_502] : memref<256x64xf32, #tpu.memory_space<vmem>>[vector<16xi32>, vector<16xi32>], vector<16xf32>,
      %gather3A_504 = tpu.vector_load_idx %arg10[%add3A_58, %broadcast_in_dim3A_502] : memref<256x64xf32, #tpu.memory_space<vmem>>[vector<16xi32>, vector<16xi32>], vector<16xf32>,
      %mul3A_505 = arith.mulf %gather3A_503, %gather3A_504 : vector<16xf32>
      %add3A_506 = arith.addf %add3A_466, %mul3A_505 : vector<16xf32>
      %mul3A_507 = arith.mulf %gather3A_503, %gather3A_503 : vector<16xf32>
      %add3A_508 = arith.addf %add3A_468, %mul3A_507 : vector<16xf32>
      %mul3A_509 = arith.mulf %gather3A_504, %gather3A_504 : vector<16xf32>
      %add3A_510 = arith.addf %add3A_470, %mul3A_509 : vector<16xf32>
      %broadcast_in_dim3A_511 = arith.constant 43 : i32
      %broadcast_in_dim3A_512 = vector.broadcast %broadcast_in_dim3A_511 : i32 to vector<16xi32>
      %gather3A_513 = tpu.vector_load_idx %arg9[%add3A_58, %broadcast_in_dim3A_512] : memref<256x64xf32, #tpu.memory_space<vmem>>[vector<16xi32>, vector<16xi32>], vector<16xf32>,
      %gather3A_514 = tpu.vector_load_idx %arg10[%add3A_58, %broadcast_in_dim3A_512] : memref<256x64xf32, #tpu.memory_space<vmem>>[vector<16xi32>, vector<16xi32>], vector<16xf32>,
      %mul3A_515 = arith.mulf %gather3A_513, %gather3A_514 : vector<16xf32>
      %add3A_516 = arith.addf %add3A_476, %mul3A_515 : vector<16xf32>
      %mul3A_517 = arith.mulf %gather3A_513, %gather3A_513 : vector<16xf32>
      %add3A_518 = arith.addf %add3A_478, %mul3A_517 : vector<16xf32>
      %mul3A_519 = arith.mulf %gather3A_514, %gather3A_514 : vector<16xf32>
      %add3A_520 = arith.addf %add3A_480, %mul3A_519 : vector<16xf32>
      %broadcast_in_dim3A_521 = arith.constant 44 : i32
      %broadcast_in_dim3A_522 = vector.broadcast %broadcast_in_dim3A_521 : i32 to vector<16xi32>
      %gather3A_523 = tpu.vector_load_idx %arg9[%add3A_58, %broadcast_in_dim3A_522] : memref<256x64xf32, #tpu.memory_space<vmem>>[vector<16xi32>, vector<16xi32>], vector<16xf32>,
      %gather3A_524 = tpu.vector_load_idx %arg10[%add3A_58, %broadcast_in_dim3A_522] : memref<256x64xf32, #tpu.memory_space<vmem>>[vector<16xi32>, vector<16xi32>], vector<16xf32>,
      %mul3A_525 = arith.mulf %gather3A_523, %gather3A_524 : vector<16xf32>
      %add3A_526 = arith.addf %add3A_486, %mul3A_525 : vector<16xf32>
      %mul3A_527 = arith.mulf %gather3A_523, %gather3A_523 : vector<16xf32>
      %add3A_528 = arith.addf %add3A_488, %mul3A_527 : vector<16xf32>
      %mul3A_529 = arith.mulf %gather3A_524, %gather3A_524 : vector<16xf32>
      %add3A_530 = arith.addf %add3A_490, %mul3A_529 : vector<16xf32>
      %broadcast_in_dim3A_531 = arith.constant 45 : i32
      %broadcast_in_dim3A_532 = vector.broadcast %broadcast_in_dim3A_531 : i32 to vector<16xi32>
      %gather3A_533 = tpu.vector_load_idx %arg9[%add3A_58, %broadcast_in_dim3A_532] : memref<256x64xf32, #tpu.memory_space<vmem>>[vector<16xi32>, vector<16xi32>], vector<16xf32>,
      %gather3A_534 = tpu.vector_load_idx %arg10[%add3A_58, %broadcast_in_dim3A_532] : memref<256x64xf32, #tpu.memory_space<vmem>>[vector<16xi32>, vector<16xi32>], vector<16xf32>,
      %mul3A_535 = arith.mulf %gather3A_533, %gather3A_534 : vector<16xf32>
      %add3A_536 = arith.addf %add3A_496, %mul3A_535 : vector<16xf32>
      %mul3A_537 = arith.mulf %gather3A_533, %gather3A_533 : vector<16xf32>
      %add3A_538 = arith.addf %add3A_498, %mul3A_537 : vector<16xf32>
      %mul3A_539 = arith.mulf %gather3A_534, %gather3A_534 : vector<16xf32>
      %add3A_540 = arith.addf %add3A_500, %mul3A_539 : vector<16xf32>
      %broadcast_in_dim3A_541 = arith.constant 46 : i32
      %broadcast_in_dim3A_542 = vector.broadcast %broadcast_in_dim3A_541 : i32 to vector<16xi32>
      %gather3A_543 = tpu.vector_load_idx %arg9[%add3A_58, %broadcast_in_dim3A_542] : memref<256x64xf32, #tpu.memory_space<vmem>>[vector<16xi32>, vector<16xi32>], vector<16xf32>,
      %gather3A_544 = tpu.vector_load_idx %arg10[%add3A_58, %broadcast_in_dim3A_542] : memref<256x64xf32, #tpu.memory_space<vmem>>[vector<16xi32>, vector<16xi32>], vector<16xf32>,
      %mul3A_545 = arith.mulf %gather3A_543, %gather3A_544 : vector<16xf32>
      %add3A_546 = arith.addf %add3A_506, %mul3A_545 : vector<16xf32>
      %mul3A_547 = arith.mulf %gather3A_543, %gather3A_543 : vector<16xf32>
      %add3A_548 = arith.addf %add3A_508, %mul3A_547 : vector<16xf32>
      %mul3A_549 = arith.mulf %gather3A_544, %gather3A_544 : vector<16xf32>
      %add3A_550 = arith.addf %add3A_510, %mul3A_549 : vector<16xf32>
      %broadcast_in_dim3A_551 = arith.constant 47 : i32
      %broadcast_in_dim3A_552 = vector.broadcast %broadcast_in_dim3A_551 : i32 to vector<16xi32>
      %gather3A_553 = tpu.vector_load_idx %arg9[%add3A_58, %broadcast_in_dim3A_552] : memref<256x64xf32, #tpu.memory_space<vmem>>[vector<16xi32>, vector<16xi32>], vector<16xf32>,
      %gather3A_554 = tpu.vector_load_idx %arg10[%add3A_58, %broadcast_in_dim3A_552] : memref<256x64xf32, #tpu.memory_space<vmem>>[vector<16xi32>, vector<16xi32>], vector<16xf32>,
      %mul3A_555 = arith.mulf %gather3A_553, %gather3A_554 : vector<16xf32>
      %add3A_556 = arith.addf %add3A_516, %mul3A_555 : vector<16xf32>
      %mul3A_557 = arith.mulf %gather3A_553, %gather3A_553 : vector<16xf32>
      %add3A_558 = arith.addf %add3A_518, %mul3A_557 : vector<16xf32>
      %mul3A_559 = arith.mulf %gather3A_554, %gather3A_554 : vector<16xf32>
      %add3A_560 = arith.addf %add3A_520, %mul3A_559 : vector<16xf32>
      %broadcast_in_dim3A_561 = arith.constant 48 : i32
      %broadcast_in_dim3A_562 = vector.broadcast %broadcast_in_dim3A_561 : i32 to vector<16xi32>
      %gather3A_563 = tpu.vector_load_idx %arg9[%add3A_58, %broadcast_in_dim3A_562] : memref<256x64xf32, #tpu.memory_space<vmem>>[vector<16xi32>, vector<16xi32>], vector<16xf32>,
      %gather3A_564 = tpu.vector_load_idx %arg10[%add3A_58, %broadcast_in_dim3A_562] : memref<256x64xf32, #tpu.memory_space<vmem>>[vector<16xi32>, vector<16xi32>], vector<16xf32>,
      %mul3A_565 = arith.mulf %gather3A_563, %gather3A_564 : vector<16xf32>
      %add3A_566 = arith.addf %add3A_526, %mul3A_565 : vector<16xf32>
      %mul3A_567 = arith.mulf %gather3A_563, %gather3A_563 : vector<16xf32>
      %add3A_568 = arith.addf %add3A_528, %mul3A_567 : vector<16xf32>
      %mul3A_569 = arith.mulf %gather3A_564, %gather3A_564 : vector<16xf32>
      %add3A_570 = arith.addf %add3A_530, %mul3A_569 : vector<16xf32>
      %broadcast_in_dim3A_571 = arith.constant 49 : i32
      %broadcast_in_dim3A_572 = vector.broadcast %broadcast_in_dim3A_571 : i32 to vector<16xi32>
      %gather3A_573 = tpu.vector_load_idx %arg9[%add3A_58, %broadcast_in_dim3A_572] : memref<256x64xf32, #tpu.memory_space<vmem>>[vector<16xi32>, vector<16xi32>], vector<16xf32>,
      %gather3A_574 = tpu.vector_load_idx %arg10[%add3A_58, %broadcast_in_dim3A_572] : memref<256x64xf32, #tpu.memory_space<vmem>>[vector<16xi32>, vector<16xi32>], vector<16xf32>,
      %mul3A_575 = arith.mulf %gather3A_573, %gather3A_574 : vector<16xf32>
      %add3A_576 = arith.addf %add3A_536, %mul3A_575 : vector<16xf32>
      %mul3A_577 = arith.mulf %gather3A_573, %gather3A_573 : vector<16xf32>
      %add3A_578 = arith.addf %add3A_538, %mul3A_577 : vector<16xf32>
      %mul3A_579 = arith.mulf %gather3A_574, %gather3A_574 : vector<16xf32>
      %add3A_580 = arith.addf %add3A_540, %mul3A_579 : vector<16xf32>
      %broadcast_in_dim3A_581 = arith.constant 50 : i32
      %broadcast_in_dim3A_582 = vector.broadcast %broadcast_in_dim3A_581 : i32 to vector<16xi32>
      %gather3A_583 = tpu.vector_load_idx %arg9[%add3A_58, %broadcast_in_dim3A_582] : memref<256x64xf32, #tpu.memory_space<vmem>>[vector<16xi32>, vector<16xi32>], vector<16xf32>,
      %gather3A_584 = tpu.vector_load_idx %arg10[%add3A_58, %broadcast_in_dim3A_582] : memref<256x64xf32, #tpu.memory_space<vmem>>[vector<16xi32>, vector<16xi32>], vector<16xf32>,
      %mul3A_585 = arith.mulf %gather3A_583, %gather3A_584 : vector<16xf32>
      %add3A_586 = arith.addf %add3A_546, %mul3A_585 : vector<16xf32>
      %mul3A_587 = arith.mulf %gather3A_583, %gather3A_583 : vector<16xf32>
      %add3A_588 = arith.addf %add3A_548, %mul3A_587 : vector<16xf32>
      %mul3A_589 = arith.mulf %gather3A_584, %gather3A_584 : vector<16xf32>
      %add3A_590 = arith.addf %add3A_550, %mul3A_589 : vector<16xf32>
      %broadcast_in_dim3A_591 = arith.constant 51 : i32
      %broadcast_in_dim3A_592 = vector.broadcast %broadcast_in_dim3A_591 : i32 to vector<16xi32>
      %gather3A_593 = tpu.vector_load_idx %arg9[%add3A_58, %broadcast_in_dim3A_592] : memref<256x64xf32, #tpu.memory_space<vmem>>[vector<16xi32>, vector<16xi32>], vector<16xf32>,
      %gather3A_594 = tpu.vector_load_idx %arg10[%add3A_58, %broadcast_in_dim3A_592] : memref<256x64xf32, #tpu.memory_space<vmem>>[vector<16xi32>, vector<16xi32>], vector<16xf32>,
      %mul3A_595 = arith.mulf %gather3A_593, %gather3A_594 : vector<16xf32>
      %add3A_596 = arith.addf %add3A_556, %mul3A_595 : vector<16xf32>
      %mul3A_597 = arith.mulf %gather3A_593, %gather3A_593 : vector<16xf32>
      %add3A_598 = arith.addf %add3A_558, %mul3A_597 : vector<16xf32>
      %mul3A_599 = arith.mulf %gather3A_594, %gather3A_594 : vector<16xf32>
      %add3A_600 = arith.addf %add3A_560, %mul3A_599 : vector<16xf32>
      %broadcast_in_dim3A_601 = arith.constant 52 : i32
      %broadcast_in_dim3A_602 = vector.broadcast %broadcast_in_dim3A_601 : i32 to vector<16xi32>
      %gather3A_603 = tpu.vector_load_idx %arg9[%add3A_58, %broadcast_in_dim3A_602] : memref<256x64xf32, #tpu.memory_space<vmem>>[vector<16xi32>, vector<16xi32>], vector<16xf32>,
      %gather3A_604 = tpu.vector_load_idx %arg10[%add3A_58, %broadcast_in_dim3A_602] : memref<256x64xf32, #tpu.memory_space<vmem>>[vector<16xi32>, vector<16xi32>], vector<16xf32>,
      %mul3A_605 = arith.mulf %gather3A_603, %gather3A_604 : vector<16xf32>
      %add3A_606 = arith.addf %add3A_566, %mul3A_605 : vector<16xf32>
      %mul3A_607 = arith.mulf %gather3A_603, %gather3A_603 : vector<16xf32>
      %add3A_608 = arith.addf %add3A_568, %mul3A_607 : vector<16xf32>
      %mul3A_609 = arith.mulf %gather3A_604, %gather3A_604 : vector<16xf32>
      %add3A_610 = arith.addf %add3A_570, %mul3A_609 : vector<16xf32>
      %broadcast_in_dim3A_611 = arith.constant 53 : i32
      %broadcast_in_dim3A_612 = vector.broadcast %broadcast_in_dim3A_611 : i32 to vector<16xi32>
      %gather3A_613 = tpu.vector_load_idx %arg9[%add3A_58, %broadcast_in_dim3A_612] : memref<256x64xf32, #tpu.memory_space<vmem>>[vector<16xi32>, vector<16xi32>], vector<16xf32>,
      %gather3A_614 = tpu.vector_load_idx %arg10[%add3A_58, %broadcast_in_dim3A_612] : memref<256x64xf32, #tpu.memory_space<vmem>>[vector<16xi32>, vector<16xi32>], vector<16xf32>,
      %mul3A_615 = arith.mulf %gather3A_613, %gather3A_614 : vector<16xf32>
      %add3A_616 = arith.addf %add3A_576, %mul3A_615 : vector<16xf32>
      %mul3A_617 = arith.mulf %gather3A_613, %gather3A_613 : vector<16xf32>
      %add3A_618 = arith.addf %add3A_578, %mul3A_617 : vector<16xf32>
      %mul3A_619 = arith.mulf %gather3A_614, %gather3A_614 : vector<16xf32>
      %add3A_620 = arith.addf %add3A_580, %mul3A_619 : vector<16xf32>
      %broadcast_in_dim3A_621 = arith.constant 54 : i32
      %broadcast_in_dim3A_622 = vector.broadcast %broadcast_in_dim3A_621 : i32 to vector<16xi32>
      %gather3A_623 = tpu.vector_load_idx %arg9[%add3A_58, %broadcast_in_dim3A_622] : memref<256x64xf32, #tpu.memory_space<vmem>>[vector<16xi32>, vector<16xi32>], vector<16xf32>,
      %gather3A_624 = tpu.vector_load_idx %arg10[%add3A_58, %broadcast_in_dim3A_622] : memref<256x64xf32, #tpu.memory_space<vmem>>[vector<16xi32>, vector<16xi32>], vector<16xf32>,
      %mul3A_625 = arith.mulf %gather3A_623, %gather3A_624 : vector<16xf32>
      %add3A_626 = arith.addf %add3A_586, %mul3A_625 : vector<16xf32>
      %mul3A_627 = arith.mulf %gather3A_623, %gather3A_623 : vector<16xf32>
      %add3A_628 = arith.addf %add3A_588, %mul3A_627 : vector<16xf32>
      %mul3A_629 = arith.mulf %gather3A_624, %gather3A_624 : vector<16xf32>
      %add3A_630 = arith.addf %add3A_590, %mul3A_629 : vector<16xf32>
      %broadcast_in_dim3A_631 = arith.constant 55 : i32
      %broadcast_in_dim3A_632 = vector.broadcast %broadcast_in_dim3A_631 : i32 to vector<16xi32>
      %gather3A_633 = tpu.vector_load_idx %arg9[%add3A_58, %broadcast_in_dim3A_632] : memref<256x64xf32, #tpu.memory_space<vmem>>[vector<16xi32>, vector<16xi32>], vector<16xf32>,
      %gather3A_634 = tpu.vector_load_idx %arg10[%add3A_58, %broadcast_in_dim3A_632] : memref<256x64xf32, #tpu.memory_space<vmem>>[vector<16xi32>, vector<16xi32>], vector<16xf32>,
      %mul3A_635 = arith.mulf %gather3A_633, %gather3A_634 : vector<16xf32>
      %add3A_636 = arith.addf %add3A_596, %mul3A_635 : vector<16xf32>
      %mul3A_637 = arith.mulf %gather3A_633, %gather3A_633 : vector<16xf32>
      %add3A_638 = arith.addf %add3A_598, %mul3A_637 : vector<16xf32>
      %mul3A_639 = arith.mulf %gather3A_634, %gather3A_634 : vector<16xf32>
      %add3A_640 = arith.addf %add3A_600, %mul3A_639 : vector<16xf32>
      %broadcast_in_dim3A_641 = arith.constant 56 : i32
      %broadcast_in_dim3A_642 = vector.broadcast %broadcast_in_dim3A_641 : i32 to vector<16xi32>
      %gather3A_643 = tpu.vector_load_idx %arg9[%add3A_58, %broadcast_in_dim3A_642] : memref<256x64xf32, #tpu.memory_space<vmem>>[vector<16xi32>, vector<16xi32>], vector<16xf32>,
      %gather3A_644 = tpu.vector_load_idx %arg10[%add3A_58, %broadcast_in_dim3A_642] : memref<256x64xf32, #tpu.memory_space<vmem>>[vector<16xi32>, vector<16xi32>], vector<16xf32>,
      %mul3A_645 = arith.mulf %gather3A_643, %gather3A_644 : vector<16xf32>
      %add3A_646 = arith.addf %add3A_606, %mul3A_645 : vector<16xf32>
      %mul3A_647 = arith.mulf %gather3A_643, %gather3A_643 : vector<16xf32>
      %add3A_648 = arith.addf %add3A_608, %mul3A_647 : vector<16xf32>
      %mul3A_649 = arith.mulf %gather3A_644, %gather3A_644 : vector<16xf32>
      %add3A_650 = arith.addf %add3A_610, %mul3A_649 : vector<16xf32>
      %broadcast_in_dim3A_651 = arith.constant 57 : i32
      %broadcast_in_dim3A_652 = vector.broadcast %broadcast_in_dim3A_651 : i32 to vector<16xi32>
      %gather3A_653 = tpu.vector_load_idx %arg9[%add3A_58, %broadcast_in_dim3A_652] : memref<256x64xf32, #tpu.memory_space<vmem>>[vector<16xi32>, vector<16xi32>], vector<16xf32>,
      %gather3A_654 = tpu.vector_load_idx %arg10[%add3A_58, %broadcast_in_dim3A_652] : memref<256x64xf32, #tpu.memory_space<vmem>>[vector<16xi32>, vector<16xi32>], vector<16xf32>,
      %mul3A_655 = arith.mulf %gather3A_653, %gather3A_654 : vector<16xf32>
      %add3A_656 = arith.addf %add3A_616, %mul3A_655 : vector<16xf32>
      %mul3A_657 = arith.mulf %gather3A_653, %gather3A_653 : vector<16xf32>
      %add3A_658 = arith.addf %add3A_618, %mul3A_657 : vector<16xf32>
      %mul3A_659 = arith.mulf %gather3A_654, %gather3A_654 : vector<16xf32>
      %add3A_660 = arith.addf %add3A_620, %mul3A_659 : vector<16xf32>
      %broadcast_in_dim3A_661 = arith.constant 58 : i32
      %broadcast_in_dim3A_662 = vector.broadcast %broadcast_in_dim3A_661 : i32 to vector<16xi32>
      %gather3A_663 = tpu.vector_load_idx %arg9[%add3A_58, %broadcast_in_dim3A_662] : memref<256x64xf32, #tpu.memory_space<vmem>>[vector<16xi32>, vector<16xi32>], vector<16xf32>,
      %gather3A_664 = tpu.vector_load_idx %arg10[%add3A_58, %broadcast_in_dim3A_662] : memref<256x64xf32, #tpu.memory_space<vmem>>[vector<16xi32>, vector<16xi32>], vector<16xf32>,
      %mul3A_665 = arith.mulf %gather3A_663, %gather3A_664 : vector<16xf32>
      %add3A_666 = arith.addf %add3A_626, %mul3A_665 : vector<16xf32>
      %mul3A_667 = arith.mulf %gather3A_663, %gather3A_663 : vector<16xf32>
      %add3A_668 = arith.addf %add3A_628, %mul3A_667 : vector<16xf32>
      %mul3A_669 = arith.mulf %gather3A_664, %gather3A_664 : vector<16xf32>
      %add3A_670 = arith.addf %add3A_630, %mul3A_669 : vector<16xf32>
      %broadcast_in_dim3A_671 = arith.constant 59 : i32
      %broadcast_in_dim3A_672 = vector.broadcast %broadcast_in_dim3A_671 : i32 to vector<16xi32>
      %gather3A_673 = tpu.vector_load_idx %arg9[%add3A_58, %broadcast_in_dim3A_672] : memref<256x64xf32, #tpu.memory_space<vmem>>[vector<16xi32>, vector<16xi32>], vector<16xf32>,
      %gather3A_674 = tpu.vector_load_idx %arg10[%add3A_58, %broadcast_in_dim3A_672] : memref<256x64xf32, #tpu.memory_space<vmem>>[vector<16xi32>, vector<16xi32>], vector<16xf32>,
      %mul3A_675 = arith.mulf %gather3A_673, %gather3A_674 : vector<16xf32>
      %add3A_676 = arith.addf %add3A_636, %mul3A_675 : vector<16xf32>
      %mul3A_677 = arith.mulf %gather3A_673, %gather3A_673 : vector<16xf32>
      %add3A_678 = arith.addf %add3A_638, %mul3A_677 : vector<16xf32>
      %mul3A_679 = arith.mulf %gather3A_674, %gather3A_674 : vector<16xf32>
      %add3A_680 = arith.addf %add3A_640, %mul3A_679 : vector<16xf32>
      %broadcast_in_dim3A_681 = arith.constant 60 : i32
      %broadcast_in_dim3A_682 = vector.broadcast %broadcast_in_dim3A_681 : i32 to vector<16xi32>
      %gather3A_683 = tpu.vector_load_idx %arg9[%add3A_58, %broadcast_in_dim3A_682] : memref<256x64xf32, #tpu.memory_space<vmem>>[vector<16xi32>, vector<16xi32>], vector<16xf32>,
      %gather3A_684 = tpu.vector_load_idx %arg10[%add3A_58, %broadcast_in_dim3A_682] : memref<256x64xf32, #tpu.memory_space<vmem>>[vector<16xi32>, vector<16xi32>], vector<16xf32>,
      %mul3A_685 = arith.mulf %gather3A_683, %gather3A_684 : vector<16xf32>
      %add3A_686 = arith.addf %add3A_646, %mul3A_685 : vector<16xf32>
      %mul3A_687 = arith.mulf %gather3A_683, %gather3A_683 : vector<16xf32>
      %add3A_688 = arith.addf %add3A_648, %mul3A_687 : vector<16xf32>
      %mul3A_689 = arith.mulf %gather3A_684, %gather3A_684 : vector<16xf32>
      %add3A_690 = arith.addf %add3A_650, %mul3A_689 : vector<16xf32>
      %broadcast_in_dim3A_691 = arith.constant 61 : i32
      %broadcast_in_dim3A_692 = vector.broadcast %broadcast_in_dim3A_691 : i32 to vector<16xi32>
      %gather3A_693 = tpu.vector_load_idx %arg9[%add3A_58, %broadcast_in_dim3A_692] : memref<256x64xf32, #tpu.memory_space<vmem>>[vector<16xi32>, vector<16xi32>], vector<16xf32>,
      %gather3A_694 = tpu.vector_load_idx %arg10[%add3A_58, %broadcast_in_dim3A_692] : memref<256x64xf32, #tpu.memory_space<vmem>>[vector<16xi32>, vector<16xi32>], vector<16xf32>,
      %mul3A_695 = arith.mulf %gather3A_693, %gather3A_694 : vector<16xf32>
      %add3A_696 = arith.addf %add3A_656, %mul3A_695 : vector<16xf32>
      %mul3A_697 = arith.mulf %gather3A_693, %gather3A_693 : vector<16xf32>
      %add3A_698 = arith.addf %add3A_658, %mul3A_697 : vector<16xf32>
      %mul3A_699 = arith.mulf %gather3A_694, %gather3A_694 : vector<16xf32>
      %add3A_700 = arith.addf %add3A_660, %mul3A_699 : vector<16xf32>
      %broadcast_in_dim3A_701 = arith.constant 62 : i32
      %broadcast_in_dim3A_702 = vector.broadcast %broadcast_in_dim3A_701 : i32 to vector<16xi32>
      %gather3A_703 = tpu.vector_load_idx %arg9[%add3A_58, %broadcast_in_dim3A_702] : memref<256x64xf32, #tpu.memory_space<vmem>>[vector<16xi32>, vector<16xi32>], vector<16xf32>,
      %gather3A_704 = tpu.vector_load_idx %arg10[%add3A_58, %broadcast_in_dim3A_702] : memref<256x64xf32, #tpu.memory_space<vmem>>[vector<16xi32>, vector<16xi32>], vector<16xf32>,
      %mul3A_705 = arith.mulf %gather3A_703, %gather3A_704 : vector<16xf32>
      %add3A_706 = arith.addf %add3A_666, %mul3A_705 : vector<16xf32>
      %mul3A_707 = arith.mulf %gather3A_703, %gather3A_703 : vector<16xf32>
      %add3A_708 = arith.addf %add3A_668, %mul3A_707 : vector<16xf32>
      %mul3A_709 = arith.mulf %gather3A_704, %gather3A_704 : vector<16xf32>
      %add3A_710 = arith.addf %add3A_670, %mul3A_709 : vector<16xf32>
      %broadcast_in_dim3A_711 = arith.constant 63 : i32
      %broadcast_in_dim3A_712 = vector.broadcast %broadcast_in_dim3A_711 : i32 to vector<16xi32>
      %gather3A_713 = tpu.vector_load_idx %arg9[%add3A_58, %broadcast_in_dim3A_712] : memref<256x64xf32, #tpu.memory_space<vmem>>[vector<16xi32>, vector<16xi32>], vector<16xf32>,
      %gather3A_714 = tpu.vector_load_idx %arg10[%add3A_58, %broadcast_in_dim3A_712] : memref<256x64xf32, #tpu.memory_space<vmem>>[vector<16xi32>, vector<16xi32>], vector<16xf32>,
      %mul3A_715 = arith.mulf %gather3A_713, %gather3A_714 : vector<16xf32>
      %add3A_716 = arith.addf %add3A_676, %mul3A_715 : vector<16xf32>
      %mul3A_717 = arith.mulf %gather3A_713, %gather3A_713 : vector<16xf32>
      %add3A_718 = arith.addf %add3A_678, %mul3A_717 : vector<16xf32>
      %mul3A_719 = arith.mulf %gather3A_714, %gather3A_714 : vector<16xf32>
      %add3A_720 = arith.addf %add3A_680, %mul3A_719 : vector<16xf32>
      %add3A_721 = arith.addf %add3A_686, %add3A_696 : vector<16xf32>
      %add3A_722 = arith.addf %add3A_706, %add3A_716 : vector<16xf32>
      %add3A_723 = arith.addf %add3A_721, %add3A_722 : vector<16xf32>
      %add3A_724 = arith.addf %add3A_688, %add3A_698 : vector<16xf32>
      %add3A_725 = arith.addf %add3A_708, %add3A_718 : vector<16xf32>
      %add3A_726 = arith.addf %add3A_724, %add3A_725 : vector<16xf32>
      %add3A_727 = arith.addf %add3A_690, %add3A_700 : vector<16xf32>
      %add3A_728 = arith.addf %add3A_710, %add3A_720 : vector<16xf32>
      %add3A_729 = arith.addf %add3A_727, %add3A_728 : vector<16xf32>
      %max3A = arith.constant 9.99999996E-13 : f32
      %max3A_730 = vector.broadcast %max3A : f32 to vector<16xf32>
      %max3A_731 = arith.maximumf %add3A_726, %max3A_730 : vector<16xf32>
      %max3A_732 = arith.constant 9.99999996E-13 : f32
      %max3A_733 = vector.broadcast %max3A_732 : f32 to vector<16xf32>
      %max3A_734 = arith.maximumf %add3A_729, %max3A_733 : vector<16xf32>
      %mul3A_735 = arith.mulf %max3A_731, %max3A_734 : vector<16xf32>
      %bitcast_convert_type3A = tpu.bitcast %mul3A_735 : vector<16xf32> -> vector<16xi32>
      %shift_right_arithmetic3A = arith.constant 1 : i32
      %shift_right_arithmetic3A_736 = vector.broadcast %shift_right_arithmetic3A : i32 to vector<16xi32>
      %shift_right_arithmetic3A_737 = arith.shrsi %bitcast_convert_type3A, %shift_right_arithmetic3A_736 : vector<16xi32>
      %sub3A = arith.constant 1597463007 : i32
      %sub3A_738 = vector.broadcast %sub3A : i32 to vector<16xi32>
      %sub3A_739 = arith.subi %sub3A_738, %shift_right_arithmetic3A_737 : vector<16xi32>
      %bitcast_convert_type3A_740 = tpu.bitcast %sub3A_739 : vector<16xi32> -> vector<16xf32>
      %mul3A_741 = arith.constant 5.000000e-01 : f32
      %mul3A_742 = vector.broadcast %mul3A_741 : f32 to vector<16xf32>
      %mul3A_743 = arith.mulf %mul3A_735, %mul3A_742 : vector<16xf32>
      %mul3A_744 = arith.mulf %mul3A_743, %bitcast_convert_type3A_740 : vector<16xf32>
      %mul3A_745 = arith.mulf %mul3A_744, %bitcast_convert_type3A_740 : vector<16xf32>
      %sub3A_746 = arith.constant 1.500000e+00 : f32
      %sub3A_747 = vector.broadcast %sub3A_746 : f32 to vector<16xf32>
      %sub3A_748 = arith.subf %sub3A_747, %mul3A_745 : vector<16xf32>
      %mul3A_749 = arith.mulf %bitcast_convert_type3A_740, %sub3A_748 : vector<16xf32>
      %mul3A_750 = arith.mulf %mul3A_743, %mul3A_749 : vector<16xf32>
      %mul3A_751 = arith.mulf %mul3A_750, %mul3A_749 : vector<16xf32>
      %sub3A_752 = arith.constant 1.500000e+00 : f32
      %sub3A_753 = vector.broadcast %sub3A_752 : f32 to vector<16xf32>
      %sub3A_754 = arith.subf %sub3A_753, %mul3A_751 : vector<16xf32>
      %mul3A_755 = arith.mulf %mul3A_749, %sub3A_754 : vector<16xf32>
      %mul3A_756 = arith.mulf %mul3A_743, %mul3A_755 : vector<16xf32>
      %mul3A_757 = arith.mulf %mul3A_756, %mul3A_755 : vector<16xf32>
      %sub3A_758 = arith.constant 1.500000e+00 : f32
      %sub3A_759 = vector.broadcast %sub3A_758 : f32 to vector<16xf32>
      %sub3A_760 = arith.subf %sub3A_759, %mul3A_757 : vector<16xf32>
      %mul3A_761 = arith.mulf %mul3A_755, %sub3A_760 : vector<16xf32>
      %mul3A_762 = arith.mulf %add3A_723, %mul3A_761 : vector<16xf32>
      %add3A_763 = arith.constant 1.000000e+00 : f32
      %add3A_764 = vector.broadcast %add3A_763 : f32 to vector<16xf32>
      %add3A_765 = arith.addf %add3A_764, %mul3A_762 : vector<16xf32>
      %mul3A_766 = arith.constant 5.000000e-01 : f32
      %mul3A_767 = vector.broadcast %mul3A_766 : f32 to vector<16xf32>
      %mul3A_768 = arith.mulf %add3A_765, %mul3A_767 : vector<16xf32>
      %mul3A_769 = arith.constant 16 : i32
      %mul3A_770 = arith.muli %scan3A_53, %mul3A_769 : i32
      %add3A_771 = arith.constant 0 : i32
      %add3A_772 = arith.addi %add3A_771, %mul3A_770 : i32
      %swap3A = arith.index_cast %add3A_772 : i32 to index
      %swap3A_773 = tpu.vector_load %arg11[%swap3A] {strides = array<i32>} : memref<512xf32, #tpu.memory_space<vmem>>, vector<16xf32>,
      tpu.vector_store %arg11[%swap3A], %mul3A_768 {strides = array<i32>} : memref<512xf32, #tpu.memory_space<vmem>>, vector<16xf32>,
      %scan3A_774 = arith.constant 0 : i32
      scf.yield %scan3A_774 : i32
    }
    %scan3A_26 = arith.constant 16 : i32
    %scan3A_27 = arith.constant 0 : i32
    %scan3A_28 = arith.constant 0 : i32
    %scan3A_29 = arith.constant 16 : i32
    %scan3A_30 = arith.addi %scan3A_28, %scan3A_29 : i32
    %scan3A_31 = arith.constant 1 : i32
    %scan3A_32 = scf.for %scan3A_53 = %scan3A_28 to %scan3A_30 step %scan3A_31 iter_args(%scan3A_54 = %scan3A_27) -> (i32)  : i32 {
      %mul3A_55 = arith.constant 16 : i32
      %mul3A_56 = arith.muli %scan3A_53, %mul3A_55 : i32
      %add3A_57 = arith.constant 256 : i32
      %add3A_58 = arith.addi %add3A_57, %mul3A_56 : i32
      %get3A = arith.index_cast %add3A_58 : i32 to index
      %get3A_59 = tpu.vector_load %arg7[%get3A] {strides = array<i32>} : memref<512xi32, #tpu.memory_space<vmem>>, vector<16xi32>,
      %add3A_60 = arith.constant 256 : i32
      %add3A_61 = arith.addi %add3A_60, %mul3A_56 : i32
      %get3A_62 = arith.index_cast %add3A_61 : i32 to index
      %get3A_63 = tpu.vector_load %arg8[%get3A_62] {strides = array<i32>} : memref<512xi32, #tpu.memory_space<vmem>>, vector<16xi32>,
      %slice3A = vector.extract_strided_slice %get3A_59 {offsets = [0], sizes = [1], strides = [1]} : vector<16xi32> to vector<1xi32>
      %squeeze3A = vector.extract %slice3A[0] : i32 from vector<1xi32>
      %add3A_64 = arith.constant 0 : i32
      %add3A_65 = arith.addi %mul3A_56, %add3A_64 : i32
      %dma_start3A = arith.constant 0 : i32
      %dma_start3A_66 = tpu.memref_slice %arg9[%add3A_65, %dma_start3A] : memref<256x64xf32, #tpu.memory_space<vmem>> -> memref<1x64xf32, #tpu.memory_space<vmem>>
      %dma_start3A_67 = arith.constant 0 : i32
      %dma_start3A_68 = tpu.memref_slice %arg4[%squeeze3A, %dma_start3A_67] : memref<100000x64xf32, #tpu.memory_space<hbm>> -> memref<1x64xf32, #tpu.memory_space<hbm>>
      %dma_start3A_69 = arith.constant 0 : i32
      %dma_start3A_70 = tpu.memref_slice %arg9[%add3A_65, %dma_start3A_69] : memref<256x64xf32, #tpu.memory_space<vmem>> -> memref<1x64xf32, #tpu.memory_space<vmem>>
      %dma_start3A_71 = arith.constant 0 : i32
      %dma_start3A_72 = tpu.memref_slice %arg4[%squeeze3A, %dma_start3A_71] : memref<100000x64xf32, #tpu.memory_space<hbm>> -> memref<1x64xf32, #tpu.memory_space<hbm>>
      tpu.enqueue_dma source(%dma_start3A_72 : memref<1x64xf32, #tpu.memory_space<hbm>>) target(%dma_start3A_70 : memref<1x64xf32, #tpu.memory_space<vmem>>) target_semaphore(%arg12 : memref<!tpu.dma_semaphore, #tpu.memory_space<semaphore_mem>>)
      %slice3A_73 = vector.extract_strided_slice %get3A_63 {offsets = [0], sizes = [1], strides = [1]} : vector<16xi32> to vector<1xi32>
      %squeeze3A_74 = vector.extract %slice3A_73[0] : i32 from vector<1xi32>
      %add3A_75 = arith.constant 0 : i32
      %add3A_76 = arith.addi %mul3A_56, %add3A_75 : i32
      %dma_start3A_77 = arith.constant 0 : i32
      %dma_start3A_78 = tpu.memref_slice %arg10[%add3A_76, %dma_start3A_77] : memref<256x64xf32, #tpu.memory_space<vmem>> -> memref<1x64xf32, #tpu.memory_space<vmem>>
      %dma_start3A_79 = arith.constant 0 : i32
      %dma_start3A_80 = tpu.memref_slice %arg5[%squeeze3A_74, %dma_start3A_79] : memref<100000x64xf32, #tpu.memory_space<hbm>> -> memref<1x64xf32, #tpu.memory_space<hbm>>
      %dma_start3A_81 = arith.constant 0 : i32
      %dma_start3A_82 = tpu.memref_slice %arg10[%add3A_76, %dma_start3A_81] : memref<256x64xf32, #tpu.memory_space<vmem>> -> memref<1x64xf32, #tpu.memory_space<vmem>>
      %dma_start3A_83 = arith.constant 0 : i32
      %dma_start3A_84 = tpu.memref_slice %arg5[%squeeze3A_74, %dma_start3A_83] : memref<100000x64xf32, #tpu.memory_space<hbm>> -> memref<1x64xf32, #tpu.memory_space<hbm>>
      tpu.enqueue_dma source(%dma_start3A_84 : memref<1x64xf32, #tpu.memory_space<hbm>>) target(%dma_start3A_82 : memref<1x64xf32, #tpu.memory_space<vmem>>) target_semaphore(%arg12 : memref<!tpu.dma_semaphore, #tpu.memory_space<semaphore_mem>>)
      %slice3A_85 = vector.extract_strided_slice %get3A_59 {offsets = [1], sizes = [1], strides = [1]} : vector<16xi32> to vector<1xi32>
      %squeeze3A_86 = vector.extract %slice3A_85[0] : i32 from vector<1xi32>
      %add3A_87 = arith.constant 1 : i32
      %add3A_88 = arith.addi %mul3A_56, %add3A_87 : i32
      %dma_start3A_89 = arith.constant 0 : i32
      %dma_start3A_90 = tpu.memref_slice %arg9[%add3A_88, %dma_start3A_89] : memref<256x64xf32, #tpu.memory_space<vmem>> -> memref<1x64xf32, #tpu.memory_space<vmem>>
      %dma_start3A_91 = arith.constant 0 : i32
      %dma_start3A_92 = tpu.memref_slice %arg4[%squeeze3A_86, %dma_start3A_91] : memref<100000x64xf32, #tpu.memory_space<hbm>> -> memref<1x64xf32, #tpu.memory_space<hbm>>
      %dma_start3A_93 = arith.constant 0 : i32
      %dma_start3A_94 = tpu.memref_slice %arg9[%add3A_88, %dma_start3A_93] : memref<256x64xf32, #tpu.memory_space<vmem>> -> memref<1x64xf32, #tpu.memory_space<vmem>>
      %dma_start3A_95 = arith.constant 0 : i32
      %dma_start3A_96 = tpu.memref_slice %arg4[%squeeze3A_86, %dma_start3A_95] : memref<100000x64xf32, #tpu.memory_space<hbm>> -> memref<1x64xf32, #tpu.memory_space<hbm>>
      tpu.enqueue_dma source(%dma_start3A_96 : memref<1x64xf32, #tpu.memory_space<hbm>>) target(%dma_start3A_94 : memref<1x64xf32, #tpu.memory_space<vmem>>) target_semaphore(%arg12 : memref<!tpu.dma_semaphore, #tpu.memory_space<semaphore_mem>>)
      %slice3A_97 = vector.extract_strided_slice %get3A_63 {offsets = [1], sizes = [1], strides = [1]} : vector<16xi32> to vector<1xi32>
      %squeeze3A_98 = vector.extract %slice3A_97[0] : i32 from vector<1xi32>
      %add3A_99 = arith.constant 1 : i32
      %add3A_100 = arith.addi %mul3A_56, %add3A_99 : i32
      %dma_start3A_101 = arith.constant 0 : i32
      %dma_start3A_102 = tpu.memref_slice %arg10[%add3A_100, %dma_start3A_101] : memref<256x64xf32, #tpu.memory_space<vmem>> -> memref<1x64xf32, #tpu.memory_space<vmem>>
      %dma_start3A_103 = arith.constant 0 : i32
      %dma_start3A_104 = tpu.memref_slice %arg5[%squeeze3A_98, %dma_start3A_103] : memref<100000x64xf32, #tpu.memory_space<hbm>> -> memref<1x64xf32, #tpu.memory_space<hbm>>
      %dma_start3A_105 = arith.constant 0 : i32
      %dma_start3A_106 = tpu.memref_slice %arg10[%add3A_100, %dma_start3A_105] : memref<256x64xf32, #tpu.memory_space<vmem>> -> memref<1x64xf32, #tpu.memory_space<vmem>>
      %dma_start3A_107 = arith.constant 0 : i32
      %dma_start3A_108 = tpu.memref_slice %arg5[%squeeze3A_98, %dma_start3A_107] : memref<100000x64xf32, #tpu.memory_space<hbm>> -> memref<1x64xf32, #tpu.memory_space<hbm>>
      tpu.enqueue_dma source(%dma_start3A_108 : memref<1x64xf32, #tpu.memory_space<hbm>>) target(%dma_start3A_106 : memref<1x64xf32, #tpu.memory_space<vmem>>) target_semaphore(%arg12 : memref<!tpu.dma_semaphore, #tpu.memory_space<semaphore_mem>>)
      %slice3A_109 = vector.extract_strided_slice %get3A_59 {offsets = [2], sizes = [1], strides = [1]} : vector<16xi32> to vector<1xi32>
      %squeeze3A_110 = vector.extract %slice3A_109[0] : i32 from vector<1xi32>
      %add3A_111 = arith.constant 2 : i32
      %add3A_112 = arith.addi %mul3A_56, %add3A_111 : i32
      %dma_start3A_113 = arith.constant 0 : i32
      %dma_start3A_114 = tpu.memref_slice %arg9[%add3A_112, %dma_start3A_113] : memref<256x64xf32, #tpu.memory_space<vmem>> -> memref<1x64xf32, #tpu.memory_space<vmem>>
      %dma_start3A_115 = arith.constant 0 : i32
      %dma_start3A_116 = tpu.memref_slice %arg4[%squeeze3A_110, %dma_start3A_115] : memref<100000x64xf32, #tpu.memory_space<hbm>> -> memref<1x64xf32, #tpu.memory_space<hbm>>
      %dma_start3A_117 = arith.constant 0 : i32
      %dma_start3A_118 = tpu.memref_slice %arg9[%add3A_112, %dma_start3A_117] : memref<256x64xf32, #tpu.memory_space<vmem>> -> memref<1x64xf32, #tpu.memory_space<vmem>>
      %dma_start3A_119 = arith.constant 0 : i32
      %dma_start3A_120 = tpu.memref_slice %arg4[%squeeze3A_110, %dma_start3A_119] : memref<100000x64xf32, #tpu.memory_space<hbm>> -> memref<1x64xf32, #tpu.memory_space<hbm>>
      tpu.enqueue_dma source(%dma_start3A_120 : memref<1x64xf32, #tpu.memory_space<hbm>>) target(%dma_start3A_118 : memref<1x64xf32, #tpu.memory_space<vmem>>) target_semaphore(%arg12 : memref<!tpu.dma_semaphore, #tpu.memory_space<semaphore_mem>>)
      %slice3A_121 = vector.extract_strided_slice %get3A_63 {offsets = [2], sizes = [1], strides = [1]} : vector<16xi32> to vector<1xi32>
      %squeeze3A_122 = vector.extract %slice3A_121[0] : i32 from vector<1xi32>
      %add3A_123 = arith.constant 2 : i32
      %add3A_124 = arith.addi %mul3A_56, %add3A_123 : i32
      %dma_start3A_125 = arith.constant 0 : i32
      %dma_start3A_126 = tpu.memref_slice %arg10[%add3A_124, %dma_start3A_125] : memref<256x64xf32, #tpu.memory_space<vmem>> -> memref<1x64xf32, #tpu.memory_space<vmem>>
      %dma_start3A_127 = arith.constant 0 : i32
      %dma_start3A_128 = tpu.memref_slice %arg5[%squeeze3A_122, %dma_start3A_127] : memref<100000x64xf32, #tpu.memory_space<hbm>> -> memref<1x64xf32, #tpu.memory_space<hbm>>
      %dma_start3A_129 = arith.constant 0 : i32
      %dma_start3A_130 = tpu.memref_slice %arg10[%add3A_124, %dma_start3A_129] : memref<256x64xf32, #tpu.memory_space<vmem>> -> memref<1x64xf32, #tpu.memory_space<vmem>>
      %dma_start3A_131 = arith.constant 0 : i32
      %dma_start3A_132 = tpu.memref_slice %arg5[%squeeze3A_122, %dma_start3A_131] : memref<100000x64xf32, #tpu.memory_space<hbm>> -> memref<1x64xf32, #tpu.memory_space<hbm>>
      tpu.enqueue_dma source(%dma_start3A_132 : memref<1x64xf32, #tpu.memory_space<hbm>>) target(%dma_start3A_130 : memref<1x64xf32, #tpu.memory_space<vmem>>) target_semaphore(%arg12 : memref<!tpu.dma_semaphore, #tpu.memory_space<semaphore_mem>>)
      %slice3A_133 = vector.extract_strided_slice %get3A_59 {offsets = [3], sizes = [1], strides = [1]} : vector<16xi32> to vector<1xi32>
      %squeeze3A_134 = vector.extract %slice3A_133[0] : i32 from vector<1xi32>
      %add3A_135 = arith.constant 3 : i32
      %add3A_136 = arith.addi %mul3A_56, %add3A_135 : i32
      %dma_start3A_137 = arith.constant 0 : i32
      %dma_start3A_138 = tpu.memref_slice %arg9[%add3A_136, %dma_start3A_137] : memref<256x64xf32, #tpu.memory_space<vmem>> -> memref<1x64xf32, #tpu.memory_space<vmem>>
      %dma_start3A_139 = arith.constant 0 : i32
      %dma_start3A_140 = tpu.memref_slice %arg4[%squeeze3A_134, %dma_start3A_139] : memref<100000x64xf32, #tpu.memory_space<hbm>> -> memref<1x64xf32, #tpu.memory_space<hbm>>
      %dma_start3A_141 = arith.constant 0 : i32
      %dma_start3A_142 = tpu.memref_slice %arg9[%add3A_136, %dma_start3A_141] : memref<256x64xf32, #tpu.memory_space<vmem>> -> memref<1x64xf32, #tpu.memory_space<vmem>>
      %dma_start3A_143 = arith.constant 0 : i32
      %dma_start3A_144 = tpu.memref_slice %arg4[%squeeze3A_134, %dma_start3A_143] : memref<100000x64xf32, #tpu.memory_space<hbm>> -> memref<1x64xf32, #tpu.memory_space<hbm>>
      tpu.enqueue_dma source(%dma_start3A_144 : memref<1x64xf32, #tpu.memory_space<hbm>>) target(%dma_start3A_142 : memref<1x64xf32, #tpu.memory_space<vmem>>) target_semaphore(%arg12 : memref<!tpu.dma_semaphore, #tpu.memory_space<semaphore_mem>>)
      %slice3A_145 = vector.extract_strided_slice %get3A_63 {offsets = [3], sizes = [1], strides = [1]} : vector<16xi32> to vector<1xi32>
      %squeeze3A_146 = vector.extract %slice3A_145[0] : i32 from vector<1xi32>
      %add3A_147 = arith.constant 3 : i32
      %add3A_148 = arith.addi %mul3A_56, %add3A_147 : i32
      %dma_start3A_149 = arith.constant 0 : i32
      %dma_start3A_150 = tpu.memref_slice %arg10[%add3A_148, %dma_start3A_149] : memref<256x64xf32, #tpu.memory_space<vmem>> -> memref<1x64xf32, #tpu.memory_space<vmem>>
      %dma_start3A_151 = arith.constant 0 : i32
      %dma_start3A_152 = tpu.memref_slice %arg5[%squeeze3A_146, %dma_start3A_151] : memref<100000x64xf32, #tpu.memory_space<hbm>> -> memref<1x64xf32, #tpu.memory_space<hbm>>
      %dma_start3A_153 = arith.constant 0 : i32
      %dma_start3A_154 = tpu.memref_slice %arg10[%add3A_148, %dma_start3A_153] : memref<256x64xf32, #tpu.memory_space<vmem>> -> memref<1x64xf32, #tpu.memory_space<vmem>>
      %dma_start3A_155 = arith.constant 0 : i32
      %dma_start3A_156 = tpu.memref_slice %arg5[%squeeze3A_146, %dma_start3A_155] : memref<100000x64xf32, #tpu.memory_space<hbm>> -> memref<1x64xf32, #tpu.memory_space<hbm>>
      tpu.enqueue_dma source(%dma_start3A_156 : memref<1x64xf32, #tpu.memory_space<hbm>>) target(%dma_start3A_154 : memref<1x64xf32, #tpu.memory_space<vmem>>) target_semaphore(%arg12 : memref<!tpu.dma_semaphore, #tpu.memory_space<semaphore_mem>>)
      %slice3A_157 = vector.extract_strided_slice %get3A_59 {offsets = [4], sizes = [1], strides = [1]} : vector<16xi32> to vector<1xi32>
      %squeeze3A_158 = vector.extract %slice3A_157[0] : i32 from vector<1xi32>
      %add3A_159 = arith.constant 4 : i32
      %add3A_160 = arith.addi %mul3A_56, %add3A_159 : i32
      %dma_start3A_161 = arith.constant 0 : i32
      %dma_start3A_162 = tpu.memref_slice %arg9[%add3A_160, %dma_start3A_161] : memref<256x64xf32, #tpu.memory_space<vmem>> -> memref<1x64xf32, #tpu.memory_space<vmem>>
      %dma_start3A_163 = arith.constant 0 : i32
      %dma_start3A_164 = tpu.memref_slice %arg4[%squeeze3A_158, %dma_start3A_163] : memref<100000x64xf32, #tpu.memory_space<hbm>> -> memref<1x64xf32, #tpu.memory_space<hbm>>
      %dma_start3A_165 = arith.constant 0 : i32
      %dma_start3A_166 = tpu.memref_slice %arg9[%add3A_160, %dma_start3A_165] : memref<256x64xf32, #tpu.memory_space<vmem>> -> memref<1x64xf32, #tpu.memory_space<vmem>>
      %dma_start3A_167 = arith.constant 0 : i32
      %dma_start3A_168 = tpu.memref_slice %arg4[%squeeze3A_158, %dma_start3A_167] : memref<100000x64xf32, #tpu.memory_space<hbm>> -> memref<1x64xf32, #tpu.memory_space<hbm>>
      tpu.enqueue_dma source(%dma_start3A_168 : memref<1x64xf32, #tpu.memory_space<hbm>>) target(%dma_start3A_166 : memref<1x64xf32, #tpu.memory_space<vmem>>) target_semaphore(%arg12 : memref<!tpu.dma_semaphore, #tpu.memory_space<semaphore_mem>>)
      %slice3A_169 = vector.extract_strided_slice %get3A_63 {offsets = [4], sizes = [1], strides = [1]} : vector<16xi32> to vector<1xi32>
      %squeeze3A_170 = vector.extract %slice3A_169[0] : i32 from vector<1xi32>
      %add3A_171 = arith.constant 4 : i32
      %add3A_172 = arith.addi %mul3A_56, %add3A_171 : i32
      %dma_start3A_173 = arith.constant 0 : i32
      %dma_start3A_174 = tpu.memref_slice %arg10[%add3A_172, %dma_start3A_173] : memref<256x64xf32, #tpu.memory_space<vmem>> -> memref<1x64xf32, #tpu.memory_space<vmem>>
      %dma_start3A_175 = arith.constant 0 : i32
      %dma_start3A_176 = tpu.memref_slice %arg5[%squeeze3A_170, %dma_start3A_175] : memref<100000x64xf32, #tpu.memory_space<hbm>> -> memref<1x64xf32, #tpu.memory_space<hbm>>
      %dma_start3A_177 = arith.constant 0 : i32
      %dma_start3A_178 = tpu.memref_slice %arg10[%add3A_172, %dma_start3A_177] : memref<256x64xf32, #tpu.memory_space<vmem>> -> memref<1x64xf32, #tpu.memory_space<vmem>>
      %dma_start3A_179 = arith.constant 0 : i32
      %dma_start3A_180 = tpu.memref_slice %arg5[%squeeze3A_170, %dma_start3A_179] : memref<100000x64xf32, #tpu.memory_space<hbm>> -> memref<1x64xf32, #tpu.memory_space<hbm>>
      tpu.enqueue_dma source(%dma_start3A_180 : memref<1x64xf32, #tpu.memory_space<hbm>>) target(%dma_start3A_178 : memref<1x64xf32, #tpu.memory_space<vmem>>) target_semaphore(%arg12 : memref<!tpu.dma_semaphore, #tpu.memory_space<semaphore_mem>>)
      %slice3A_181 = vector.extract_strided_slice %get3A_59 {offsets = [5], sizes = [1], strides = [1]} : vector<16xi32> to vector<1xi32>
      %squeeze3A_182 = vector.extract %slice3A_181[0] : i32 from vector<1xi32>
      %add3A_183 = arith.constant 5 : i32
      %add3A_184 = arith.addi %mul3A_56, %add3A_183 : i32
      %dma_start3A_185 = arith.constant 0 : i32
      %dma_start3A_186 = tpu.memref_slice %arg9[%add3A_184, %dma_start3A_185] : memref<256x64xf32, #tpu.memory_space<vmem>> -> memref<1x64xf32, #tpu.memory_space<vmem>>
      %dma_start3A_187 = arith.constant 0 : i32
      %dma_start3A_188 = tpu.memref_slice %arg4[%squeeze3A_182, %dma_start3A_187] : memref<100000x64xf32, #tpu.memory_space<hbm>> -> memref<1x64xf32, #tpu.memory_space<hbm>>
      %dma_start3A_189 = arith.constant 0 : i32
      %dma_start3A_190 = tpu.memref_slice %arg9[%add3A_184, %dma_start3A_189] : memref<256x64xf32, #tpu.memory_space<vmem>> -> memref<1x64xf32, #tpu.memory_space<vmem>>
      %dma_start3A_191 = arith.constant 0 : i32
      %dma_start3A_192 = tpu.memref_slice %arg4[%squeeze3A_182, %dma_start3A_191] : memref<100000x64xf32, #tpu.memory_space<hbm>> -> memref<1x64xf32, #tpu.memory_space<hbm>>
      tpu.enqueue_dma source(%dma_start3A_192 : memref<1x64xf32, #tpu.memory_space<hbm>>) target(%dma_start3A_190 : memref<1x64xf32, #tpu.memory_space<vmem>>) target_semaphore(%arg12 : memref<!tpu.dma_semaphore, #tpu.memory_space<semaphore_mem>>)
      %slice3A_193 = vector.extract_strided_slice %get3A_63 {offsets = [5], sizes = [1], strides = [1]} : vector<16xi32> to vector<1xi32>
      %squeeze3A_194 = vector.extract %slice3A_193[0] : i32 from vector<1xi32>
      %add3A_195 = arith.constant 5 : i32
      %add3A_196 = arith.addi %mul3A_56, %add3A_195 : i32
      %dma_start3A_197 = arith.constant 0 : i32
      %dma_start3A_198 = tpu.memref_slice %arg10[%add3A_196, %dma_start3A_197] : memref<256x64xf32, #tpu.memory_space<vmem>> -> memref<1x64xf32, #tpu.memory_space<vmem>>
      %dma_start3A_199 = arith.constant 0 : i32
      %dma_start3A_200 = tpu.memref_slice %arg5[%squeeze3A_194, %dma_start3A_199] : memref<100000x64xf32, #tpu.memory_space<hbm>> -> memref<1x64xf32, #tpu.memory_space<hbm>>
      %dma_start3A_201 = arith.constant 0 : i32
      %dma_start3A_202 = tpu.memref_slice %arg10[%add3A_196, %dma_start3A_201] : memref<256x64xf32, #tpu.memory_space<vmem>> -> memref<1x64xf32, #tpu.memory_space<vmem>>
      %dma_start3A_203 = arith.constant 0 : i32
      %dma_start3A_204 = tpu.memref_slice %arg5[%squeeze3A_194, %dma_start3A_203] : memref<100000x64xf32, #tpu.memory_space<hbm>> -> memref<1x64xf32, #tpu.memory_space<hbm>>
      tpu.enqueue_dma source(%dma_start3A_204 : memref<1x64xf32, #tpu.memory_space<hbm>>) target(%dma_start3A_202 : memref<1x64xf32, #tpu.memory_space<vmem>>) target_semaphore(%arg12 : memref<!tpu.dma_semaphore, #tpu.memory_space<semaphore_mem>>)
      %slice3A_205 = vector.extract_strided_slice %get3A_59 {offsets = [6], sizes = [1], strides = [1]} : vector<16xi32> to vector<1xi32>
      %squeeze3A_206 = vector.extract %slice3A_205[0] : i32 from vector<1xi32>
      %add3A_207 = arith.constant 6 : i32
      %add3A_208 = arith.addi %mul3A_56, %add3A_207 : i32
      %dma_start3A_209 = arith.constant 0 : i32
      %dma_start3A_210 = tpu.memref_slice %arg9[%add3A_208, %dma_start3A_209] : memref<256x64xf32, #tpu.memory_space<vmem>> -> memref<1x64xf32, #tpu.memory_space<vmem>>
      %dma_start3A_211 = arith.constant 0 : i32
      %dma_start3A_212 = tpu.memref_slice %arg4[%squeeze3A_206, %dma_start3A_211] : memref<100000x64xf32, #tpu.memory_space<hbm>> -> memref<1x64xf32, #tpu.memory_space<hbm>>
      %dma_start3A_213 = arith.constant 0 : i32
      %dma_start3A_214 = tpu.memref_slice %arg9[%add3A_208, %dma_start3A_213] : memref<256x64xf32, #tpu.memory_space<vmem>> -> memref<1x64xf32, #tpu.memory_space<vmem>>
      %dma_start3A_215 = arith.constant 0 : i32
      %dma_start3A_216 = tpu.memref_slice %arg4[%squeeze3A_206, %dma_start3A_215] : memref<100000x64xf32, #tpu.memory_space<hbm>> -> memref<1x64xf32, #tpu.memory_space<hbm>>
      tpu.enqueue_dma source(%dma_start3A_216 : memref<1x64xf32, #tpu.memory_space<hbm>>) target(%dma_start3A_214 : memref<1x64xf32, #tpu.memory_space<vmem>>) target_semaphore(%arg12 : memref<!tpu.dma_semaphore, #tpu.memory_space<semaphore_mem>>)
      %slice3A_217 = vector.extract_strided_slice %get3A_63 {offsets = [6], sizes = [1], strides = [1]} : vector<16xi32> to vector<1xi32>
      %squeeze3A_218 = vector.extract %slice3A_217[0] : i32 from vector<1xi32>
      %add3A_219 = arith.constant 6 : i32
      %add3A_220 = arith.addi %mul3A_56, %add3A_219 : i32
      %dma_start3A_221 = arith.constant 0 : i32
      %dma_start3A_222 = tpu.memref_slice %arg10[%add3A_220, %dma_start3A_221] : memref<256x64xf32, #tpu.memory_space<vmem>> -> memref<1x64xf32, #tpu.memory_space<vmem>>
      %dma_start3A_223 = arith.constant 0 : i32
      %dma_start3A_224 = tpu.memref_slice %arg5[%squeeze3A_218, %dma_start3A_223] : memref<100000x64xf32, #tpu.memory_space<hbm>> -> memref<1x64xf32, #tpu.memory_space<hbm>>
      %dma_start3A_225 = arith.constant 0 : i32
      %dma_start3A_226 = tpu.memref_slice %arg10[%add3A_220, %dma_start3A_225] : memref<256x64xf32, #tpu.memory_space<vmem>> -> memref<1x64xf32, #tpu.memory_space<vmem>>
      %dma_start3A_227 = arith.constant 0 : i32
      %dma_start3A_228 = tpu.memref_slice %arg5[%squeeze3A_218, %dma_start3A_227] : memref<100000x64xf32, #tpu.memory_space<hbm>> -> memref<1x64xf32, #tpu.memory_space<hbm>>
      tpu.enqueue_dma source(%dma_start3A_228 : memref<1x64xf32, #tpu.memory_space<hbm>>) target(%dma_start3A_226 : memref<1x64xf32, #tpu.memory_space<vmem>>) target_semaphore(%arg12 : memref<!tpu.dma_semaphore, #tpu.memory_space<semaphore_mem>>)
      %slice3A_229 = vector.extract_strided_slice %get3A_59 {offsets = [7], sizes = [1], strides = [1]} : vector<16xi32> to vector<1xi32>
      %squeeze3A_230 = vector.extract %slice3A_229[0] : i32 from vector<1xi32>
      %add3A_231 = arith.constant 7 : i32
      %add3A_232 = arith.addi %mul3A_56, %add3A_231 : i32
      %dma_start3A_233 = arith.constant 0 : i32
      %dma_start3A_234 = tpu.memref_slice %arg9[%add3A_232, %dma_start3A_233] : memref<256x64xf32, #tpu.memory_space<vmem>> -> memref<1x64xf32, #tpu.memory_space<vmem>>
      %dma_start3A_235 = arith.constant 0 : i32
      %dma_start3A_236 = tpu.memref_slice %arg4[%squeeze3A_230, %dma_start3A_235] : memref<100000x64xf32, #tpu.memory_space<hbm>> -> memref<1x64xf32, #tpu.memory_space<hbm>>
      %dma_start3A_237 = arith.constant 0 : i32
      %dma_start3A_238 = tpu.memref_slice %arg9[%add3A_232, %dma_start3A_237] : memref<256x64xf32, #tpu.memory_space<vmem>> -> memref<1x64xf32, #tpu.memory_space<vmem>>
      %dma_start3A_239 = arith.constant 0 : i32
      %dma_start3A_240 = tpu.memref_slice %arg4[%squeeze3A_230, %dma_start3A_239] : memref<100000x64xf32, #tpu.memory_space<hbm>> -> memref<1x64xf32, #tpu.memory_space<hbm>>
      tpu.enqueue_dma source(%dma_start3A_240 : memref<1x64xf32, #tpu.memory_space<hbm>>) target(%dma_start3A_238 : memref<1x64xf32, #tpu.memory_space<vmem>>) target_semaphore(%arg12 : memref<!tpu.dma_semaphore, #tpu.memory_space<semaphore_mem>>)
      %slice3A_241 = vector.extract_strided_slice %get3A_63 {offsets = [7], sizes = [1], strides = [1]} : vector<16xi32> to vector<1xi32>
      %squeeze3A_242 = vector.extract %slice3A_241[0] : i32 from vector<1xi32>
      %add3A_243 = arith.constant 7 : i32
      %add3A_244 = arith.addi %mul3A_56, %add3A_243 : i32
      %dma_start3A_245 = arith.constant 0 : i32
      %dma_start3A_246 = tpu.memref_slice %arg10[%add3A_244, %dma_start3A_245] : memref<256x64xf32, #tpu.memory_space<vmem>> -> memref<1x64xf32, #tpu.memory_space<vmem>>
      %dma_start3A_247 = arith.constant 0 : i32
      %dma_start3A_248 = tpu.memref_slice %arg5[%squeeze3A_242, %dma_start3A_247] : memref<100000x64xf32, #tpu.memory_space<hbm>> -> memref<1x64xf32, #tpu.memory_space<hbm>>
      %dma_start3A_249 = arith.constant 0 : i32
      %dma_start3A_250 = tpu.memref_slice %arg10[%add3A_244, %dma_start3A_249] : memref<256x64xf32, #tpu.memory_space<vmem>> -> memref<1x64xf32, #tpu.memory_space<vmem>>
      %dma_start3A_251 = arith.constant 0 : i32
      %dma_start3A_252 = tpu.memref_slice %arg5[%squeeze3A_242, %dma_start3A_251] : memref<100000x64xf32, #tpu.memory_space<hbm>> -> memref<1x64xf32, #tpu.memory_space<hbm>>
      tpu.enqueue_dma source(%dma_start3A_252 : memref<1x64xf32, #tpu.memory_space<hbm>>) target(%dma_start3A_250 : memref<1x64xf32, #tpu.memory_space<vmem>>) target_semaphore(%arg12 : memref<!tpu.dma_semaphore, #tpu.memory_space<semaphore_mem>>)
      %slice3A_253 = vector.extract_strided_slice %get3A_59 {offsets = [8], sizes = [1], strides = [1]} : vector<16xi32> to vector<1xi32>
      %squeeze3A_254 = vector.extract %slice3A_253[0] : i32 from vector<1xi32>
      %add3A_255 = arith.constant 8 : i32
      %add3A_256 = arith.addi %mul3A_56, %add3A_255 : i32
      %dma_start3A_257 = arith.constant 0 : i32
      %dma_start3A_258 = tpu.memref_slice %arg9[%add3A_256, %dma_start3A_257] : memref<256x64xf32, #tpu.memory_space<vmem>> -> memref<1x64xf32, #tpu.memory_space<vmem>>
      %dma_start3A_259 = arith.constant 0 : i32
      %dma_start3A_260 = tpu.memref_slice %arg4[%squeeze3A_254, %dma_start3A_259] : memref<100000x64xf32, #tpu.memory_space<hbm>> -> memref<1x64xf32, #tpu.memory_space<hbm>>
      %dma_start3A_261 = arith.constant 0 : i32
      %dma_start3A_262 = tpu.memref_slice %arg9[%add3A_256, %dma_start3A_261] : memref<256x64xf32, #tpu.memory_space<vmem>> -> memref<1x64xf32, #tpu.memory_space<vmem>>
      %dma_start3A_263 = arith.constant 0 : i32
      %dma_start3A_264 = tpu.memref_slice %arg4[%squeeze3A_254, %dma_start3A_263] : memref<100000x64xf32, #tpu.memory_space<hbm>> -> memref<1x64xf32, #tpu.memory_space<hbm>>
      tpu.enqueue_dma source(%dma_start3A_264 : memref<1x64xf32, #tpu.memory_space<hbm>>) target(%dma_start3A_262 : memref<1x64xf32, #tpu.memory_space<vmem>>) target_semaphore(%arg12 : memref<!tpu.dma_semaphore, #tpu.memory_space<semaphore_mem>>)
      %slice3A_265 = vector.extract_strided_slice %get3A_63 {offsets = [8], sizes = [1], strides = [1]} : vector<16xi32> to vector<1xi32>
      %squeeze3A_266 = vector.extract %slice3A_265[0] : i32 from vector<1xi32>
      %add3A_267 = arith.constant 8 : i32
      %add3A_268 = arith.addi %mul3A_56, %add3A_267 : i32
      %dma_start3A_269 = arith.constant 0 : i32
      %dma_start3A_270 = tpu.memref_slice %arg10[%add3A_268, %dma_start3A_269] : memref<256x64xf32, #tpu.memory_space<vmem>> -> memref<1x64xf32, #tpu.memory_space<vmem>>
      %dma_start3A_271 = arith.constant 0 : i32
      %dma_start3A_272 = tpu.memref_slice %arg5[%squeeze3A_266, %dma_start3A_271] : memref<100000x64xf32, #tpu.memory_space<hbm>> -> memref<1x64xf32, #tpu.memory_space<hbm>>
      %dma_start3A_273 = arith.constant 0 : i32
      %dma_start3A_274 = tpu.memref_slice %arg10[%add3A_268, %dma_start3A_273] : memref<256x64xf32, #tpu.memory_space<vmem>> -> memref<1x64xf32, #tpu.memory_space<vmem>>
      %dma_start3A_275 = arith.constant 0 : i32
      %dma_start3A_276 = tpu.memref_slice %arg5[%squeeze3A_266, %dma_start3A_275] : memref<100000x64xf32, #tpu.memory_space<hbm>> -> memref<1x64xf32, #tpu.memory_space<hbm>>
      tpu.enqueue_dma source(%dma_start3A_276 : memref<1x64xf32, #tpu.memory_space<hbm>>) target(%dma_start3A_274 : memref<1x64xf32, #tpu.memory_space<vmem>>) target_semaphore(%arg12 : memref<!tpu.dma_semaphore, #tpu.memory_space<semaphore_mem>>)
      %slice3A_277 = vector.extract_strided_slice %get3A_59 {offsets = [9], sizes = [1], strides = [1]} : vector<16xi32> to vector<1xi32>
      %squeeze3A_278 = vector.extract %slice3A_277[0] : i32 from vector<1xi32>
      %add3A_279 = arith.constant 9 : i32
      %add3A_280 = arith.addi %mul3A_56, %add3A_279 : i32
      %dma_start3A_281 = arith.constant 0 : i32
      %dma_start3A_282 = tpu.memref_slice %arg9[%add3A_280, %dma_start3A_281] : memref<256x64xf32, #tpu.memory_space<vmem>> -> memref<1x64xf32, #tpu.memory_space<vmem>>
      %dma_start3A_283 = arith.constant 0 : i32
      %dma_start3A_284 = tpu.memref_slice %arg4[%squeeze3A_278, %dma_start3A_283] : memref<100000x64xf32, #tpu.memory_space<hbm>> -> memref<1x64xf32, #tpu.memory_space<hbm>>
      %dma_start3A_285 = arith.constant 0 : i32
      %dma_start3A_286 = tpu.memref_slice %arg9[%add3A_280, %dma_start3A_285] : memref<256x64xf32, #tpu.memory_space<vmem>> -> memref<1x64xf32, #tpu.memory_space<vmem>>
      %dma_start3A_287 = arith.constant 0 : i32
      %dma_start3A_288 = tpu.memref_slice %arg4[%squeeze3A_278, %dma_start3A_287] : memref<100000x64xf32, #tpu.memory_space<hbm>> -> memref<1x64xf32, #tpu.memory_space<hbm>>
      tpu.enqueue_dma source(%dma_start3A_288 : memref<1x64xf32, #tpu.memory_space<hbm>>) target(%dma_start3A_286 : memref<1x64xf32, #tpu.memory_space<vmem>>) target_semaphore(%arg12 : memref<!tpu.dma_semaphore, #tpu.memory_space<semaphore_mem>>)
      %slice3A_289 = vector.extract_strided_slice %get3A_63 {offsets = [9], sizes = [1], strides = [1]} : vector<16xi32> to vector<1xi32>
      %squeeze3A_290 = vector.extract %slice3A_289[0] : i32 from vector<1xi32>
      %add3A_291 = arith.constant 9 : i32
      %add3A_292 = arith.addi %mul3A_56, %add3A_291 : i32
      %dma_start3A_293 = arith.constant 0 : i32
      %dma_start3A_294 = tpu.memref_slice %arg10[%add3A_292, %dma_start3A_293] : memref<256x64xf32, #tpu.memory_space<vmem>> -> memref<1x64xf32, #tpu.memory_space<vmem>>
      %dma_start3A_295 = arith.constant 0 : i32
      %dma_start3A_296 = tpu.memref_slice %arg5[%squeeze3A_290, %dma_start3A_295] : memref<100000x64xf32, #tpu.memory_space<hbm>> -> memref<1x64xf32, #tpu.memory_space<hbm>>
      %dma_start3A_297 = arith.constant 0 : i32
      %dma_start3A_298 = tpu.memref_slice %arg10[%add3A_292, %dma_start3A_297] : memref<256x64xf32, #tpu.memory_space<vmem>> -> memref<1x64xf32, #tpu.memory_space<vmem>>
      %dma_start3A_299 = arith.constant 0 : i32
      %dma_start3A_300 = tpu.memref_slice %arg5[%squeeze3A_290, %dma_start3A_299] : memref<100000x64xf32, #tpu.memory_space<hbm>> -> memref<1x64xf32, #tpu.memory_space<hbm>>
      tpu.enqueue_dma source(%dma_start3A_300 : memref<1x64xf32, #tpu.memory_space<hbm>>) target(%dma_start3A_298 : memref<1x64xf32, #tpu.memory_space<vmem>>) target_semaphore(%arg12 : memref<!tpu.dma_semaphore, #tpu.memory_space<semaphore_mem>>)
      %slice3A_301 = vector.extract_strided_slice %get3A_59 {offsets = [10], sizes = [1], strides = [1]} : vector<16xi32> to vector<1xi32>
      %squeeze3A_302 = vector.extract %slice3A_301[0] : i32 from vector<1xi32>
      %add3A_303 = arith.constant 10 : i32
      %add3A_304 = arith.addi %mul3A_56, %add3A_303 : i32
      %dma_start3A_305 = arith.constant 0 : i32
      %dma_start3A_306 = tpu.memref_slice %arg9[%add3A_304, %dma_start3A_305] : memref<256x64xf32, #tpu.memory_space<vmem>> -> memref<1x64xf32, #tpu.memory_space<vmem>>
      %dma_start3A_307 = arith.constant 0 : i32
      %dma_start3A_308 = tpu.memref_slice %arg4[%squeeze3A_302, %dma_start3A_307] : memref<100000x64xf32, #tpu.memory_space<hbm>> -> memref<1x64xf32, #tpu.memory_space<hbm>>
      %dma_start3A_309 = arith.constant 0 : i32
      %dma_start3A_310 = tpu.memref_slice %arg9[%add3A_304, %dma_start3A_309] : memref<256x64xf32, #tpu.memory_space<vmem>> -> memref<1x64xf32, #tpu.memory_space<vmem>>
      %dma_start3A_311 = arith.constant 0 : i32
      %dma_start3A_312 = tpu.memref_slice %arg4[%squeeze3A_302, %dma_start3A_311] : memref<100000x64xf32, #tpu.memory_space<hbm>> -> memref<1x64xf32, #tpu.memory_space<hbm>>
      tpu.enqueue_dma source(%dma_start3A_312 : memref<1x64xf32, #tpu.memory_space<hbm>>) target(%dma_start3A_310 : memref<1x64xf32, #tpu.memory_space<vmem>>) target_semaphore(%arg12 : memref<!tpu.dma_semaphore, #tpu.memory_space<semaphore_mem>>)
      %slice3A_313 = vector.extract_strided_slice %get3A_63 {offsets = [10], sizes = [1], strides = [1]} : vector<16xi32> to vector<1xi32>
      %squeeze3A_314 = vector.extract %slice3A_313[0] : i32 from vector<1xi32>
      %add3A_315 = arith.constant 10 : i32
      %add3A_316 = arith.addi %mul3A_56, %add3A_315 : i32
      %dma_start3A_317 = arith.constant 0 : i32
      %dma_start3A_318 = tpu.memref_slice %arg10[%add3A_316, %dma_start3A_317] : memref<256x64xf32, #tpu.memory_space<vmem>> -> memref<1x64xf32, #tpu.memory_space<vmem>>
      %dma_start3A_319 = arith.constant 0 : i32
      %dma_start3A_320 = tpu.memref_slice %arg5[%squeeze3A_314, %dma_start3A_319] : memref<100000x64xf32, #tpu.memory_space<hbm>> -> memref<1x64xf32, #tpu.memory_space<hbm>>
      %dma_start3A_321 = arith.constant 0 : i32
      %dma_start3A_322 = tpu.memref_slice %arg10[%add3A_316, %dma_start3A_321] : memref<256x64xf32, #tpu.memory_space<vmem>> -> memref<1x64xf32, #tpu.memory_space<vmem>>
      %dma_start3A_323 = arith.constant 0 : i32
      %dma_start3A_324 = tpu.memref_slice %arg5[%squeeze3A_314, %dma_start3A_323] : memref<100000x64xf32, #tpu.memory_space<hbm>> -> memref<1x64xf32, #tpu.memory_space<hbm>>
      tpu.enqueue_dma source(%dma_start3A_324 : memref<1x64xf32, #tpu.memory_space<hbm>>) target(%dma_start3A_322 : memref<1x64xf32, #tpu.memory_space<vmem>>) target_semaphore(%arg12 : memref<!tpu.dma_semaphore, #tpu.memory_space<semaphore_mem>>)
      %slice3A_325 = vector.extract_strided_slice %get3A_59 {offsets = [11], sizes = [1], strides = [1]} : vector<16xi32> to vector<1xi32>
      %squeeze3A_326 = vector.extract %slice3A_325[0] : i32 from vector<1xi32>
      %add3A_327 = arith.constant 11 : i32
      %add3A_328 = arith.addi %mul3A_56, %add3A_327 : i32
      %dma_start3A_329 = arith.constant 0 : i32
      %dma_start3A_330 = tpu.memref_slice %arg9[%add3A_328, %dma_start3A_329] : memref<256x64xf32, #tpu.memory_space<vmem>> -> memref<1x64xf32, #tpu.memory_space<vmem>>
      %dma_start3A_331 = arith.constant 0 : i32
      %dma_start3A_332 = tpu.memref_slice %arg4[%squeeze3A_326, %dma_start3A_331] : memref<100000x64xf32, #tpu.memory_space<hbm>> -> memref<1x64xf32, #tpu.memory_space<hbm>>
      %dma_start3A_333 = arith.constant 0 : i32
      %dma_start3A_334 = tpu.memref_slice %arg9[%add3A_328, %dma_start3A_333] : memref<256x64xf32, #tpu.memory_space<vmem>> -> memref<1x64xf32, #tpu.memory_space<vmem>>
      %dma_start3A_335 = arith.constant 0 : i32
      %dma_start3A_336 = tpu.memref_slice %arg4[%squeeze3A_326, %dma_start3A_335] : memref<100000x64xf32, #tpu.memory_space<hbm>> -> memref<1x64xf32, #tpu.memory_space<hbm>>
      tpu.enqueue_dma source(%dma_start3A_336 : memref<1x64xf32, #tpu.memory_space<hbm>>) target(%dma_start3A_334 : memref<1x64xf32, #tpu.memory_space<vmem>>) target_semaphore(%arg12 : memref<!tpu.dma_semaphore, #tpu.memory_space<semaphore_mem>>)
      %slice3A_337 = vector.extract_strided_slice %get3A_63 {offsets = [11], sizes = [1], strides = [1]} : vector<16xi32> to vector<1xi32>
      %squeeze3A_338 = vector.extract %slice3A_337[0] : i32 from vector<1xi32>
      %add3A_339 = arith.constant 11 : i32
      %add3A_340 = arith.addi %mul3A_56, %add3A_339 : i32
      %dma_start3A_341 = arith.constant 0 : i32
      %dma_start3A_342 = tpu.memref_slice %arg10[%add3A_340, %dma_start3A_341] : memref<256x64xf32, #tpu.memory_space<vmem>> -> memref<1x64xf32, #tpu.memory_space<vmem>>
      %dma_start3A_343 = arith.constant 0 : i32
      %dma_start3A_344 = tpu.memref_slice %arg5[%squeeze3A_338, %dma_start3A_343] : memref<100000x64xf32, #tpu.memory_space<hbm>> -> memref<1x64xf32, #tpu.memory_space<hbm>>
      %dma_start3A_345 = arith.constant 0 : i32
      %dma_start3A_346 = tpu.memref_slice %arg10[%add3A_340, %dma_start3A_345] : memref<256x64xf32, #tpu.memory_space<vmem>> -> memref<1x64xf32, #tpu.memory_space<vmem>>
      %dma_start3A_347 = arith.constant 0 : i32
      %dma_start3A_348 = tpu.memref_slice %arg5[%squeeze3A_338, %dma_start3A_347] : memref<100000x64xf32, #tpu.memory_space<hbm>> -> memref<1x64xf32, #tpu.memory_space<hbm>>
      tpu.enqueue_dma source(%dma_start3A_348 : memref<1x64xf32, #tpu.memory_space<hbm>>) target(%dma_start3A_346 : memref<1x64xf32, #tpu.memory_space<vmem>>) target_semaphore(%arg12 : memref<!tpu.dma_semaphore, #tpu.memory_space<semaphore_mem>>)
      %slice3A_349 = vector.extract_strided_slice %get3A_59 {offsets = [12], sizes = [1], strides = [1]} : vector<16xi32> to vector<1xi32>
      %squeeze3A_350 = vector.extract %slice3A_349[0] : i32 from vector<1xi32>
      %add3A_351 = arith.constant 12 : i32
      %add3A_352 = arith.addi %mul3A_56, %add3A_351 : i32
      %dma_start3A_353 = arith.constant 0 : i32
      %dma_start3A_354 = tpu.memref_slice %arg9[%add3A_352, %dma_start3A_353] : memref<256x64xf32, #tpu.memory_space<vmem>> -> memref<1x64xf32, #tpu.memory_space<vmem>>
      %dma_start3A_355 = arith.constant 0 : i32
      %dma_start3A_356 = tpu.memref_slice %arg4[%squeeze3A_350, %dma_start3A_355] : memref<100000x64xf32, #tpu.memory_space<hbm>> -> memref<1x64xf32, #tpu.memory_space<hbm>>
      %dma_start3A_357 = arith.constant 0 : i32
      %dma_start3A_358 = tpu.memref_slice %arg9[%add3A_352, %dma_start3A_357] : memref<256x64xf32, #tpu.memory_space<vmem>> -> memref<1x64xf32, #tpu.memory_space<vmem>>
      %dma_start3A_359 = arith.constant 0 : i32
      %dma_start3A_360 = tpu.memref_slice %arg4[%squeeze3A_350, %dma_start3A_359] : memref<100000x64xf32, #tpu.memory_space<hbm>> -> memref<1x64xf32, #tpu.memory_space<hbm>>
      tpu.enqueue_dma source(%dma_start3A_360 : memref<1x64xf32, #tpu.memory_space<hbm>>) target(%dma_start3A_358 : memref<1x64xf32, #tpu.memory_space<vmem>>) target_semaphore(%arg12 : memref<!tpu.dma_semaphore, #tpu.memory_space<semaphore_mem>>)
      %slice3A_361 = vector.extract_strided_slice %get3A_63 {offsets = [12], sizes = [1], strides = [1]} : vector<16xi32> to vector<1xi32>
      %squeeze3A_362 = vector.extract %slice3A_361[0] : i32 from vector<1xi32>
      %add3A_363 = arith.constant 12 : i32
      %add3A_364 = arith.addi %mul3A_56, %add3A_363 : i32
      %dma_start3A_365 = arith.constant 0 : i32
      %dma_start3A_366 = tpu.memref_slice %arg10[%add3A_364, %dma_start3A_365] : memref<256x64xf32, #tpu.memory_space<vmem>> -> memref<1x64xf32, #tpu.memory_space<vmem>>
      %dma_start3A_367 = arith.constant 0 : i32
      %dma_start3A_368 = tpu.memref_slice %arg5[%squeeze3A_362, %dma_start3A_367] : memref<100000x64xf32, #tpu.memory_space<hbm>> -> memref<1x64xf32, #tpu.memory_space<hbm>>
      %dma_start3A_369 = arith.constant 0 : i32
      %dma_start3A_370 = tpu.memref_slice %arg10[%add3A_364, %dma_start3A_369] : memref<256x64xf32, #tpu.memory_space<vmem>> -> memref<1x64xf32, #tpu.memory_space<vmem>>
      %dma_start3A_371 = arith.constant 0 : i32
      %dma_start3A_372 = tpu.memref_slice %arg5[%squeeze3A_362, %dma_start3A_371] : memref<100000x64xf32, #tpu.memory_space<hbm>> -> memref<1x64xf32, #tpu.memory_space<hbm>>
      tpu.enqueue_dma source(%dma_start3A_372 : memref<1x64xf32, #tpu.memory_space<hbm>>) target(%dma_start3A_370 : memref<1x64xf32, #tpu.memory_space<vmem>>) target_semaphore(%arg12 : memref<!tpu.dma_semaphore, #tpu.memory_space<semaphore_mem>>)
      %slice3A_373 = vector.extract_strided_slice %get3A_59 {offsets = [13], sizes = [1], strides = [1]} : vector<16xi32> to vector<1xi32>
      %squeeze3A_374 = vector.extract %slice3A_373[0] : i32 from vector<1xi32>
      %add3A_375 = arith.constant 13 : i32
      %add3A_376 = arith.addi %mul3A_56, %add3A_375 : i32
      %dma_start3A_377 = arith.constant 0 : i32
      %dma_start3A_378 = tpu.memref_slice %arg9[%add3A_376, %dma_start3A_377] : memref<256x64xf32, #tpu.memory_space<vmem>> -> memref<1x64xf32, #tpu.memory_space<vmem>>
      %dma_start3A_379 = arith.constant 0 : i32
      %dma_start3A_380 = tpu.memref_slice %arg4[%squeeze3A_374, %dma_start3A_379] : memref<100000x64xf32, #tpu.memory_space<hbm>> -> memref<1x64xf32, #tpu.memory_space<hbm>>
      %dma_start3A_381 = arith.constant 0 : i32
      %dma_start3A_382 = tpu.memref_slice %arg9[%add3A_376, %dma_start3A_381] : memref<256x64xf32, #tpu.memory_space<vmem>> -> memref<1x64xf32, #tpu.memory_space<vmem>>
      %dma_start3A_383 = arith.constant 0 : i32
      %dma_start3A_384 = tpu.memref_slice %arg4[%squeeze3A_374, %dma_start3A_383] : memref<100000x64xf32, #tpu.memory_space<hbm>> -> memref<1x64xf32, #tpu.memory_space<hbm>>
      tpu.enqueue_dma source(%dma_start3A_384 : memref<1x64xf32, #tpu.memory_space<hbm>>) target(%dma_start3A_382 : memref<1x64xf32, #tpu.memory_space<vmem>>) target_semaphore(%arg12 : memref<!tpu.dma_semaphore, #tpu.memory_space<semaphore_mem>>)
      %slice3A_385 = vector.extract_strided_slice %get3A_63 {offsets = [13], sizes = [1], strides = [1]} : vector<16xi32> to vector<1xi32>
      %squeeze3A_386 = vector.extract %slice3A_385[0] : i32 from vector<1xi32>
      %add3A_387 = arith.constant 13 : i32
      %add3A_388 = arith.addi %mul3A_56, %add3A_387 : i32
      %dma_start3A_389 = arith.constant 0 : i32
      %dma_start3A_390 = tpu.memref_slice %arg10[%add3A_388, %dma_start3A_389] : memref<256x64xf32, #tpu.memory_space<vmem>> -> memref<1x64xf32, #tpu.memory_space<vmem>>
      %dma_start3A_391 = arith.constant 0 : i32
      %dma_start3A_392 = tpu.memref_slice %arg5[%squeeze3A_386, %dma_start3A_391] : memref<100000x64xf32, #tpu.memory_space<hbm>> -> memref<1x64xf32, #tpu.memory_space<hbm>>
      %dma_start3A_393 = arith.constant 0 : i32
      %dma_start3A_394 = tpu.memref_slice %arg10[%add3A_388, %dma_start3A_393] : memref<256x64xf32, #tpu.memory_space<vmem>> -> memref<1x64xf32, #tpu.memory_space<vmem>>
      %dma_start3A_395 = arith.constant 0 : i32
      %dma_start3A_396 = tpu.memref_slice %arg5[%squeeze3A_386, %dma_start3A_395] : memref<100000x64xf32, #tpu.memory_space<hbm>> -> memref<1x64xf32, #tpu.memory_space<hbm>>
      tpu.enqueue_dma source(%dma_start3A_396 : memref<1x64xf32, #tpu.memory_space<hbm>>) target(%dma_start3A_394 : memref<1x64xf32, #tpu.memory_space<vmem>>) target_semaphore(%arg12 : memref<!tpu.dma_semaphore, #tpu.memory_space<semaphore_mem>>)
      %slice3A_397 = vector.extract_strided_slice %get3A_59 {offsets = [14], sizes = [1], strides = [1]} : vector<16xi32> to vector<1xi32>
      %squeeze3A_398 = vector.extract %slice3A_397[0] : i32 from vector<1xi32>
      %add3A_399 = arith.constant 14 : i32
      %add3A_400 = arith.addi %mul3A_56, %add3A_399 : i32
      %dma_start3A_401 = arith.constant 0 : i32
      %dma_start3A_402 = tpu.memref_slice %arg9[%add3A_400, %dma_start3A_401] : memref<256x64xf32, #tpu.memory_space<vmem>> -> memref<1x64xf32, #tpu.memory_space<vmem>>
      %dma_start3A_403 = arith.constant 0 : i32
      %dma_start3A_404 = tpu.memref_slice %arg4[%squeeze3A_398, %dma_start3A_403] : memref<100000x64xf32, #tpu.memory_space<hbm>> -> memref<1x64xf32, #tpu.memory_space<hbm>>
      %dma_start3A_405 = arith.constant 0 : i32
      %dma_start3A_406 = tpu.memref_slice %arg9[%add3A_400, %dma_start3A_405] : memref<256x64xf32, #tpu.memory_space<vmem>> -> memref<1x64xf32, #tpu.memory_space<vmem>>
      %dma_start3A_407 = arith.constant 0 : i32
      %dma_start3A_408 = tpu.memref_slice %arg4[%squeeze3A_398, %dma_start3A_407] : memref<100000x64xf32, #tpu.memory_space<hbm>> -> memref<1x64xf32, #tpu.memory_space<hbm>>
      tpu.enqueue_dma source(%dma_start3A_408 : memref<1x64xf32, #tpu.memory_space<hbm>>) target(%dma_start3A_406 : memref<1x64xf32, #tpu.memory_space<vmem>>) target_semaphore(%arg12 : memref<!tpu.dma_semaphore, #tpu.memory_space<semaphore_mem>>)
      %slice3A_409 = vector.extract_strided_slice %get3A_63 {offsets = [14], sizes = [1], strides = [1]} : vector<16xi32> to vector<1xi32>
      %squeeze3A_410 = vector.extract %slice3A_409[0] : i32 from vector<1xi32>
      %add3A_411 = arith.constant 14 : i32
      %add3A_412 = arith.addi %mul3A_56, %add3A_411 : i32
      %dma_start3A_413 = arith.constant 0 : i32
      %dma_start3A_414 = tpu.memref_slice %arg10[%add3A_412, %dma_start3A_413] : memref<256x64xf32, #tpu.memory_space<vmem>> -> memref<1x64xf32, #tpu.memory_space<vmem>>
      %dma_start3A_415 = arith.constant 0 : i32
      %dma_start3A_416 = tpu.memref_slice %arg5[%squeeze3A_410, %dma_start3A_415] : memref<100000x64xf32, #tpu.memory_space<hbm>> -> memref<1x64xf32, #tpu.memory_space<hbm>>
      %dma_start3A_417 = arith.constant 0 : i32
      %dma_start3A_418 = tpu.memref_slice %arg10[%add3A_412, %dma_start3A_417] : memref<256x64xf32, #tpu.memory_space<vmem>> -> memref<1x64xf32, #tpu.memory_space<vmem>>
      %dma_start3A_419 = arith.constant 0 : i32
      %dma_start3A_420 = tpu.memref_slice %arg5[%squeeze3A_410, %dma_start3A_419] : memref<100000x64xf32, #tpu.memory_space<hbm>> -> memref<1x64xf32, #tpu.memory_space<hbm>>
      tpu.enqueue_dma source(%dma_start3A_420 : memref<1x64xf32, #tpu.memory_space<hbm>>) target(%dma_start3A_418 : memref<1x64xf32, #tpu.memory_space<vmem>>) target_semaphore(%arg12 : memref<!tpu.dma_semaphore, #tpu.memory_space<semaphore_mem>>)
      %slice3A_421 = vector.extract_strided_slice %get3A_59 {offsets = [15], sizes = [1], strides = [1]} : vector<16xi32> to vector<1xi32>
      %squeeze3A_422 = vector.extract %slice3A_421[0] : i32 from vector<1xi32>
      %add3A_423 = arith.constant 15 : i32
      %add3A_424 = arith.addi %mul3A_56, %add3A_423 : i32
      %dma_start3A_425 = arith.constant 0 : i32
      %dma_start3A_426 = tpu.memref_slice %arg9[%add3A_424, %dma_start3A_425] : memref<256x64xf32, #tpu.memory_space<vmem>> -> memref<1x64xf32, #tpu.memory_space<vmem>>
      %dma_start3A_427 = arith.constant 0 : i32
      %dma_start3A_428 = tpu.memref_slice %arg4[%squeeze3A_422, %dma_start3A_427] : memref<100000x64xf32, #tpu.memory_space<hbm>> -> memref<1x64xf32, #tpu.memory_space<hbm>>
      %dma_start3A_429 = arith.constant 0 : i32
      %dma_start3A_430 = tpu.memref_slice %arg9[%add3A_424, %dma_start3A_429] : memref<256x64xf32, #tpu.memory_space<vmem>> -> memref<1x64xf32, #tpu.memory_space<vmem>>
      %dma_start3A_431 = arith.constant 0 : i32
      %dma_start3A_432 = tpu.memref_slice %arg4[%squeeze3A_422, %dma_start3A_431] : memref<100000x64xf32, #tpu.memory_space<hbm>> -> memref<1x64xf32, #tpu.memory_space<hbm>>
      tpu.enqueue_dma source(%dma_start3A_432 : memref<1x64xf32, #tpu.memory_space<hbm>>) target(%dma_start3A_430 : memref<1x64xf32, #tpu.memory_space<vmem>>) target_semaphore(%arg12 : memref<!tpu.dma_semaphore, #tpu.memory_space<semaphore_mem>>)
      %slice3A_433 = vector.extract_strided_slice %get3A_63 {offsets = [15], sizes = [1], strides = [1]} : vector<16xi32> to vector<1xi32>
      %squeeze3A_434 = vector.extract %slice3A_433[0] : i32 from vector<1xi32>
      %add3A_435 = arith.constant 15 : i32
      %add3A_436 = arith.addi %mul3A_56, %add3A_435 : i32
      %dma_start3A_437 = arith.constant 0 : i32
      %dma_start3A_438 = tpu.memref_slice %arg10[%add3A_436, %dma_start3A_437] : memref<256x64xf32, #tpu.memory_space<vmem>> -> memref<1x64xf32, #tpu.memory_space<vmem>>
      %dma_start3A_439 = arith.constant 0 : i32
      %dma_start3A_440 = tpu.memref_slice %arg5[%squeeze3A_434, %dma_start3A_439] : memref<100000x64xf32, #tpu.memory_space<hbm>> -> memref<1x64xf32, #tpu.memory_space<hbm>>
      %dma_start3A_441 = arith.constant 0 : i32
      %dma_start3A_442 = tpu.memref_slice %arg10[%add3A_436, %dma_start3A_441] : memref<256x64xf32, #tpu.memory_space<vmem>> -> memref<1x64xf32, #tpu.memory_space<vmem>>
      %dma_start3A_443 = arith.constant 0 : i32
      %dma_start3A_444 = tpu.memref_slice %arg5[%squeeze3A_434, %dma_start3A_443] : memref<100000x64xf32, #tpu.memory_space<hbm>> -> memref<1x64xf32, #tpu.memory_space<hbm>>
      tpu.enqueue_dma source(%dma_start3A_444 : memref<1x64xf32, #tpu.memory_space<hbm>>) target(%dma_start3A_442 : memref<1x64xf32, #tpu.memory_space<vmem>>) target_semaphore(%arg12 : memref<!tpu.dma_semaphore, #tpu.memory_space<semaphore_mem>>)
      %scan3A_445 = arith.constant 0 : i32
      scf.yield %scan3A_445 : i32
    }
    %scan3A_33 = arith.constant 16 : i32
    %dma_wait3A_34 = arith.constant 0 : i32
    %dma_wait3A_35 = arith.constant 0 : i32
    %dma_wait3A_36 = tpu.memref_slice %arg4[%dma_wait3A_34, %dma_wait3A_35] : memref<100000x64xf32, #tpu.memory_space<hbm>> -> memref<256x64xf32, #tpu.memory_space<hbm>>
    %dma_wait3A_37 = arith.constant 0 : i32
    %dma_wait3A_38 = arith.constant 0 : i32
    %dma_wait3A_39 = tpu.memref_slice %arg4[%dma_wait3A_37, %dma_wait3A_38] : memref<100000x64xf32, #tpu.memory_space<hbm>> -> memref<256x64xf32, #tpu.memory_space<hbm>>
    tpu.wait_dma2 semaphore(%arg12 : memref<!tpu.dma_semaphore, #tpu.memory_space<semaphore_mem>>) src(%dma_wait3A_39 : memref<256x64xf32, #tpu.memory_space<hbm>>) dst(%arg9 : memref<256x64xf32, #tpu.memory_space<vmem>>)
    %dma_wait3A_40 = arith.constant 0 : i32
    %dma_wait3A_41 = arith.constant 0 : i32
    %dma_wait3A_42 = tpu.memref_slice %arg5[%dma_wait3A_40, %dma_wait3A_41] : memref<100000x64xf32, #tpu.memory_space<hbm>> -> memref<256x64xf32, #tpu.memory_space<hbm>>
    %dma_wait3A_43 = arith.constant 0 : i32
    %dma_wait3A_44 = arith.constant 0 : i32
    %dma_wait3A_45 = tpu.memref_slice %arg5[%dma_wait3A_43, %dma_wait3A_44] : memref<100000x64xf32, #tpu.memory_space<hbm>> -> memref<256x64xf32, #tpu.memory_space<hbm>>
    tpu.wait_dma2 semaphore(%arg12 : memref<!tpu.dma_semaphore, #tpu.memory_space<semaphore_mem>>) src(%dma_wait3A_45 : memref<256x64xf32, #tpu.memory_space<hbm>>) dst(%arg10 : memref<256x64xf32, #tpu.memory_space<vmem>>)
    %scan3A_46 = arith.constant 0 : i32
    %scan3A_47 = arith.constant 0 : i32
    %scan3A_48 = arith.constant 16 : i32
    %scan3A_49 = arith.addi %scan3A_47, %scan3A_48 : i32
    %scan3A_50 = arith.constant 1 : i32
    %scan3A_51 = scf.for %scan3A_53 = %scan3A_47 to %scan3A_49 step %scan3A_50 iter_args(%scan3A_54 = %scan3A_46) -> (i32)  : i32 {
      %mul3A_55 = arith.constant 16 : i32
      %mul3A_56 = arith.muli %scan3A_53, %mul3A_55 : i32
      %add3A_57 = vector.broadcast %mul3A_56 : i32 to vector<16xi32>
      %add3A_58 = arith.addi %iota3A, %add3A_57 : vector<16xi32>
      %broadcast_in_dim3A = arith.constant 0.000000e+00 : f32
      %broadcast_in_dim3A_59 = vector.broadcast %broadcast_in_dim3A : f32 to vector<16xf32>
      %broadcast_in_dim3A_60 = arith.constant 0.000000e+00 : f32
      %broadcast_in_dim3A_61 = vector.broadcast %broadcast_in_dim3A_60 : f32 to vector<16xf32>
      %broadcast_in_dim3A_62 = arith.constant 0.000000e+00 : f32
      %broadcast_in_dim3A_63 = vector.broadcast %broadcast_in_dim3A_62 : f32 to vector<16xf32>
      %broadcast_in_dim3A_64 = arith.constant 0.000000e+00 : f32
      %broadcast_in_dim3A_65 = vector.broadcast %broadcast_in_dim3A_64 : f32 to vector<16xf32>
      %broadcast_in_dim3A_66 = arith.constant 0.000000e+00 : f32
      %broadcast_in_dim3A_67 = vector.broadcast %broadcast_in_dim3A_66 : f32 to vector<16xf32>
      %broadcast_in_dim3A_68 = arith.constant 0.000000e+00 : f32
      %broadcast_in_dim3A_69 = vector.broadcast %broadcast_in_dim3A_68 : f32 to vector<16xf32>
      %broadcast_in_dim3A_70 = arith.constant 0.000000e+00 : f32
      %broadcast_in_dim3A_71 = vector.broadcast %broadcast_in_dim3A_70 : f32 to vector<16xf32>
      %broadcast_in_dim3A_72 = arith.constant 0.000000e+00 : f32
      %broadcast_in_dim3A_73 = vector.broadcast %broadcast_in_dim3A_72 : f32 to vector<16xf32>
      %broadcast_in_dim3A_74 = arith.constant 0.000000e+00 : f32
      %broadcast_in_dim3A_75 = vector.broadcast %broadcast_in_dim3A_74 : f32 to vector<16xf32>
      %broadcast_in_dim3A_76 = arith.constant 0.000000e+00 : f32
      %broadcast_in_dim3A_77 = vector.broadcast %broadcast_in_dim3A_76 : f32 to vector<16xf32>
      %broadcast_in_dim3A_78 = arith.constant 0.000000e+00 : f32
      %broadcast_in_dim3A_79 = vector.broadcast %broadcast_in_dim3A_78 : f32 to vector<16xf32>
      %broadcast_in_dim3A_80 = arith.constant 0.000000e+00 : f32
      %broadcast_in_dim3A_81 = vector.broadcast %broadcast_in_dim3A_80 : f32 to vector<16xf32>
      %broadcast_in_dim3A_82 = arith.constant 0 : i32
      %broadcast_in_dim3A_83 = vector.broadcast %broadcast_in_dim3A_82 : i32 to vector<16xi32>
      %gather3A = tpu.vector_load_idx %arg9[%add3A_58, %broadcast_in_dim3A_83] : memref<256x64xf32, #tpu.memory_space<vmem>>[vector<16xi32>, vector<16xi32>], vector<16xf32>,
      %gather3A_84 = tpu.vector_load_idx %arg10[%add3A_58, %broadcast_in_dim3A_83] : memref<256x64xf32, #tpu.memory_space<vmem>>[vector<16xi32>, vector<16xi32>], vector<16xf32>,
      %mul3A_85 = arith.mulf %gather3A, %gather3A_84 : vector<16xf32>
      %add3A_86 = arith.addf %broadcast_in_dim3A_59, %mul3A_85 : vector<16xf32>
      %mul3A_87 = arith.mulf %gather3A, %gather3A : vector<16xf32>
      %add3A_88 = arith.addf %broadcast_in_dim3A_61, %mul3A_87 : vector<16xf32>
      %mul3A_89 = arith.mulf %gather3A_84, %gather3A_84 : vector<16xf32>
      %add3A_90 = arith.addf %broadcast_in_dim3A_63, %mul3A_89 : vector<16xf32>
      %broadcast_in_dim3A_91 = arith.constant 1 : i32
      %broadcast_in_dim3A_92 = vector.broadcast %broadcast_in_dim3A_91 : i32 to vector<16xi32>
      %gather3A_93 = tpu.vector_load_idx %arg9[%add3A_58, %broadcast_in_dim3A_92] : memref<256x64xf32, #tpu.memory_space<vmem>>[vector<16xi32>, vector<16xi32>], vector<16xf32>,
      %gather3A_94 = tpu.vector_load_idx %arg10[%add3A_58, %broadcast_in_dim3A_92] : memref<256x64xf32, #tpu.memory_space<vmem>>[vector<16xi32>, vector<16xi32>], vector<16xf32>,
      %mul3A_95 = arith.mulf %gather3A_93, %gather3A_94 : vector<16xf32>
      %add3A_96 = arith.addf %broadcast_in_dim3A_65, %mul3A_95 : vector<16xf32>
      %mul3A_97 = arith.mulf %gather3A_93, %gather3A_93 : vector<16xf32>
      %add3A_98 = arith.addf %broadcast_in_dim3A_67, %mul3A_97 : vector<16xf32>
      %mul3A_99 = arith.mulf %gather3A_94, %gather3A_94 : vector<16xf32>
      %add3A_100 = arith.addf %broadcast_in_dim3A_69, %mul3A_99 : vector<16xf32>
      %broadcast_in_dim3A_101 = arith.constant 2 : i32
      %broadcast_in_dim3A_102 = vector.broadcast %broadcast_in_dim3A_101 : i32 to vector<16xi32>
      %gather3A_103 = tpu.vector_load_idx %arg9[%add3A_58, %broadcast_in_dim3A_102] : memref<256x64xf32, #tpu.memory_space<vmem>>[vector<16xi32>, vector<16xi32>], vector<16xf32>,
      %gather3A_104 = tpu.vector_load_idx %arg10[%add3A_58, %broadcast_in_dim3A_102] : memref<256x64xf32, #tpu.memory_space<vmem>>[vector<16xi32>, vector<16xi32>], vector<16xf32>,
      %mul3A_105 = arith.mulf %gather3A_103, %gather3A_104 : vector<16xf32>
      %add3A_106 = arith.addf %broadcast_in_dim3A_71, %mul3A_105 : vector<16xf32>
      %mul3A_107 = arith.mulf %gather3A_103, %gather3A_103 : vector<16xf32>
      %add3A_108 = arith.addf %broadcast_in_dim3A_73, %mul3A_107 : vector<16xf32>
      %mul3A_109 = arith.mulf %gather3A_104, %gather3A_104 : vector<16xf32>
      %add3A_110 = arith.addf %broadcast_in_dim3A_75, %mul3A_109 : vector<16xf32>
      %broadcast_in_dim3A_111 = arith.constant 3 : i32
      %broadcast_in_dim3A_112 = vector.broadcast %broadcast_in_dim3A_111 : i32 to vector<16xi32>
      %gather3A_113 = tpu.vector_load_idx %arg9[%add3A_58, %broadcast_in_dim3A_112] : memref<256x64xf32, #tpu.memory_space<vmem>>[vector<16xi32>, vector<16xi32>], vector<16xf32>,
      %gather3A_114 = tpu.vector_load_idx %arg10[%add3A_58, %broadcast_in_dim3A_112] : memref<256x64xf32, #tpu.memory_space<vmem>>[vector<16xi32>, vector<16xi32>], vector<16xf32>,
      %mul3A_115 = arith.mulf %gather3A_113, %gather3A_114 : vector<16xf32>
      %add3A_116 = arith.addf %broadcast_in_dim3A_77, %mul3A_115 : vector<16xf32>
      %mul3A_117 = arith.mulf %gather3A_113, %gather3A_113 : vector<16xf32>
      %add3A_118 = arith.addf %broadcast_in_dim3A_79, %mul3A_117 : vector<16xf32>
      %mul3A_119 = arith.mulf %gather3A_114, %gather3A_114 : vector<16xf32>
      %add3A_120 = arith.addf %broadcast_in_dim3A_81, %mul3A_119 : vector<16xf32>
      %broadcast_in_dim3A_121 = arith.constant 4 : i32
      %broadcast_in_dim3A_122 = vector.broadcast %broadcast_in_dim3A_121 : i32 to vector<16xi32>
      %gather3A_123 = tpu.vector_load_idx %arg9[%add3A_58, %broadcast_in_dim3A_122] : memref<256x64xf32, #tpu.memory_space<vmem>>[vector<16xi32>, vector<16xi32>], vector<16xf32>,
      %gather3A_124 = tpu.vector_load_idx %arg10[%add3A_58, %broadcast_in_dim3A_122] : memref<256x64xf32, #tpu.memory_space<vmem>>[vector<16xi32>, vector<16xi32>], vector<16xf32>,
      %mul3A_125 = arith.mulf %gather3A_123, %gather3A_124 : vector<16xf32>
      %add3A_126 = arith.addf %add3A_86, %mul3A_125 : vector<16xf32>
      %mul3A_127 = arith.mulf %gather3A_123, %gather3A_123 : vector<16xf32>
      %add3A_128 = arith.addf %add3A_88, %mul3A_127 : vector<16xf32>
      %mul3A_129 = arith.mulf %gather3A_124, %gather3A_124 : vector<16xf32>
      %add3A_130 = arith.addf %add3A_90, %mul3A_129 : vector<16xf32>
      %broadcast_in_dim3A_131 = arith.constant 5 : i32
      %broadcast_in_dim3A_132 = vector.broadcast %broadcast_in_dim3A_131 : i32 to vector<16xi32>
      %gather3A_133 = tpu.vector_load_idx %arg9[%add3A_58, %broadcast_in_dim3A_132] : memref<256x64xf32, #tpu.memory_space<vmem>>[vector<16xi32>, vector<16xi32>], vector<16xf32>,
      %gather3A_134 = tpu.vector_load_idx %arg10[%add3A_58, %broadcast_in_dim3A_132] : memref<256x64xf32, #tpu.memory_space<vmem>>[vector<16xi32>, vector<16xi32>], vector<16xf32>,
      %mul3A_135 = arith.mulf %gather3A_133, %gather3A_134 : vector<16xf32>
      %add3A_136 = arith.addf %add3A_96, %mul3A_135 : vector<16xf32>
      %mul3A_137 = arith.mulf %gather3A_133, %gather3A_133 : vector<16xf32>
      %add3A_138 = arith.addf %add3A_98, %mul3A_137 : vector<16xf32>
      %mul3A_139 = arith.mulf %gather3A_134, %gather3A_134 : vector<16xf32>
      %add3A_140 = arith.addf %add3A_100, %mul3A_139 : vector<16xf32>
      %broadcast_in_dim3A_141 = arith.constant 6 : i32
      %broadcast_in_dim3A_142 = vector.broadcast %broadcast_in_dim3A_141 : i32 to vector<16xi32>
      %gather3A_143 = tpu.vector_load_idx %arg9[%add3A_58, %broadcast_in_dim3A_142] : memref<256x64xf32, #tpu.memory_space<vmem>>[vector<16xi32>, vector<16xi32>], vector<16xf32>,
      %gather3A_144 = tpu.vector_load_idx %arg10[%add3A_58, %broadcast_in_dim3A_142] : memref<256x64xf32, #tpu.memory_space<vmem>>[vector<16xi32>, vector<16xi32>], vector<16xf32>,
      %mul3A_145 = arith.mulf %gather3A_143, %gather3A_144 : vector<16xf32>
      %add3A_146 = arith.addf %add3A_106, %mul3A_145 : vector<16xf32>
      %mul3A_147 = arith.mulf %gather3A_143, %gather3A_143 : vector<16xf32>
      %add3A_148 = arith.addf %add3A_108, %mul3A_147 : vector<16xf32>
      %mul3A_149 = arith.mulf %gather3A_144, %gather3A_144 : vector<16xf32>
      %add3A_150 = arith.addf %add3A_110, %mul3A_149 : vector<16xf32>
      %broadcast_in_dim3A_151 = arith.constant 7 : i32
      %broadcast_in_dim3A_152 = vector.broadcast %broadcast_in_dim3A_151 : i32 to vector<16xi32>
      %gather3A_153 = tpu.vector_load_idx %arg9[%add3A_58, %broadcast_in_dim3A_152] : memref<256x64xf32, #tpu.memory_space<vmem>>[vector<16xi32>, vector<16xi32>], vector<16xf32>,
      %gather3A_154 = tpu.vector_load_idx %arg10[%add3A_58, %broadcast_in_dim3A_152] : memref<256x64xf32, #tpu.memory_space<vmem>>[vector<16xi32>, vector<16xi32>], vector<16xf32>,
      %mul3A_155 = arith.mulf %gather3A_153, %gather3A_154 : vector<16xf32>
      %add3A_156 = arith.addf %add3A_116, %mul3A_155 : vector<16xf32>
      %mul3A_157 = arith.mulf %gather3A_153, %gather3A_153 : vector<16xf32>
      %add3A_158 = arith.addf %add3A_118, %mul3A_157 : vector<16xf32>
      %mul3A_159 = arith.mulf %gather3A_154, %gather3A_154 : vector<16xf32>
      %add3A_160 = arith.addf %add3A_120, %mul3A_159 : vector<16xf32>
      %broadcast_in_dim3A_161 = arith.constant 8 : i32
      %broadcast_in_dim3A_162 = vector.broadcast %broadcast_in_dim3A_161 : i32 to vector<16xi32>
      %gather3A_163 = tpu.vector_load_idx %arg9[%add3A_58, %broadcast_in_dim3A_162] : memref<256x64xf32, #tpu.memory_space<vmem>>[vector<16xi32>, vector<16xi32>], vector<16xf32>,
      %gather3A_164 = tpu.vector_load_idx %arg10[%add3A_58, %broadcast_in_dim3A_162] : memref<256x64xf32, #tpu.memory_space<vmem>>[vector<16xi32>, vector<16xi32>], vector<16xf32>,
      %mul3A_165 = arith.mulf %gather3A_163, %gather3A_164 : vector<16xf32>
      %add3A_166 = arith.addf %add3A_126, %mul3A_165 : vector<16xf32>
      %mul3A_167 = arith.mulf %gather3A_163, %gather3A_163 : vector<16xf32>
      %add3A_168 = arith.addf %add3A_128, %mul3A_167 : vector<16xf32>
      %mul3A_169 = arith.mulf %gather3A_164, %gather3A_164 : vector<16xf32>
      %add3A_170 = arith.addf %add3A_130, %mul3A_169 : vector<16xf32>
      %broadcast_in_dim3A_171 = arith.constant 9 : i32
      %broadcast_in_dim3A_172 = vector.broadcast %broadcast_in_dim3A_171 : i32 to vector<16xi32>
      %gather3A_173 = tpu.vector_load_idx %arg9[%add3A_58, %broadcast_in_dim3A_172] : memref<256x64xf32, #tpu.memory_space<vmem>>[vector<16xi32>, vector<16xi32>], vector<16xf32>,
      %gather3A_174 = tpu.vector_load_idx %arg10[%add3A_58, %broadcast_in_dim3A_172] : memref<256x64xf32, #tpu.memory_space<vmem>>[vector<16xi32>, vector<16xi32>], vector<16xf32>,
      %mul3A_175 = arith.mulf %gather3A_173, %gather3A_174 : vector<16xf32>
      %add3A_176 = arith.addf %add3A_136, %mul3A_175 : vector<16xf32>
      %mul3A_177 = arith.mulf %gather3A_173, %gather3A_173 : vector<16xf32>
      %add3A_178 = arith.addf %add3A_138, %mul3A_177 : vector<16xf32>
      %mul3A_179 = arith.mulf %gather3A_174, %gather3A_174 : vector<16xf32>
      %add3A_180 = arith.addf %add3A_140, %mul3A_179 : vector<16xf32>
      %broadcast_in_dim3A_181 = arith.constant 10 : i32
      %broadcast_in_dim3A_182 = vector.broadcast %broadcast_in_dim3A_181 : i32 to vector<16xi32>
      %gather3A_183 = tpu.vector_load_idx %arg9[%add3A_58, %broadcast_in_dim3A_182] : memref<256x64xf32, #tpu.memory_space<vmem>>[vector<16xi32>, vector<16xi32>], vector<16xf32>,
      %gather3A_184 = tpu.vector_load_idx %arg10[%add3A_58, %broadcast_in_dim3A_182] : memref<256x64xf32, #tpu.memory_space<vmem>>[vector<16xi32>, vector<16xi32>], vector<16xf32>,
      %mul3A_185 = arith.mulf %gather3A_183, %gather3A_184 : vector<16xf32>
      %add3A_186 = arith.addf %add3A_146, %mul3A_185 : vector<16xf32>
      %mul3A_187 = arith.mulf %gather3A_183, %gather3A_183 : vector<16xf32>
      %add3A_188 = arith.addf %add3A_148, %mul3A_187 : vector<16xf32>
      %mul3A_189 = arith.mulf %gather3A_184, %gather3A_184 : vector<16xf32>
      %add3A_190 = arith.addf %add3A_150, %mul3A_189 : vector<16xf32>
      %broadcast_in_dim3A_191 = arith.constant 11 : i32
      %broadcast_in_dim3A_192 = vector.broadcast %broadcast_in_dim3A_191 : i32 to vector<16xi32>
      %gather3A_193 = tpu.vector_load_idx %arg9[%add3A_58, %broadcast_in_dim3A_192] : memref<256x64xf32, #tpu.memory_space<vmem>>[vector<16xi32>, vector<16xi32>], vector<16xf32>,
      %gather3A_194 = tpu.vector_load_idx %arg10[%add3A_58, %broadcast_in_dim3A_192] : memref<256x64xf32, #tpu.memory_space<vmem>>[vector<16xi32>, vector<16xi32>], vector<16xf32>,
      %mul3A_195 = arith.mulf %gather3A_193, %gather3A_194 : vector<16xf32>
      %add3A_196 = arith.addf %add3A_156, %mul3A_195 : vector<16xf32>
      %mul3A_197 = arith.mulf %gather3A_193, %gather3A_193 : vector<16xf32>
      %add3A_198 = arith.addf %add3A_158, %mul3A_197 : vector<16xf32>
      %mul3A_199 = arith.mulf %gather3A_194, %gather3A_194 : vector<16xf32>
      %add3A_200 = arith.addf %add3A_160, %mul3A_199 : vector<16xf32>
      %broadcast_in_dim3A_201 = arith.constant 12 : i32
      %broadcast_in_dim3A_202 = vector.broadcast %broadcast_in_dim3A_201 : i32 to vector<16xi32>
      %gather3A_203 = tpu.vector_load_idx %arg9[%add3A_58, %broadcast_in_dim3A_202] : memref<256x64xf32, #tpu.memory_space<vmem>>[vector<16xi32>, vector<16xi32>], vector<16xf32>,
      %gather3A_204 = tpu.vector_load_idx %arg10[%add3A_58, %broadcast_in_dim3A_202] : memref<256x64xf32, #tpu.memory_space<vmem>>[vector<16xi32>, vector<16xi32>], vector<16xf32>,
      %mul3A_205 = arith.mulf %gather3A_203, %gather3A_204 : vector<16xf32>
      %add3A_206 = arith.addf %add3A_166, %mul3A_205 : vector<16xf32>
      %mul3A_207 = arith.mulf %gather3A_203, %gather3A_203 : vector<16xf32>
      %add3A_208 = arith.addf %add3A_168, %mul3A_207 : vector<16xf32>
      %mul3A_209 = arith.mulf %gather3A_204, %gather3A_204 : vector<16xf32>
      %add3A_210 = arith.addf %add3A_170, %mul3A_209 : vector<16xf32>
      %broadcast_in_dim3A_211 = arith.constant 13 : i32
      %broadcast_in_dim3A_212 = vector.broadcast %broadcast_in_dim3A_211 : i32 to vector<16xi32>
      %gather3A_213 = tpu.vector_load_idx %arg9[%add3A_58, %broadcast_in_dim3A_212] : memref<256x64xf32, #tpu.memory_space<vmem>>[vector<16xi32>, vector<16xi32>], vector<16xf32>,
      %gather3A_214 = tpu.vector_load_idx %arg10[%add3A_58, %broadcast_in_dim3A_212] : memref<256x64xf32, #tpu.memory_space<vmem>>[vector<16xi32>, vector<16xi32>], vector<16xf32>,
      %mul3A_215 = arith.mulf %gather3A_213, %gather3A_214 : vector<16xf32>
      %add3A_216 = arith.addf %add3A_176, %mul3A_215 : vector<16xf32>
      %mul3A_217 = arith.mulf %gather3A_213, %gather3A_213 : vector<16xf32>
      %add3A_218 = arith.addf %add3A_178, %mul3A_217 : vector<16xf32>
      %mul3A_219 = arith.mulf %gather3A_214, %gather3A_214 : vector<16xf32>
      %add3A_220 = arith.addf %add3A_180, %mul3A_219 : vector<16xf32>
      %broadcast_in_dim3A_221 = arith.constant 14 : i32
      %broadcast_in_dim3A_222 = vector.broadcast %broadcast_in_dim3A_221 : i32 to vector<16xi32>
      %gather3A_223 = tpu.vector_load_idx %arg9[%add3A_58, %broadcast_in_dim3A_222] : memref<256x64xf32, #tpu.memory_space<vmem>>[vector<16xi32>, vector<16xi32>], vector<16xf32>,
      %gather3A_224 = tpu.vector_load_idx %arg10[%add3A_58, %broadcast_in_dim3A_222] : memref<256x64xf32, #tpu.memory_space<vmem>>[vector<16xi32>, vector<16xi32>], vector<16xf32>,
      %mul3A_225 = arith.mulf %gather3A_223, %gather3A_224 : vector<16xf32>
      %add3A_226 = arith.addf %add3A_186, %mul3A_225 : vector<16xf32>
      %mul3A_227 = arith.mulf %gather3A_223, %gather3A_223 : vector<16xf32>
      %add3A_228 = arith.addf %add3A_188, %mul3A_227 : vector<16xf32>
      %mul3A_229 = arith.mulf %gather3A_224, %gather3A_224 : vector<16xf32>
      %add3A_230 = arith.addf %add3A_190, %mul3A_229 : vector<16xf32>
      %broadcast_in_dim3A_231 = arith.constant 15 : i32
      %broadcast_in_dim3A_232 = vector.broadcast %broadcast_in_dim3A_231 : i32 to vector<16xi32>
      %gather3A_233 = tpu.vector_load_idx %arg9[%add3A_58, %broadcast_in_dim3A_232] : memref<256x64xf32, #tpu.memory_space<vmem>>[vector<16xi32>, vector<16xi32>], vector<16xf32>,
      %gather3A_234 = tpu.vector_load_idx %arg10[%add3A_58, %broadcast_in_dim3A_232] : memref<256x64xf32, #tpu.memory_space<vmem>>[vector<16xi32>, vector<16xi32>], vector<16xf32>,
      %mul3A_235 = arith.mulf %gather3A_233, %gather3A_234 : vector<16xf32>
      %add3A_236 = arith.addf %add3A_196, %mul3A_235 : vector<16xf32>
      %mul3A_237 = arith.mulf %gather3A_233, %gather3A_233 : vector<16xf32>
      %add3A_238 = arith.addf %add3A_198, %mul3A_237 : vector<16xf32>
      %mul3A_239 = arith.mulf %gather3A_234, %gather3A_234 : vector<16xf32>
      %add3A_240 = arith.addf %add3A_200, %mul3A_239 : vector<16xf32>
      %broadcast_in_dim3A_241 = arith.constant 16 : i32
      %broadcast_in_dim3A_242 = vector.broadcast %broadcast_in_dim3A_241 : i32 to vector<16xi32>
      %gather3A_243 = tpu.vector_load_idx %arg9[%add3A_58, %broadcast_in_dim3A_242] : memref<256x64xf32, #tpu.memory_space<vmem>>[vector<16xi32>, vector<16xi32>], vector<16xf32>,
      %gather3A_244 = tpu.vector_load_idx %arg10[%add3A_58, %broadcast_in_dim3A_242] : memref<256x64xf32, #tpu.memory_space<vmem>>[vector<16xi32>, vector<16xi32>], vector<16xf32>,
      %mul3A_245 = arith.mulf %gather3A_243, %gather3A_244 : vector<16xf32>
      %add3A_246 = arith.addf %add3A_206, %mul3A_245 : vector<16xf32>
      %mul3A_247 = arith.mulf %gather3A_243, %gather3A_243 : vector<16xf32>
      %add3A_248 = arith.addf %add3A_208, %mul3A_247 : vector<16xf32>
      %mul3A_249 = arith.mulf %gather3A_244, %gather3A_244 : vector<16xf32>
      %add3A_250 = arith.addf %add3A_210, %mul3A_249 : vector<16xf32>
      %broadcast_in_dim3A_251 = arith.constant 17 : i32
      %broadcast_in_dim3A_252 = vector.broadcast %broadcast_in_dim3A_251 : i32 to vector<16xi32>
      %gather3A_253 = tpu.vector_load_idx %arg9[%add3A_58, %broadcast_in_dim3A_252] : memref<256x64xf32, #tpu.memory_space<vmem>>[vector<16xi32>, vector<16xi32>], vector<16xf32>,
      %gather3A_254 = tpu.vector_load_idx %arg10[%add3A_58, %broadcast_in_dim3A_252] : memref<256x64xf32, #tpu.memory_space<vmem>>[vector<16xi32>, vector<16xi32>], vector<16xf32>,
      %mul3A_255 = arith.mulf %gather3A_253, %gather3A_254 : vector<16xf32>
      %add3A_256 = arith.addf %add3A_216, %mul3A_255 : vector<16xf32>
      %mul3A_257 = arith.mulf %gather3A_253, %gather3A_253 : vector<16xf32>
      %add3A_258 = arith.addf %add3A_218, %mul3A_257 : vector<16xf32>
      %mul3A_259 = arith.mulf %gather3A_254, %gather3A_254 : vector<16xf32>
      %add3A_260 = arith.addf %add3A_220, %mul3A_259 : vector<16xf32>
      %broadcast_in_dim3A_261 = arith.constant 18 : i32
      %broadcast_in_dim3A_262 = vector.broadcast %broadcast_in_dim3A_261 : i32 to vector<16xi32>
      %gather3A_263 = tpu.vector_load_idx %arg9[%add3A_58, %broadcast_in_dim3A_262] : memref<256x64xf32, #tpu.memory_space<vmem>>[vector<16xi32>, vector<16xi32>], vector<16xf32>,
      %gather3A_264 = tpu.vector_load_idx %arg10[%add3A_58, %broadcast_in_dim3A_262] : memref<256x64xf32, #tpu.memory_space<vmem>>[vector<16xi32>, vector<16xi32>], vector<16xf32>,
      %mul3A_265 = arith.mulf %gather3A_263, %gather3A_264 : vector<16xf32>
      %add3A_266 = arith.addf %add3A_226, %mul3A_265 : vector<16xf32>
      %mul3A_267 = arith.mulf %gather3A_263, %gather3A_263 : vector<16xf32>
      %add3A_268 = arith.addf %add3A_228, %mul3A_267 : vector<16xf32>
      %mul3A_269 = arith.mulf %gather3A_264, %gather3A_264 : vector<16xf32>
      %add3A_270 = arith.addf %add3A_230, %mul3A_269 : vector<16xf32>
      %broadcast_in_dim3A_271 = arith.constant 19 : i32
      %broadcast_in_dim3A_272 = vector.broadcast %broadcast_in_dim3A_271 : i32 to vector<16xi32>
      %gather3A_273 = tpu.vector_load_idx %arg9[%add3A_58, %broadcast_in_dim3A_272] : memref<256x64xf32, #tpu.memory_space<vmem>>[vector<16xi32>, vector<16xi32>], vector<16xf32>,
      %gather3A_274 = tpu.vector_load_idx %arg10[%add3A_58, %broadcast_in_dim3A_272] : memref<256x64xf32, #tpu.memory_space<vmem>>[vector<16xi32>, vector<16xi32>], vector<16xf32>,
      %mul3A_275 = arith.mulf %gather3A_273, %gather3A_274 : vector<16xf32>
      %add3A_276 = arith.addf %add3A_236, %mul3A_275 : vector<16xf32>
      %mul3A_277 = arith.mulf %gather3A_273, %gather3A_273 : vector<16xf32>
      %add3A_278 = arith.addf %add3A_238, %mul3A_277 : vector<16xf32>
      %mul3A_279 = arith.mulf %gather3A_274, %gather3A_274 : vector<16xf32>
      %add3A_280 = arith.addf %add3A_240, %mul3A_279 : vector<16xf32>
      %broadcast_in_dim3A_281 = arith.constant 20 : i32
      %broadcast_in_dim3A_282 = vector.broadcast %broadcast_in_dim3A_281 : i32 to vector<16xi32>
      %gather3A_283 = tpu.vector_load_idx %arg9[%add3A_58, %broadcast_in_dim3A_282] : memref<256x64xf32, #tpu.memory_space<vmem>>[vector<16xi32>, vector<16xi32>], vector<16xf32>,
      %gather3A_284 = tpu.vector_load_idx %arg10[%add3A_58, %broadcast_in_dim3A_282] : memref<256x64xf32, #tpu.memory_space<vmem>>[vector<16xi32>, vector<16xi32>], vector<16xf32>,
      %mul3A_285 = arith.mulf %gather3A_283, %gather3A_284 : vector<16xf32>
      %add3A_286 = arith.addf %add3A_246, %mul3A_285 : vector<16xf32>
      %mul3A_287 = arith.mulf %gather3A_283, %gather3A_283 : vector<16xf32>
      %add3A_288 = arith.addf %add3A_248, %mul3A_287 : vector<16xf32>
      %mul3A_289 = arith.mulf %gather3A_284, %gather3A_284 : vector<16xf32>
      %add3A_290 = arith.addf %add3A_250, %mul3A_289 : vector<16xf32>
      %broadcast_in_dim3A_291 = arith.constant 21 : i32
      %broadcast_in_dim3A_292 = vector.broadcast %broadcast_in_dim3A_291 : i32 to vector<16xi32>
      %gather3A_293 = tpu.vector_load_idx %arg9[%add3A_58, %broadcast_in_dim3A_292] : memref<256x64xf32, #tpu.memory_space<vmem>>[vector<16xi32>, vector<16xi32>], vector<16xf32>,
      %gather3A_294 = tpu.vector_load_idx %arg10[%add3A_58, %broadcast_in_dim3A_292] : memref<256x64xf32, #tpu.memory_space<vmem>>[vector<16xi32>, vector<16xi32>], vector<16xf32>,
      %mul3A_295 = arith.mulf %gather3A_293, %gather3A_294 : vector<16xf32>
      %add3A_296 = arith.addf %add3A_256, %mul3A_295 : vector<16xf32>
      %mul3A_297 = arith.mulf %gather3A_293, %gather3A_293 : vector<16xf32>
      %add3A_298 = arith.addf %add3A_258, %mul3A_297 : vector<16xf32>
      %mul3A_299 = arith.mulf %gather3A_294, %gather3A_294 : vector<16xf32>
      %add3A_300 = arith.addf %add3A_260, %mul3A_299 : vector<16xf32>
      %broadcast_in_dim3A_301 = arith.constant 22 : i32
      %broadcast_in_dim3A_302 = vector.broadcast %broadcast_in_dim3A_301 : i32 to vector<16xi32>
      %gather3A_303 = tpu.vector_load_idx %arg9[%add3A_58, %broadcast_in_dim3A_302] : memref<256x64xf32, #tpu.memory_space<vmem>>[vector<16xi32>, vector<16xi32>], vector<16xf32>,
      %gather3A_304 = tpu.vector_load_idx %arg10[%add3A_58, %broadcast_in_dim3A_302] : memref<256x64xf32, #tpu.memory_space<vmem>>[vector<16xi32>, vector<16xi32>], vector<16xf32>,
      %mul3A_305 = arith.mulf %gather3A_303, %gather3A_304 : vector<16xf32>
      %add3A_306 = arith.addf %add3A_266, %mul3A_305 : vector<16xf32>
      %mul3A_307 = arith.mulf %gather3A_303, %gather3A_303 : vector<16xf32>
      %add3A_308 = arith.addf %add3A_268, %mul3A_307 : vector<16xf32>
      %mul3A_309 = arith.mulf %gather3A_304, %gather3A_304 : vector<16xf32>
      %add3A_310 = arith.addf %add3A_270, %mul3A_309 : vector<16xf32>
      %broadcast_in_dim3A_311 = arith.constant 23 : i32
      %broadcast_in_dim3A_312 = vector.broadcast %broadcast_in_dim3A_311 : i32 to vector<16xi32>
      %gather3A_313 = tpu.vector_load_idx %arg9[%add3A_58, %broadcast_in_dim3A_312] : memref<256x64xf32, #tpu.memory_space<vmem>>[vector<16xi32>, vector<16xi32>], vector<16xf32>,
      %gather3A_314 = tpu.vector_load_idx %arg10[%add3A_58, %broadcast_in_dim3A_312] : memref<256x64xf32, #tpu.memory_space<vmem>>[vector<16xi32>, vector<16xi32>], vector<16xf32>,
      %mul3A_315 = arith.mulf %gather3A_313, %gather3A_314 : vector<16xf32>
      %add3A_316 = arith.addf %add3A_276, %mul3A_315 : vector<16xf32>
      %mul3A_317 = arith.mulf %gather3A_313, %gather3A_313 : vector<16xf32>
      %add3A_318 = arith.addf %add3A_278, %mul3A_317 : vector<16xf32>
      %mul3A_319 = arith.mulf %gather3A_314, %gather3A_314 : vector<16xf32>
      %add3A_320 = arith.addf %add3A_280, %mul3A_319 : vector<16xf32>
      %broadcast_in_dim3A_321 = arith.constant 24 : i32
      %broadcast_in_dim3A_322 = vector.broadcast %broadcast_in_dim3A_321 : i32 to vector<16xi32>
      %gather3A_323 = tpu.vector_load_idx %arg9[%add3A_58, %broadcast_in_dim3A_322] : memref<256x64xf32, #tpu.memory_space<vmem>>[vector<16xi32>, vector<16xi32>], vector<16xf32>,
      %gather3A_324 = tpu.vector_load_idx %arg10[%add3A_58, %broadcast_in_dim3A_322] : memref<256x64xf32, #tpu.memory_space<vmem>>[vector<16xi32>, vector<16xi32>], vector<16xf32>,
      %mul3A_325 = arith.mulf %gather3A_323, %gather3A_324 : vector<16xf32>
      %add3A_326 = arith.addf %add3A_286, %mul3A_325 : vector<16xf32>
      %mul3A_327 = arith.mulf %gather3A_323, %gather3A_323 : vector<16xf32>
      %add3A_328 = arith.addf %add3A_288, %mul3A_327 : vector<16xf32>
      %mul3A_329 = arith.mulf %gather3A_324, %gather3A_324 : vector<16xf32>
      %add3A_330 = arith.addf %add3A_290, %mul3A_329 : vector<16xf32>
      %broadcast_in_dim3A_331 = arith.constant 25 : i32
      %broadcast_in_dim3A_332 = vector.broadcast %broadcast_in_dim3A_331 : i32 to vector<16xi32>
      %gather3A_333 = tpu.vector_load_idx %arg9[%add3A_58, %broadcast_in_dim3A_332] : memref<256x64xf32, #tpu.memory_space<vmem>>[vector<16xi32>, vector<16xi32>], vector<16xf32>,
      %gather3A_334 = tpu.vector_load_idx %arg10[%add3A_58, %broadcast_in_dim3A_332] : memref<256x64xf32, #tpu.memory_space<vmem>>[vector<16xi32>, vector<16xi32>], vector<16xf32>,
      %mul3A_335 = arith.mulf %gather3A_333, %gather3A_334 : vector<16xf32>
      %add3A_336 = arith.addf %add3A_296, %mul3A_335 : vector<16xf32>
      %mul3A_337 = arith.mulf %gather3A_333, %gather3A_333 : vector<16xf32>
      %add3A_338 = arith.addf %add3A_298, %mul3A_337 : vector<16xf32>
      %mul3A_339 = arith.mulf %gather3A_334, %gather3A_334 : vector<16xf32>
      %add3A_340 = arith.addf %add3A_300, %mul3A_339 : vector<16xf32>
      %broadcast_in_dim3A_341 = arith.constant 26 : i32
      %broadcast_in_dim3A_342 = vector.broadcast %broadcast_in_dim3A_341 : i32 to vector<16xi32>
      %gather3A_343 = tpu.vector_load_idx %arg9[%add3A_58, %broadcast_in_dim3A_342] : memref<256x64xf32, #tpu.memory_space<vmem>>[vector<16xi32>, vector<16xi32>], vector<16xf32>,
      %gather3A_344 = tpu.vector_load_idx %arg10[%add3A_58, %broadcast_in_dim3A_342] : memref<256x64xf32, #tpu.memory_space<vmem>>[vector<16xi32>, vector<16xi32>], vector<16xf32>,
      %mul3A_345 = arith.mulf %gather3A_343, %gather3A_344 : vector<16xf32>
      %add3A_346 = arith.addf %add3A_306, %mul3A_345 : vector<16xf32>
      %mul3A_347 = arith.mulf %gather3A_343, %gather3A_343 : vector<16xf32>
      %add3A_348 = arith.addf %add3A_308, %mul3A_347 : vector<16xf32>
      %mul3A_349 = arith.mulf %gather3A_344, %gather3A_344 : vector<16xf32>
      %add3A_350 = arith.addf %add3A_310, %mul3A_349 : vector<16xf32>
      %broadcast_in_dim3A_351 = arith.constant 27 : i32
      %broadcast_in_dim3A_352 = vector.broadcast %broadcast_in_dim3A_351 : i32 to vector<16xi32>
      %gather3A_353 = tpu.vector_load_idx %arg9[%add3A_58, %broadcast_in_dim3A_352] : memref<256x64xf32, #tpu.memory_space<vmem>>[vector<16xi32>, vector<16xi32>], vector<16xf32>,
      %gather3A_354 = tpu.vector_load_idx %arg10[%add3A_58, %broadcast_in_dim3A_352] : memref<256x64xf32, #tpu.memory_space<vmem>>[vector<16xi32>, vector<16xi32>], vector<16xf32>,
      %mul3A_355 = arith.mulf %gather3A_353, %gather3A_354 : vector<16xf32>
      %add3A_356 = arith.addf %add3A_316, %mul3A_355 : vector<16xf32>
      %mul3A_357 = arith.mulf %gather3A_353, %gather3A_353 : vector<16xf32>
      %add3A_358 = arith.addf %add3A_318, %mul3A_357 : vector<16xf32>
      %mul3A_359 = arith.mulf %gather3A_354, %gather3A_354 : vector<16xf32>
      %add3A_360 = arith.addf %add3A_320, %mul3A_359 : vector<16xf32>
      %broadcast_in_dim3A_361 = arith.constant 28 : i32
      %broadcast_in_dim3A_362 = vector.broadcast %broadcast_in_dim3A_361 : i32 to vector<16xi32>
      %gather3A_363 = tpu.vector_load_idx %arg9[%add3A_58, %broadcast_in_dim3A_362] : memref<256x64xf32, #tpu.memory_space<vmem>>[vector<16xi32>, vector<16xi32>], vector<16xf32>,
      %gather3A_364 = tpu.vector_load_idx %arg10[%add3A_58, %broadcast_in_dim3A_362] : memref<256x64xf32, #tpu.memory_space<vmem>>[vector<16xi32>, vector<16xi32>], vector<16xf32>,
      %mul3A_365 = arith.mulf %gather3A_363, %gather3A_364 : vector<16xf32>
      %add3A_366 = arith.addf %add3A_326, %mul3A_365 : vector<16xf32>
      %mul3A_367 = arith.mulf %gather3A_363, %gather3A_363 : vector<16xf32>
      %add3A_368 = arith.addf %add3A_328, %mul3A_367 : vector<16xf32>
      %mul3A_369 = arith.mulf %gather3A_364, %gather3A_364 : vector<16xf32>
      %add3A_370 = arith.addf %add3A_330, %mul3A_369 : vector<16xf32>
      %broadcast_in_dim3A_371 = arith.constant 29 : i32
      %broadcast_in_dim3A_372 = vector.broadcast %broadcast_in_dim3A_371 : i32 to vector<16xi32>
      %gather3A_373 = tpu.vector_load_idx %arg9[%add3A_58, %broadcast_in_dim3A_372] : memref<256x64xf32, #tpu.memory_space<vmem>>[vector<16xi32>, vector<16xi32>], vector<16xf32>,
      %gather3A_374 = tpu.vector_load_idx %arg10[%add3A_58, %broadcast_in_dim3A_372] : memref<256x64xf32, #tpu.memory_space<vmem>>[vector<16xi32>, vector<16xi32>], vector<16xf32>,
      %mul3A_375 = arith.mulf %gather3A_373, %gather3A_374 : vector<16xf32>
      %add3A_376 = arith.addf %add3A_336, %mul3A_375 : vector<16xf32>
      %mul3A_377 = arith.mulf %gather3A_373, %gather3A_373 : vector<16xf32>
      %add3A_378 = arith.addf %add3A_338, %mul3A_377 : vector<16xf32>
      %mul3A_379 = arith.mulf %gather3A_374, %gather3A_374 : vector<16xf32>
      %add3A_380 = arith.addf %add3A_340, %mul3A_379 : vector<16xf32>
      %broadcast_in_dim3A_381 = arith.constant 30 : i32
      %broadcast_in_dim3A_382 = vector.broadcast %broadcast_in_dim3A_381 : i32 to vector<16xi32>
      %gather3A_383 = tpu.vector_load_idx %arg9[%add3A_58, %broadcast_in_dim3A_382] : memref<256x64xf32, #tpu.memory_space<vmem>>[vector<16xi32>, vector<16xi32>], vector<16xf32>,
      %gather3A_384 = tpu.vector_load_idx %arg10[%add3A_58, %broadcast_in_dim3A_382] : memref<256x64xf32, #tpu.memory_space<vmem>>[vector<16xi32>, vector<16xi32>], vector<16xf32>,
      %mul3A_385 = arith.mulf %gather3A_383, %gather3A_384 : vector<16xf32>
      %add3A_386 = arith.addf %add3A_346, %mul3A_385 : vector<16xf32>
      %mul3A_387 = arith.mulf %gather3A_383, %gather3A_383 : vector<16xf32>
      %add3A_388 = arith.addf %add3A_348, %mul3A_387 : vector<16xf32>
      %mul3A_389 = arith.mulf %gather3A_384, %gather3A_384 : vector<16xf32>
      %add3A_390 = arith.addf %add3A_350, %mul3A_389 : vector<16xf32>
      %broadcast_in_dim3A_391 = arith.constant 31 : i32
      %broadcast_in_dim3A_392 = vector.broadcast %broadcast_in_dim3A_391 : i32 to vector<16xi32>
      %gather3A_393 = tpu.vector_load_idx %arg9[%add3A_58, %broadcast_in_dim3A_392] : memref<256x64xf32, #tpu.memory_space<vmem>>[vector<16xi32>, vector<16xi32>], vector<16xf32>,
      %gather3A_394 = tpu.vector_load_idx %arg10[%add3A_58, %broadcast_in_dim3A_392] : memref<256x64xf32, #tpu.memory_space<vmem>>[vector<16xi32>, vector<16xi32>], vector<16xf32>,
      %mul3A_395 = arith.mulf %gather3A_393, %gather3A_394 : vector<16xf32>
      %add3A_396 = arith.addf %add3A_356, %mul3A_395 : vector<16xf32>
      %mul3A_397 = arith.mulf %gather3A_393, %gather3A_393 : vector<16xf32>
      %add3A_398 = arith.addf %add3A_358, %mul3A_397 : vector<16xf32>
      %mul3A_399 = arith.mulf %gather3A_394, %gather3A_394 : vector<16xf32>
      %add3A_400 = arith.addf %add3A_360, %mul3A_399 : vector<16xf32>
      %broadcast_in_dim3A_401 = arith.constant 32 : i32
      %broadcast_in_dim3A_402 = vector.broadcast %broadcast_in_dim3A_401 : i32 to vector<16xi32>
      %gather3A_403 = tpu.vector_load_idx %arg9[%add3A_58, %broadcast_in_dim3A_402] : memref<256x64xf32, #tpu.memory_space<vmem>>[vector<16xi32>, vector<16xi32>], vector<16xf32>,
      %gather3A_404 = tpu.vector_load_idx %arg10[%add3A_58, %broadcast_in_dim3A_402] : memref<256x64xf32, #tpu.memory_space<vmem>>[vector<16xi32>, vector<16xi32>], vector<16xf32>,
      %mul3A_405 = arith.mulf %gather3A_403, %gather3A_404 : vector<16xf32>
      %add3A_406 = arith.addf %add3A_366, %mul3A_405 : vector<16xf32>
      %mul3A_407 = arith.mulf %gather3A_403, %gather3A_403 : vector<16xf32>
      %add3A_408 = arith.addf %add3A_368, %mul3A_407 : vector<16xf32>
      %mul3A_409 = arith.mulf %gather3A_404, %gather3A_404 : vector<16xf32>
      %add3A_410 = arith.addf %add3A_370, %mul3A_409 : vector<16xf32>
      %broadcast_in_dim3A_411 = arith.constant 33 : i32
      %broadcast_in_dim3A_412 = vector.broadcast %broadcast_in_dim3A_411 : i32 to vector<16xi32>
      %gather3A_413 = tpu.vector_load_idx %arg9[%add3A_58, %broadcast_in_dim3A_412] : memref<256x64xf32, #tpu.memory_space<vmem>>[vector<16xi32>, vector<16xi32>], vector<16xf32>,
      %gather3A_414 = tpu.vector_load_idx %arg10[%add3A_58, %broadcast_in_dim3A_412] : memref<256x64xf32, #tpu.memory_space<vmem>>[vector<16xi32>, vector<16xi32>], vector<16xf32>,
      %mul3A_415 = arith.mulf %gather3A_413, %gather3A_414 : vector<16xf32>
      %add3A_416 = arith.addf %add3A_376, %mul3A_415 : vector<16xf32>
      %mul3A_417 = arith.mulf %gather3A_413, %gather3A_413 : vector<16xf32>
      %add3A_418 = arith.addf %add3A_378, %mul3A_417 : vector<16xf32>
      %mul3A_419 = arith.mulf %gather3A_414, %gather3A_414 : vector<16xf32>
      %add3A_420 = arith.addf %add3A_380, %mul3A_419 : vector<16xf32>
      %broadcast_in_dim3A_421 = arith.constant 34 : i32
      %broadcast_in_dim3A_422 = vector.broadcast %broadcast_in_dim3A_421 : i32 to vector<16xi32>
      %gather3A_423 = tpu.vector_load_idx %arg9[%add3A_58, %broadcast_in_dim3A_422] : memref<256x64xf32, #tpu.memory_space<vmem>>[vector<16xi32>, vector<16xi32>], vector<16xf32>,
      %gather3A_424 = tpu.vector_load_idx %arg10[%add3A_58, %broadcast_in_dim3A_422] : memref<256x64xf32, #tpu.memory_space<vmem>>[vector<16xi32>, vector<16xi32>], vector<16xf32>,
      %mul3A_425 = arith.mulf %gather3A_423, %gather3A_424 : vector<16xf32>
      %add3A_426 = arith.addf %add3A_386, %mul3A_425 : vector<16xf32>
      %mul3A_427 = arith.mulf %gather3A_423, %gather3A_423 : vector<16xf32>
      %add3A_428 = arith.addf %add3A_388, %mul3A_427 : vector<16xf32>
      %mul3A_429 = arith.mulf %gather3A_424, %gather3A_424 : vector<16xf32>
      %add3A_430 = arith.addf %add3A_390, %mul3A_429 : vector<16xf32>
      %broadcast_in_dim3A_431 = arith.constant 35 : i32
      %broadcast_in_dim3A_432 = vector.broadcast %broadcast_in_dim3A_431 : i32 to vector<16xi32>
      %gather3A_433 = tpu.vector_load_idx %arg9[%add3A_58, %broadcast_in_dim3A_432] : memref<256x64xf32, #tpu.memory_space<vmem>>[vector<16xi32>, vector<16xi32>], vector<16xf32>,
      %gather3A_434 = tpu.vector_load_idx %arg10[%add3A_58, %broadcast_in_dim3A_432] : memref<256x64xf32, #tpu.memory_space<vmem>>[vector<16xi32>, vector<16xi32>], vector<16xf32>,
      %mul3A_435 = arith.mulf %gather3A_433, %gather3A_434 : vector<16xf32>
      %add3A_436 = arith.addf %add3A_396, %mul3A_435 : vector<16xf32>
      %mul3A_437 = arith.mulf %gather3A_433, %gather3A_433 : vector<16xf32>
      %add3A_438 = arith.addf %add3A_398, %mul3A_437 : vector<16xf32>
      %mul3A_439 = arith.mulf %gather3A_434, %gather3A_434 : vector<16xf32>
      %add3A_440 = arith.addf %add3A_400, %mul3A_439 : vector<16xf32>
      %broadcast_in_dim3A_441 = arith.constant 36 : i32
      %broadcast_in_dim3A_442 = vector.broadcast %broadcast_in_dim3A_441 : i32 to vector<16xi32>
      %gather3A_443 = tpu.vector_load_idx %arg9[%add3A_58, %broadcast_in_dim3A_442] : memref<256x64xf32, #tpu.memory_space<vmem>>[vector<16xi32>, vector<16xi32>], vector<16xf32>,
      %gather3A_444 = tpu.vector_load_idx %arg10[%add3A_58, %broadcast_in_dim3A_442] : memref<256x64xf32, #tpu.memory_space<vmem>>[vector<16xi32>, vector<16xi32>], vector<16xf32>,
      %mul3A_445 = arith.mulf %gather3A_443, %gather3A_444 : vector<16xf32>
      %add3A_446 = arith.addf %add3A_406, %mul3A_445 : vector<16xf32>
      %mul3A_447 = arith.mulf %gather3A_443, %gather3A_443 : vector<16xf32>
      %add3A_448 = arith.addf %add3A_408, %mul3A_447 : vector<16xf32>
      %mul3A_449 = arith.mulf %gather3A_444, %gather3A_444 : vector<16xf32>
      %add3A_450 = arith.addf %add3A_410, %mul3A_449 : vector<16xf32>
      %broadcast_in_dim3A_451 = arith.constant 37 : i32
      %broadcast_in_dim3A_452 = vector.broadcast %broadcast_in_dim3A_451 : i32 to vector<16xi32>
      %gather3A_453 = tpu.vector_load_idx %arg9[%add3A_58, %broadcast_in_dim3A_452] : memref<256x64xf32, #tpu.memory_space<vmem>>[vector<16xi32>, vector<16xi32>], vector<16xf32>,
      %gather3A_454 = tpu.vector_load_idx %arg10[%add3A_58, %broadcast_in_dim3A_452] : memref<256x64xf32, #tpu.memory_space<vmem>>[vector<16xi32>, vector<16xi32>], vector<16xf32>,
      %mul3A_455 = arith.mulf %gather3A_453, %gather3A_454 : vector<16xf32>
      %add3A_456 = arith.addf %add3A_416, %mul3A_455 : vector<16xf32>
      %mul3A_457 = arith.mulf %gather3A_453, %gather3A_453 : vector<16xf32>
      %add3A_458 = arith.addf %add3A_418, %mul3A_457 : vector<16xf32>
      %mul3A_459 = arith.mulf %gather3A_454, %gather3A_454 : vector<16xf32>
      %add3A_460 = arith.addf %add3A_420, %mul3A_459 : vector<16xf32>
      %broadcast_in_dim3A_461 = arith.constant 38 : i32
      %broadcast_in_dim3A_462 = vector.broadcast %broadcast_in_dim3A_461 : i32 to vector<16xi32>
      %gather3A_463 = tpu.vector_load_idx %arg9[%add3A_58, %broadcast_in_dim3A_462] : memref<256x64xf32, #tpu.memory_space<vmem>>[vector<16xi32>, vector<16xi32>], vector<16xf32>,
      %gather3A_464 = tpu.vector_load_idx %arg10[%add3A_58, %broadcast_in_dim3A_462] : memref<256x64xf32, #tpu.memory_space<vmem>>[vector<16xi32>, vector<16xi32>], vector<16xf32>,
      %mul3A_465 = arith.mulf %gather3A_463, %gather3A_464 : vector<16xf32>
      %add3A_466 = arith.addf %add3A_426, %mul3A_465 : vector<16xf32>
      %mul3A_467 = arith.mulf %gather3A_463, %gather3A_463 : vector<16xf32>
      %add3A_468 = arith.addf %add3A_428, %mul3A_467 : vector<16xf32>
      %mul3A_469 = arith.mulf %gather3A_464, %gather3A_464 : vector<16xf32>
      %add3A_470 = arith.addf %add3A_430, %mul3A_469 : vector<16xf32>
      %broadcast_in_dim3A_471 = arith.constant 39 : i32
      %broadcast_in_dim3A_472 = vector.broadcast %broadcast_in_dim3A_471 : i32 to vector<16xi32>
      %gather3A_473 = tpu.vector_load_idx %arg9[%add3A_58, %broadcast_in_dim3A_472] : memref<256x64xf32, #tpu.memory_space<vmem>>[vector<16xi32>, vector<16xi32>], vector<16xf32>,
      %gather3A_474 = tpu.vector_load_idx %arg10[%add3A_58, %broadcast_in_dim3A_472] : memref<256x64xf32, #tpu.memory_space<vmem>>[vector<16xi32>, vector<16xi32>], vector<16xf32>,
      %mul3A_475 = arith.mulf %gather3A_473, %gather3A_474 : vector<16xf32>
      %add3A_476 = arith.addf %add3A_436, %mul3A_475 : vector<16xf32>
      %mul3A_477 = arith.mulf %gather3A_473, %gather3A_473 : vector<16xf32>
      %add3A_478 = arith.addf %add3A_438, %mul3A_477 : vector<16xf32>
      %mul3A_479 = arith.mulf %gather3A_474, %gather3A_474 : vector<16xf32>
      %add3A_480 = arith.addf %add3A_440, %mul3A_479 : vector<16xf32>
      %broadcast_in_dim3A_481 = arith.constant 40 : i32
      %broadcast_in_dim3A_482 = vector.broadcast %broadcast_in_dim3A_481 : i32 to vector<16xi32>
      %gather3A_483 = tpu.vector_load_idx %arg9[%add3A_58, %broadcast_in_dim3A_482] : memref<256x64xf32, #tpu.memory_space<vmem>>[vector<16xi32>, vector<16xi32>], vector<16xf32>,
      %gather3A_484 = tpu.vector_load_idx %arg10[%add3A_58, %broadcast_in_dim3A_482] : memref<256x64xf32, #tpu.memory_space<vmem>>[vector<16xi32>, vector<16xi32>], vector<16xf32>,
      %mul3A_485 = arith.mulf %gather3A_483, %gather3A_484 : vector<16xf32>
      %add3A_486 = arith.addf %add3A_446, %mul3A_485 : vector<16xf32>
      %mul3A_487 = arith.mulf %gather3A_483, %gather3A_483 : vector<16xf32>
      %add3A_488 = arith.addf %add3A_448, %mul3A_487 : vector<16xf32>
      %mul3A_489 = arith.mulf %gather3A_484, %gather3A_484 : vector<16xf32>
      %add3A_490 = arith.addf %add3A_450, %mul3A_489 : vector<16xf32>
      %broadcast_in_dim3A_491 = arith.constant 41 : i32
      %broadcast_in_dim3A_492 = vector.broadcast %broadcast_in_dim3A_491 : i32 to vector<16xi32>
      %gather3A_493 = tpu.vector_load_idx %arg9[%add3A_58, %broadcast_in_dim3A_492] : memref<256x64xf32, #tpu.memory_space<vmem>>[vector<16xi32>, vector<16xi32>], vector<16xf32>,
      %gather3A_494 = tpu.vector_load_idx %arg10[%add3A_58, %broadcast_in_dim3A_492] : memref<256x64xf32, #tpu.memory_space<vmem>>[vector<16xi32>, vector<16xi32>], vector<16xf32>,
      %mul3A_495 = arith.mulf %gather3A_493, %gather3A_494 : vector<16xf32>
      %add3A_496 = arith.addf %add3A_456, %mul3A_495 : vector<16xf32>
      %mul3A_497 = arith.mulf %gather3A_493, %gather3A_493 : vector<16xf32>
      %add3A_498 = arith.addf %add3A_458, %mul3A_497 : vector<16xf32>
      %mul3A_499 = arith.mulf %gather3A_494, %gather3A_494 : vector<16xf32>
      %add3A_500 = arith.addf %add3A_460, %mul3A_499 : vector<16xf32>
      %broadcast_in_dim3A_501 = arith.constant 42 : i32
      %broadcast_in_dim3A_502 = vector.broadcast %broadcast_in_dim3A_501 : i32 to vector<16xi32>
      %gather3A_503 = tpu.vector_load_idx %arg9[%add3A_58, %broadcast_in_dim3A_502] : memref<256x64xf32, #tpu.memory_space<vmem>>[vector<16xi32>, vector<16xi32>], vector<16xf32>,
      %gather3A_504 = tpu.vector_load_idx %arg10[%add3A_58, %broadcast_in_dim3A_502] : memref<256x64xf32, #tpu.memory_space<vmem>>[vector<16xi32>, vector<16xi32>], vector<16xf32>,
      %mul3A_505 = arith.mulf %gather3A_503, %gather3A_504 : vector<16xf32>
      %add3A_506 = arith.addf %add3A_466, %mul3A_505 : vector<16xf32>
      %mul3A_507 = arith.mulf %gather3A_503, %gather3A_503 : vector<16xf32>
      %add3A_508 = arith.addf %add3A_468, %mul3A_507 : vector<16xf32>
      %mul3A_509 = arith.mulf %gather3A_504, %gather3A_504 : vector<16xf32>
      %add3A_510 = arith.addf %add3A_470, %mul3A_509 : vector<16xf32>
      %broadcast_in_dim3A_511 = arith.constant 43 : i32
      %broadcast_in_dim3A_512 = vector.broadcast %broadcast_in_dim3A_511 : i32 to vector<16xi32>
      %gather3A_513 = tpu.vector_load_idx %arg9[%add3A_58, %broadcast_in_dim3A_512] : memref<256x64xf32, #tpu.memory_space<vmem>>[vector<16xi32>, vector<16xi32>], vector<16xf32>,
      %gather3A_514 = tpu.vector_load_idx %arg10[%add3A_58, %broadcast_in_dim3A_512] : memref<256x64xf32, #tpu.memory_space<vmem>>[vector<16xi32>, vector<16xi32>], vector<16xf32>,
      %mul3A_515 = arith.mulf %gather3A_513, %gather3A_514 : vector<16xf32>
      %add3A_516 = arith.addf %add3A_476, %mul3A_515 : vector<16xf32>
      %mul3A_517 = arith.mulf %gather3A_513, %gather3A_513 : vector<16xf32>
      %add3A_518 = arith.addf %add3A_478, %mul3A_517 : vector<16xf32>
      %mul3A_519 = arith.mulf %gather3A_514, %gather3A_514 : vector<16xf32>
      %add3A_520 = arith.addf %add3A_480, %mul3A_519 : vector<16xf32>
      %broadcast_in_dim3A_521 = arith.constant 44 : i32
      %broadcast_in_dim3A_522 = vector.broadcast %broadcast_in_dim3A_521 : i32 to vector<16xi32>
      %gather3A_523 = tpu.vector_load_idx %arg9[%add3A_58, %broadcast_in_dim3A_522] : memref<256x64xf32, #tpu.memory_space<vmem>>[vector<16xi32>, vector<16xi32>], vector<16xf32>,
      %gather3A_524 = tpu.vector_load_idx %arg10[%add3A_58, %broadcast_in_dim3A_522] : memref<256x64xf32, #tpu.memory_space<vmem>>[vector<16xi32>, vector<16xi32>], vector<16xf32>,
      %mul3A_525 = arith.mulf %gather3A_523, %gather3A_524 : vector<16xf32>
      %add3A_526 = arith.addf %add3A_486, %mul3A_525 : vector<16xf32>
      %mul3A_527 = arith.mulf %gather3A_523, %gather3A_523 : vector<16xf32>
      %add3A_528 = arith.addf %add3A_488, %mul3A_527 : vector<16xf32>
      %mul3A_529 = arith.mulf %gather3A_524, %gather3A_524 : vector<16xf32>
      %add3A_530 = arith.addf %add3A_490, %mul3A_529 : vector<16xf32>
      %broadcast_in_dim3A_531 = arith.constant 45 : i32
      %broadcast_in_dim3A_532 = vector.broadcast %broadcast_in_dim3A_531 : i32 to vector<16xi32>
      %gather3A_533 = tpu.vector_load_idx %arg9[%add3A_58, %broadcast_in_dim3A_532] : memref<256x64xf32, #tpu.memory_space<vmem>>[vector<16xi32>, vector<16xi32>], vector<16xf32>,
      %gather3A_534 = tpu.vector_load_idx %arg10[%add3A_58, %broadcast_in_dim3A_532] : memref<256x64xf32, #tpu.memory_space<vmem>>[vector<16xi32>, vector<16xi32>], vector<16xf32>,
      %mul3A_535 = arith.mulf %gather3A_533, %gather3A_534 : vector<16xf32>
      %add3A_536 = arith.addf %add3A_496, %mul3A_535 : vector<16xf32>
      %mul3A_537 = arith.mulf %gather3A_533, %gather3A_533 : vector<16xf32>
      %add3A_538 = arith.addf %add3A_498, %mul3A_537 : vector<16xf32>
      %mul3A_539 = arith.mulf %gather3A_534, %gather3A_534 : vector<16xf32>
      %add3A_540 = arith.addf %add3A_500, %mul3A_539 : vector<16xf32>
      %broadcast_in_dim3A_541 = arith.constant 46 : i32
      %broadcast_in_dim3A_542 = vector.broadcast %broadcast_in_dim3A_541 : i32 to vector<16xi32>
      %gather3A_543 = tpu.vector_load_idx %arg9[%add3A_58, %broadcast_in_dim3A_542] : memref<256x64xf32, #tpu.memory_space<vmem>>[vector<16xi32>, vector<16xi32>], vector<16xf32>,
      %gather3A_544 = tpu.vector_load_idx %arg10[%add3A_58, %broadcast_in_dim3A_542] : memref<256x64xf32, #tpu.memory_space<vmem>>[vector<16xi32>, vector<16xi32>], vector<16xf32>,
      %mul3A_545 = arith.mulf %gather3A_543, %gather3A_544 : vector<16xf32>
      %add3A_546 = arith.addf %add3A_506, %mul3A_545 : vector<16xf32>
      %mul3A_547 = arith.mulf %gather3A_543, %gather3A_543 : vector<16xf32>
      %add3A_548 = arith.addf %add3A_508, %mul3A_547 : vector<16xf32>
      %mul3A_549 = arith.mulf %gather3A_544, %gather3A_544 : vector<16xf32>
      %add3A_550 = arith.addf %add3A_510, %mul3A_549 : vector<16xf32>
      %broadcast_in_dim3A_551 = arith.constant 47 : i32
      %broadcast_in_dim3A_552 = vector.broadcast %broadcast_in_dim3A_551 : i32 to vector<16xi32>
      %gather3A_553 = tpu.vector_load_idx %arg9[%add3A_58, %broadcast_in_dim3A_552] : memref<256x64xf32, #tpu.memory_space<vmem>>[vector<16xi32>, vector<16xi32>], vector<16xf32>,
      %gather3A_554 = tpu.vector_load_idx %arg10[%add3A_58, %broadcast_in_dim3A_552] : memref<256x64xf32, #tpu.memory_space<vmem>>[vector<16xi32>, vector<16xi32>], vector<16xf32>,
      %mul3A_555 = arith.mulf %gather3A_553, %gather3A_554 : vector<16xf32>
      %add3A_556 = arith.addf %add3A_516, %mul3A_555 : vector<16xf32>
      %mul3A_557 = arith.mulf %gather3A_553, %gather3A_553 : vector<16xf32>
      %add3A_558 = arith.addf %add3A_518, %mul3A_557 : vector<16xf32>
      %mul3A_559 = arith.mulf %gather3A_554, %gather3A_554 : vector<16xf32>
      %add3A_560 = arith.addf %add3A_520, %mul3A_559 : vector<16xf32>
      %broadcast_in_dim3A_561 = arith.constant 48 : i32
      %broadcast_in_dim3A_562 = vector.broadcast %broadcast_in_dim3A_561 : i32 to vector<16xi32>
      %gather3A_563 = tpu.vector_load_idx %arg9[%add3A_58, %broadcast_in_dim3A_562] : memref<256x64xf32, #tpu.memory_space<vmem>>[vector<16xi32>, vector<16xi32>], vector<16xf32>,
      %gather3A_564 = tpu.vector_load_idx %arg10[%add3A_58, %broadcast_in_dim3A_562] : memref<256x64xf32, #tpu.memory_space<vmem>>[vector<16xi32>, vector<16xi32>], vector<16xf32>,
      %mul3A_565 = arith.mulf %gather3A_563, %gather3A_564 : vector<16xf32>
      %add3A_566 = arith.addf %add3A_526, %mul3A_565 : vector<16xf32>
      %mul3A_567 = arith.mulf %gather3A_563, %gather3A_563 : vector<16xf32>
      %add3A_568 = arith.addf %add3A_528, %mul3A_567 : vector<16xf32>
      %mul3A_569 = arith.mulf %gather3A_564, %gather3A_564 : vector<16xf32>
      %add3A_570 = arith.addf %add3A_530, %mul3A_569 : vector<16xf32>
      %broadcast_in_dim3A_571 = arith.constant 49 : i32
      %broadcast_in_dim3A_572 = vector.broadcast %broadcast_in_dim3A_571 : i32 to vector<16xi32>
      %gather3A_573 = tpu.vector_load_idx %arg9[%add3A_58, %broadcast_in_dim3A_572] : memref<256x64xf32, #tpu.memory_space<vmem>>[vector<16xi32>, vector<16xi32>], vector<16xf32>,
      %gather3A_574 = tpu.vector_load_idx %arg10[%add3A_58, %broadcast_in_dim3A_572] : memref<256x64xf32, #tpu.memory_space<vmem>>[vector<16xi32>, vector<16xi32>], vector<16xf32>,
      %mul3A_575 = arith.mulf %gather3A_573, %gather3A_574 : vector<16xf32>
      %add3A_576 = arith.addf %add3A_536, %mul3A_575 : vector<16xf32>
      %mul3A_577 = arith.mulf %gather3A_573, %gather3A_573 : vector<16xf32>
      %add3A_578 = arith.addf %add3A_538, %mul3A_577 : vector<16xf32>
      %mul3A_579 = arith.mulf %gather3A_574, %gather3A_574 : vector<16xf32>
      %add3A_580 = arith.addf %add3A_540, %mul3A_579 : vector<16xf32>
      %broadcast_in_dim3A_581 = arith.constant 50 : i32
      %broadcast_in_dim3A_582 = vector.broadcast %broadcast_in_dim3A_581 : i32 to vector<16xi32>
      %gather3A_583 = tpu.vector_load_idx %arg9[%add3A_58, %broadcast_in_dim3A_582] : memref<256x64xf32, #tpu.memory_space<vmem>>[vector<16xi32>, vector<16xi32>], vector<16xf32>,
      %gather3A_584 = tpu.vector_load_idx %arg10[%add3A_58, %broadcast_in_dim3A_582] : memref<256x64xf32, #tpu.memory_space<vmem>>[vector<16xi32>, vector<16xi32>], vector<16xf32>,
      %mul3A_585 = arith.mulf %gather3A_583, %gather3A_584 : vector<16xf32>
      %add3A_586 = arith.addf %add3A_546, %mul3A_585 : vector<16xf32>
      %mul3A_587 = arith.mulf %gather3A_583, %gather3A_583 : vector<16xf32>
      %add3A_588 = arith.addf %add3A_548, %mul3A_587 : vector<16xf32>
      %mul3A_589 = arith.mulf %gather3A_584, %gather3A_584 : vector<16xf32>
      %add3A_590 = arith.addf %add3A_550, %mul3A_589 : vector<16xf32>
      %broadcast_in_dim3A_591 = arith.constant 51 : i32
      %broadcast_in_dim3A_592 = vector.broadcast %broadcast_in_dim3A_591 : i32 to vector<16xi32>
      %gather3A_593 = tpu.vector_load_idx %arg9[%add3A_58, %broadcast_in_dim3A_592] : memref<256x64xf32, #tpu.memory_space<vmem>>[vector<16xi32>, vector<16xi32>], vector<16xf32>,
      %gather3A_594 = tpu.vector_load_idx %arg10[%add3A_58, %broadcast_in_dim3A_592] : memref<256x64xf32, #tpu.memory_space<vmem>>[vector<16xi32>, vector<16xi32>], vector<16xf32>,
      %mul3A_595 = arith.mulf %gather3A_593, %gather3A_594 : vector<16xf32>
      %add3A_596 = arith.addf %add3A_556, %mul3A_595 : vector<16xf32>
      %mul3A_597 = arith.mulf %gather3A_593, %gather3A_593 : vector<16xf32>
      %add3A_598 = arith.addf %add3A_558, %mul3A_597 : vector<16xf32>
      %mul3A_599 = arith.mulf %gather3A_594, %gather3A_594 : vector<16xf32>
      %add3A_600 = arith.addf %add3A_560, %mul3A_599 : vector<16xf32>
      %broadcast_in_dim3A_601 = arith.constant 52 : i32
      %broadcast_in_dim3A_602 = vector.broadcast %broadcast_in_dim3A_601 : i32 to vector<16xi32>
      %gather3A_603 = tpu.vector_load_idx %arg9[%add3A_58, %broadcast_in_dim3A_602] : memref<256x64xf32, #tpu.memory_space<vmem>>[vector<16xi32>, vector<16xi32>], vector<16xf32>,
      %gather3A_604 = tpu.vector_load_idx %arg10[%add3A_58, %broadcast_in_dim3A_602] : memref<256x64xf32, #tpu.memory_space<vmem>>[vector<16xi32>, vector<16xi32>], vector<16xf32>,
      %mul3A_605 = arith.mulf %gather3A_603, %gather3A_604 : vector<16xf32>
      %add3A_606 = arith.addf %add3A_566, %mul3A_605 : vector<16xf32>
      %mul3A_607 = arith.mulf %gather3A_603, %gather3A_603 : vector<16xf32>
      %add3A_608 = arith.addf %add3A_568, %mul3A_607 : vector<16xf32>
      %mul3A_609 = arith.mulf %gather3A_604, %gather3A_604 : vector<16xf32>
      %add3A_610 = arith.addf %add3A_570, %mul3A_609 : vector<16xf32>
      %broadcast_in_dim3A_611 = arith.constant 53 : i32
      %broadcast_in_dim3A_612 = vector.broadcast %broadcast_in_dim3A_611 : i32 to vector<16xi32>
      %gather3A_613 = tpu.vector_load_idx %arg9[%add3A_58, %broadcast_in_dim3A_612] : memref<256x64xf32, #tpu.memory_space<vmem>>[vector<16xi32>, vector<16xi32>], vector<16xf32>,
      %gather3A_614 = tpu.vector_load_idx %arg10[%add3A_58, %broadcast_in_dim3A_612] : memref<256x64xf32, #tpu.memory_space<vmem>>[vector<16xi32>, vector<16xi32>], vector<16xf32>,
      %mul3A_615 = arith.mulf %gather3A_613, %gather3A_614 : vector<16xf32>
      %add3A_616 = arith.addf %add3A_576, %mul3A_615 : vector<16xf32>
      %mul3A_617 = arith.mulf %gather3A_613, %gather3A_613 : vector<16xf32>
      %add3A_618 = arith.addf %add3A_578, %mul3A_617 : vector<16xf32>
      %mul3A_619 = arith.mulf %gather3A_614, %gather3A_614 : vector<16xf32>
      %add3A_620 = arith.addf %add3A_580, %mul3A_619 : vector<16xf32>
      %broadcast_in_dim3A_621 = arith.constant 54 : i32
      %broadcast_in_dim3A_622 = vector.broadcast %broadcast_in_dim3A_621 : i32 to vector<16xi32>
      %gather3A_623 = tpu.vector_load_idx %arg9[%add3A_58, %broadcast_in_dim3A_622] : memref<256x64xf32, #tpu.memory_space<vmem>>[vector<16xi32>, vector<16xi32>], vector<16xf32>,
      %gather3A_624 = tpu.vector_load_idx %arg10[%add3A_58, %broadcast_in_dim3A_622] : memref<256x64xf32, #tpu.memory_space<vmem>>[vector<16xi32>, vector<16xi32>], vector<16xf32>,
      %mul3A_625 = arith.mulf %gather3A_623, %gather3A_624 : vector<16xf32>
      %add3A_626 = arith.addf %add3A_586, %mul3A_625 : vector<16xf32>
      %mul3A_627 = arith.mulf %gather3A_623, %gather3A_623 : vector<16xf32>
      %add3A_628 = arith.addf %add3A_588, %mul3A_627 : vector<16xf32>
      %mul3A_629 = arith.mulf %gather3A_624, %gather3A_624 : vector<16xf32>
      %add3A_630 = arith.addf %add3A_590, %mul3A_629 : vector<16xf32>
      %broadcast_in_dim3A_631 = arith.constant 55 : i32
      %broadcast_in_dim3A_632 = vector.broadcast %broadcast_in_dim3A_631 : i32 to vector<16xi32>
      %gather3A_633 = tpu.vector_load_idx %arg9[%add3A_58, %broadcast_in_dim3A_632] : memref<256x64xf32, #tpu.memory_space<vmem>>[vector<16xi32>, vector<16xi32>], vector<16xf32>,
      %gather3A_634 = tpu.vector_load_idx %arg10[%add3A_58, %broadcast_in_dim3A_632] : memref<256x64xf32, #tpu.memory_space<vmem>>[vector<16xi32>, vector<16xi32>], vector<16xf32>,
      %mul3A_635 = arith.mulf %gather3A_633, %gather3A_634 : vector<16xf32>
      %add3A_636 = arith.addf %add3A_596, %mul3A_635 : vector<16xf32>
      %mul3A_637 = arith.mulf %gather3A_633, %gather3A_633 : vector<16xf32>
      %add3A_638 = arith.addf %add3A_598, %mul3A_637 : vector<16xf32>
      %mul3A_639 = arith.mulf %gather3A_634, %gather3A_634 : vector<16xf32>
      %add3A_640 = arith.addf %add3A_600, %mul3A_639 : vector<16xf32>
      %broadcast_in_dim3A_641 = arith.constant 56 : i32
      %broadcast_in_dim3A_642 = vector.broadcast %broadcast_in_dim3A_641 : i32 to vector<16xi32>
      %gather3A_643 = tpu.vector_load_idx %arg9[%add3A_58, %broadcast_in_dim3A_642] : memref<256x64xf32, #tpu.memory_space<vmem>>[vector<16xi32>, vector<16xi32>], vector<16xf32>,
      %gather3A_644 = tpu.vector_load_idx %arg10[%add3A_58, %broadcast_in_dim3A_642] : memref<256x64xf32, #tpu.memory_space<vmem>>[vector<16xi32>, vector<16xi32>], vector<16xf32>,
      %mul3A_645 = arith.mulf %gather3A_643, %gather3A_644 : vector<16xf32>
      %add3A_646 = arith.addf %add3A_606, %mul3A_645 : vector<16xf32>
      %mul3A_647 = arith.mulf %gather3A_643, %gather3A_643 : vector<16xf32>
      %add3A_648 = arith.addf %add3A_608, %mul3A_647 : vector<16xf32>
      %mul3A_649 = arith.mulf %gather3A_644, %gather3A_644 : vector<16xf32>
      %add3A_650 = arith.addf %add3A_610, %mul3A_649 : vector<16xf32>
      %broadcast_in_dim3A_651 = arith.constant 57 : i32
      %broadcast_in_dim3A_652 = vector.broadcast %broadcast_in_dim3A_651 : i32 to vector<16xi32>
      %gather3A_653 = tpu.vector_load_idx %arg9[%add3A_58, %broadcast_in_dim3A_652] : memref<256x64xf32, #tpu.memory_space<vmem>>[vector<16xi32>, vector<16xi32>], vector<16xf32>,
      %gather3A_654 = tpu.vector_load_idx %arg10[%add3A_58, %broadcast_in_dim3A_652] : memref<256x64xf32, #tpu.memory_space<vmem>>[vector<16xi32>, vector<16xi32>], vector<16xf32>,
      %mul3A_655 = arith.mulf %gather3A_653, %gather3A_654 : vector<16xf32>
      %add3A_656 = arith.addf %add3A_616, %mul3A_655 : vector<16xf32>
      %mul3A_657 = arith.mulf %gather3A_653, %gather3A_653 : vector<16xf32>
      %add3A_658 = arith.addf %add3A_618, %mul3A_657 : vector<16xf32>
      %mul3A_659 = arith.mulf %gather3A_654, %gather3A_654 : vector<16xf32>
      %add3A_660 = arith.addf %add3A_620, %mul3A_659 : vector<16xf32>
      %broadcast_in_dim3A_661 = arith.constant 58 : i32
      %broadcast_in_dim3A_662 = vector.broadcast %broadcast_in_dim3A_661 : i32 to vector<16xi32>
      %gather3A_663 = tpu.vector_load_idx %arg9[%add3A_58, %broadcast_in_dim3A_662] : memref<256x64xf32, #tpu.memory_space<vmem>>[vector<16xi32>, vector<16xi32>], vector<16xf32>,
      %gather3A_664 = tpu.vector_load_idx %arg10[%add3A_58, %broadcast_in_dim3A_662] : memref<256x64xf32, #tpu.memory_space<vmem>>[vector<16xi32>, vector<16xi32>], vector<16xf32>,
      %mul3A_665 = arith.mulf %gather3A_663, %gather3A_664 : vector<16xf32>
      %add3A_666 = arith.addf %add3A_626, %mul3A_665 : vector<16xf32>
      %mul3A_667 = arith.mulf %gather3A_663, %gather3A_663 : vector<16xf32>
      %add3A_668 = arith.addf %add3A_628, %mul3A_667 : vector<16xf32>
      %mul3A_669 = arith.mulf %gather3A_664, %gather3A_664 : vector<16xf32>
      %add3A_670 = arith.addf %add3A_630, %mul3A_669 : vector<16xf32>
      %broadcast_in_dim3A_671 = arith.constant 59 : i32
      %broadcast_in_dim3A_672 = vector.broadcast %broadcast_in_dim3A_671 : i32 to vector<16xi32>
      %gather3A_673 = tpu.vector_load_idx %arg9[%add3A_58, %broadcast_in_dim3A_672] : memref<256x64xf32, #tpu.memory_space<vmem>>[vector<16xi32>, vector<16xi32>], vector<16xf32>,
      %gather3A_674 = tpu.vector_load_idx %arg10[%add3A_58, %broadcast_in_dim3A_672] : memref<256x64xf32, #tpu.memory_space<vmem>>[vector<16xi32>, vector<16xi32>], vector<16xf32>,
      %mul3A_675 = arith.mulf %gather3A_673, %gather3A_674 : vector<16xf32>
      %add3A_676 = arith.addf %add3A_636, %mul3A_675 : vector<16xf32>
      %mul3A_677 = arith.mulf %gather3A_673, %gather3A_673 : vector<16xf32>
      %add3A_678 = arith.addf %add3A_638, %mul3A_677 : vector<16xf32>
      %mul3A_679 = arith.mulf %gather3A_674, %gather3A_674 : vector<16xf32>
      %add3A_680 = arith.addf %add3A_640, %mul3A_679 : vector<16xf32>
      %broadcast_in_dim3A_681 = arith.constant 60 : i32
      %broadcast_in_dim3A_682 = vector.broadcast %broadcast_in_dim3A_681 : i32 to vector<16xi32>
      %gather3A_683 = tpu.vector_load_idx %arg9[%add3A_58, %broadcast_in_dim3A_682] : memref<256x64xf32, #tpu.memory_space<vmem>>[vector<16xi32>, vector<16xi32>], vector<16xf32>,
      %gather3A_684 = tpu.vector_load_idx %arg10[%add3A_58, %broadcast_in_dim3A_682] : memref<256x64xf32, #tpu.memory_space<vmem>>[vector<16xi32>, vector<16xi32>], vector<16xf32>,
      %mul3A_685 = arith.mulf %gather3A_683, %gather3A_684 : vector<16xf32>
      %add3A_686 = arith.addf %add3A_646, %mul3A_685 : vector<16xf32>
      %mul3A_687 = arith.mulf %gather3A_683, %gather3A_683 : vector<16xf32>
      %add3A_688 = arith.addf %add3A_648, %mul3A_687 : vector<16xf32>
      %mul3A_689 = arith.mulf %gather3A_684, %gather3A_684 : vector<16xf32>
      %add3A_690 = arith.addf %add3A_650, %mul3A_689 : vector<16xf32>
      %broadcast_in_dim3A_691 = arith.constant 61 : i32
      %broadcast_in_dim3A_692 = vector.broadcast %broadcast_in_dim3A_691 : i32 to vector<16xi32>
      %gather3A_693 = tpu.vector_load_idx %arg9[%add3A_58, %broadcast_in_dim3A_692] : memref<256x64xf32, #tpu.memory_space<vmem>>[vector<16xi32>, vector<16xi32>], vector<16xf32>,
      %gather3A_694 = tpu.vector_load_idx %arg10[%add3A_58, %broadcast_in_dim3A_692] : memref<256x64xf32, #tpu.memory_space<vmem>>[vector<16xi32>, vector<16xi32>], vector<16xf32>,
      %mul3A_695 = arith.mulf %gather3A_693, %gather3A_694 : vector<16xf32>
      %add3A_696 = arith.addf %add3A_656, %mul3A_695 : vector<16xf32>
      %mul3A_697 = arith.mulf %gather3A_693, %gather3A_693 : vector<16xf32>
      %add3A_698 = arith.addf %add3A_658, %mul3A_697 : vector<16xf32>
      %mul3A_699 = arith.mulf %gather3A_694, %gather3A_694 : vector<16xf32>
      %add3A_700 = arith.addf %add3A_660, %mul3A_699 : vector<16xf32>
      %broadcast_in_dim3A_701 = arith.constant 62 : i32
      %broadcast_in_dim3A_702 = vector.broadcast %broadcast_in_dim3A_701 : i32 to vector<16xi32>
      %gather3A_703 = tpu.vector_load_idx %arg9[%add3A_58, %broadcast_in_dim3A_702] : memref<256x64xf32, #tpu.memory_space<vmem>>[vector<16xi32>, vector<16xi32>], vector<16xf32>,
      %gather3A_704 = tpu.vector_load_idx %arg10[%add3A_58, %broadcast_in_dim3A_702] : memref<256x64xf32, #tpu.memory_space<vmem>>[vector<16xi32>, vector<16xi32>], vector<16xf32>,
      %mul3A_705 = arith.mulf %gather3A_703, %gather3A_704 : vector<16xf32>
      %add3A_706 = arith.addf %add3A_666, %mul3A_705 : vector<16xf32>
      %mul3A_707 = arith.mulf %gather3A_703, %gather3A_703 : vector<16xf32>
      %add3A_708 = arith.addf %add3A_668, %mul3A_707 : vector<16xf32>
      %mul3A_709 = arith.mulf %gather3A_704, %gather3A_704 : vector<16xf32>
      %add3A_710 = arith.addf %add3A_670, %mul3A_709 : vector<16xf32>
      %broadcast_in_dim3A_711 = arith.constant 63 : i32
      %broadcast_in_dim3A_712 = vector.broadcast %broadcast_in_dim3A_711 : i32 to vector<16xi32>
      %gather3A_713 = tpu.vector_load_idx %arg9[%add3A_58, %broadcast_in_dim3A_712] : memref<256x64xf32, #tpu.memory_space<vmem>>[vector<16xi32>, vector<16xi32>], vector<16xf32>,
      %gather3A_714 = tpu.vector_load_idx %arg10[%add3A_58, %broadcast_in_dim3A_712] : memref<256x64xf32, #tpu.memory_space<vmem>>[vector<16xi32>, vector<16xi32>], vector<16xf32>,
      %mul3A_715 = arith.mulf %gather3A_713, %gather3A_714 : vector<16xf32>
      %add3A_716 = arith.addf %add3A_676, %mul3A_715 : vector<16xf32>
      %mul3A_717 = arith.mulf %gather3A_713, %gather3A_713 : vector<16xf32>
      %add3A_718 = arith.addf %add3A_678, %mul3A_717 : vector<16xf32>
      %mul3A_719 = arith.mulf %gather3A_714, %gather3A_714 : vector<16xf32>
      %add3A_720 = arith.addf %add3A_680, %mul3A_719 : vector<16xf32>
      %add3A_721 = arith.addf %add3A_686, %add3A_696 : vector<16xf32>
      %add3A_722 = arith.addf %add3A_706, %add3A_716 : vector<16xf32>
      %add3A_723 = arith.addf %add3A_721, %add3A_722 : vector<16xf32>
      %add3A_724 = arith.addf %add3A_688, %add3A_698 : vector<16xf32>
      %add3A_725 = arith.addf %add3A_708, %add3A_718 : vector<16xf32>
      %add3A_726 = arith.addf %add3A_724, %add3A_725 : vector<16xf32>
      %add3A_727 = arith.addf %add3A_690, %add3A_700 : vector<16xf32>
      %add3A_728 = arith.addf %add3A_710, %add3A_720 : vector<16xf32>
      %add3A_729 = arith.addf %add3A_727, %add3A_728 : vector<16xf32>
      %max3A = arith.constant 9.99999996E-13 : f32
      %max3A_730 = vector.broadcast %max3A : f32 to vector<16xf32>
      %max3A_731 = arith.maximumf %add3A_726, %max3A_730 : vector<16xf32>
      %max3A_732 = arith.constant 9.99999996E-13 : f32
      %max3A_733 = vector.broadcast %max3A_732 : f32 to vector<16xf32>
      %max3A_734 = arith.maximumf %add3A_729, %max3A_733 : vector<16xf32>
      %mul3A_735 = arith.mulf %max3A_731, %max3A_734 : vector<16xf32>
      %bitcast_convert_type3A = tpu.bitcast %mul3A_735 : vector<16xf32> -> vector<16xi32>
      %shift_right_arithmetic3A = arith.constant 1 : i32
      %shift_right_arithmetic3A_736 = vector.broadcast %shift_right_arithmetic3A : i32 to vector<16xi32>
      %shift_right_arithmetic3A_737 = arith.shrsi %bitcast_convert_type3A, %shift_right_arithmetic3A_736 : vector<16xi32>
      %sub3A = arith.constant 1597463007 : i32
      %sub3A_738 = vector.broadcast %sub3A : i32 to vector<16xi32>
      %sub3A_739 = arith.subi %sub3A_738, %shift_right_arithmetic3A_737 : vector<16xi32>
      %bitcast_convert_type3A_740 = tpu.bitcast %sub3A_739 : vector<16xi32> -> vector<16xf32>
      %mul3A_741 = arith.constant 5.000000e-01 : f32
      %mul3A_742 = vector.broadcast %mul3A_741 : f32 to vector<16xf32>
      %mul3A_743 = arith.mulf %mul3A_735, %mul3A_742 : vector<16xf32>
      %mul3A_744 = arith.mulf %mul3A_743, %bitcast_convert_type3A_740 : vector<16xf32>
      %mul3A_745 = arith.mulf %mul3A_744, %bitcast_convert_type3A_740 : vector<16xf32>
      %sub3A_746 = arith.constant 1.500000e+00 : f32
      %sub3A_747 = vector.broadcast %sub3A_746 : f32 to vector<16xf32>
      %sub3A_748 = arith.subf %sub3A_747, %mul3A_745 : vector<16xf32>
      %mul3A_749 = arith.mulf %bitcast_convert_type3A_740, %sub3A_748 : vector<16xf32>
      %mul3A_750 = arith.mulf %mul3A_743, %mul3A_749 : vector<16xf32>
      %mul3A_751 = arith.mulf %mul3A_750, %mul3A_749 : vector<16xf32>
      %sub3A_752 = arith.constant 1.500000e+00 : f32
      %sub3A_753 = vector.broadcast %sub3A_752 : f32 to vector<16xf32>
      %sub3A_754 = arith.subf %sub3A_753, %mul3A_751 : vector<16xf32>
      %mul3A_755 = arith.mulf %mul3A_749, %sub3A_754 : vector<16xf32>
      %mul3A_756 = arith.mulf %mul3A_743, %mul3A_755 : vector<16xf32>
      %mul3A_757 = arith.mulf %mul3A_756, %mul3A_755 : vector<16xf32>
      %sub3A_758 = arith.constant 1.500000e+00 : f32
      %sub3A_759 = vector.broadcast %sub3A_758 : f32 to vector<16xf32>
      %sub3A_760 = arith.subf %sub3A_759, %mul3A_757 : vector<16xf32>
      %mul3A_761 = arith.mulf %mul3A_755, %sub3A_760 : vector<16xf32>
      %mul3A_762 = arith.mulf %add3A_723, %mul3A_761 : vector<16xf32>
      %add3A_763 = arith.constant 1.000000e+00 : f32
      %add3A_764 = vector.broadcast %add3A_763 : f32 to vector<16xf32>
      %add3A_765 = arith.addf %add3A_764, %mul3A_762 : vector<16xf32>
      %mul3A_766 = arith.constant 5.000000e-01 : f32
      %mul3A_767 = vector.broadcast %mul3A_766 : f32 to vector<16xf32>
      %mul3A_768 = arith.mulf %add3A_765, %mul3A_767 : vector<16xf32>
      %mul3A_769 = arith.constant 16 : i32
      %mul3A_770 = arith.muli %scan3A_53, %mul3A_769 : i32
      %add3A_771 = arith.constant 256 : i32
      %add3A_772 = arith.addi %add3A_771, %mul3A_770 : i32
      %swap3A = arith.index_cast %add3A_772 : i32 to index
      %swap3A_773 = tpu.vector_load %arg11[%swap3A] {strides = array<i32>} : memref<512xf32, #tpu.memory_space<vmem>>, vector<16xf32>,
      tpu.vector_store %arg11[%swap3A], %mul3A_768 {strides = array<i32>} : memref<512xf32, #tpu.memory_space<vmem>>, vector<16xf32>,
      %scan3A_774 = arith.constant 0 : i32
      scf.yield %scan3A_774 : i32
    }
    %scan3A_52 = arith.constant 16 : i32
    "tpu.region"() ({
      %run_scoped3A = tpu.sem_alloc : memref<!tpu.dma_semaphore, #tpu.memory_space<semaphore_mem>>
      %dma_start3A = tpu.memref_slice %arg6[%mul3A_2] : memref<16384xf32, #tpu.memory_space<hbm>> -> memref<512xf32, #tpu.memory_space<hbm>>
      %dma_start3A_53 = tpu.memref_slice %arg6[%mul3A_2] : memref<16384xf32, #tpu.memory_space<hbm>> -> memref<512xf32, #tpu.memory_space<hbm>>
      tpu.enqueue_dma source(%arg11 : memref<512xf32, #tpu.memory_space<vmem>>) target(%dma_start3A_53 : memref<512xf32, #tpu.memory_space<hbm>>) target_semaphore(%run_scoped3A : memref<!tpu.dma_semaphore, #tpu.memory_space<semaphore_mem>>)
      %dma_wait3A_54 = tpu.memref_slice %arg6[%mul3A_2] : memref<16384xf32, #tpu.memory_space<hbm>> -> memref<512xf32, #tpu.memory_space<hbm>>
      %dma_wait3A_55 = tpu.memref_slice %arg6[%mul3A_2] : memref<16384xf32, #tpu.memory_space<hbm>> -> memref<512xf32, #tpu.memory_space<hbm>>
      tpu.wait_dma2 semaphore(%run_scoped3A : memref<!tpu.dma_semaphore, #tpu.memory_space<semaphore_mem>>) src(%arg11 : memref<512xf32, #tpu.memory_space<vmem>>) dst(%dma_wait3A_55 : memref<512xf32, #tpu.memory_space<hbm>>)
      tpu.yield
    }) : () -> ()
    return
  }
}

</mosaic_0001>

<sc_bundles>
// kernel: kernel.3.cloned.1.call-start
scs
__scs_entry_jumppad:
0x0: {  	(pc) =	sbr.rel $0x88, $3  }
0x1: {  	(tag) =	ssettag $0x0;
	lr =	simm.s32 $0x1  }
0x2: {  	[smem:$0x3F9D] =	sst lr;
	_ =	strace $0xD0000000  }
0x3: {  	_ = 	snop  }
0x4: {  	_ = 	snop  }
0x5: {  	_ = 	snop  }
0x6: {  	_ = 	snop  }
0x7: {  	_ = 	snop  }
__scs_overlays_trampoline_lowered:
0x8: {  	[smem:$0x3FAC] =	sst s0  }
0x9: {  	[smem:$0x3FAD] =	sst s1  }
0xa: {  	[smem:$0x3FAE] =	sst s2  }
0xb: {  	[smem:$0x3FAF] =	sst s3  }
0xc: {  	[smem:$0x3FB0] =	sst s4  }
0xd: {  	[smem:$0x3FB1] =	sst s5  }
0xe: {  	[smem:$0x3FB2] =	sst s6  }
0xf: {  	[smem:$0x3FB3] =	sst s7  }
0x10: {  	[smem:$0x3FB4] =	sst s8  }
0x11: {  	[smem:$0x3FB5] =	sst s9;
	s0 =	simm.s32 @!p0 $0x0  }
0x12: {  	s1 =	sld [smem:$0x3F9B];
	s0 =	simm.s32 @p0 $0x1  }
0x13: {  	[smem:$0x3FB6] =	sst s0;
	s0 =	simm.s32 @!p1 $0x0  }
0x14: {  	s2 =	sld [smem:$0x3F9A];
	s0 =	simm.s32 @p1 $0x1  }
0x15: {  	[smem:$0x3FB7] =	sst s0;
	s0 =	simm.s32 @!p2 $0x0  }
0x16: {  	s3 =	sld [smem:$0x3FDB];
	s0 =	simm.s32 @p2 $0x1  }
0x17: {  	s4 =	simm.s32 $0x1BF5;
	[smem:$0x3FB9] =	sst s0  }
0x18: {  	s0 =	sld [smem:$0x3F9C];
	_ =	swait.ge [sflag:s4], $0x0  }
0x19: {  	s7 =	sld [smem:$0x3F9D]  }
0x1a: {  	s8 =	sadd.s32 $0xFFFFE003, lr  }
0x1b: {  	s9 =	sadd.s32 $0xFFFFFEF7, lr;
	s5 =	simm.s32 $0xFFFFFFFF;
	p2 =	slt.u32 s8, $0xFFFFF086  }
0x1c: {  	p1 =	slt.u32 s9, $0xF7A;
	s5 =	simm.s32 @!p2 $0x0  }
0x1d: {  	s5 =	simm.s32 @p1 $0x1;
	p0 =	seq.s32 s7, s2  }
0x1e: {  	s7 =	smul.u32 @!p0 $0xF7A, s2;
	p2 =	seq.s32 @!p0 s5, $0x0  }
0x1f: {  	s9 =	smul.u32 $0xF7A, s1;
	s8 =	simm.s32 @!p0 $0x1BF5;
	p2 =	por !p2, p0  }
0x20: {  	[sflag:s8] =	ssyncset.s32 @!p0 $0xFFFFF086;
	s6 =	sadd.s32 @!p0 s3, s7;
	s7 =	simm.s32 @!p0 $0x108  }
0x21: {  	s3 =	sadd.s32 s3, s9;
	s6 =	sadd.s32 @!p0 $0x88, s6;
	s7 =	simm.s32 @p2 $0x1082  }
0x22: {  	[simem:s7], [sflag:s8] =	dma.local @!p0 [hbm:s6], $0xF7A  }
0x23: {  	s9 =	sor.u32 $0xD0000000, s2;
	s6 =	simm.s32 $0x108;
	_ =	swait.ge @!p0 [sflag:s8], $0x0  }
0x24: {  	s3 =	sadd.s32 $0x88, s3;
	s6 =	simm.s32 @!p1 $0x1082;
	[sflag:s4] =	ssyncset.s32 $0xFFFFF086  }
0x25: {  	[simem:s6], [sflag:s4] =	dma.local [hbm:s3], $0xF7A  }
0x26: {  	[smem:$0x3F9D] =	sst s1;
	(tag) =	ssettag s2;
	_ =	strace s9  }
0x27: {  	s1 =	sld [smem:$0x3FAD]  }
0x28: {  	s2 =	sld [smem:$0x3FAE]  }
0x29: {  	s4 =	sld [smem:$0x3FB0]  }
0x2a: {  	p0 =	seq.s32 s5, $0x0;
	s5 =	sld [smem:$0x3FB1]  }
0x2b: {  	s6 =	sld [smem:$0x3FB2]  }
0x2c: {  	s7 =	sld [smem:$0x3FB3]  }
0x2d: {  	s3 =	simm.s32 $0x108;
	s8 =	sld [smem:$0x3FB4]  }
0x2e: {  	s3 =	simm.s32 @!p0 $0x1082;
	s9 =	sld [smem:$0x3FB5]  }
0x2f: {  	lr =	sadd.s32 s0, s3;
	s0 =	sld [smem:$0x3FAC]  }
0x30: {  	s3 =	sld [smem:$0x3FAF]  }
0x31: {  	[smem:$0x3FB8] =	sst s10  }
0x32: {  	s10 =	sld [smem:$0x3FB6];
	_ =	sdelay $0x3  }
0x33: {  	p0 =	seq.s32 s10, $0x1;
	s10 =	sld [smem:$0x3FB8];
	_ =	sdelay $0x3  }
0x34: {  	[smem:$0x3FB8] =	sst s10  }
0x35: {  	s10 =	sld [smem:$0x3FB7];
	_ =	sdelay $0x3  }
0x36: {  	p1 =	seq.s32 s10, $0x1;
	s10 =	sld [smem:$0x3FB8];
	_ =	sdelay $0x3  }
0x37: {  	[smem:$0x3FB8] =	sst s10  }
0x38: {  	s10 =	sld [smem:$0x3FB9]  }
0x39: {  	_ = 	snop;
	(pc) =	sbr.ind lr, $3  }
0x3a: {  	_ = 	snop  }
0x3b: {  	_ = 	snop  }
0x3c: {  	p2 =	seq.s32 s10, $0x1;
	s10 =	sld [smem:$0x3FB8]  }
0x3d: {  	_ =	shalt  }
0x3e: {  	_ =	shalt  }
0x3f: {  	_ =	shalt  }
0x40: {  	_ =	shalt  }
0x41: {  	_ =	shalt  }
0x42: {  	_ =	shalt  }
0x43: {  	_ =	shalt  }
0x44: {  	_ =	shalt  }
0x45: {  	_ =	shalt  }
0x46: {  	_ =	shalt  }
0x47: {  	_ =	shalt  }
0x48: {  	_ =	shalt  }
0x49: {  	_ =	shalt  }
0x4a: {  	_ =	shalt  }
0x4b: {  	_ =	shalt  }
0x4c: {  	_ =	shalt  }
0x4d: {  	_ =	shalt  }
0x4e: {  	_ =	shalt  }
0x4f: {  	_ =	shalt  }
0x50: {  	_ =	shalt  }
0x51: {  	_ =	shalt  }
0x52: {  	_ =	shalt  }
0x53: {  	_ =	shalt  }
0x54: {  	_ =	shalt  }
0x55: {  	_ =	shalt  }
0x56: {  	_ =	shalt  }
0x57: {  	_ =	shalt  }
0x58: {  	_ =	shalt  }
0x59: {  	_ =	shalt  }
0x5a: {  	_ =	shalt  }
0x5b: {  	_ =	shalt  }
0x5c: {  	_ =	shalt  }
0x5d: {  	_ =	shalt  }
0x5e: {  	_ =	shalt  }
0x5f: {  	_ =	shalt  }
0x60: {  	_ =	shalt  }
0x61: {  	_ =	shalt  }
0x62: {  	_ =	shalt  }
0x63: {  	_ =	shalt  }
0x64: {  	_ =	shalt  }
0x65: {  	_ =	shalt  }
0x66: {  	_ =	shalt  }
0x67: {  	_ =	shalt  }
0x68: {  	_ =	shalt  }
0x69: {  	_ =	shalt  }
0x6a: {  	_ =	shalt  }
0x6b: {  	_ =	shalt  }
0x6c: {  	_ =	shalt  }
0x6d: {  	_ =	shalt  }
0x6e: {  	_ =	shalt  }
0x6f: {  	_ =	shalt  }
0x70: {  	_ =	shalt  }
0x71: {  	_ =	shalt  }
0x72: {  	_ =	shalt  }
0x73: {  	_ =	shalt  }
0x74: {  	_ =	shalt  }
0x75: {  	_ =	shalt  }
0x76: {  	_ =	shalt  }
0x77: {  	_ =	shalt  }
0x78: {  	_ =	shalt  }
0x79: {  	_ =	shalt  }
0x7a: {  	_ =	shalt  }
0x7b: {  	_ =	shalt  }
0x7c: {  	_ =	shalt  }
0x7d: {  	_ =	shalt  }
0x7e: {  	_ =	shalt  }
0x7f: {  	_ =	shalt  }
0x80: {  	_ =	shalt  }
0x81: {  	_ =	shalt  }
0x82: {  	_ =	shalt  }
0x83: {  	_ =	shalt  }
0x84: {  	_ =	shalt  }
0x85: {  	_ =	shalt  }
0x86: {  	_ =	shalt  }
0x87: {  	_ =	shalt  }
.Lfunc_end0:
.L_simem_size_0:
called_computation_lowered:
.L_overlay_start_0:
0x88: {  	s2 =	sld [smem:$0x3FD9]  }
0x89: {  	s3 =	sld [smem:$0x3FFE];
	_ =	sdelay $0x1  }
0x8a: {  	s1 =	srdreg.scid  }
0x8b: {  	s0 =	sand.u32 $0x1, s1  }
0x8c: {  	s17 =	sshll.u32 s0, $0xA;
	s2 =	sadd.s32 s3, s2  }
0x8d: {  	s2 =	sadd.s32 s2, s17  }
0x8e: {  	[smem:$0x3FC4] =	sst s2  }
0x8f: {  	_ = 	snop  }
0x90: {  	s2 =	sld [smem:$0x3FC9]  }
0x91: {  	s18 =	sld [smem:$0x3FC8]  }
0x92: {  	s4 =	sld [smem:$0x3FD0];
	(tm) =	ssettm $0x1  }
0x93: {  	s5 =	sld [smem:$0x3FFB];
	_ =	sdelay $0x3  }
0x94: {  	_ =	strace s5  }
0x95: {  	s5 =	sld [smem:$0x3FFC];
	_ =	sdelay $0x3  }
0x96: {  	_ =	strace s5  }
0x97: {  	s5 =	sld [smem:$0x3FFD];
	_ =	sdelay $0x3  }
0x98: {  	_ =	strace s5  }
0x99: {  	_ =	strace $0x8FFFFFFF  }
0x9a: {  	s19 =	sld [smem:$0x3FDB];
	_ =	sdelay $0x1  }
0x9b: {  	s6 =	simm.s32 $_scs_section_size  }
0x9c: {  	s7 =	simm.s32 $_size__tile_overlayer_lowered;
	s8 =	simm.s32 $_tile_overlayer_lowered  }
0x9d: {  	s22 =	simm.s32 $0x1BFF;
	s21 =	sshll.u32 s8, $0x1;
	s5 =	sadd.s32 s6, s19  }
0x9e: {  	s9 =	simm.s32 $0x0;
	s20 =	sshll.u32 s7, $0x1;
	s7 =	sadd.s32 s21, s5  }
0x9f: {  	[timem:s9], [sflag:s22] =	dma.local [hbm:s7], s20  }
0xa0: {  	_ =	swait.ge [sflag:s22], s20  }
0xa1: {  	s6 =	ssub.s32 $0x0, s20;
	[sflag:s22] =	ssyncset.done $0x0  }
0xa2: {  	[sflag:s22] =	ssyncadd.s32 s6;
	_ =	sdelay $0x1  }
0xa3: {  	s23 =	simm.s32 $0x1B8B  }
0xa4: {  	_ =	swait.ge [sflag:s23], $0x1  }
0xa5: {  	[sflag:s23] =	ssyncset.done $0x0  }
0xa6: {  	s25 =	simm.s32 $0x1B8E;
	s24 =	sld [smem:$0x3FFE];
	[sflag:s23] =	ssyncadd.s32 $0xFFFFFFFF  }
0xa7: {  	s26 =	simm.s32 $execute0_lowered;
	[smem:$0x3FD2] =	sst s25  }
0xa8: {  	s7 =	sshll.u32 s26, $0x1;
	_ =	strace $0x80000046;
	[dreg:$0x1] =	wrdreg $0xFFFFFFFF  }
0xa9: {  	s28 =	simm.s32 $_size_execute0_lowered;
	s5 =	sadd.s32 s5, s7;
	[dreg:$0x0] =	wrdreg $0x0  }
0xaa: {  	s7 =	sshll.u32 s28, $0x1;
	[dreg:$0x2] =	wrdreg s5  }
0xab: {  	[dreg:$0x3] =	wrdreg s7  }
0xac: {  	[dreg:$0x4] =	wrdreg $0xC0  }
0xad: {  	_ =	task [dreg:s9], $0x5FFFF  }
0xae: {  	[dreg:$0x1] =	wrdreg $0xFFFFFFFF  }
0xaf: {  	[dreg:$0x0] =	wrdreg $0x60  }
0xb0: {  	[dreg:$0x2] =	wrdreg s2  }
0xb1: {  	[dreg:$0x3] =	wrdreg s18  }
0xb2: {  	[dreg:$0x4] =	wrdreg s24  }
0xb3: {  	[dreg:$0x5] =	wrdreg s4  }
0xb4: {  	[dreg:$0x6] =	wrdreg $0x9  }
0xb5: {  	_ =	task.clear_ibuf [dreg:s9], $0x7FFFF;
	_ =	strace $0x90000046  }
0xb6: {  	s29 =	simm.s32 $0x9;
	_ =	strace $0x80000048  }
0xb7: {  	_ =	swait.ge [sflag:s29], $0x1  }
0xb8: {  	[sflag:s29] =	ssyncadd.s32 $0xFFFFFFFF  }
0xb9: {  	_ =	strace $0x90000048  }
0xba: {  	_ =	sfence  }
0xbb: {  	s30 =	sld [smem:$0x0];
	_ =	sdelay $0x2  }
0xbc: {  	s31 =	sshll.u32 s1, $0xD;
	s1 =	sshrl.u32 s1, $0x2  }
0xbd: {  	s3 =	sand.u32 $0x4000, s31;
	s1 =	sadd.s32 s1, s30  }
0xbe: {  	s0 =	sor.u32 s3, s0;
	s1 =	sshll.u32 s1, $0x11  }
0xbf: {  	s0 =	sor.u32 s1, s0  }
0xc0: {  	s0 =	sadd.s32 $0x8F2B, s0  }
0xc1: {  	[sflag:s0] =	ssyncadd.remote.s32 $0x1  }
0xc2: {  	_ =	sfence.sel $0xFFFF  }
0xc3: {  	[dreg:$0x0] =	wrdreg $0xFFFFFFFF;
	(pc) =	sbr.abs _section_cstart, $3  }
0xc4: {  	[dreg:$0x1] =	wrdreg $0xFFFFFFFF  }
0xc5: {  	_ =	task.clear_ibuf [dreg:s9], $0x2FFFF;
	_ =	strace $0x9FFFFFFF  }
0xc6: {  	(tm) =	ssettm $0x7FFFFFFF  }
0xc7: {  	_ =	shalt  }
tec
execute0_lowered:
.L_overlay_start_1:
0x0: {  	(tag) =	ssettag $0x1  }
0x1: {  	s0 =	rddreg [dreg:$0x0]  }
0x2: {  	s1 =	rddreg [dreg:$0x1]  }
0x3: {  	s4 =	rddreg [dreg:$0x2];
	s3 =	srdreg.scid  }
0x4: {  	s2 =	simm.s32 $0x0;
	s7 =	stileid.u32;
	s3 =	sand.u32 $0x1, s3  }
0x5: {  	[smem:$0x7FF] =	sst s2;
	s7 =	sshll.u32 s7, $0x7;
	s8 =	sshll.u32 s3, $0x6  }
0x6: {  	s5 =	rddreg [dreg:$0x3];
	_ =	strace $0x80000047;
	s7 =	sor.u32 s8, s7  }
0x7: {  	s6 =	ssub.s32 $0x2, s3;
	s3 =	sadd.s32 $0x2000, s4;
	s0 =	sadd.s32 s0, s7  }
0x8: {  	v0 =	vlaneseq.u32;
	s9 =	sshrl.u32 s6, $0x1;
	s29 =	sadd.s32 s1, s7;
	[dreg:$0x17] =	wrdreg s0  }
0x9: {  	v4 =	vmul.u32 $0x80, v0;
	s6 =	ssub.s32 s6, s9;
	s30 =	sadd.s32 s5, s7;
	[dreg:$0x18] =	wrdreg s29  }
0xa: {  	s4 =	sadd.s32 $0x188A00, s4;
	[dreg:$0x19] =	wrdreg s30;
	s31 =	smax.u32 s6, $0x1  }
0xb: {  	[tilespmem:$0x1FFF0] =	vst v4;
	s5 =	simm.s32 $0x2;
	s1 =	simm.s32 $0x0;
	[dreg:$0x1a] =	wrdreg s31  }
.LBB2_1:
0xc: {  	[dreg:$0x1b] =	wrdreg s1  }
0xd: {  	s0 =	rddreg [dreg:$0x17]  }
0xe: {  	[tilespmem:s2], [sflag:$0x2] =	stream.linear.gather [hbm4b:s0+s2], $0x200, $0x38;
	[tilespmem:$0x10600] =	vst v63  }
0xf: {  	_ =	swait.ge [sflag:s5], $0x200  }
0x10: {  	[sflag:s5] =	ssyncset.done $0x0  }
0x11: {  	s24 =	simm.s32 $0x200;
	s25 =	rddreg [dreg:$0x18];
	[sflag:s5] =	ssyncadd.s32 $0xFFFFFE00  }
0x12: {  	[tilespmem:s24], [sflag:$0x2] =	stream.linear.gather [hbm4b:s25+s2], $0x200, $0x38;
	[tilespmem:$0x10600] =	vst v63  }
0x13: {  	_ =	swait.ge [sflag:s5], $0x200  }
0x14: {  	[sflag:s5] =	ssyncset.done $0x0  }
0x15: {  	[sflag:s5] =	ssyncadd.s32 $0xFFFFFE00  }
0x16: {  	v1 =	vld [tilespmem:s2+$0x0]  }
0x17: {  	v3 =	vld [tilespmem:s24+$0x0];
	_ =	sdelay $0x3  }
0x18: {  	v2 =	vshll.u32 v1, $0x4  }
0x19: {  	v63 =	vshll.u32 v3, $0x4;
	(v2sf) =	vpush v2, $0x0  }
0x1a: {  	(v2sf) =	vpush v63, $0x0  }
0x1b: {  	(v2sf) =	vpush v2, $0x1;
	_ =	sdelay $0x1  }
0x1c: {  	(v2sf) =	vpush v63, $0x1;
	_ =	sdelay $0x3  }
0x1d: {  	(v2sf) =	vpush v2, $0x2;
	_ =	sdelay $0x1  }
0x1e: {  	(v2sf) =	vpush v63, $0x2  }
0x1f: {  	s16 =	simm.s32 $0x2000;
	(v2sf) =	vpush v2, $0x3  }
0x20: {  	s15 =	simm.s32 $0x0;
	s6 =	simm.s32 $0x8400;
	s1 =	simm.s32 $0x880  }
0x21: {  	s7 =	simm.s32 $0x400;
	s9 =	simm.s32 $0x600;
	s10 =	simm.s32 $0x580  }
0x22: {  	s29 =	simm.s32 $0x480;
	s13 =	simm.s32 $0x500;
	s18 =	simm.s32 $0x8500  }
0x23: {  	s23 =	simm.s32 $0x8600;
	s0 =	simm.s32 $0x8900;
	s8 =	spop (v2sf);
	(v2sf) =	vpush v63, $0x3  }
0x24: {  	s5 =	simm.s32 $0x680;
	s8 =	sand.u32 $0x1FFFFFF0, s8;
	s11 =	spop (v2sf)  }
0x25: {  	(v2sf) =	vpush v2, $0x4;
	s8 =	sadd.s32 s3, s8;
	s26 =	sand.u32 $0x1FFFFFF0, s11;
	s28 =	spop (v2sf)  }
0x26: {  	(v2sf) =	vpush v63, $0x4;
	[tilespmem:s7], [sflag:$0x1] =	stream.linear.gather [hbm4b:s8+s2], $0x80, $0x38;
	[tilespmem:$0x10600] =	vst v63  }
0x27: {  	s8 =	sadd.s32 s4, s26;
	s11 =	sand.u32 $0x1FFFFFF0, s28;
	s12 =	spop (v2sf)  }
0x28: {  	(v2sf) =	vpush v2, $0x5;
	[tilespmem:s6], [sflag:$0x1] =	stream.linear.gather [hbm4b:s8+s2], $0x80, $0x38;
	[tilespmem:$0x10600] =	vst v63  }
0x29: {  	s7 =	simm.s32 $0x8580;
	s30 =	sadd.s32 s3, s11;
	s31 =	sand.u32 $0x1FFFFFF0, s12;
	(v2sf) =	vpush v63, $0x5  }
0x2a: {  	[tilespmem:s29], [sflag:$0x1] =	stream.linear.gather [hbm4b:s30+s2], $0x80, $0x38;
	[tilespmem:$0x10600] =	vst v63  }
0x2b: {  	s12 =	spop (v2sf);
	s8 =	simm.s32 $0x8480;
	s11 =	sadd.s32 s4, s31;
	(v2sf) =	vpush v2, $0x6  }
0x2c: {  	[tilespmem:s8], [sflag:$0x1] =	stream.linear.gather [hbm4b:s11+s2], $0x80, $0x38;
	[tilespmem:$0x10600] =	vst v63  }
0x2d: {  	s14 =	spop (v2sf);
	s31 =	simm.s32 $0x700;
	s8 =	sand.u32 $0x1FFFFFF0, s12  }
0x2e: {  	s17 =	spop (v2sf);
	s11 =	sand.u32 $0x1FFFFFF0, s14;
	s8 =	sadd.s32 s3, s8  }
0x2f: {  	(v2sf) =	vpush v63, $0x6;
	[tilespmem:s13], [sflag:$0x1] =	stream.linear.gather [hbm4b:s8+s2], $0x80, $0x38;
	[tilespmem:$0x10600] =	vst v63  }
0x30: {  	s20 =	sand.u32 $0x1FFFFFF0, s17;
	s29 =	simm.s32 $0x8680;
	s19 =	sadd.s32 s4, s11  }
0x31: {  	[tilespmem:s18], [sflag:$0x1] =	stream.linear.gather [hbm4b:s19+s2], $0x80, $0x38;
	[tilespmem:$0x10600] =	vst v63  }
0x32: {  	s22 =	sadd.s32 s3, s20;
	s20 =	simm.s32 $0x8700;
	s21 =	spop (v2sf)  }
0x33: {  	(v2sf) =	vpush v2, $0x7;
	[tilespmem:s10], [sflag:$0x1] =	stream.linear.gather [hbm4b:s22+s2], $0x80, $0x38;
	[tilespmem:$0x10600] =	vst v63  }
0x34: {  	s13 =	simm.s32 $0xA80;
	s6 =	sand.u32 $0x1FFFFFF0, s21;
	s24 =	spop (v2sf)  }
0x35: {  	s19 =	simm.s32 $0x8A00;
	(v2sf) =	vpush v63, $0x7;
	s6 =	sadd.s32 s4, s6;
	s25 =	spop (v2sf)  }
0x36: {  	(v2sf) =	vpush v2, $0x8;
	[tilespmem:s7], [sflag:$0x1] =	stream.linear.gather [hbm4b:s6+s2], $0x80, $0x38;
	[tilespmem:$0x10600] =	vst v63  }
0x37: {  	s10 =	sand.u32 $0x1FFFFFF0, s24;
	s28 =	sand.u32 $0x1FFFFFF0, s25;
	s30 =	spop (v2sf)  }
0x38: {  	s26 =	sadd.s32 s3, s10;
	(v2sf) =	vpush v63, $0x8;
	s7 =	sadd.s32 s4, s28;
	s10 =	spop (v2sf)  }
0x39: {  	(v2sf) =	vpush v2, $0x9;
	[tilespmem:s9], [sflag:$0x1] =	stream.linear.gather [hbm4b:s26+s2], $0x80, $0x38;
	[tilespmem:$0x10600] =	vst v63  }
0x3a: {  	s9 =	sand.u32 $0x1FFFFFF0, s30;
	s11 =	spop (v2sf);
	s26 =	simm.s32 $0x8780  }
0x3b: {  	(v2sf) =	vpush v63, $0x9;
	[tilespmem:s23], [sflag:$0x1] =	stream.linear.gather [hbm4b:s7+s2], $0x80, $0x38;
	[tilespmem:$0x10600] =	vst v63  }
0x3c: {  	s8 =	sadd.s32 s3, s9;
	s9 =	sand.u32 $0x1FFFFFF0, s10;
	s14 =	sand.u32 $0x1FFFFFF0, s11;
	(v2sf) =	vpush v2, $0xA  }
0x3d: {  	[tilespmem:s5], [sflag:$0x1] =	stream.linear.gather [hbm4b:s8+s2], $0x80, $0x38;
	[tilespmem:$0x10600] =	vst v63  }
0x3e: {  	s10 =	simm.s32 $0x8A80;
	s17 =	spop (v2sf);
	s12 =	sadd.s32 s4, s9;
	(v2sf) =	vpush v63, $0xA  }
0x3f: {  	[tilespmem:s29], [sflag:$0x1] =	stream.linear.gather [hbm4b:s12+s2], $0x80, $0x38;
	[tilespmem:$0x10600] =	vst v63  }
0x40: {  	s11 =	simm.s32 $0x8880;
	s18 =	sadd.s32 s3, s14;
	s6 =	sand.u32 $0x1FFFFFF0, s17  }
0x41: {  	[tilespmem:s31], [sflag:$0x1] =	stream.linear.gather [hbm4b:s18+s2], $0x80, $0x38;
	[tilespmem:$0x10600] =	vst v63  }
0x42: {  	s23 =	simm.s32 $0x780;
	s6 =	sadd.s32 s4, s6;
	s21 =	spop (v2sf)  }
0x43: {  	[tilespmem:s20], [sflag:$0x1] =	stream.linear.gather [hbm4b:s6+s2], $0x80, $0x38;
	[tilespmem:$0x10600] =	vst v63  }
0x44: {  	s14 =	simm.s32 $0x900;
	(v2sf) =	vpush v2, $0xB;
	s8 =	sand.u32 $0x1FFFFFF0, s21;
	s22 =	spop (v2sf)  }
0x45: {  	s5 =	simm.s32 $0x8980;
	s24 =	sadd.s32 s3, s8;
	s28 =	spop (v2sf)  }
0x46: {  	(v2sf) =	vpush v63, $0xB;
	[tilespmem:s23], [sflag:$0x1] =	stream.linear.gather [hbm4b:s24+s2], $0x80, $0x38;
	[tilespmem:$0x10600] =	vst v63  }
0x47: {  	s29 =	simm.s32 $0x800;
	s25 =	sand.u32 $0x1FFFFFF0, s22;
	s30 =	spop (v2sf)  }
0x48: {  	s8 =	sadd.s32 s4, s25;
	s7 =	sand.u32 $0x1FFFFFF0, s28;
	s31 =	spop (v2sf)  }
0x49: {  	(v2sf) =	vpush v2, $0xC;
	[tilespmem:s26], [sflag:$0x1] =	stream.linear.gather [hbm4b:s8+s2], $0x80, $0x38;
	[tilespmem:$0x10600] =	vst v63  }
0x4a: {  	s7 =	sadd.s32 s3, s7;
	s8 =	sand.u32 $0x1FFFFFF0, s30;
	s12 =	spop (v2sf)  }
0x4b: {  	(v2sf) =	vpush v63, $0xC;
	s9 =	sand.u32 $0x1FFFFFF0, s31;
	s26 =	simm.s32 $0x980;
	s17 =	spop (v2sf)  }
0x4c: {  	[tilespmem:s29], [sflag:$0x1] =	stream.linear.gather [hbm4b:s7+s2], $0x80, $0x38;
	[tilespmem:$0x10600] =	vst v63  }
0x4d: {  	s8 =	sadd.s32 s4, s8;
	s7 =	simm.s32 $0x8800;
	s18 =	spop (v2sf)  }
0x4e: {  	[tilespmem:s7], [sflag:$0x1] =	stream.linear.gather [hbm4b:s8+s2], $0x80, $0x38;
	[tilespmem:$0x10600] =	vst v63  }
0x4f: {  	s21 =	sand.u32 $0x1FFFFFF0, s18;
	s8 =	sadd.s32 s3, s9;
	s7 =	sand.u32 $0x1FFFFFF0, s12  }
0x50: {  	[tilespmem:s1], [sflag:$0x1] =	stream.linear.gather [hbm4b:s8+s2], $0x80, $0x38;
	[tilespmem:$0x10600] =	vst v63  }
0x51: {  	s23 =	sadd.s32 s4, s21;
	s7 =	sadd.s32 s4, s7;
	s8 =	sand.u32 $0x1FFFFFF0, s17  }
0x52: {  	[tilespmem:s11], [sflag:$0x1] =	stream.linear.gather [hbm4b:s7+s2], $0x80, $0x38;
	[tilespmem:$0x10600] =	vst v63  }
0x53: {  	s21 =	simm.s32 $0x210;
	s20 =	sadd.s32 s3, s8;
	s22 =	spop (v2sf)  }
0x54: {  	[tilespmem:s14], [sflag:$0x1] =	stream.linear.gather [hbm4b:s20+s2], $0x80, $0x38;
	[tilespmem:$0x10600] =	vst v63  }
0x55: {  	s20 =	simm.s32 $0x10;
	s24 =	sand.u32 $0x1FFFFFF0, s22;
	s25 =	spop (v2sf)  }
0x56: {  	(v2sf) =	vpush v2, $0xD;
	[tilespmem:s0], [sflag:$0x1] =	stream.linear.gather [hbm4b:s23+s2], $0x80, $0x38;
	[tilespmem:$0x10600] =	vst v63  }
0x57: {  	(v2sf) =	vpush v63, $0xD;
	s22 =	simm.s32 $0x8B00;
	s28 =	sadd.s32 s3, s24;
	s29 =	sand.u32 $0x1FFFFFF0, s25  }
0x58: {  	s24 =	simm.s32 $0xA00;
	(v2sf) =	vpush v2, $0xE;
	s23 =	simm.s32 $0xB00;
	s31 =	spop (v2sf)  }
0x59: {  	(v2sf) =	vpush v63, $0xE;
	[tilespmem:s26], [sflag:$0x1] =	stream.linear.gather [hbm4b:s28+s2], $0x80, $0x38;
	[tilespmem:$0x10600] =	vst v63  }
0x5a: {  	s30 =	sadd.s32 s4, s29;
	(v2sf) =	vpush v2, $0xF;
	s0 =	sand.u32 $0x1FFFFFF0, s31;
	s1 =	spop (v2sf)  }
0x5b: {  	(v2sf) =	vpush v63, $0xF;
	[tilespmem:s5], [sflag:$0x1] =	stream.linear.gather [hbm4b:s30+s2], $0x80, $0x38;
	[tilespmem:$0x10600] =	vst v63  }
.LBB2_2:
0x5c: {  	_ =	sdelay $0x4  }
0x5d: {  	s0 =	sadd.s32 s3, s0;
	s1 =	sand.u32 $0x1FFFFFF0, s1  }
0x5e: {  	[tilespmem:s24], [sflag:$0x1] =	stream.linear.gather [hbm4b:s0+s2], $0x80, $0x38;
	[tilespmem:$0x10600] =	vst v63  }
0x5f: {  	s25 =	sadd.s32 s4, s1  }
0x60: {  	[tilespmem:s19], [sflag:$0x1] =	stream.linear.gather [hbm4b:s25+s2], $0x80, $0x38;
	[tilespmem:$0x10600] =	vst v63  }
0x61: {  	s5 =	spop (v2sf)  }
0x62: {  	s26 =	sand.u32 $0x1FFFFFF0, s5;
	s28 =	spop (v2sf)  }
0x63: {  	s29 =	sadd.s32 s3, s26;
	s30 =	sand.u32 $0x1FFFFFF0, s28;
	s31 =	spop (v2sf)  }
0x64: {  	[tilespmem:s13], [sflag:$0x1] =	stream.linear.gather [hbm4b:s29+s2], $0x80, $0x38;
	[tilespmem:$0x10600] =	vst v63  }
0x65: {  	s1 =	sadd.s32 s4, s30;
	s5 =	sand.u32 $0x1FFFFFF0, s31;
	s6 =	spop (v2sf)  }
0x66: {  	[tilespmem:s10], [sflag:$0x1] =	stream.linear.gather [hbm4b:s1+s2], $0x80, $0x38;
	[tilespmem:$0x10600] =	vst v63  }
0x67: {  	s7 =	sadd.s32 s3, s5;
	s8 =	sand.u32 $0x1FFFFFF0, s6;
	s9 =	spop (v2sf)  }
0x68: {  	[tilespmem:s23], [sflag:$0x1] =	stream.linear.gather [hbm4b:s7+s2], $0x80, $0x38;
	[tilespmem:$0x10600] =	vst v63  }
0x69: {  	s10 =	sadd.s32 s4, s8;
	s11 =	sand.u32 $0x1FFFFFF0, s9;
	s12 =	spop (v2sf)  }
0x6a: {  	[tilespmem:s22], [sflag:$0x1] =	stream.linear.gather [hbm4b:s10+s2], $0x80, $0x38;
	[tilespmem:$0x10600] =	vst v63  }
0x6b: {  	s13 =	sadd.s32 $0xB80, s15;
	s1 =	sadd.s32 s3, s11;
	s5 =	sand.u32 $0x1FFFFFF0, s12  }
0x6c: {  	[tilespmem:s13], [sflag:$0x1] =	stream.linear.gather [hbm4b:s1+s2], $0x80, $0x38;
	[tilespmem:$0x10600] =	vst v63  }
0x6d: {  	s14 =	sadd.s32 $0x8B80, s15;
	s15 =	sadd.s32 s4, s5  }
0x6e: {  	[tilespmem:s14], [sflag:$0x1] =	stream.linear.gather [hbm4b:s15+s2], $0x80, $0x38;
	[tilespmem:$0x10600] =	vst v63  }
0x6f: {  	v1 =	vld [tilespmem:s20+$0x0]  }
0x70: {  	v3 =	vld [tilespmem:s21+$0x0];
	_ =	sdelay $0x3  }
0x71: {  	v2 =	vshll.u32 v1, $0x4  }
0x72: {  	s17 =	smov.u32 s16;
	v63 =	vshll.u32 v3, $0x4;
	(v2sf) =	vpush v2, $0x0  }
0x73: {  	s15 =	sshra.s32 s17, $0x2;
	(v2sf) =	vpush v63, $0x0  }
0x74: {  	p0 =	sne.s32 s16, $0x1E000;
	s16 =	sadd.s32 $0x2000, s16;
	s26 =	sadd.s32 $0x8400, s15;
	(v2sf) =	vpush v2, $0x1  }
0x75: {  	s0 =	sadd.s32 $0x680, s15;
	s18 =	sadd.s32 $0x880, s15;
	s29 =	sadd.s32 $0x400, s15  }
0x76: {  	s10 =	sadd.s32 $0x600, s15;
	s19 =	sadd.s32 $0x8900, s15;
	s12 =	sadd.s32 $0x580, s15;
	(v2sf) =	vpush v63, $0x1  }
0x77: {  	s11 =	sadd.s32 $0x8580, s15;
	s25 =	sadd.s32 $0x500, s15;
	s14 =	sadd.s32 $0x8600, s15  }
0x78: {  	s13 =	sadd.s32 $0xA80, s15;
	s28 =	sadd.s32 $0x8480, s15;
	s17 =	sadd.s32 $0x8500, s15;
	(v2sf) =	vpush v2, $0x2  }
0x79: {  	s9 =	sadd.s32 $0x8680, s15;
	s8 =	sadd.s32 $0x700, s15;
	[dreg:$0x15] =	wrdreg s0  }
0x7a: {  	s22 =	sadd.s32 $0x8980, s15;
	s1 =	sadd.s32 $0x8A80, s15;
	[dreg:$0x9] =	wrdreg s18;
	(v2sf) =	vpush v63, $0x2  }
0x7b: {  	s7 =	sadd.s32 $0x8700, s15;
	s23 =	sadd.s32 $0x8880, s15;
	[dreg:$0x5] =	wrdreg s19  }
0x7c: {  	s24 =	sadd.s32 $0x900, s15;
	s6 =	sadd.s32 $0x780, s15;
	[dreg:$0x7] =	wrdreg s22;
	(v2sf) =	vpush v2, $0x3  }
0x7d: {  	s30 =	sadd.s32 $0x8800, s15;
	s5 =	sadd.s32 $0x8780, s15;
	[dreg:$0xd] =	wrdreg s23  }
0x7e: {  	s31 =	sadd.s32 $0x800, s15;
	s20 =	sadd.s32 $0x10, s20;
	[dreg:$0xb] =	wrdreg s24;
	(v2sf) =	vpush v63, $0x3  }
0x7f: {  	s21 =	sadd.s32 $0x10, s21;
	s19 =	sadd.s32 $0x8A00, s15;
	[dreg:$0x11] =	wrdreg s30  }
0x80: {  	s24 =	sadd.s32 $0xA00, s15;
	s30 =	sadd.s32 $0x480, s15;
	[dreg:$0x13] =	wrdreg s31;
	(v2sf) =	vpush v2, $0x4  }
0x81: {  	s23 =	sadd.s32 $0xB00, s15;
	s18 =	sadd.s32 $0x980, s15;
	s31 =	spop (v2sf)  }
0x82: {  	[dreg:$0xf] =	wrdreg s18;
	s31 =	sand.u32 $0x1FFFFFF0, s31;
	s18 =	spop (v2sf);
	(v2sf) =	vpush v63, $0x4  }
0x83: {  	s31 =	sadd.s32 s3, s31;
	s18 =	sand.u32 $0x1FFFFFF0, s18;
	s0 =	spop (v2sf)  }
0x84: {  	(v2sf) =	vpush v2, $0x5;
	[tilespmem:s29], [sflag:$0x1] =	stream.linear.gather [hbm4b:s31+s2], $0x80, $0x38;
	[tilespmem:$0x10600] =	vst v63  }
0x85: {  	s18 =	sadd.s32 s4, s18;
	s0 =	sand.u32 $0x1FFFFFF0, s0;
	s31 =	spop (v2sf);
	(v2sf) =	vpush v63, $0x5  }
0x86: {  	[tilespmem:s26], [sflag:$0x1] =	stream.linear.gather [hbm4b:s18+s2], $0x80, $0x38;
	[tilespmem:$0x10600] =	vst v63  }
0x87: {  	s0 =	sadd.s32 s3, s0;
	s29 =	sand.u32 $0x1FFFFFF0, s31;
	s31 =	spop (v2sf);
	(v2sf) =	vpush v2, $0x6  }
0x88: {  	[tilespmem:s30], [sflag:$0x1] =	stream.linear.gather [hbm4b:s0+s2], $0x80, $0x38;
	[tilespmem:$0x10600] =	vst v63  }
0x89: {  	s29 =	sadd.s32 s4, s29;
	s30 =	sand.u32 $0x1FFFFFF0, s31;
	s31 =	spop (v2sf);
	(v2sf) =	vpush v63, $0x6  }
0x8a: {  	[tilespmem:s28], [sflag:$0x1] =	stream.linear.gather [hbm4b:s29+s2], $0x80, $0x38;
	[tilespmem:$0x10600] =	vst v63  }
0x8b: {  	s29 =	sadd.s32 s3, s30;
	s30 =	sand.u32 $0x1FFFFFF0, s31;
	s31 =	spop (v2sf)  }
0x8c: {  	(v2sf) =	vpush v2, $0x7;
	[tilespmem:s25], [sflag:$0x1] =	stream.linear.gather [hbm4b:s29+s2], $0x80, $0x38;
	[tilespmem:$0x10600] =	vst v63  }
0x8d: {  	s26 =	sand.u32 $0x1FFFFFF0, s31;
	s28 =	spop (v2sf);
	s25 =	sadd.s32 s4, s30  }
0x8e: {  	(v2sf) =	vpush v63, $0x7;
	[tilespmem:s17], [sflag:$0x1] =	stream.linear.gather [hbm4b:s25+s2], $0x80, $0x38;
	[tilespmem:$0x10600] =	vst v63  }
0x8f: {  	s29 =	sadd.s32 s3, s26;
	s30 =	sand.u32 $0x1FFFFFF0, s28;
	s31 =	spop (v2sf)  }
0x90: {  	(v2sf) =	vpush v2, $0x8;
	[tilespmem:s12], [sflag:$0x1] =	stream.linear.gather [hbm4b:s29+s2], $0x80, $0x38;
	[tilespmem:$0x10600] =	vst v63  }
0x91: {  	s26 =	sand.u32 $0x1FFFFFF0, s31;
	s25 =	sadd.s32 s4, s30;
	s28 =	spop (v2sf)  }
0x92: {  	[tilespmem:s11], [sflag:$0x1] =	stream.linear.gather [hbm4b:s25+s2], $0x80, $0x38;
	[tilespmem:$0x10600] =	vst v63  }
0x93: {  	s22 =	sadd.s32 $0x8B00, s15;
	s29 =	sadd.s32 s3, s26;
	s31 =	spop (v2sf)  }
0x94: {  	(v2sf) =	vpush v63, $0x8;
	s30 =	sand.u32 $0x1FFFFFF0, s28;
	s28 =	rddreg [dreg:$0x15];
	s17 =	spop (v2sf)  }
0x95: {  	[tilespmem:s10], [sflag:$0x1] =	stream.linear.gather [hbm4b:s29+s2], $0x80, $0x38;
	[tilespmem:$0x10600] =	vst v63  }
0x96: {  	(v2sf) =	vpush v2, $0x9;
	s11 =	sadd.s32 s4, s30;
	s12 =	sand.u32 $0x1FFFFFF0, s31;
	s26 =	spop (v2sf)  }
0x97: {  	(v2sf) =	vpush v63, $0x9;
	[tilespmem:s14], [sflag:$0x1] =	stream.linear.gather [hbm4b:s11+s2], $0x80, $0x38;
	[tilespmem:$0x10600] =	vst v63  }
0x98: {  	s18 =	sadd.s32 s3, s12;
	s25 =	sand.u32 $0x1FFFFFF0, s17;
	s31 =	spop (v2sf)  }
0x99: {  	[tilespmem:s28], [sflag:$0x1] =	stream.linear.gather [hbm4b:s18+s2], $0x80, $0x38;
	[tilespmem:$0x10600] =	vst v63  }
0x9a: {  	s29 =	sadd.s32 s4, s25;
	s30 =	sand.u32 $0x1FFFFFF0, s26;
	s12 =	sand.u32 $0x1FFFFFF0, s31  }
0x9b: {  	(v2sf) =	vpush v2, $0xA;
	s10 =	sadd.s32 s3, s30;
	s14 =	spop (v2sf);
	s17 =	sadd.s32 s4, s12  }
0x9c: {  	[tilespmem:s9], [sflag:$0x1] =	stream.linear.gather [hbm4b:s29+s2], $0x80, $0x38;
	[tilespmem:$0x10600] =	vst v63  }
0x9d: {  	(v2sf) =	vpush v63, $0xA;
	s18 =	sand.u32 $0x1FFFFFF0, s14;
	s25 =	spop (v2sf);
	s14 =	rddreg [dreg:$0x11]  }
0x9e: {  	[tilespmem:s8], [sflag:$0x1] =	stream.linear.gather [hbm4b:s10+s2], $0x80, $0x38;
	[tilespmem:$0x10600] =	vst v63  }
0x9f: {  	(v2sf) =	vpush v2, $0xB;
	s26 =	sadd.s32 s3, s18;
	s28 =	sand.u32 $0x1FFFFFF0, s25;
	s29 =	spop (v2sf)  }
0xa0: {  	[tilespmem:s7], [sflag:$0x1] =	stream.linear.gather [hbm4b:s17+s2], $0x80, $0x38;
	[tilespmem:$0x10600] =	vst v63  }
0xa1: {  	s10 =	smov.u32 s1;
	s30 =	sadd.s32 s4, s28;
	s8 =	rddreg [dreg:$0x13]  }
0xa2: {  	[tilespmem:s6], [sflag:$0x1] =	stream.linear.gather [hbm4b:s26+s2], $0x80, $0x38;
	[tilespmem:$0x10600] =	vst v63  }
0xa3: {  	(v2sf) =	vpush v63, $0xB;
	s31 =	sand.u32 $0x1FFFFFF0, s29;
	s1 =	spop (v2sf);
	s26 =	rddreg [dreg:$0x9]  }
0xa4: {  	(v2sf) =	vpush v2, $0xC;
	[tilespmem:s5], [sflag:$0x1] =	stream.linear.gather [hbm4b:s30+s2], $0x80, $0x38;
	[tilespmem:$0x10600] =	vst v63  }
0xa5: {  	s6 =	sand.u32 $0x1FFFFFF0, s1;
	s7 =	spop (v2sf);
	s5 =	sadd.s32 s3, s31  }
0xa6: {  	(v2sf) =	vpush v63, $0xC;
	s9 =	sadd.s32 s4, s6;
	s11 =	sand.u32 $0x1FFFFFF0, s7;
	s12 =	spop (v2sf)  }
0xa7: {  	[tilespmem:s8], [sflag:$0x1] =	stream.linear.gather [hbm4b:s5+s2], $0x80, $0x38;
	[tilespmem:$0x10600] =	vst v63  }
0xa8: {  	s31 =	rddreg [dreg:$0xd];
	s17 =	sadd.s32 s3, s11;
	s18 =	sand.u32 $0x1FFFFFF0, s12  }
0xa9: {  	[tilespmem:s14], [sflag:$0x1] =	stream.linear.gather [hbm4b:s9+s2], $0x80, $0x38;
	[tilespmem:$0x10600] =	vst v63  }
0xaa: {  	s25 =	spop (v2sf);
	s11 =	rddreg [dreg:$0xb];
	s28 =	sadd.s32 s4, s18  }
0xab: {  	[tilespmem:s26], [sflag:$0x1] =	stream.linear.gather [hbm4b:s17+s2], $0x80, $0x38;
	[tilespmem:$0x10600] =	vst v63  }
0xac: {  	s29 =	sand.u32 $0x1FFFFFF0, s25;
	s18 =	rddreg [dreg:$0x5];
	s30 =	spop (v2sf)  }
0xad: {  	[tilespmem:s31], [sflag:$0x1] =	stream.linear.gather [hbm4b:s28+s2], $0x80, $0x38;
	[tilespmem:$0x10600] =	vst v63  }
0xae: {  	s7 =	sadd.s32 s3, s29;
	s8 =	sand.u32 $0x1FFFFFF0, s30;
	s9 =	spop (v2sf)  }
0xaf: {  	[tilespmem:s11], [sflag:$0x1] =	stream.linear.gather [hbm4b:s7+s2], $0x80, $0x38;
	[tilespmem:$0x10600] =	vst v63  }
0xb0: {  	s29 =	rddreg [dreg:$0xf];
	s12 =	sadd.s32 s4, s8;
	s14 =	sand.u32 $0x1FFFFFF0, s9  }
0xb1: {  	(v2sf) =	vpush v2, $0xD;
	[tilespmem:s18], [sflag:$0x1] =	stream.linear.gather [hbm4b:s12+s2], $0x80, $0x38;
	[tilespmem:$0x10600] =	vst v63  }
.Ltmp0:
0xb2: {  	(v2sf) =	vpush v63, $0xD;
	s17 =	spop (v2sf);
	s25 =	sadd.s32 s3, s14;
	(pc) =	sbr.rel @p0 .LBB2_2-.Ltmp0, $4  }
0xb3: {  	(v2sf) =	vpush v2, $0xE;
	s26 =	sand.u32 $0x1FFFFFF0, s17;
	s28 =	spop (v2sf);
	s31 =	rddreg [dreg:$0x7]  }
0xb4: {  	(v2sf) =	vpush v63, $0xE;
	[tilespmem:s29], [sflag:$0x1] =	stream.linear.gather [hbm4b:s25+s2], $0x80, $0x38;
	[tilespmem:$0x10600] =	vst v63  }
0xb5: {  	(v2sf) =	vpush v2, $0xF;
	s30 =	sadd.s32 s4, s26;
	s0 =	sand.u32 $0x1FFFFFF0, s28;
	s1 =	spop (v2sf)  }
0xb6: {  	(v2sf) =	vpush v63, $0xF;
	[tilespmem:s31], [sflag:$0x1] =	stream.linear.gather [hbm4b:s30+s2], $0x80, $0x38;
	[tilespmem:$0x10600] =	vst v63  }
0xb7: {  	_ =	sdelay $0x4  }
0xb8: {  	s0 =	sadd.s32 s3, s0;
	s1 =	sand.u32 $0x1FFFFFF0, s1  }
0xb9: {  	[tilespmem:s24], [sflag:$0x1] =	stream.linear.gather [hbm4b:s0+s2], $0x80, $0x38;
	[tilespmem:$0x10600] =	vst v63  }
0xba: {  	s7 =	sadd.s32 s4, s1  }
0xbb: {  	[tilespmem:s19], [sflag:$0x1] =	stream.linear.gather [hbm4b:s7+s2], $0x80, $0x38;
	[tilespmem:$0x10600] =	vst v63  }
0xbc: {  	s5 =	spop (v2sf)  }
0xbd: {  	s8 =	sand.u32 $0x1FFFFFF0, s5;
	s9 =	spop (v2sf)  }
0xbe: {  	s11 =	sadd.s32 s3, s8;
	s12 =	sand.u32 $0x1FFFFFF0, s9;
	s14 =	spop (v2sf)  }
0xbf: {  	[tilespmem:s13], [sflag:$0x1] =	stream.linear.gather [hbm4b:s11+s2], $0x80, $0x38;
	[tilespmem:$0x10600] =	vst v63  }
0xc0: {  	s16 =	sadd.s32 s4, s12;
	s17 =	sand.u32 $0x1FFFFFF0, s14;
	s18 =	spop (v2sf)  }
0xc1: {  	[tilespmem:s10], [sflag:$0x1] =	stream.linear.gather [hbm4b:s16+s2], $0x80, $0x38;
	[tilespmem:$0x10600] =	vst v63  }
0xc2: {  	s19 =	sadd.s32 s3, s17;
	s20 =	sand.u32 $0x1FFFFFF0, s18;
	s21 =	spop (v2sf)  }
0xc3: {  	[tilespmem:s23], [sflag:$0x1] =	stream.linear.gather [hbm4b:s19+s2], $0x80, $0x38;
	[tilespmem:$0x10600] =	vst v63  }
0xc4: {  	s24 =	sadd.s32 s4, s20;
	s25 =	sand.u32 $0x1FFFFFF0, s21;
	s26 =	spop (v2sf)  }
0xc5: {  	[tilespmem:s22], [sflag:$0x1] =	stream.linear.gather [hbm4b:s24+s2], $0x80, $0x38;
	[tilespmem:$0x10600] =	vst v63  }
0xc6: {  	s28 =	sadd.s32 $0xB80, s15;
	s1 =	sadd.s32 s3, s25;
	s5 =	sand.u32 $0x1FFFFFF0, s26  }
0xc7: {  	[tilespmem:s28], [sflag:$0x1] =	stream.linear.gather [hbm4b:s1+s2], $0x80, $0x38;
	[tilespmem:$0x10600] =	vst v63  }
0xc8: {  	s29 =	sadd.s32 $0x8B80, s15;
	s31 =	simm.s32 $0x1;
	s30 =	sadd.s32 s4, s5  }
0xc9: {  	[tilespmem:s29], [sflag:$0x1] =	stream.linear.gather [hbm4b:s30+s2], $0x80, $0x38;
	[tilespmem:$0x10600] =	vst v63  }
0xca: {  	_ =	swait.ge [sflag:s31], $0x8000  }
0xcb: {  	[sflag:s31] =	ssyncset.done $0x0  }
0xcc: {  	[sflag:s31] =	ssyncadd.s32 $0xFFFF8000  }
0xcd: {  	_ =	swait.ge [sflag:s31], $0x8000  }
0xce: {  	s15 =	simm.s32 $0x0;
	s0 =	simm.s32 $0x400;
	[sflag:s31] =	ssyncset.done $0x0  }
0xcf: {  	s16 =	simm.s32 $0x10400;
	s1 =	simm.s32 $0x8400;
	[sflag:s31] =	ssyncadd.s32 $0xFFFF8000  }
.LBB2_4:
0xd0: {  	_ =	sdelay $0x1  }
0xd1: {  	v1 =	vmov s15  }
0xd2: {  	v1 =	vshll.u32 v1, $0x7  }
0xd3: {  	v1 =	vor.u32 v4, v1;
	_ =	sdelay $0x1  }
0xd4: {  	v2 =	vor.u32 $0x1, v1;
	_ =	sdelay $0x1  }
0xd5: {  	v3 =	vor.u32 $0x2, v1  }
0xd6: {  	v4 =	vld.idx.msk [tilespmem:v1+s0+$0x0], $0xffff  }
0xd7: {  	v6 =	vor.u32 $0x3, v1;
	v5 =	vld.idx.msk [tilespmem:v1+s1+$0x0], $0xffff  }
0xd8: {  	v7 =	vld.idx.msk [tilespmem:v2+s0+$0x0], $0xffff  }
0xd9: {  	v8 =	vor.u32 $0x4, v1;
	v2 =	vld.idx.msk [tilespmem:v2+s1+$0x0], $0xffff  }
0xda: {  	v9 =	vld.idx.msk [tilespmem:v3+s0+$0x0], $0xffff  }
0xdb: {  	v10 =	vor.u32 $0x5, v1;
	v3 =	vld.idx.msk [tilespmem:v3+s1+$0x0], $0xffff  }
0xdc: {  	v11 =	vld.idx.msk [tilespmem:v6+s0+$0x0], $0xffff  }
0xdd: {  	v12 =	vor.u32 $0x6, v1;
	v6 =	vld.idx.msk [tilespmem:v6+s1+$0x0], $0xffff  }
0xde: {  	v13 =	vld.idx.msk [tilespmem:v8+s0+$0x0], $0xffff  }
0xdf: {  	v14 =	vor.u32 $0x7, v1;
	v8 =	vld.idx.msk [tilespmem:v8+s1+$0x0], $0xffff  }
0xe0: {  	v16 =	vld.idx.msk [tilespmem:v10+s0+$0x0], $0xffff  }
0xe1: {  	v17 =	vor.u32 $0x8, v1;
	v10 =	vld.idx.msk [tilespmem:v10+s1+$0x0], $0xffff  }
0xe2: {  	v19 =	vld.idx.msk [tilespmem:v12+s0+$0x0], $0xffff;
	v15 =	vmul.f32 v5, v4  }
0xe3: {  	v20 =	vor.u32 $0x9, v1;
	v12 =	vld.idx.msk [tilespmem:v12+s1+$0x0], $0xffff;
	v4 =	vmul.f32 v4, v4;
	v5 =	vmul.f32 v5, v5  }
0xe4: {  	v22 =	vld.idx.msk [tilespmem:v14+s0+$0x0], $0xffff;
	v18 =	vmul.f32 v2, v7;
	v7 =	vmul.f32 v7, v7  }
0xe5: {  	v23 =	vor.u32 $0xA, v1;
	v14 =	vld.idx.msk [tilespmem:v14+s1+$0x0], $0xffff;
	v21 =	vmul.f32 v3, v9;
	v2 =	vmul.f32 v2, v2  }
0xe6: {  	v25 =	vld.idx.msk [tilespmem:v17+s0+$0x0], $0xffff;
	v9 =	vmul.f32 v9, v9;
	v3 =	vmul.f32 v3, v3  }
0xe7: {  	v27 =	vor.u32 $0xB, v1;
	v17 =	vld.idx.msk [tilespmem:v17+s1+$0x0], $0xffff;
	v24 =	vmul.f32 v6, v11;
	v11 =	vmul.f32 v11, v11  }
0xe8: {  	v28 =	vld.idx.msk [tilespmem:v20+s0+$0x0], $0xffff;
	v26 =	vmul.f32 v8, v13;
	v6 =	vmul.f32 v6, v6  }
0xe9: {  	v38 =	vor.u32 $0xC, v1;
	v20 =	vld.idx.msk [tilespmem:v20+s1+$0x0], $0xffff;
	v13 =	vmul.f32 v13, v13;
	v8 =	vmul.f32 v8, v8  }
0xea: {  	v51 =	vor.u32 $0xD, v1;
	v29 =	vld.idx.msk [tilespmem:v23+s0+$0x0], $0xffff;
	v39 =	vmul.f32 v10, v16;
	v16 =	vmul.f32 v16, v16  }
0xeb: {  	v56 =	vor.u32 $0xE, v1;
	v41 =	vld.idx.msk [tilespmem:v23+s1+$0x0], $0xffff;
	v40 =	vmul.f32 v10, v10;
	v52 =	vmul.f32 v12, v19  }
0xec: {  	v60 =	vor.u32 $0xF, v1;
	v53 =	vld.idx.msk [tilespmem:v27+s0+$0x0], $0xffff;
	v54 =	vmul.f32 v19, v19;
	v12 =	vmul.f32 v12, v12  }
0xed: {  	v43 =	vor.u32 $0x10, v1;
	v55 =	vld.idx.msk [tilespmem:v27+s1+$0x0], $0xffff;
	v57 =	vmul.f32 v14, v22;
	v58 =	vmul.f32 v22, v22  }
0xee: {  	v31 =	vor.u32 $0x11, v1;
	v59 =	vld.idx.msk [tilespmem:v38+s1+$0x0], $0xffff;
	v14 =	vmul.f32 v14, v14;
	v42 =	vmul.f32 v17, v25  }
0xef: {  	v63 =	vor.u32 $0x12, v1;
	v62 =	vld.idx.msk [tilespmem:v51+s0+$0x0], $0xffff;
	v44 =	vmul.f32 v25, v25;
	v17 =	vmul.f32 v17, v17  }
0xf0: {  	v33 =	vor.u32 $0x17, v1;
	v23 =	vld.idx.msk [tilespmem:v51+s1+$0x0], $0xffff;
	v46 =	vmul.f32 v20, v28;
	v47 =	vmul.f32 v28, v28  }
0xf1: {  	v45 =	vld.idx.msk [tilespmem:v56+s0+$0x0], $0xffff;
	v51 =	vor.u32 $0x14, v1;
	v49 =	vmul.f32 v20, v20;
	v36 =	vmul.f32 v41, v29  }
0xf2: {  	v30 =	vld.idx.msk [tilespmem:v38+s0+$0x0], $0xffff;
	v37 =	vmul.f32 v29, v29;
	v15 =	vadd.f32 $0.0e+00, v15;
	v18 =	vadd.f32 $0.0e+00, v18  }
0xf3: {  	v27 =	vld.idx.msk [tilespmem:v56+s1+$0x0], $0xffff;
	v10 =	vmul.f32 v41, v41;
	v21 =	vadd.f32 $0.0e+00, v21;
	v24 =	vadd.f32 $0.0e+00, v24  }
0xf4: {  	v48 =	vld.idx.msk [tilespmem:v60+s0+$0x0], $0xffff;
	v56 =	vmul.f32 v59, v59;
	v4 =	vadd.f32 v13, v4;
	v5 =	vadd.f32 v8, v5  }
0xf5: {  	v50 =	vld.idx.msk [tilespmem:v60+s1+$0x0], $0xffff;
	v60 =	vmul.f32 v62, v62;
	v7 =	vadd.f32 v16, v7;
	v2 =	vadd.f32 v40, v2  }
0xf6: {  	v35 =	vmul.f32 v45, v45;
	v8 =	vadd.f32 v54, v9;
	v3 =	vadd.f32 v12, v3  }
0xf7: {  	v9 =	vadd.f32 v58, v11;
	v6 =	vadd.f32 v14, v6;
	v40 =	vmul.f32 v55, v53  }
0xf8: {  	v32 =	vld.idx.msk [tilespmem:v63+s0+$0x0], $0xffff;
	v54 =	vmul.f32 v30, v30;
	v15 =	vadd.f32 v26, v15;
	v13 =	vadd.f32 v39, v18  }
0xf9: {  	v26 =	vld.idx.msk [tilespmem:v63+s1+$0x0], $0xffff;
	v63 =	vmul.f32 v27, v45;
	v16 =	vadd.f32 v52, v21;
	v61 =	vadd.f32 v57, v24  }
0xfa: {  	v38 =	vld.idx.msk [tilespmem:v43+s0+$0x0], $0xffff;
	v45 =	vmul.f32 v50, v48;
	v4 =	vadd.f32 v44, v4;
	v5 =	vadd.f32 v17, v5  }
0xfb: {  	v41 =	vld.idx.msk [tilespmem:v31+s0+$0x0], $0xffff;
	v7 =	vadd.f32 v47, v7;
	v2 =	vadd.f32 v49, v2;
	v39 =	vor.u32 $0x13, v1  }
0xfc: {  	v8 =	vadd.f32 v37, v8;
	v3 =	vadd.f32 v10, v3;
	v57 =	vmul.f32 v23, v62;
	v62 =	vld.idx.msk [tilespmem:v51+s0+$0x0], $0xffff  }
0xfd: {  	v52 =	vmul.f32 v55, v55;
	v55 =	vor.u32 $0x15, v1;
	v11 =	vadd.f32 v42, v15;
	v15 =	vld.idx.msk [tilespmem:v43+s1+$0x0], $0xffff  }
0xfe: {  	v44 =	vor.u32 $0x18, v1;
	v17 =	vmul.f32 v48, v48;
	v47 =	vmul.f32 v50, v50;
	v43 =	vld.idx.msk [tilespmem:v31+s1+$0x0], $0xffff  }
0xff: {  	v42 =	vmul.f32 v53, v53;
	v53 =	vmul.f32 v59, v30;
	v31 =	vld.idx.msk [tilespmem:v51+s1+$0x0], $0xffff;
	v13 =	vadd.f32 v46, v13  }
0x100: {  	v49 =	vor.u32 $0x19, v1;
	v51 =	vld.idx.msk [tilespmem:v33+s0+$0x0], $0xffff;
	v14 =	vadd.f32 v36, v16;
	v12 =	vadd.f32 v40, v61  }
0x101: {  	v59 =	vor.u32 $0x16, v1;
	v6 =	vadd.f32 v52, v6;
	v11 =	vadd.f32 v53, v11;
	v53 =	vld.idx.msk [tilespmem:v33+s1+$0x0], $0xffff  }
0x102: {  	v4 =	vadd.f32 v54, v4;
	v5 =	vadd.f32 v56, v5;
	v61 =	vmul.f32 v23, v23;
	v19 =	vld.idx.msk [tilespmem:v39+s0+$0x0], $0xffff  }
0x103: {  	v7 =	vadd.f32 v60, v7;
	v36 =	vmul.f32 v27, v27;
	v8 =	vadd.f32 v35, v8;
	v58 =	vld.idx.msk [tilespmem:v39+s1+$0x0], $0xffff  }
0x104: {  	v52 =	vmul.f32 v38, v38;
	v9 =	vadd.f32 v42, v9;
	v10 =	vadd.f32 v57, v13;
	v21 =	vld.idx.msk [tilespmem:v55+s0+$0x0], $0xffff  }
0x105: {  	v40 =	vmul.f32 v41, v41;
	v2 =	vadd.f32 v61, v2;
	v13 =	vadd.f32 v63, v14;
	v37 =	vld.idx.msk [tilespmem:v55+s1+$0x0], $0xffff  }
0x106: {  	v54 =	vor.u32 $0x1C, v1;
	v3 =	vadd.f32 v36, v3;
	v12 =	vadd.f32 v45, v12;
	v34 =	vld.idx.msk [tilespmem:v44+s0+$0x0], $0xffff  }
0x107: {  	v35 =	vor.u32 $0x1D, v1;
	v6 =	vadd.f32 v47, v6;
	v4 =	vadd.f32 v52, v4;
	v27 =	vld.idx.msk [tilespmem:v44+s1+$0x0], $0xffff  }
0x108: {  	v7 =	vadd.f32 v40, v7;
	v47 =	vor.u32 $0x22, v1;
	v52 =	vor.u32 $0x24, v1;
	v16 =	vld.idx.msk [tilespmem:v49+s0+$0x0], $0xffff  }
0x109: {  	v9 =	vadd.f32 v17, v9;
	v44 =	vld.idx.msk [tilespmem:v49+s1+$0x0], $0xffff;
	v55 =	vmul.f32 v32, v32;
	v23 =	vmul.f32 v62, v62  }
0x10a: {  	v46 =	vld.idx.msk [tilespmem:v59+s0+$0x0], $0xffff;
	v50 =	vmul.f32 v15, v38;
	v38 =	vor.u32 $0x1A, v1;
	v15 =	vmul.f32 v15, v15  }
0x10b: {  	v48 =	vld.idx.msk [tilespmem:v59+s1+$0x0], $0xffff;
	v39 =	vmul.f32 v43, v41;
	v41 =	vor.u32 $0x1B, v1;
	v42 =	vmul.f32 v43, v43  }
0x10c: {  	v43 =	vmul.f32 v26, v32;
	v26 =	vmul.f32 v26, v26;
	v59 =	vor.u32 $0x1E, v1;
	v28 =	vld.idx.msk [tilespmem:v54+s0+$0x0], $0xffff  }
0x10d: {  	v61 =	vmul.f32 v31, v31;
	v8 =	vadd.f32 v55, v8;
	v24 =	vld.idx.msk [tilespmem:v54+s1+$0x0], $0xffff;
	v5 =	vadd.f32 v15, v5  }
0x10e: {  	v60 =	vmul.f32 v31, v62;
	v63 =	vadd.f32 v23, v4;
	v23 =	vld.idx.msk [tilespmem:v35+s0+$0x0], $0xffff;
	v11 =	vadd.f32 v50, v11  }
0x10f: {  	v4 =	vmul.f32 v37, v21;
	v14 =	vadd.f32 v61, v5;
	v5 =	vmul.f32 v21, v21;
	v21 =	vld.idx.msk [tilespmem:v35+s1+$0x0], $0xffff  }
0x110: {  	v62 =	vor.u32 $0x1F, v1;
	v10 =	vadd.f32 v39, v10;
	v2 =	vadd.f32 v42, v2;
	v32 =	vld.idx.msk [tilespmem:v38+s0+$0x0], $0xffff  }
0x111: {  	v55 =	vor.u32 $0x25, v1;
	v13 =	vadd.f32 v43, v13;
	v3 =	vadd.f32 v26, v3;
	v33 =	vld.idx.msk [tilespmem:v38+s1+$0x0], $0xffff  }
0x112: {  	v50 =	vor.u32 $0x23, v1;
	v56 =	vmul.f32 v58, v19;
	v57 =	vmul.f32 v19, v19;
	v19 =	vld.idx.msk [tilespmem:v41+s0+$0x0], $0xffff  }
0x113: {  	v58 =	vmul.f32 v58, v58;
	v11 =	vadd.f32 v60, v11;
	v49 =	vmul.f32 v27, v34;
	v22 =	vld.idx.msk [tilespmem:v41+s1+$0x0], $0xffff  }
0x114: {  	v54 =	vmul.f32 v44, v44;
	v41 =	vor.u32 $0x20, v1;
	v42 =	vmul.f32 v48, v46;
	v36 =	vld.idx.msk [tilespmem:v59+s0+$0x0], $0xffff  }
0x115: {  	v26 =	vld.idx.msk [tilespmem:v59+s1+$0x0], $0xffff;
	v45 =	vmul.f32 v48, v48;
	v48 =	vmul.f32 v53, v53;
	v12 =	vadd.f32 v56, v12  }
0x116: {  	v25 =	vld.idx.msk [tilespmem:v62+s0+$0x0], $0xffff;
	v59 =	vor.u32 $0x26, v1;
	v9 =	vadd.f32 v57, v9;
	v10 =	vadd.f32 v4, v10  }
0x117: {  	v31 =	vld.idx.msk [tilespmem:v62+s1+$0x0], $0xffff;
	v4 =	vmul.f32 v37, v37;
	v37 =	vadd.f32 v5, v7;
	v5 =	vmul.f32 v46, v46  }
0x118: {  	v6 =	vadd.f32 v58, v6;
	v7 =	vor.u32 $0x21, v1;
	v29 =	vadd.f32 v49, v11;
	v11 =	vld.idx.msk [tilespmem:v55+s0+$0x0], $0xffff  }
0x119: {  	v49 =	vor.u32 $0x28, v1;
	v13 =	vadd.f32 v42, v13;
	v46 =	vadd.f32 v5, v8;
	v8 =	vld.idx.msk [tilespmem:v50+s1+$0x0], $0xffff  }
0x11a: {  	v38 =	vadd.f32 v45, v3;
	v43 =	vadd.f32 v4, v2;
	v4 =	vmul.f32 v53, v51;
	v0 =	vld.idx.msk [tilespmem:v41+s0+$0x0], $0xffff  }
0x11b: {  	v5 =	vmul.f32 v51, v51;
	v17 =	vadd.f32 v48, v6;
	v51 =	vmul.f32 v27, v27;
	v2 =	vld.idx.msk [tilespmem:v41+s1+$0x0], $0xffff  }
0x11c: {  	v53 =	vmul.f32 v44, v16;
	v16 =	vmul.f32 v16, v16;
	v12 =	vadd.f32 v4, v12;
	v4 =	vld.idx.msk [tilespmem:v47+s0+$0x0], $0xffff  }
0x11d: {  	v48 =	vmul.f32 v24, v28;
	v24 =	vmul.f32 v24, v24;
	v39 =	vadd.f32 v5, v9;
	v9 =	vld.idx.msk [tilespmem:v52+s0+$0x0], $0xffff  }
0x11e: {  	v5 =	vmul.f32 v34, v34;
	v34 =	vadd.f32 v51, v14;
	v56 =	vadd.f32 v53, v10;
	v10 =	vld.idx.msk [tilespmem:v52+s1+$0x0], $0xffff  }
0x11f: {  	v44 =	vadd.f32 v16, v37;
	v62 =	vmul.f32 v22, v19;
	v45 =	vmul.f32 v19, v19;
	v19 =	vld.idx.msk [tilespmem:v59+s1+$0x0], $0xffff  }
0x120: {  	v57 =	vmul.f32 v33, v32;
	v30 =	vadd.f32 v54, v43;
	v58 =	vmul.f32 v32, v32;
	v3 =	vld.idx.msk [tilespmem:v7+s0+$0x0], $0xffff  }
0x121: {  	v61 =	vmul.f32 v33, v33;
	v51 =	vadd.f32 v48, v29;
	v52 =	vmul.f32 v21, v23;
	v6 =	vld.idx.msk [tilespmem:v7+s1+$0x0], $0xffff  }
0x122: {  	v53 =	vor.u32 $0x29, v1;
	v23 =	vmul.f32 v23, v23;
	v21 =	vmul.f32 v21, v21;
	v7 =	vld.idx.msk [tilespmem:v50+s0+$0x0], $0xffff  }
0x123: {  	v50 =	vmul.f32 v28, v28;
	v18 =	vld.idx.msk [tilespmem:v49+s0+$0x0], $0xffff;
	v15 =	vadd.f32 v5, v63;
	v60 =	vadd.f32 v57, v13  }
0x124: {  	v20 =	vld.idx.msk [tilespmem:v49+s1+$0x0], $0xffff;
	v63 =	vadd.f32 v58, v46;
	v46 =	vor.u32 $0x27, v1;
	v38 =	vadd.f32 v61, v38  }
0x125: {  	v5 =	vld.idx.msk [tilespmem:v47+s1+$0x0], $0xffff;
	v33 =	vadd.f32 v62, v12;
	v47 =	vmul.f32 v22, v22;
	v39 =	vadd.f32 v45, v39  }
0x126: {  	v12 =	vld.idx.msk [tilespmem:v55+s1+$0x0], $0xffff;
	v34 =	vadd.f32 v24, v34;
	v55 =	vadd.f32 v52, v56;
	v56 =	vor.u32 $0x2A, v1  }
0x127: {  	v13 =	vld.idx.msk [tilespmem:v59+s0+$0x0], $0xffff;
	v41 =	vadd.f32 v23, v44;
	v57 =	vmul.f32 v26, v36;
	v36 =	vmul.f32 v36, v36  }
0x128: {  	[tilespmem:$0x1FFC0] =	vst v11;
	v42 =	vadd.f32 v21, v30;
	v26 =	vmul.f32 v26, v26;
	v58 =	vor.u32 $0x2B, v1;
	v21 =	vld.idx.msk [tilespmem:v53+s0+$0x0], $0xffff  }
0x129: {  	v61 =	vmul.f32 v31, v25;
	v25 =	vmul.f32 v25, v25;
	v40 =	vadd.f32 v47, v17;
	v22 =	vld.idx.msk [tilespmem:v53+s1+$0x0], $0xffff  }
0x12a: {  	[tilespmem:$0x1FF30] =	vst v51;
	v51 =	vor.u32 $0x2D, v1;
	v54 =	vadd.f32 v50, v15;
	v59 =	vadd.f32 v57, v60;
	v14 =	vld.idx.msk [tilespmem:v46+s0+$0x0], $0xffff  }
0x12b: {  	v44 =	vor.u32 $0x2E, v1;
	[tilespmem:$0x1FF40] =	vst v55;
	v60 =	vadd.f32 v36, v63;
	v62 =	vadd.f32 v26, v38;
	v24 =	vld.idx.msk [tilespmem:v46+s1+$0x0], $0xffff  }
0x12c: {  	v63 =	vor.u32 $0x2C, v1;
	v47 =	vmul.f32 v31, v31;
	v49 =	vadd.f32 v25, v39;
	[tilespmem:$0x1FEF0] =	vst v0;
	v23 =	vld.idx.msk [tilespmem:v56+s0+$0x0], $0xffff  }
0x12d: {  	v55 =	vor.u32 $0x2F, v1;
	[tilespmem:$0x1FF00] =	vst v2;
	v48 =	vmul.f32 v0, v0;
	v50 =	vmul.f32 v2, v2;
	v25 =	vld.idx.msk [tilespmem:v56+s1+$0x0], $0xffff  }
0x12e: {  	v17 =	vor.u32 $0x36, v1;
	v57 =	vmul.f32 v9, v9;
	[tilespmem:$0x1FF90] =	vst v59;
	v52 =	vmul.f32 v3, v3;
	v26 =	vld.idx.msk [tilespmem:v58+s0+$0x0], $0xffff  }
0x12f: {  	v40 =	vadd.f32 v47, v40;
	v53 =	vmul.f32 v6, v6;
	v59 =	vmul.f32 v10, v10;
	v28 =	vld.idx.msk [tilespmem:v58+s1+$0x0], $0xffff  }
0x130: {  	v0 =	vmul.f32 v18, v18;
	v2 =	vmul.f32 v20, v20;
	v46 =	vadd.f32 v61, v33;
	v32 =	vld.idx.msk [tilespmem:v51+s0+$0x0], $0xffff  }
0x131: {  	v43 =	vadd.f32 v48, v54;
	v38 =	vadd.f32 v50, v34;
	v54 =	vmul.f32 v4, v4;
	v33 =	vld.idx.msk [tilespmem:v51+s1+$0x0], $0xffff  }
0x132: {  	[tilespmem:$0x1FF80] =	vst v8;
	v45 =	vmul.f32 v5, v5;
	v56 =	vmul.f32 v8, v8;
	v58 =	vor.u32 $0x30, v1;
	v34 =	vld.idx.msk [tilespmem:v44+s0+$0x0], $0xffff  }
0x133: {  	[tilespmem:$0x1FF50] =	vst v4;
	v48 =	vmul.f32 v11, v11;
	v35 =	vld.idx.msk [tilespmem:v44+s1+$0x0], $0xffff;
	v61 =	vmul.f32 v13, v13;
	v51 =	vor.u32 $0x32, v1  }
0x134: {  	[tilespmem:$0x1FFA0] =	vst v9;
	v11 =	vor.u32 $0x35, v1;
	v41 =	vadd.f32 v52, v41;
	v42 =	vadd.f32 v53, v42;
	v30 =	vld.idx.msk [tilespmem:v63+s0+$0x0], $0xffff  }
0x135: {  	v53 =	vor.u32 $0x33, v1;
	[tilespmem:$0x1FFE0] =	vst v46;
	v31 =	vld.idx.msk [tilespmem:v63+s1+$0x0], $0xffff;
	v47 =	vadd.f32 v54, v60;
	v45 =	vadd.f32 v45, v62  }
0x136: {  	v46 =	vmul.f32 v7, v7;
	v40 =	vadd.f32 v56, v40;
	v43 =	vadd.f32 v57, v43;
	v36 =	vld.idx.msk [tilespmem:v55+s0+$0x0], $0xffff  }
0x137: {  	[tilespmem:$0x1FFB0] =	vst v10;
	v60 =	vor.u32 $0x31, v1;
	v50 =	vadd.f32 v59, v38;
	v62 =	vmul.f32 v19, v19;
	v37 =	vld.idx.msk [tilespmem:v55+s1+$0x0], $0xffff  }
0x138: {  	[tilespmem:$0x1FFD0] =	vst v12;
	v55 =	vor.u32 $0x34, v1;
	v48 =	vadd.f32 v48, v41;
	v8 =	vmul.f32 v21, v21;
	v38 =	vld.idx.msk [tilespmem:v58+s0+$0x0], $0xffff  }
0x139: {  	v9 =	vmul.f32 v22, v22;
	v46 =	vadd.f32 v46, v49;
	v47 =	vadd.f32 v61, v47;
	v39 =	vld.idx.msk [tilespmem:v58+s1+$0x0], $0xffff  }
0x13a: {  	v49 =	vmul.f32 v12, v12;
	v45 =	vadd.f32 v62, v45;
	v54 =	vadd.f32 v0, v43;
	v43 =	vld.idx.msk [tilespmem:v51+s1+$0x0], $0xffff  }
0x13b: {  	v50 =	vadd.f32 v2, v50;
	v63 =	vmul.f32 v14, v14;
	v57 =	vadd.f32 v8, v48;
	v48 =	vld.idx.msk [tilespmem:v11+s0+$0x0], $0xffff  }
0x13c: {  	v52 =	vmul.f32 v24, v24;
	v56 =	vmul.f32 v23, v23;
	v49 =	vadd.f32 v49, v42;
	v42 =	vld.idx.msk [tilespmem:v51+s0+$0x0], $0xffff  }
0x13d: {  	v27 =	vmovc v13;
	v0 =	vor.u32 $0x3D, v1;
	v10 =	vmul.f32 v25, v25;
	v15 =	vmul.f32 v26, v26;
	v44 =	vld.idx.msk [tilespmem:v53+s0+$0x0], $0xffff  }
0x13e: {  	v29 =	vmovc v14;
	v16 =	vmul.f32 v28, v28;
	v13 =	vmul.f32 v32, v32;
	v14 =	vor.u32 $0x37, v1;
	v51 =	vld.idx.msk [tilespmem:v17+s1+$0x0], $0xffff  }
0x13f: {  	v2 =	vmul.f32 v33, v33;
	v46 =	vadd.f32 v63, v46;
	v52 =	vadd.f32 v52, v40;
	v40 =	vld.idx.msk [tilespmem:v60+s0+$0x0], $0xffff  }
0x140: {  	v8 =	vmul.f32 v34, v34;
	v41 =	vld.idx.msk [tilespmem:v60+s1+$0x0], $0xffff;
	v56 =	vadd.f32 v56, v47;
	v59 =	vadd.f32 v10, v45  }
0x141: {  	v45 =	vld.idx.msk [tilespmem:v53+s1+$0x0], $0xffff;
	v12 =	vmul.f32 v30, v30;
	v61 =	vmul.f32 v31, v31;
	v57 =	vadd.f32 v13, v57  }
0x142: {  	[tilespmem:$0x1FF10] =	vst v3;
	v47 =	vld.idx.msk [tilespmem:v55+s1+$0x0], $0xffff;
	v63 =	vor.u32 $0x38, v1;
	v10 =	vmul.f32 v36, v36;
	v58 =	vadd.f32 v9, v49  }
0x143: {  	v49 =	vld.idx.msk [tilespmem:v11+s1+$0x0], $0xffff;
	v9 =	vmul.f32 v35, v35;
	v60 =	vadd.f32 v15, v46;
	v62 =	vadd.f32 v16, v52  }
0x144: {  	v11 =	vmul.f32 v37, v37;
	v46 =	vld.idx.msk [tilespmem:v55+s0+$0x0], $0xffff;
	v54 =	vadd.f32 v12, v54;
	v61 =	vadd.f32 v61, v50  }
0x145: {  	[tilespmem:$0x1FF20] =	vst v6;
	v50 =	vld.idx.msk [tilespmem:v17+s0+$0x0], $0xffff;
	v4 =	vadd.f32 v8, v56;
	v52 =	vor.u32 $0x39, v1;
	v58 =	vadd.f32 v2, v58  }
0x146: {  	v59 =	vadd.f32 v9, v59;
	v12 =	vmul.f32 v38, v38;
	v17 =	vld.idx.msk [tilespmem:v14+s0+$0x0], $0xffff;
	v13 =	vmul.f32 v39, v39  }
0x147: {  	[tilespmem:$0x1FF60] =	vst v5;
	v53 =	vld.idx.msk [tilespmem:v14+s1+$0x0], $0xffff;
	v14 =	vor.u32 $0x3A, v1;
	v2 =	vor.u32 $0x3B, v1;
	v5 =	vadd.f32 v10, v60  }
0x148: {  	v62 =	vadd.f32 v11, v62;
	v11 =	vmul.f32 v42, v42;
	v60 =	vadd.f32 v12, v54;
	v54 =	vld.idx.msk [tilespmem:v63+s0+$0x0], $0xffff  }
0x149: {  	v10 =	vmul.f32 v40, v40;
	v3 =	vmul.f32 v41, v41;
	v61 =	vadd.f32 v13, v61;
	v55 =	vld.idx.msk [tilespmem:v63+s1+$0x0], $0xffff  }
0x14a: {  	[tilespmem:$0x1FF70] =	vst v7;
	v12 =	vmul.f32 v43, v43;
	v13 =	vmul.f32 v44, v44;
	v63 =	vor.u32 $0x3C, v1;
	v16 =	vld.idx.msk [tilespmem:v52+s0+$0x0], $0xffff  }
0x14b: {  	v8 =	vadd.f32 v11, v4;
	v11 =	vmul.f32 v48, v48;
	v56 =	vadd.f32 v10, v57;
	v57 =	vld.idx.msk [tilespmem:v52+s1+$0x0], $0xffff  }
0x14c: {  	v7 =	vadd.f32 v3, v58;
	v59 =	vadd.f32 v12, v59;
	v3 =	vmul.f32 v45, v45;
	v58 =	vld.idx.msk [tilespmem:v14+s0+$0x0], $0xffff  }
0x14d: {  	v4 =	vmul.f32 v46, v46;
	v5 =	vadd.f32 v13, v5;
	v15 =	vld.idx.msk [tilespmem:v14+s1+$0x0], $0xffff;
	v14 =	vmul.f32 v47, v47  }
0x14e: {  	v10 =	vmul.f32 v49, v49;
	v12 =	vmul.f32 v17, v17;
	v6 =	vadd.f32 v3, v62;
	v62 =	vld.idx.msk [tilespmem:v2+s0+$0x0], $0xffff  }
0x14f: {  	v9 =	vadd.f32 v4, v60;
	v52 =	vadd.f32 v14, v61;
	v14 =	vld.idx.msk [tilespmem:v2+s1+$0x0], $0xffff;
	v2 =	vor.u32 $0x3E, v1  }
0x150: {  	v56 =	vadd.f32 v11, v56;
	v11 =	vmul.f32 v50, v50;
	v3 =	vmul.f32 v51, v51;
	v13 =	vld.idx.msk [tilespmem:v63+s0+$0x0], $0xffff  }
0x151: {  	v7 =	vadd.f32 v10, v7;
	v61 =	vld.idx.msk [tilespmem:v63+s1+$0x0], $0xffff;
	v1 =	vor.u32 $0x3F, v1;
	v63 =	vmul.f32 v54, v54  }
0x152: {  	v60 =	vld.idx.msk [tilespmem:v0+s0+$0x0], $0xffff;
	v10 =	vadd.f32 v12, v5;
	v4 =	vadd.f32 v3, v59;
	v59 =	vmul.f32 v53, v53  }
0x153: {  	v12 =	vld.idx.msk [tilespmem:v0+s1+$0x0], $0xffff;
	v8 =	vadd.f32 v11, v8;
	v3 =	vmul.f32 v57, v57;
	v9 =	vadd.f32 v63, v9  }
0x154: {  	v6 =	vadd.f32 v59, v6;
	v59 =	vmul.f32 v16, v16;
	v63 =	vmul.f32 v58, v58;
	v11 =	vld.idx.msk [tilespmem:v2+s0+$0x0], $0xffff  }
0x155: {  	v0 =	vmul.f32 v55, v55;
	v3 =	vadd.f32 v3, v7;
	v7 =	vmul.f32 v15, v15;
	v2 =	vld.idx.msk [tilespmem:v2+s1+$0x0], $0xffff  }
0x156: {  	v56 =	vadd.f32 v59, v56;
	v59 =	vld.idx.msk [tilespmem:v1+s0+$0x0], $0xffff;
	v8 =	vadd.f32 v63, v8;
	v63 =	vmul.f32 v14, v14  }
0x157: {  	v5 =	vadd.f32 v0, v52;
	v52 =	vmul.f32 v62, v62;
	v1 =	vld.idx.msk [tilespmem:v1+s1+$0x0], $0xffff;
	v0 =	vmul.f32 v61, v61  }
0x158: {  	v4 =	vadd.f32 v7, v4;
	v7 =	vmul.f32 v13, v13;
	v6 =	vadd.f32 v63, v6  }
0x159: {  	v63 =	vmul.f32 v60, v60;
	v0 =	vadd.f32 v0, v5;
	v5 =	vmul.f32 v12, v12  }
0x15a: {  	v10 =	vadd.f32 v52, v10;
	v7 =	vadd.f32 v7, v9;
	v52 =	vmul.f32 v11, v11  }
0x15b: {  	v9 =	vadd.f32 v63, v56;
	v3 =	vadd.f32 v5, v3;
	v56 =	vmul.f32 v59, v59  }
0x15c: {  	v5 =	vmul.f32 v2, v2;
	v63 =	vmul.f32 v1, v1;
	v8 =	vadd.f32 v52, v8;
	v52 =	vld [tilespmem:$0x1FEF0]  }
0x15d: {  	v10 =	vadd.f32 v56, v10;
	v56 =	vld [tilespmem:$0x1FF00]  }
0x15e: {  	v4 =	vadd.f32 v5, v4;
	v5 =	vadd.f32 v63, v6;
	v6 =	vld [tilespmem:$0x1FF10]  }
0x15f: {  	v63 =	vld [tilespmem:$0x1FF20]  }
0x160: {  	v0 =	vadd.f32 v3, v0;
	v3 =	vadd.f32 v5, v4;
	v4 =	vld [tilespmem:$0x1FF30]  }
0x161: {  	v5 =	vld [tilespmem:$0x1FF40];
	_ =	sdelay $0x1  }
0x162: {  	v52 =	vmul.f32 v56, v52;
	v56 =	vld [tilespmem:$0x1FF60]  }
0x163: {  	v6 =	vmul.f32 v63, v6;
	v63 =	vld [tilespmem:$0x1FF70]  }
0x164: {  	v4 =	vadd.f32 v52, v4;
	v52 =	vld [tilespmem:$0x1FF80]  }
0x165: {  	v5 =	vadd.f32 v6, v5;
	v6 =	vld [tilespmem:$0x1FF50];
	_ =	sdelay $0x1  }
0x166: {  	v0 =	vadd.f32 v3, v0;
	v3 =	vld [tilespmem:$0x1FF90];
	_ =	sdelay $0x1  }
0x167: {  	v7 =	vadd.f32 v9, v7;
	v8 =	vadd.f32 v10, v8;
	v9 =	vmul.f32 v52, v63;
	v63 =	vld [tilespmem:$0x1FFC0]  }
0x168: {  	v6 =	vmul.f32 v56, v6;
	v52 =	vld [tilespmem:$0x1FFD0]  }
0x169: {  	v7 =	vadd.f32 v8, v7;
	v56 =	vld [tilespmem:$0x1FFB0]  }
0x16a: {  	v3 =	vadd.f32 v6, v3;
	v6 =	vld [tilespmem:$0x1FFA0]  }
0x16b: {  	v7 =	vmax.f32 v7, $9.999999960e-13;
	v0 =	vmax.f32 v0, $9.999999960e-13  }
0x16c: {  	v31 =	vmul.f32 v31, v30;
	v0 =	vmul.f32 v0, v7  }
0x16d: {  	v35 =	vmul.f32 v35, v34;
	v8 =	vmul.f32 v52, v63;
	v63 =	vld [tilespmem:$0x1FFE0]  }
0x16e: {  	v7 =	vmul.f32 v20, v18;
	v20 =	vshra.s32 v0, $0x1;
	v0 =	vmul.f32 $5.000000000e-01, v0  }
0x16f: {  	v6 =	vmul.f32 v56, v6;
	v56 =	vmul.f32 v19, v27  }
0x170: {  	v39 =	vmul.f32 v39, v38;
	v5 =	vadd.f32 v8, v5;
	v8 =	vsub.s32 $0x5F3759DF, v20  }
0x171: {  	v27 =	vmul.f32 v8, v0;
	v4 =	vadd.f32 v6, v4;
	v3 =	vadd.f32 v56, v3  }
0x172: {  	v6 =	vmul.f32 v24, v29;
	v24 =	vmul.f32 v22, v21;
	v9 =	vadd.f32 v9, v63  }
0x173: {  	v10 =	vmul.f32 v8, v27;
	v4 =	vadd.f32 v7, v4;
	v7 =	vmul.f32 v25, v23  }
0x174: {  	v29 =	vmul.f32 v28, v26;
	v5 =	vadd.f32 v24, v5;
	v6 =	vadd.f32 v6, v9  }
0x175: {  	v10 =	vsub.f32 $1.500000000e+00, v10;
	v3 =	vadd.f32 v7, v3;
	v7 =	vmul.f32 v33, v32  }
0x176: {  	v41 =	vmul.f32 v41, v40;
	v45 =	vmul.f32 v45, v44;
	v6 =	vadd.f32 v29, v6  }
0x177: {  	v8 =	vmul.f32 v8, v10;
	v5 =	vadd.f32 v7, v5;
	v7 =	vmul.f32 v37, v36  }
0x178: {  	v49 =	vmul.f32 v49, v48;
	v4 =	vadd.f32 v31, v4;
	v3 =	vadd.f32 v35, v3  }
0x179: {  	v10 =	vmul.f32 v8, v0;
	v6 =	vadd.f32 v7, v6;
	v7 =	vmul.f32 v43, v42  }
0x17a: {  	v58 =	vmul.f32 v15, v58;
	v14 =	vmul.f32 v14, v62;
	v4 =	vadd.f32 v39, v4  }
0x17b: {  	v10 =	vmul.f32 v10, v8;
	v3 =	vadd.f32 v7, v3;
	v7 =	vmul.f32 v47, v46  }
0x17c: {  	v52 =	vmul.f32 v51, v50;
	v5 =	vadd.f32 v41, v5;
	v6 =	vadd.f32 v45, v6  }
0x17d: {  	v10 =	vsub.f32 $1.500000000e+00, v10;
	v4 =	vadd.f32 v7, v4;
	v7 =	vmul.f32 v53, v17  }
0x17e: {  	v56 =	vmul.f32 v55, v54;
	v5 =	vadd.f32 v49, v5;
	v3 =	vadd.f32 v52, v3  }
0x17f: {  	v8 =	vmul.f32 v10, v8;
	v6 =	vadd.f32 v7, v6;
	v7 =	vmul.f32 v57, v16  }
0x180: {  	v2 =	vmul.f32 v2, v11;
	v4 =	vadd.f32 v56, v4;
	v3 =	vadd.f32 v58, v3  }
0x181: {  	v0 =	vmul.f32 v8, v0;
	v5 =	vadd.f32 v7, v5;
	v7 =	vmul.f32 v61, v13  }
0x182: {  	v1 =	vmul.f32 v1, v59;
	v63 =	vmul.f32 v12, v60;
	v6 =	vadd.f32 v14, v6  }
0x183: {  	v2 =	vadd.f32 v2, v3;
	v0 =	vmul.f32 v0, v8;
	v4 =	vadd.f32 v7, v4  }
0x184: {  	v5 =	vadd.f32 v63, v5;
	v1 =	vadd.f32 v1, v6  }
0x185: {  	v0 =	vsub.f32 $1.500000000e+00, v0  }
0x186: {  	v3 =	vadd.f32 v5, v4;
	v1 =	vadd.f32 v1, v2;
	_ =	sdelay $0x1  }
0x187: {  	v0 =	vmul.f32 v0, v8;
	v1 =	vadd.f32 v1, v3;
	_ =	sdelay $0x1  }
0x188: {  	v0 =	vmul.f32 v0, v1  }
0x189: {  	p0 =	sne.s32 s15, $0xF0  }
.Ltmp1:
0x18a: {  	v0 =	vadd.f32 $1.000000000e+00, v0;
	(pc) =	sbr.rel @p0 .LBB2_4-.Ltmp1, $3  }
0x18b: {  	_ = 	snop  }
0x18c: {  	v0 =	vmul.f32 $5.000000000e-01, v0;
	_ =	sdelay $0x1  }
0x18d: {  	s15 =	sadd.s32 $0x10, s15;
	v4 =	vld [tilespmem:$0x1FFF0];
	[tilespmem:s16+$0x0] =	vst v0;
	s16 =	sadd.s32 $0x10, s16  }
0x18e: {  	s0 =	simm.s32 $0x100  }
0x18f: {  	s25 =	simm.s32 $0x300;
	v0 =	vld [tilespmem:s0+$0x0]  }
0x190: {  	v1 =	vld [tilespmem:s25+$0x0];
	_ =	sdelay $0x3  }
0x191: {  	v2 =	vshll.u32 v0, $0x4  }
0x192: {  	v1 =	vshll.u32 v1, $0x4;
	(v2sf) =	vpush v2, $0x0  }
0x193: {  	(v2sf) =	vpush v1, $0x0  }
0x194: {  	(v2sf) =	vpush v2, $0x1;
	_ =	sdelay $0x1  }
0x195: {  	(v2sf) =	vpush v1, $0x1;
	_ =	sdelay $0x3  }
0x196: {  	(v2sf) =	vpush v2, $0x2;
	_ =	sdelay $0x1  }
0x197: {  	(v2sf) =	vpush v1, $0x2  }
0x198: {  	s16 =	simm.s32 $0x2000;
	(v2sf) =	vpush v2, $0x3  }
0x199: {  	s15 =	simm.s32 $0x0;
	s6 =	simm.s32 $0x8400;
	s5 =	simm.s32 $0x680  }
0x19a: {  	s1 =	simm.s32 $0x880;
	s7 =	simm.s32 $0x400;
	s9 =	simm.s32 $0x600  }
0x19b: {  	s10 =	simm.s32 $0x580;
	s29 =	simm.s32 $0x480;
	s13 =	simm.s32 $0x500  }
0x19c: {  	s18 =	simm.s32 $0x8500;
	s23 =	simm.s32 $0x8600;
	s8 =	spop (v2sf);
	(v2sf) =	vpush v1, $0x3  }
0x19d: {  	s0 =	simm.s32 $0x8900;
	s8 =	sand.u32 $0x1FFFFFF0, s8;
	s11 =	spop (v2sf)  }
0x19e: {  	(v2sf) =	vpush v2, $0x4;
	s8 =	sadd.s32 s3, s8;
	s26 =	sand.u32 $0x1FFFFFF0, s11;
	s28 =	spop (v2sf)  }
0x19f: {  	(v2sf) =	vpush v1, $0x4;
	[tilespmem:s7], [sflag:$0x1] =	stream.linear.gather [hbm4b:s8+s2], $0x80, $0x38;
	[tilespmem:$0x10600] =	vst v63  }
0x1a0: {  	s8 =	sadd.s32 s4, s26;
	s11 =	sand.u32 $0x1FFFFFF0, s28;
	s12 =	spop (v2sf)  }
0x1a1: {  	(v2sf) =	vpush v2, $0x5;
	[tilespmem:s6], [sflag:$0x1] =	stream.linear.gather [hbm4b:s8+s2], $0x80, $0x38;
	[tilespmem:$0x10600] =	vst v63  }
0x1a2: {  	s7 =	simm.s32 $0x8580;
	s30 =	sadd.s32 s3, s11;
	s31 =	sand.u32 $0x1FFFFFF0, s12;
	(v2sf) =	vpush v1, $0x5  }
0x1a3: {  	[tilespmem:s29], [sflag:$0x1] =	stream.linear.gather [hbm4b:s30+s2], $0x80, $0x38;
	[tilespmem:$0x10600] =	vst v63  }
0x1a4: {  	s12 =	spop (v2sf);
	s8 =	simm.s32 $0x8480;
	s11 =	sadd.s32 s4, s31;
	(v2sf) =	vpush v2, $0x6  }
0x1a5: {  	[tilespmem:s8], [sflag:$0x1] =	stream.linear.gather [hbm4b:s11+s2], $0x80, $0x38;
	[tilespmem:$0x10600] =	vst v63  }
0x1a6: {  	s14 =	spop (v2sf);
	s31 =	simm.s32 $0x700;
	s8 =	sand.u32 $0x1FFFFFF0, s12  }
0x1a7: {  	s17 =	spop (v2sf);
	s11 =	sand.u32 $0x1FFFFFF0, s14;
	s8 =	sadd.s32 s3, s8  }
0x1a8: {  	(v2sf) =	vpush v1, $0x6;
	[tilespmem:s13], [sflag:$0x1] =	stream.linear.gather [hbm4b:s8+s2], $0x80, $0x38;
	[tilespmem:$0x10600] =	vst v63  }
0x1a9: {  	s20 =	sand.u32 $0x1FFFFFF0, s17;
	s29 =	simm.s32 $0x8680;
	s19 =	sadd.s32 s4, s11  }
0x1aa: {  	[tilespmem:s18], [sflag:$0x1] =	stream.linear.gather [hbm4b:s19+s2], $0x80, $0x38;
	[tilespmem:$0x10600] =	vst v63  }
0x1ab: {  	s22 =	sadd.s32 s3, s20;
	s20 =	simm.s32 $0x8700;
	s21 =	spop (v2sf)  }
0x1ac: {  	(v2sf) =	vpush v2, $0x7;
	[tilespmem:s10], [sflag:$0x1] =	stream.linear.gather [hbm4b:s22+s2], $0x80, $0x38;
	[tilespmem:$0x10600] =	vst v63  }
0x1ad: {  	s13 =	simm.s32 $0xA80;
	s6 =	sand.u32 $0x1FFFFFF0, s21;
	s24 =	spop (v2sf)  }
0x1ae: {  	s19 =	simm.s32 $0x8A00;
	(v2sf) =	vpush v1, $0x7;
	s6 =	sadd.s32 s4, s6;
	s25 =	spop (v2sf)  }
0x1af: {  	(v2sf) =	vpush v2, $0x8;
	[tilespmem:s7], [sflag:$0x1] =	stream.linear.gather [hbm4b:s6+s2], $0x80, $0x38;
	[tilespmem:$0x10600] =	vst v63  }
0x1b0: {  	s10 =	sand.u32 $0x1FFFFFF0, s24;
	s28 =	sand.u32 $0x1FFFFFF0, s25;
	s30 =	spop (v2sf)  }
0x1b1: {  	s26 =	sadd.s32 s3, s10;
	(v2sf) =	vpush v1, $0x8;
	s7 =	sadd.s32 s4, s28;
	s10 =	spop (v2sf)  }
0x1b2: {  	(v2sf) =	vpush v2, $0x9;
	[tilespmem:s9], [sflag:$0x1] =	stream.linear.gather [hbm4b:s26+s2], $0x80, $0x38;
	[tilespmem:$0x10600] =	vst v63  }
0x1b3: {  	s9 =	sand.u32 $0x1FFFFFF0, s30;
	s11 =	spop (v2sf);
	s26 =	simm.s32 $0x8780  }
0x1b4: {  	(v2sf) =	vpush v1, $0x9;
	[tilespmem:s23], [sflag:$0x1] =	stream.linear.gather [hbm4b:s7+s2], $0x80, $0x38;
	[tilespmem:$0x10600] =	vst v63  }
0x1b5: {  	s8 =	sadd.s32 s3, s9;
	s9 =	sand.u32 $0x1FFFFFF0, s10;
	s14 =	sand.u32 $0x1FFFFFF0, s11;
	(v2sf) =	vpush v2, $0xA  }
0x1b6: {  	[tilespmem:s5], [sflag:$0x1] =	stream.linear.gather [hbm4b:s8+s2], $0x80, $0x38;
	[tilespmem:$0x10600] =	vst v63  }
0x1b7: {  	s10 =	simm.s32 $0x8A80;
	s17 =	spop (v2sf);
	s12 =	sadd.s32 s4, s9;
	(v2sf) =	vpush v1, $0xA  }
0x1b8: {  	[tilespmem:s29], [sflag:$0x1] =	stream.linear.gather [hbm4b:s12+s2], $0x80, $0x38;
	[tilespmem:$0x10600] =	vst v63  }
0x1b9: {  	s11 =	simm.s32 $0x8880;
	s18 =	sadd.s32 s3, s14;
	s6 =	sand.u32 $0x1FFFFFF0, s17  }
0x1ba: {  	[tilespmem:s31], [sflag:$0x1] =	stream.linear.gather [hbm4b:s18+s2], $0x80, $0x38;
	[tilespmem:$0x10600] =	vst v63  }
0x1bb: {  	s23 =	simm.s32 $0x780;
	s6 =	sadd.s32 s4, s6;
	s21 =	spop (v2sf)  }
0x1bc: {  	[tilespmem:s20], [sflag:$0x1] =	stream.linear.gather [hbm4b:s6+s2], $0x80, $0x38;
	[tilespmem:$0x10600] =	vst v63  }
0x1bd: {  	s14 =	simm.s32 $0x900;
	(v2sf) =	vpush v2, $0xB;
	s8 =	sand.u32 $0x1FFFFFF0, s21;
	s22 =	spop (v2sf)  }
0x1be: {  	s5 =	simm.s32 $0x8980;
	s24 =	sadd.s32 s3, s8;
	s28 =	spop (v2sf)  }
0x1bf: {  	(v2sf) =	vpush v1, $0xB;
	[tilespmem:s23], [sflag:$0x1] =	stream.linear.gather [hbm4b:s24+s2], $0x80, $0x38;
	[tilespmem:$0x10600] =	vst v63  }
0x1c0: {  	s29 =	simm.s32 $0x800;
	s25 =	sand.u32 $0x1FFFFFF0, s22;
	s30 =	spop (v2sf)  }
0x1c1: {  	s8 =	sadd.s32 s4, s25;
	s7 =	sand.u32 $0x1FFFFFF0, s28;
	s31 =	spop (v2sf)  }
0x1c2: {  	(v2sf) =	vpush v2, $0xC;
	[tilespmem:s26], [sflag:$0x1] =	stream.linear.gather [hbm4b:s8+s2], $0x80, $0x38;
	[tilespmem:$0x10600] =	vst v63  }
0x1c3: {  	s7 =	sadd.s32 s3, s7;
	s8 =	sand.u32 $0x1FFFFFF0, s30;
	s12 =	spop (v2sf)  }
0x1c4: {  	(v2sf) =	vpush v1, $0xC;
	s9 =	sand.u32 $0x1FFFFFF0, s31;
	s26 =	simm.s32 $0x980;
	s17 =	spop (v2sf)  }
0x1c5: {  	[tilespmem:s29], [sflag:$0x1] =	stream.linear.gather [hbm4b:s7+s2], $0x80, $0x38;
	[tilespmem:$0x10600] =	vst v63  }
0x1c6: {  	s8 =	sadd.s32 s4, s8;
	s7 =	simm.s32 $0x8800;
	s18 =	spop (v2sf)  }
0x1c7: {  	[tilespmem:s7], [sflag:$0x1] =	stream.linear.gather [hbm4b:s8+s2], $0x80, $0x38;
	[tilespmem:$0x10600] =	vst v63  }
0x1c8: {  	s21 =	sand.u32 $0x1FFFFFF0, s18;
	s8 =	sadd.s32 s3, s9;
	s7 =	sand.u32 $0x1FFFFFF0, s12  }
0x1c9: {  	[tilespmem:s1], [sflag:$0x1] =	stream.linear.gather [hbm4b:s8+s2], $0x80, $0x38;
	[tilespmem:$0x10600] =	vst v63  }
0x1ca: {  	s23 =	sadd.s32 s4, s21;
	s7 =	sadd.s32 s4, s7;
	s8 =	sand.u32 $0x1FFFFFF0, s17  }
0x1cb: {  	[tilespmem:s11], [sflag:$0x1] =	stream.linear.gather [hbm4b:s7+s2], $0x80, $0x38;
	[tilespmem:$0x10600] =	vst v63  }
0x1cc: {  	s21 =	simm.s32 $0x310;
	s20 =	sadd.s32 s3, s8;
	s22 =	spop (v2sf)  }
0x1cd: {  	[tilespmem:s14], [sflag:$0x1] =	stream.linear.gather [hbm4b:s20+s2], $0x80, $0x38;
	[tilespmem:$0x10600] =	vst v63  }
0x1ce: {  	s20 =	simm.s32 $0x110;
	s24 =	sand.u32 $0x1FFFFFF0, s22;
	s25 =	spop (v2sf)  }
0x1cf: {  	(v2sf) =	vpush v2, $0xD;
	[tilespmem:s0], [sflag:$0x1] =	stream.linear.gather [hbm4b:s23+s2], $0x80, $0x38;
	[tilespmem:$0x10600] =	vst v63  }
0x1d0: {  	(v2sf) =	vpush v1, $0xD;
	s22 =	simm.s32 $0x8B00;
	s28 =	sadd.s32 s3, s24;
	s29 =	sand.u32 $0x1FFFFFF0, s25  }
0x1d1: {  	s24 =	simm.s32 $0xA00;
	(v2sf) =	vpush v2, $0xE;
	s23 =	simm.s32 $0xB00;
	s31 =	spop (v2sf)  }
0x1d2: {  	(v2sf) =	vpush v1, $0xE;
	[tilespmem:s26], [sflag:$0x1] =	stream.linear.gather [hbm4b:s28+s2], $0x80, $0x38;
	[tilespmem:$0x10600] =	vst v63  }
0x1d3: {  	s30 =	sadd.s32 s4, s29;
	(v2sf) =	vpush v2, $0xF;
	s0 =	sand.u32 $0x1FFFFFF0, s31;
	s1 =	spop (v2sf)  }
0x1d4: {  	(v2sf) =	vpush v1, $0xF;
	[tilespmem:s5], [sflag:$0x1] =	stream.linear.gather [hbm4b:s30+s2], $0x80, $0x38;
	[tilespmem:$0x10600] =	vst v63  }
.LBB2_6:
0x1d5: {  	_ =	sdelay $0x4  }
0x1d6: {  	s0 =	sadd.s32 s3, s0;
	s1 =	sand.u32 $0x1FFFFFF0, s1  }
0x1d7: {  	[tilespmem:s24], [sflag:$0x1] =	stream.linear.gather [hbm4b:s0+s2], $0x80, $0x38;
	[tilespmem:$0x10600] =	vst v63  }
0x1d8: {  	s25 =	sadd.s32 s4, s1  }
0x1d9: {  	[tilespmem:s19], [sflag:$0x1] =	stream.linear.gather [hbm4b:s25+s2], $0x80, $0x38;
	[tilespmem:$0x10600] =	vst v63  }
0x1da: {  	s5 =	spop (v2sf)  }
0x1db: {  	s26 =	sand.u32 $0x1FFFFFF0, s5;
	s28 =	spop (v2sf)  }
0x1dc: {  	s29 =	sadd.s32 s3, s26;
	s30 =	sand.u32 $0x1FFFFFF0, s28;
	s31 =	spop (v2sf)  }
0x1dd: {  	[tilespmem:s13], [sflag:$0x1] =	stream.linear.gather [hbm4b:s29+s2], $0x80, $0x38;
	[tilespmem:$0x10600] =	vst v63  }
0x1de: {  	s1 =	sadd.s32 s4, s30;
	s5 =	sand.u32 $0x1FFFFFF0, s31;
	s6 =	spop (v2sf)  }
0x1df: {  	[tilespmem:s10], [sflag:$0x1] =	stream.linear.gather [hbm4b:s1+s2], $0x80, $0x38;
	[tilespmem:$0x10600] =	vst v63  }
0x1e0: {  	s7 =	sadd.s32 s3, s5;
	s8 =	sand.u32 $0x1FFFFFF0, s6;
	s9 =	spop (v2sf)  }
0x1e1: {  	[tilespmem:s23], [sflag:$0x1] =	stream.linear.gather [hbm4b:s7+s2], $0x80, $0x38;
	[tilespmem:$0x10600] =	vst v63  }
0x1e2: {  	s10 =	sadd.s32 s4, s8;
	s11 =	sand.u32 $0x1FFFFFF0, s9;
	s12 =	spop (v2sf)  }
0x1e3: {  	[tilespmem:s22], [sflag:$0x1] =	stream.linear.gather [hbm4b:s10+s2], $0x80, $0x38;
	[tilespmem:$0x10600] =	vst v63  }
0x1e4: {  	s13 =	sadd.s32 $0xB80, s15;
	s1 =	sadd.s32 s3, s11;
	s5 =	sand.u32 $0x1FFFFFF0, s12  }
0x1e5: {  	[tilespmem:s13], [sflag:$0x1] =	stream.linear.gather [hbm4b:s1+s2], $0x80, $0x38;
	[tilespmem:$0x10600] =	vst v63  }
0x1e6: {  	s14 =	sadd.s32 $0x8B80, s15;
	s15 =	sadd.s32 s4, s5  }
0x1e7: {  	[tilespmem:s14], [sflag:$0x1] =	stream.linear.gather [hbm4b:s15+s2], $0x80, $0x38;
	[tilespmem:$0x10600] =	vst v63  }
0x1e8: {  	v0 =	vld [tilespmem:s20+$0x0]  }
0x1e9: {  	v1 =	vld [tilespmem:s21+$0x0];
	_ =	sdelay $0x3  }
0x1ea: {  	v2 =	vshll.u32 v0, $0x4  }
0x1eb: {  	s17 =	smov.u32 s16;
	v1 =	vshll.u32 v1, $0x4;
	(v2sf) =	vpush v2, $0x0  }
0x1ec: {  	s15 =	sshra.s32 s17, $0x2;
	(v2sf) =	vpush v1, $0x0  }
0x1ed: {  	p0 =	sne.s32 s16, $0x1E000;
	s16 =	sadd.s32 $0x2000, s16;
	s26 =	sadd.s32 $0x8400, s15;
	(v2sf) =	vpush v2, $0x1  }
0x1ee: {  	s0 =	sadd.s32 $0x680, s15;
	s18 =	sadd.s32 $0x880, s15;
	s29 =	sadd.s32 $0x400, s15  }
0x1ef: {  	s10 =	sadd.s32 $0x600, s15;
	s19 =	sadd.s32 $0x8900, s15;
	s12 =	sadd.s32 $0x580, s15;
	(v2sf) =	vpush v1, $0x1  }
0x1f0: {  	s11 =	sadd.s32 $0x8580, s15;
	s25 =	sadd.s32 $0x500, s15;
	s14 =	sadd.s32 $0x8600, s15  }
0x1f1: {  	s13 =	sadd.s32 $0xA80, s15;
	s28 =	sadd.s32 $0x8480, s15;
	s17 =	sadd.s32 $0x8500, s15;
	(v2sf) =	vpush v2, $0x2  }
0x1f2: {  	s9 =	sadd.s32 $0x8680, s15;
	s8 =	sadd.s32 $0x700, s15;
	[dreg:$0x16] =	wrdreg s0  }
0x1f3: {  	s22 =	sadd.s32 $0x8980, s15;
	s1 =	sadd.s32 $0x8A80, s15;
	[dreg:$0xa] =	wrdreg s18;
	(v2sf) =	vpush v1, $0x2  }
0x1f4: {  	s7 =	sadd.s32 $0x8700, s15;
	s23 =	sadd.s32 $0x8880, s15;
	[dreg:$0x6] =	wrdreg s19  }
0x1f5: {  	s24 =	sadd.s32 $0x900, s15;
	s6 =	sadd.s32 $0x780, s15;
	[dreg:$0x8] =	wrdreg s22;
	(v2sf) =	vpush v2, $0x3  }
0x1f6: {  	s30 =	sadd.s32 $0x8800, s15;
	s5 =	sadd.s32 $0x8780, s15;
	[dreg:$0xe] =	wrdreg s23  }
0x1f7: {  	s31 =	sadd.s32 $0x800, s15;
	s20 =	sadd.s32 $0x10, s20;
	[dreg:$0xc] =	wrdreg s24;
	(v2sf) =	vpush v1, $0x3  }
0x1f8: {  	s21 =	sadd.s32 $0x10, s21;
	s19 =	sadd.s32 $0x8A00, s15;
	[dreg:$0x12] =	wrdreg s30  }
0x1f9: {  	s24 =	sadd.s32 $0xA00, s15;
	s30 =	sadd.s32 $0x480, s15;
	[dreg:$0x14] =	wrdreg s31;
	(v2sf) =	vpush v2, $0x4  }
0x1fa: {  	s23 =	sadd.s32 $0xB00, s15;
	s18 =	sadd.s32 $0x980, s15;
	s31 =	spop (v2sf)  }
0x1fb: {  	[dreg:$0x10] =	wrdreg s18;
	s31 =	sand.u32 $0x1FFFFFF0, s31;
	s18 =	spop (v2sf);
	(v2sf) =	vpush v1, $0x4  }
0x1fc: {  	s31 =	sadd.s32 s3, s31;
	s18 =	sand.u32 $0x1FFFFFF0, s18;
	s0 =	spop (v2sf)  }
0x1fd: {  	(v2sf) =	vpush v2, $0x5;
	[tilespmem:s29], [sflag:$0x1] =	stream.linear.gather [hbm4b:s31+s2], $0x80, $0x38;
	[tilespmem:$0x10600] =	vst v63  }
0x1fe: {  	s18 =	sadd.s32 s4, s18;
	s0 =	sand.u32 $0x1FFFFFF0, s0;
	s31 =	spop (v2sf);
	(v2sf) =	vpush v1, $0x5  }
0x1ff: {  	[tilespmem:s26], [sflag:$0x1] =	stream.linear.gather [hbm4b:s18+s2], $0x80, $0x38;
	[tilespmem:$0x10600] =	vst v63  }
0x200: {  	s0 =	sadd.s32 s3, s0;
	s29 =	sand.u32 $0x1FFFFFF0, s31;
	s31 =	spop (v2sf);
	(v2sf) =	vpush v2, $0x6  }
0x201: {  	[tilespmem:s30], [sflag:$0x1] =	stream.linear.gather [hbm4b:s0+s2], $0x80, $0x38;
	[tilespmem:$0x10600] =	vst v63  }
0x202: {  	s29 =	sadd.s32 s4, s29;
	s30 =	sand.u32 $0x1FFFFFF0, s31;
	s31 =	spop (v2sf);
	(v2sf) =	vpush v1, $0x6  }
0x203: {  	[tilespmem:s28], [sflag:$0x1] =	stream.linear.gather [hbm4b:s29+s2], $0x80, $0x38;
	[tilespmem:$0x10600] =	vst v63  }
0x204: {  	s29 =	sadd.s32 s3, s30;
	s30 =	sand.u32 $0x1FFFFFF0, s31;
	s31 =	spop (v2sf)  }
0x205: {  	(v2sf) =	vpush v2, $0x7;
	[tilespmem:s25], [sflag:$0x1] =	stream.linear.gather [hbm4b:s29+s2], $0x80, $0x38;
	[tilespmem:$0x10600] =	vst v63  }
0x206: {  	s26 =	sand.u32 $0x1FFFFFF0, s31;
	s28 =	spop (v2sf);
	s25 =	sadd.s32 s4, s30  }
0x207: {  	(v2sf) =	vpush v1, $0x7;
	[tilespmem:s17], [sflag:$0x1] =	stream.linear.gather [hbm4b:s25+s2], $0x80, $0x38;
	[tilespmem:$0x10600] =	vst v63  }
0x208: {  	s29 =	sadd.s32 s3, s26;
	s30 =	sand.u32 $0x1FFFFFF0, s28;
	s31 =	spop (v2sf)  }
0x209: {  	(v2sf) =	vpush v2, $0x8;
	[tilespmem:s12], [sflag:$0x1] =	stream.linear.gather [hbm4b:s29+s2], $0x80, $0x38;
	[tilespmem:$0x10600] =	vst v63  }
0x20a: {  	s26 =	sand.u32 $0x1FFFFFF0, s31;
	s25 =	sadd.s32 s4, s30;
	s28 =	spop (v2sf)  }
0x20b: {  	[tilespmem:s11], [sflag:$0x1] =	stream.linear.gather [hbm4b:s25+s2], $0x80, $0x38;
	[tilespmem:$0x10600] =	vst v63  }
0x20c: {  	s22 =	sadd.s32 $0x8B00, s15;
	s29 =	sadd.s32 s3, s26;
	s31 =	spop (v2sf)  }
0x20d: {  	(v2sf) =	vpush v1, $0x8;
	s30 =	sand.u32 $0x1FFFFFF0, s28;
	s28 =	rddreg [dreg:$0x16];
	s17 =	spop (v2sf)  }
0x20e: {  	[tilespmem:s10], [sflag:$0x1] =	stream.linear.gather [hbm4b:s29+s2], $0x80, $0x38;
	[tilespmem:$0x10600] =	vst v63  }
0x20f: {  	(v2sf) =	vpush v2, $0x9;
	s11 =	sadd.s32 s4, s30;
	s12 =	sand.u32 $0x1FFFFFF0, s31;
	s26 =	spop (v2sf)  }
0x210: {  	(v2sf) =	vpush v1, $0x9;
	[tilespmem:s14], [sflag:$0x1] =	stream.linear.gather [hbm4b:s11+s2], $0x80, $0x38;
	[tilespmem:$0x10600] =	vst v63  }
0x211: {  	s18 =	sadd.s32 s3, s12;
	s25 =	sand.u32 $0x1FFFFFF0, s17;
	s31 =	spop (v2sf)  }
0x212: {  	[tilespmem:s28], [sflag:$0x1] =	stream.linear.gather [hbm4b:s18+s2], $0x80, $0x38;
	[tilespmem:$0x10600] =	vst v63  }
0x213: {  	s29 =	sadd.s32 s4, s25;
	s30 =	sand.u32 $0x1FFFFFF0, s26;
	s12 =	sand.u32 $0x1FFFFFF0, s31  }
0x214: {  	(v2sf) =	vpush v2, $0xA;
	s10 =	sadd.s32 s3, s30;
	s14 =	spop (v2sf);
	s17 =	sadd.s32 s4, s12  }
0x215: {  	[tilespmem:s9], [sflag:$0x1] =	stream.linear.gather [hbm4b:s29+s2], $0x80, $0x38;
	[tilespmem:$0x10600] =	vst v63  }
0x216: {  	(v2sf) =	vpush v1, $0xA;
	s18 =	sand.u32 $0x1FFFFFF0, s14;
	s25 =	spop (v2sf);
	s14 =	rddreg [dreg:$0x12]  }
0x217: {  	[tilespmem:s8], [sflag:$0x1] =	stream.linear.gather [hbm4b:s10+s2], $0x80, $0x38;
	[tilespmem:$0x10600] =	vst v63  }
0x218: {  	(v2sf) =	vpush v2, $0xB;
	s26 =	sadd.s32 s3, s18;
	s28 =	sand.u32 $0x1FFFFFF0, s25;
	s29 =	spop (v2sf)  }
0x219: {  	[tilespmem:s7], [sflag:$0x1] =	stream.linear.gather [hbm4b:s17+s2], $0x80, $0x38;
	[tilespmem:$0x10600] =	vst v63  }
0x21a: {  	s10 =	smov.u32 s1;
	s30 =	sadd.s32 s4, s28;
	s8 =	rddreg [dreg:$0x14]  }
0x21b: {  	[tilespmem:s6], [sflag:$0x1] =	stream.linear.gather [hbm4b:s26+s2], $0x80, $0x38;
	[tilespmem:$0x10600] =	vst v63  }
0x21c: {  	(v2sf) =	vpush v1, $0xB;
	s31 =	sand.u32 $0x1FFFFFF0, s29;
	s1 =	spop (v2sf);
	s26 =	rddreg [dreg:$0xa]  }
0x21d: {  	(v2sf) =	vpush v2, $0xC;
	[tilespmem:s5], [sflag:$0x1] =	stream.linear.gather [hbm4b:s30+s2], $0x80, $0x38;
	[tilespmem:$0x10600] =	vst v63  }
0x21e: {  	s6 =	sand.u32 $0x1FFFFFF0, s1;
	s7 =	spop (v2sf);
	s5 =	sadd.s32 s3, s31  }
0x21f: {  	(v2sf) =	vpush v1, $0xC;
	s9 =	sadd.s32 s4, s6;
	s11 =	sand.u32 $0x1FFFFFF0, s7;
	s12 =	spop (v2sf)  }
0x220: {  	[tilespmem:s8], [sflag:$0x1] =	stream.linear.gather [hbm4b:s5+s2], $0x80, $0x38;
	[tilespmem:$0x10600] =	vst v63  }
0x221: {  	s31 =	rddreg [dreg:$0xe];
	s17 =	sadd.s32 s3, s11;
	s18 =	sand.u32 $0x1FFFFFF0, s12  }
0x222: {  	[tilespmem:s14], [sflag:$0x1] =	stream.linear.gather [hbm4b:s9+s2], $0x80, $0x38;
	[tilespmem:$0x10600] =	vst v63  }
0x223: {  	s25 =	spop (v2sf);
	s11 =	rddreg [dreg:$0xc];
	s28 =	sadd.s32 s4, s18  }
0x224: {  	[tilespmem:s26], [sflag:$0x1] =	stream.linear.gather [hbm4b:s17+s2], $0x80, $0x38;
	[tilespmem:$0x10600] =	vst v63  }
0x225: {  	s29 =	sand.u32 $0x1FFFFFF0, s25;
	s18 =	rddreg [dreg:$0x6];
	s30 =	spop (v2sf)  }
0x226: {  	[tilespmem:s31], [sflag:$0x1] =	stream.linear.gather [hbm4b:s28+s2], $0x80, $0x38;
	[tilespmem:$0x10600] =	vst v63  }
0x227: {  	s7 =	sadd.s32 s3, s29;
	s8 =	sand.u32 $0x1FFFFFF0, s30;
	s9 =	spop (v2sf)  }
0x228: {  	[tilespmem:s11], [sflag:$0x1] =	stream.linear.gather [hbm4b:s7+s2], $0x80, $0x38;
	[tilespmem:$0x10600] =	vst v63  }
0x229: {  	s29 =	rddreg [dreg:$0x10];
	s12 =	sadd.s32 s4, s8;
	s14 =	sand.u32 $0x1FFFFFF0, s9  }
0x22a: {  	(v2sf) =	vpush v2, $0xD;
	[tilespmem:s18], [sflag:$0x1] =	stream.linear.gather [hbm4b:s12+s2], $0x80, $0x38;
	[tilespmem:$0x10600] =	vst v63  }
.Ltmp2:
0x22b: {  	(v2sf) =	vpush v1, $0xD;
	s17 =	spop (v2sf);
	s25 =	sadd.s32 s3, s14;
	(pc) =	sbr.rel @p0 .LBB2_6-.Ltmp2, $4  }
0x22c: {  	(v2sf) =	vpush v2, $0xE;
	s26 =	sand.u32 $0x1FFFFFF0, s17;
	s28 =	spop (v2sf);
	s31 =	rddreg [dreg:$0x8]  }
0x22d: {  	(v2sf) =	vpush v1, $0xE;
	[tilespmem:s29], [sflag:$0x1] =	stream.linear.gather [hbm4b:s25+s2], $0x80, $0x38;
	[tilespmem:$0x10600] =	vst v63  }
0x22e: {  	(v2sf) =	vpush v2, $0xF;
	s30 =	sadd.s32 s4, s26;
	s0 =	sand.u32 $0x1FFFFFF0, s28;
	s1 =	spop (v2sf)  }
0x22f: {  	(v2sf) =	vpush v1, $0xF;
	[tilespmem:s31], [sflag:$0x1] =	stream.linear.gather [hbm4b:s30+s2], $0x80, $0x38;
	[tilespmem:$0x10600] =	vst v63  }
0x230: {  	_ =	sdelay $0x4  }
0x231: {  	s0 =	sadd.s32 s3, s0;
	s1 =	sand.u32 $0x1FFFFFF0, s1  }
0x232: {  	[tilespmem:s24], [sflag:$0x1] =	stream.linear.gather [hbm4b:s0+s2], $0x80, $0x38;
	[tilespmem:$0x10600] =	vst v63  }
0x233: {  	s7 =	sadd.s32 s4, s1  }
0x234: {  	[tilespmem:s19], [sflag:$0x1] =	stream.linear.gather [hbm4b:s7+s2], $0x80, $0x38;
	[tilespmem:$0x10600] =	vst v63  }
0x235: {  	s5 =	spop (v2sf)  }
0x236: {  	s8 =	sand.u32 $0x1FFFFFF0, s5;
	s9 =	spop (v2sf)  }
0x237: {  	s11 =	sadd.s32 s3, s8;
	s12 =	sand.u32 $0x1FFFFFF0, s9;
	s14 =	spop (v2sf)  }
0x238: {  	[tilespmem:s13], [sflag:$0x1] =	stream.linear.gather [hbm4b:s11+s2], $0x80, $0x38;
	[tilespmem:$0x10600] =	vst v63  }
0x239: {  	s16 =	sadd.s32 s4, s12;
	s17 =	sand.u32 $0x1FFFFFF0, s14;
	s18 =	spop (v2sf)  }
0x23a: {  	[tilespmem:s10], [sflag:$0x1] =	stream.linear.gather [hbm4b:s16+s2], $0x80, $0x38;
	[tilespmem:$0x10600] =	vst v63  }
0x23b: {  	s19 =	sadd.s32 s3, s17;
	s20 =	sand.u32 $0x1FFFFFF0, s18;
	s21 =	spop (v2sf)  }
0x23c: {  	[tilespmem:s23], [sflag:$0x1] =	stream.linear.gather [hbm4b:s19+s2], $0x80, $0x38;
	[tilespmem:$0x10600] =	vst v63  }
0x23d: {  	s24 =	sadd.s32 s4, s20;
	s25 =	sand.u32 $0x1FFFFFF0, s21;
	s26 =	spop (v2sf)  }
0x23e: {  	[tilespmem:s22], [sflag:$0x1] =	stream.linear.gather [hbm4b:s24+s2], $0x80, $0x38;
	[tilespmem:$0x10600] =	vst v63  }
0x23f: {  	s28 =	sadd.s32 $0xB80, s15;
	s1 =	sadd.s32 s3, s25;
	s5 =	sand.u32 $0x1FFFFFF0, s26  }
0x240: {  	[tilespmem:s28], [sflag:$0x1] =	stream.linear.gather [hbm4b:s1+s2], $0x80, $0x38;
	[tilespmem:$0x10600] =	vst v63  }
0x241: {  	s29 =	sadd.s32 $0x8B80, s15;
	s31 =	simm.s32 $0x1;
	s30 =	sadd.s32 s4, s5  }
0x242: {  	[tilespmem:s29], [sflag:$0x1] =	stream.linear.gather [hbm4b:s30+s2], $0x80, $0x38;
	[tilespmem:$0x10600] =	vst v63  }
0x243: {  	_ =	swait.ge [sflag:s31], $0x8000  }
0x244: {  	[sflag:s31] =	ssyncset.done $0x0  }
0x245: {  	[sflag:s31] =	ssyncadd.s32 $0xFFFF8000  }
0x246: {  	_ =	swait.ge [sflag:s31], $0x8000  }
0x247: {  	s15 =	simm.s32 $0x0;
	[sflag:s31] =	ssyncset.done $0x0  }
0x248: {  	s5 =	simm.s32 $0x8400;
	s1 =	simm.s32 $0x400;
	[sflag:s31] =	ssyncadd.s32 $0xFFFF8000  }
.LBB2_8:
0x249: {  	_ =	sdelay $0x1  }
0x24a: {  	v0 =	vmov s15  }
0x24b: {  	v0 =	vshll.u32 v0, $0x7  }
0x24c: {  	v1 =	vor.u32 v4, v0;
	_ =	sdelay $0x1  }
0x24d: {  	v0 =	vor.u32 $0x1, v1;
	_ =	sdelay $0x1  }
0x24e: {  	v2 =	vor.u32 $0x2, v1  }
0x24f: {  	v3 =	vld.idx.msk [tilespmem:v1+s1+$0x0], $0xffff  }
0x250: {  	v5 =	vor.u32 $0x3, v1;
	v4 =	vld.idx.msk [tilespmem:v1+s5+$0x0], $0xffff  }
0x251: {  	v6 =	vld.idx.msk [tilespmem:v0+s1+$0x0], $0xffff  }
0x252: {  	v7 =	vor.u32 $0x4, v1;
	v0 =	vld.idx.msk [tilespmem:v0+s5+$0x0], $0xffff  }
0x253: {  	v8 =	vld.idx.msk [tilespmem:v2+s1+$0x0], $0xffff  }
0x254: {  	v9 =	vor.u32 $0x5, v1;
	v2 =	vld.idx.msk [tilespmem:v2+s5+$0x0], $0xffff  }
0x255: {  	v10 =	vld.idx.msk [tilespmem:v5+s1+$0x0], $0xffff  }
0x256: {  	v11 =	vor.u32 $0x6, v1;
	v5 =	vld.idx.msk [tilespmem:v5+s5+$0x0], $0xffff  }
0x257: {  	v12 =	vld.idx.msk [tilespmem:v7+s1+$0x0], $0xffff  }
0x258: {  	v13 =	vor.u32 $0x7, v1;
	v7 =	vld.idx.msk [tilespmem:v7+s5+$0x0], $0xffff  }
0x259: {  	v15 =	vld.idx.msk [tilespmem:v9+s1+$0x0], $0xffff  }
0x25a: {  	v16 =	vor.u32 $0x8, v1;
	v9 =	vld.idx.msk [tilespmem:v9+s5+$0x0], $0xffff  }
0x25b: {  	v18 =	vld.idx.msk [tilespmem:v11+s1+$0x0], $0xffff  }
0x25c: {  	v19 =	vor.u32 $0x9, v1;
	v11 =	vld.idx.msk [tilespmem:v11+s5+$0x0], $0xffff  }
0x25d: {  	v21 =	vld.idx.msk [tilespmem:v13+s1+$0x0], $0xffff  }
0x25e: {  	v22 =	vor.u32 $0xA, v1;
	v13 =	vld.idx.msk [tilespmem:v13+s5+$0x0], $0xffff  }
0x25f: {  	v24 =	vld.idx.msk [tilespmem:v16+s1+$0x0], $0xffff  }
0x260: {  	v26 =	vor.u32 $0xB, v1;
	v16 =	vld.idx.msk [tilespmem:v16+s5+$0x0], $0xffff;
	v14 =	vmul.f32 v4, v3  }
0x261: {  	v27 =	vld.idx.msk [tilespmem:v19+s1+$0x0], $0xffff;
	v3 =	vmul.f32 v3, v3;
	v4 =	vmul.f32 v4, v4  }
0x262: {  	v63 =	vor.u32 $0xC, v1;
	v19 =	vld.idx.msk [tilespmem:v19+s5+$0x0], $0xffff;
	v17 =	vmul.f32 v0, v6;
	v6 =	vmul.f32 v6, v6  }
0x263: {  	v28 =	vld.idx.msk [tilespmem:v22+s1+$0x0], $0xffff;
	v20 =	vmul.f32 v2, v8;
	v0 =	vmul.f32 v0, v0  }
0x264: {  	v34 =	vor.u32 $0xD, v1;
	v33 =	vld.idx.msk [tilespmem:v22+s5+$0x0], $0xffff;
	v8 =	vmul.f32 v8, v8;
	v2 =	vmul.f32 v2, v2  }
0x265: {  	v36 =	vld.idx.msk [tilespmem:v26+s1+$0x0], $0xffff;
	v23 =	vmul.f32 v5, v10;
	v10 =	vmul.f32 v10, v10  }
0x266: {  	v38 =	vor.u32 $0xE, v1;
	v37 =	vld.idx.msk [tilespmem:v26+s5+$0x0], $0xffff;
	v25 =	vmul.f32 v7, v12;
	v5 =	vmul.f32 v5, v5  }
0x267: {  	v29 =	vld.idx.msk [tilespmem:v63+s1+$0x0], $0xffff;
	v12 =	vmul.f32 v12, v12;
	v7 =	vmul.f32 v7, v7  }
0x268: {  	v46 =	vor.u32 $0xF, v1;
	v41 =	vld.idx.msk [tilespmem:v63+s5+$0x0], $0xffff;
	v32 =	vmul.f32 v9, v15;
	v15 =	vmul.f32 v15, v15  }
0x269: {  	v50 =	vor.u32 $0x10, v1;
	v48 =	vld.idx.msk [tilespmem:v34+s1+$0x0], $0xffff;
	v35 =	vmul.f32 v11, v18;
	v11 =	vmul.f32 v11, v11  }
0x26a: {  	v30 =	vor.u32 $0x11, v1;
	v22 =	vld.idx.msk [tilespmem:v34+s5+$0x0], $0xffff;
	v39 =	vmul.f32 v13, v21;
	v40 =	vmul.f32 v21, v21  }
0x26b: {  	v42 =	vor.u32 $0x12, v1;
	v52 =	vld.idx.msk [tilespmem:v38+s1+$0x0], $0xffff;
	v13 =	vmul.f32 v13, v13;
	v49 =	vmul.f32 v16, v24  }
0x26c: {  	v58 =	vor.u32 $0x13, v1;
	v26 =	vld.idx.msk [tilespmem:v38+s5+$0x0], $0xffff;
	v51 =	vmul.f32 v24, v24;
	v16 =	vmul.f32 v16, v16  }
0x26d: {  	v55 =	vld.idx.msk [tilespmem:v46+s1+$0x0], $0xffff;
	v34 =	vor.u32 $0x14, v1;
	v53 =	vmul.f32 v19, v27;
	v54 =	vmul.f32 v27, v27  }
0x26e: {  	v57 =	vld.idx.msk [tilespmem:v46+s5+$0x0], $0xffff;
	v38 =	vor.u32 $0x15, v1;
	v56 =	vmul.f32 v19, v19;
	v43 =	vmul.f32 v33, v28  }
0x26f: {  	v45 =	vld.idx.msk [tilespmem:v50+s1+$0x0], $0xffff;
	v44 =	vmul.f32 v28, v28;
	v59 =	vmul.f32 v37, v36;
	v14 =	vadd.f32 $0.0e+00, v14  }
0x270: {  	v46 =	vld.idx.msk [tilespmem:v50+s5+$0x0], $0xffff;
	v61 =	vmul.f32 v36, v36;
	v17 =	vadd.f32 $0.0e+00, v17;
	v20 =	vadd.f32 $0.0e+00, v20  }
0x271: {  	v60 =	vld.idx.msk [tilespmem:v30+s1+$0x0], $0xffff;
	v36 =	vmul.f32 v41, v29;
	v23 =	vadd.f32 $0.0e+00, v23;
	v3 =	vadd.f32 v12, v3  }
0x272: {  	v62 =	vld.idx.msk [tilespmem:v30+s5+$0x0], $0xffff;
	v63 =	vmul.f32 v26, v52;
	v4 =	vadd.f32 v7, v4;
	v6 =	vadd.f32 v15, v6  }
0x273: {  	v50 =	vld.idx.msk [tilespmem:v34+s1+$0x0], $0xffff;
	v7 =	vmul.f32 v9, v9;
	v2 =	vadd.f32 v11, v2;
	v5 =	vadd.f32 v13, v5  }
0x274: {  	v30 =	vld.idx.msk [tilespmem:v34+s5+$0x0], $0xffff;
	v34 =	vor.u32 $0x1D, v1;
	v14 =	vadd.f32 v25, v14;
	v12 =	vadd.f32 v32, v17  }
0x275: {  	v9 =	vmul.f32 v33, v33;
	v0 =	vadd.f32 v7, v0;
	v15 =	vadd.f32 v35, v20  }
0x276: {  	v7 =	vmul.f32 v18, v18;
	v47 =	vadd.f32 v39, v23;
	v3 =	vadd.f32 v51, v3  }
0x277: {  	v4 =	vadd.f32 v16, v4;
	v6 =	vadd.f32 v54, v6;
	v35 =	vmul.f32 v37, v37  }
0x278: {  	v2 =	vadd.f32 v9, v2;
	v37 =	vmul.f32 v29, v29;
	v39 =	vmul.f32 v41, v41  }
0x279: {  	v41 =	vmul.f32 v22, v48;
	v48 =	vmul.f32 v48, v48;
	v7 =	vadd.f32 v7, v8  }
0x27a: {  	v32 =	vor.u32 $0x17, v1;
	v8 =	vadd.f32 v40, v10;
	v10 =	vadd.f32 v49, v14  }
0x27b: {  	v31 =	vld.idx.msk [tilespmem:v42+s1+$0x0], $0xffff;
	v51 =	vor.u32 $0x18, v1;
	v12 =	vadd.f32 v53, v12;
	v0 =	vadd.f32 v56, v0  }
0x27c: {  	v25 =	vld.idx.msk [tilespmem:v42+s5+$0x0], $0xffff;
	v16 =	vmul.f32 v55, v55;
	v13 =	vadd.f32 v43, v15;
	v11 =	vadd.f32 v59, v47  }
0x27d: {  	v42 =	vld.idx.msk [tilespmem:v58+s5+$0x0], $0xffff;
	v54 =	vor.u32 $0x19, v1;
	v5 =	vadd.f32 v35, v5;
	v3 =	vadd.f32 v37, v3  }
0x27e: {  	v20 =	vld.idx.msk [tilespmem:v34+s5+$0x0], $0xffff;
	v47 =	vor.u32 $0x16, v1;
	v49 =	vmul.f32 v22, v22;
	v35 =	vmul.f32 v52, v52  }
0x27f: {  	v40 =	vld.idx.msk [tilespmem:v58+s1+$0x0], $0xffff;
	v4 =	vadd.f32 v39, v4;
	v37 =	vmul.f32 v26, v26;
	v52 =	vmul.f32 v57, v55  }
0x280: {  	v53 =	vmul.f32 v57, v57;
	v55 =	vmul.f32 v46, v45;
	v10 =	vadd.f32 v36, v10;
	v36 =	vld.idx.msk [tilespmem:v38+s1+$0x0], $0xffff  }
0x281: {  	v6 =	vadd.f32 v48, v6;
	v56 =	vmul.f32 v45, v45;
	v14 =	vmul.f32 v46, v46;
	v38 =	vld.idx.msk [tilespmem:v38+s5+$0x0], $0xffff  }
0x282: {  	v58 =	vor.u32 $0x1A, v1;
	v59 =	vmul.f32 v62, v60;
	v60 =	vmul.f32 v60, v60;
	v57 =	vld.idx.msk [tilespmem:v32+s5+$0x0], $0xffff  }
0x283: {  	v62 =	vmul.f32 v62, v62;
	v7 =	vadd.f32 v44, v7;
	v8 =	vadd.f32 v61, v8;
	v33 =	vld.idx.msk [tilespmem:v51+s1+$0x0], $0xffff  }
0x284: {  	v45 =	vor.u32 $0x1C, v1;
	v9 =	vadd.f32 v41, v12;
	v0 =	vadd.f32 v49, v0;
	v26 =	vld.idx.msk [tilespmem:v51+s5+$0x0], $0xffff  }
0x285: {  	v46 =	vmul.f32 v31, v31;
	v12 =	vadd.f32 v63, v13;
	v2 =	vadd.f32 v37, v2;
	v63 =	vld.idx.msk [tilespmem:v54+s1+$0x0], $0xffff  }
0x286: {  	v48 =	vor.u32 $0x1E, v1;
	v11 =	vadd.f32 v52, v11;
	v5 =	vadd.f32 v53, v5;
	v44 =	vld.idx.msk [tilespmem:v54+s5+$0x0], $0xffff  }
0x287: {  	v22 =	vmul.f32 v50, v50;
	v3 =	vadd.f32 v56, v3;
	v8 =	vadd.f32 v16, v8;
	v16 =	vld.idx.msk [tilespmem:v32+s1+$0x0], $0xffff  }
0x288: {  	v61 =	vor.u32 $0x1B, v1;
	v4 =	vadd.f32 v14, v4;
	v43 =	vmul.f32 v25, v31;
	v29 =	vld.idx.msk [tilespmem:v47+s1+$0x0], $0xffff  }
0x289: {  	v6 =	vadd.f32 v60, v6;
	v25 =	vmul.f32 v25, v25;
	v49 =	vmul.f32 v30, v50;
	v19 =	vld.idx.msk [tilespmem:v47+s5+$0x0], $0xffff  }
0x28a: {  	v50 =	vmul.f32 v30, v30;
	v53 =	vor.u32 $0x20, v1;
	v7 =	vadd.f32 v35, v7;
	v47 =	vld.idx.msk [tilespmem:v58+s1+$0x0], $0xffff  }
0x28b: {  	v60 =	vor.u32 $0x24, v1;
	v10 =	vadd.f32 v55, v10;
	v9 =	vadd.f32 v59, v9;
	v32 =	vld.idx.msk [tilespmem:v58+s5+$0x0], $0xffff  }
0x28c: {  	v51 =	vor.u32 $0x1F, v1;
	v0 =	vadd.f32 v62, v0;
	v12 =	vadd.f32 v43, v12;
	v27 =	vld.idx.msk [tilespmem:v45+s1+$0x0], $0xffff  }
0x28d: {  	v2 =	vadd.f32 v25, v2;
	v52 =	vadd.f32 v22, v3;
	v39 =	vmul.f32 v42, v40;
	v23 =	vld.idx.msk [tilespmem:v45+s5+$0x0], $0xffff  }
0x28e: {  	v13 =	vadd.f32 v50, v4;
	v40 =	vmul.f32 v40, v40;
	v42 =	vmul.f32 v42, v42;
	v35 =	vld.idx.msk [tilespmem:v48+s1+$0x0], $0xffff  }
0x28f: {  	v25 =	vld.idx.msk [tilespmem:v48+s5+$0x0], $0xffff;
	v58 =	vor.u32 $0x23, v1;
	v45 =	vor.u32 $0x25, v1;
	v48 =	vor.u32 $0x26, v1  }
0x290: {  	v22 =	vld.idx.msk [tilespmem:v34+s1+$0x0], $0xffff;
	v7 =	vadd.f32 v46, v7;
	v3 =	vmul.f32 v38, v36;
	v4 =	vmul.f32 v36, v36  }
0x291: {  	v10 =	vadd.f32 v49, v10;
	v41 =	vld.idx.msk [tilespmem:v61+s1+$0x0], $0xffff;
	v28 =	vmul.f32 v57, v57;
	v59 =	vmul.f32 v26, v26  }
0x292: {  	v43 =	vld.idx.msk [tilespmem:v61+s5+$0x0], $0xffff;
	v5 =	vadd.f32 v42, v5;
	v61 =	vmul.f32 v44, v63;
	v62 =	vmul.f32 v63, v63  }
0x293: {  	v30 =	vld.idx.msk [tilespmem:v51+s5+$0x0], $0xffff;
	v44 =	vmul.f32 v44, v44;
	v9 =	vadd.f32 v3, v9;
	v3 =	vmul.f32 v38, v38  }
0x294: {  	v36 =	vadd.f32 v4, v6;
	v54 =	vmul.f32 v19, v29;
	v4 =	vmul.f32 v29, v29;
	v29 =	vld.idx.msk [tilespmem:v51+s1+$0x0], $0xffff  }
0x295: {  	v28 =	vadd.f32 v28, v5;
	v5 =	vmul.f32 v33, v33;
	v63 =	vadd.f32 v59, v13;
	v13 =	vld.idx.msk [tilespmem:v45+s5+$0x0], $0xffff  }
0x296: {  	v6 =	vor.u32 $0x21, v1;
	v46 =	vmul.f32 v32, v47;
	v47 =	vmul.f32 v47, v47;
	v14 =	vld.idx.msk [tilespmem:v48+s1+$0x0], $0xffff  }
0x297: {  	v0 =	vadd.f32 v3, v0;
	v3 =	vmul.f32 v19, v19;
	v38 =	vadd.f32 v61, v9;
	v9 =	vld.idx.msk [tilespmem:v58+s5+$0x0], $0xffff  }
0x298: {  	v11 =	vadd.f32 v39, v11;
	v50 =	vmul.f32 v32, v32;
	v59 =	vmul.f32 v20, v22;
	v19 =	vld.idx.msk [tilespmem:v48+s5+$0x0], $0xffff  }
0x299: {  	v55 =	vadd.f32 v4, v7;
	v4 =	vmul.f32 v57, v16;
	v56 =	vadd.f32 v3, v2;
	v2 =	vld.idx.msk [tilespmem:v53+s1+$0x0], $0xffff  }
0x29a: {  	v8 =	vadd.f32 v40, v8;
	v22 =	vmul.f32 v22, v22;
	v20 =	vmul.f32 v20, v20;
	v3 =	vld.idx.msk [tilespmem:v53+s5+$0x0], $0xffff  }
0x29b: {  	v36 =	vadd.f32 v62, v36;
	v16 =	vmul.f32 v16, v16;
	v37 =	vadd.f32 v4, v11;
	v4 =	vld.idx.msk [tilespmem:v6+s1+$0x0], $0xffff  }
0x29c: {  	v12 =	vadd.f32 v54, v12;
	v7 =	vor.u32 $0x22, v1;
	v57 =	vmul.f32 v26, v33;
	v6 =	vld.idx.msk [tilespmem:v6+s5+$0x0], $0xffff  }
0x29d: {  	v26 =	vadd.f32 v5, v52;
	v51 =	vmul.f32 v43, v41;
	v16 =	vadd.f32 v16, v8;
	v8 =	vld.idx.msk [tilespmem:v58+s1+$0x0], $0xffff  }
0x29e: {  	v54 =	vor.u32 $0x27, v1;
	v0 =	vadd.f32 v44, v0;
	v33 =	vadd.f32 v57, v10;
	v10 =	vld.idx.msk [tilespmem:v60+s1+$0x0], $0xffff  }
0x29f: {  	v53 =	vmul.f32 v41, v41;
	v62 =	vadd.f32 v59, v38;
	v36 =	vadd.f32 v22, v36;
	v11 =	vld.idx.msk [tilespmem:v60+s5+$0x0], $0xffff  }
0x2a0: {  	v44 =	vmul.f32 v25, v35;
	v59 =	vor.u32 $0x2E, v1;
	v49 =	vadd.f32 v46, v12;
	v12 =	vld.idx.msk [tilespmem:v45+s1+$0x0], $0xffff  }
0x2a1: {  	v25 =	vmul.f32 v25, v25;
	v52 =	vadd.f32 v47, v55;
	v55 =	vmul.f32 v43, v43;
	v5 =	vld.idx.msk [tilespmem:v7+s1+$0x0], $0xffff  }
0x2a2: {  	v57 =	vor.u32 $0x28, v1;
	v58 =	vmul.f32 v27, v27;
	v60 =	vor.u32 $0x29, v1;
	v7 =	vld.idx.msk [tilespmem:v7+s5+$0x0], $0xffff  }
0x2a3: {  	v45 =	vmul.f32 v35, v35;
	v39 =	vadd.f32 v50, v56;
	v56 =	vmul.f32 v23, v27;
	v27 =	vld.idx.msk [tilespmem:v54+s1+$0x0], $0xffff  }
0x2a4: {  	v46 =	vor.u32 $0x2B, v1;
	v23 =	vmul.f32 v23, v23;
	v0 =	vadd.f32 v20, v0;
	v24 =	vld.idx.msk [tilespmem:v54+s5+$0x0], $0xffff  }
0x2a5: {  	v48 =	vmul.f32 v30, v29;
	v37 =	vadd.f32 v51, v37;
	v40 =	vadd.f32 v53, v16;
	v34 =	vld.idx.msk [tilespmem:v59+s1+$0x0], $0xffff  }
0x2a6: {  	v50 =	vmul.f32 v29, v29;
	v28 =	vadd.f32 v55, v28;
	v26 =	vadd.f32 v58, v26;
	v35 =	vld.idx.msk [tilespmem:v59+s5+$0x0], $0xffff  }
0x2a7: {  	v30 =	vmul.f32 v30, v30;
	v47 =	vadd.f32 v44, v49;
	v32 =	vadd.f32 v45, v52;
	v18 =	vld.idx.msk [tilespmem:v57+s1+$0x0], $0xffff  }
0x2a8: {  	[tilespmem:$0x1FE40] =	vst v62;
	v51 =	vor.u32 $0x2C, v1;
	v44 =	vor.u32 $0x2F, v1;
	v16 =	vadd.f32 v56, v33;
	v20 =	vld.idx.msk [tilespmem:v57+s5+$0x0], $0xffff  }
0x2a9: {  	v61 =	vadd.f32 v23, v63;
	v63 =	vor.u32 $0x2A, v1;
	v49 =	vadd.f32 v25, v39;
	[tilespmem:$0x1FDF0] =	vst v2;
	v21 =	vld.idx.msk [tilespmem:v60+s1+$0x0], $0xffff  }
0x2aa: {  	v56 =	vor.u32 $0x2D, v1;
	[tilespmem:$0x1FE90] =	vst v47;
	v52 =	vadd.f32 v48, v37;
	v53 =	vmul.f32 v2, v2;
	v22 =	vld.idx.msk [tilespmem:v60+s5+$0x0], $0xffff  }
0x2ab: {  	v55 =	vmul.f32 v3, v3;
	v41 =	vadd.f32 v30, v28;
	v2 =	vmul.f32 v13, v13;
	v28 =	vld.idx.msk [tilespmem:v46+s5+$0x0], $0xffff  }
0x2ac: {  	v57 =	vmul.f32 v4, v4;
	v58 =	vmul.f32 v6, v6;
	v37 =	vadd.f32 v53, v26;
	v26 =	vld.idx.msk [tilespmem:v46+s1+$0x0], $0xffff  }
0x2ad: {  	v54 =	vadd.f32 v50, v40;
	v60 =	vmul.f32 v8, v8;
	v62 =	vmul.f32 v10, v10;
	v30 =	vld.idx.msk [tilespmem:v51+s1+$0x0], $0xffff  }
0x2ae: {  	v17 =	vor.u32 $0x34, v1;
	[tilespmem:$0x1FE70] =	vst v8;
	v47 =	vmul.f32 v12, v12;
	v8 =	vmul.f32 v14, v14;
	v31 =	vld.idx.msk [tilespmem:v51+s5+$0x0], $0xffff  }
0x2af: {  	v29 =	vmovc v14;
	[tilespmem:$0x1FEA0] =	vst v10;
	v10 =	vor.u32 $0x32, v1;
	v14 =	vor.u32 $0x33, v1;
	v40 =	vadd.f32 v55, v61;
	v23 =	vld.idx.msk [tilespmem:v63+s1+$0x0], $0xffff  }
0x2b0: {  	[tilespmem:$0x1FE80] =	vst v9;
	v61 =	vmul.f32 v9, v9;
	v46 =	vor.u32 $0x30, v1;
	v36 =	vadd.f32 v57, v36;
	v25 =	vld.idx.msk [tilespmem:v63+s5+$0x0], $0xffff  }
0x2b1: {  	v9 =	vmul.f32 v19, v19;
	v0 =	vadd.f32 v58, v0;
	v45 =	vadd.f32 v60, v54;
	v33 =	vld.idx.msk [tilespmem:v56+s5+$0x0], $0xffff  }
0x2b2: {  	[tilespmem:$0x1FED0] =	vst v13;
	v57 =	vor.u32 $0x35, v1;
	v42 =	vmul.f32 v5, v5;
	v48 =	vadd.f32 v62, v37;
	v37 =	vld.idx.msk [tilespmem:v44+s5+$0x0], $0xffff  }
0x2b3: {  	[tilespmem:$0x1FEB0] =	vst v11;
	v58 =	vor.u32 $0x36, v1;
	v43 =	vmul.f32 v7, v7;
	v47 =	vadd.f32 v47, v36;
	v36 =	vld.idx.msk [tilespmem:v44+s1+$0x0], $0xffff  }
0x2b4: {  	v63 =	vmul.f32 v11, v11;
	v11 =	vmul.f32 v27, v27;
	v42 =	vadd.f32 v42, v32;
	v32 =	vld.idx.msk [tilespmem:v56+s1+$0x0], $0xffff  }
0x2b5: {  	[tilespmem:$0x1FEC0] =	vst v12;
	v41 =	vadd.f32 v61, v41;
	v12 =	vmul.f32 v24, v24;
	v61 =	vor.u32 $0x37, v1;
	v44 =	vld.idx.msk [tilespmem:v14+s1+$0x0], $0xffff  }
0x2b6: {  	v0 =	vadd.f32 v2, v0;
	v62 =	vmul.f32 v35, v35;
	v53 =	vadd.f32 v11, v45;
	v45 =	vld.idx.msk [tilespmem:v14+s5+$0x0], $0xffff  }
0x2b7: {  	[tilespmem:$0x1FE30] =	vst v16;
	v43 =	vadd.f32 v43, v49;
	v49 =	vor.u32 $0x31, v1;
	v50 =	vadd.f32 v63, v40;
	v38 =	vld.idx.msk [tilespmem:v46+s1+$0x0], $0xffff  }
0x2b8: {  	v13 =	vmul.f32 v18, v18;
	v54 =	vadd.f32 v12, v41;
	v15 =	vmul.f32 v20, v20;
	v39 =	vld.idx.msk [tilespmem:v46+s5+$0x0], $0xffff  }
0x2b9: {  	v16 =	vmul.f32 v21, v21;
	v2 =	vmul.f32 v22, v22;
	v46 =	vld.idx.msk [tilespmem:v17+s1+$0x0], $0xffff;
	v51 =	vadd.f32 v8, v42  }
0x2ba: {  	[tilespmem:$0x1FEE0] =	vst v52;
	v14 =	vor.u32 $0x38, v1;
	v52 =	vadd.f32 v9, v43;
	v48 =	vadd.f32 v13, v48;
	v42 =	vld.idx.msk [tilespmem:v10+s1+$0x0], $0xffff  }
0x2bb: {  	v50 =	vadd.f32 v15, v50;
	v56 =	vadd.f32 v16, v47;
	v43 =	vld.idx.msk [tilespmem:v10+s5+$0x0], $0xffff;
	v59 =	vmul.f32 v31, v31  }
0x2bc: {  	v0 =	vadd.f32 v2, v0;
	v9 =	vmul.f32 v26, v26;
	v10 =	vmul.f32 v28, v28;
	v47 =	vld.idx.msk [tilespmem:v17+s5+$0x0], $0xffff  }
0x2bd: {  	v11 =	vmul.f32 v30, v30;
	v13 =	vmul.f32 v34, v34;
	v59 =	vadd.f32 v59, v50;
	v50 =	vld.idx.msk [tilespmem:v58+s1+$0x0], $0xffff  }
0x2be: {  	[tilespmem:$0x1FE50] =	vst v5;
	v16 =	vor.u32 $0x39, v1;
	v2 =	vor.u32 $0x3E, v1;
	v55 =	vmul.f32 v23, v23;
	v40 =	vld.idx.msk [tilespmem:v49+s1+$0x0], $0xffff  }
0x2bf: {  	v8 =	vmul.f32 v25, v25;
	v12 =	vmul.f32 v33, v33;
	v53 =	vadd.f32 v9, v53;
	v41 =	vld.idx.msk [tilespmem:v49+s5+$0x0], $0xffff  }
0x2c0: {  	v63 =	vmul.f32 v36, v36;
	v51 =	vadd.f32 v55, v51;
	v55 =	vadd.f32 v11, v48;
	v48 =	vld.idx.msk [tilespmem:v57+s1+$0x0], $0xffff  }
0x2c1: {  	v15 =	vmul.f32 v37, v37;
	v54 =	vadd.f32 v10, v54;
	v52 =	vadd.f32 v8, v52;
	v49 =	vld.idx.msk [tilespmem:v57+s5+$0x0], $0xffff  }
0x2c2: {  	v60 =	vmul.f32 v32, v32;
	v5 =	vadd.f32 v12, v0;
	v63 =	vadd.f32 v63, v53;
	v53 =	vld.idx.msk [tilespmem:v14+s1+$0x0], $0xffff  }
0x2c3: {  	[tilespmem:$0x1FE00] =	vst v3;
	v0 =	vor.u32 $0x3A, v1;
	v17 =	vmul.f32 v38, v38;
	v8 =	vadd.f32 v15, v54;
	v54 =	vld.idx.msk [tilespmem:v14+s5+$0x0], $0xffff  }
0x2c4: {  	v11 =	vmul.f32 v39, v39;
	v56 =	vadd.f32 v60, v56;
	v60 =	vadd.f32 v13, v51;
	v51 =	vld.idx.msk [tilespmem:v58+s5+$0x0], $0xffff  }
0x2c5: {  	v14 =	vmul.f32 v44, v44;
	v62 =	vadd.f32 v62, v52;
	v52 =	vld.idx.msk [tilespmem:v61+s1+$0x0], $0xffff;
	v12 =	vmul.f32 v42, v42  }
0x2c6: {  	[tilespmem:$0x1FE10] =	vst v4;
	v61 =	vld.idx.msk [tilespmem:v61+s5+$0x0], $0xffff;
	v13 =	vor.u32 $0x3B, v1;
	v55 =	vadd.f32 v17, v55;
	v3 =	vmul.f32 v41, v41  }
0x2c7: {  	v57 =	vld.idx.msk [tilespmem:v16+s5+$0x0], $0xffff;
	v59 =	vadd.f32 v11, v59;
	v58 =	vadd.f32 v14, v63;
	v4 =	vmul.f32 v40, v40  }
0x2c8: {  	[tilespmem:$0x1FE20] =	vst v6;
	v17 =	vld.idx.msk [tilespmem:v0+s1+$0x0], $0xffff;
	v9 =	vadd.f32 v3, v5;
	v5 =	vmul.f32 v43, v43;
	v3 =	vor.u32 $0x3C, v1  }
0x2c9: {  	v15 =	vmul.f32 v47, v47;
	v60 =	vadd.f32 v12, v60;
	v6 =	vadd.f32 v4, v56;
	v56 =	vld.idx.msk [tilespmem:v16+s1+$0x0], $0xffff  }
0x2ca: {  	v16 =	vld.idx.msk [tilespmem:v0+s5+$0x0], $0xffff;
	v0 =	vor.u32 $0x3D, v1;
	v62 =	vadd.f32 v5, v62;
	v5 =	vmul.f32 v46, v46  }
0x2cb: {  	v59 =	vadd.f32 v15, v59;
	v63 =	vmul.f32 v49, v49;
	v4 =	vmul.f32 v45, v45;
	v15 =	vld.idx.msk [tilespmem:v13+s5+$0x0], $0xffff  }
0x2cc: {  	[tilespmem:$0x1FE60] =	vst v7;
	v1 =	vor.u32 $0x3F, v1;
	v12 =	vmul.f32 v52, v52;
	v5 =	vadd.f32 v5, v55;
	v55 =	vld.idx.msk [tilespmem:v13+s1+$0x0], $0xffff  }
0x2cd: {  	v7 =	vadd.f32 v4, v8;
	v8 =	vmul.f32 v48, v48;
	v4 =	vmul.f32 v51, v51;
	v14 =	vld.idx.msk [tilespmem:v3+s1+$0x0], $0xffff  }
0x2ce: {  	v11 =	vmul.f32 v61, v61;
	v9 =	vadd.f32 v63, v9;
	v58 =	vadd.f32 v12, v58;
	v13 =	vld.idx.msk [tilespmem:v3+s5+$0x0], $0xffff  }
0x2cf: {  	v6 =	vadd.f32 v8, v6;
	v8 =	vmul.f32 v50, v50;
	v4 =	vadd.f32 v4, v62;
	v62 =	vld.idx.msk [tilespmem:v0+s1+$0x0], $0xffff  }
0x2d0: {  	v63 =	vmul.f32 v53, v53;
	v10 =	vadd.f32 v11, v7;
	v12 =	vld.idx.msk [tilespmem:v0+s5+$0x0], $0xffff;
	v0 =	vmul.f32 v54, v54  }
0x2d1: {  	v11 =	vld.idx.msk [tilespmem:v2+s1+$0x0], $0xffff;
	v3 =	vmul.f32 v57, v57;
	v8 =	vadd.f32 v8, v60;
	v60 =	vmul.f32 v56, v56  }
0x2d2: {  	v2 =	vld.idx.msk [tilespmem:v2+s5+$0x0], $0xffff;
	v5 =	vadd.f32 v63, v5;
	v7 =	vadd.f32 v0, v59;
	v59 =	vmul.f32 v17, v17  }
0x2d3: {  	v3 =	vadd.f32 v3, v9;
	v9 =	vmul.f32 v16, v16;
	v6 =	vadd.f32 v60, v6;
	v60 =	vld.idx.msk [tilespmem:v1+s1+$0x0], $0xffff  }
0x2d4: {  	v63 =	vmul.f32 v15, v15;
	v1 =	vld.idx.msk [tilespmem:v1+s5+$0x0], $0xffff;
	v8 =	vadd.f32 v59, v8;
	v59 =	vmul.f32 v55, v55  }
0x2d5: {  	v4 =	vadd.f32 v9, v4;
	v9 =	vmul.f32 v14, v14;
	v0 =	vmul.f32 v13, v13  }
0x2d6: {  	v10 =	vadd.f32 v63, v10;
	v63 =	vmul.f32 v62, v62;
	v58 =	vadd.f32 v59, v58  }
0x2d7: {  	v5 =	vadd.f32 v9, v5;
	v0 =	vadd.f32 v0, v7;
	v7 =	vmul.f32 v12, v12  }
0x2d8: {  	v6 =	vadd.f32 v63, v6;
	v9 =	vmul.f32 v11, v11;
	v59 =	vmul.f32 v60, v60  }
0x2d9: {  	v63 =	vmul.f32 v1, v1;
	v3 =	vadd.f32 v7, v3;
	v7 =	vmul.f32 v2, v2  }
0x2da: {  	v8 =	vadd.f32 v9, v8;
	v9 =	vadd.f32 v59, v58;
	v58 =	vld [tilespmem:$0x1FDF0]  }
0x2db: {  	v59 =	vld [tilespmem:$0x1FE00];
	v4 =	vadd.f32 v7, v4;
	v7 =	vadd.f32 v63, v10;
	_ =	sdelay $0x1  }
0x2dc: {  	v0 =	vadd.f32 v3, v0;
	v3 =	vadd.f32 v7, v4;
	v4 =	vld [tilespmem:$0x1FE30];
	_ =	sdelay $0x1  }
0x2dd: {  	v10 =	vld [tilespmem:$0x1FE10]  }
0x2de: {  	v63 =	vld [tilespmem:$0x1FE20];
	v58 =	vmul.f32 v59, v58  }
0x2df: {  	v59 =	vld [tilespmem:$0x1FE60]  }
0x2e0: {  	v4 =	vadd.f32 v58, v4;
	v58 =	vld [tilespmem:$0x1FE50];
	_ =	sdelay $0x3  }
0x2e1: {  	v10 =	vmul.f32 v63, v10;
	v63 =	vld [tilespmem:$0x1FE70]  }
0x2e2: {  	v5 =	vadd.f32 v6, v5;
	v6 =	vadd.f32 v9, v8;
	v8 =	vmul.f32 v59, v58;
	v58 =	vld [tilespmem:$0x1FE80];
	_ =	sdelay $0x2  }
0x2e3: {  	v7 =	vld [tilespmem:$0x1FE40]  }
0x2e4: {  	v0 =	vadd.f32 v3, v0;
	v3 =	vld [tilespmem:$0x1FE90]  }
0x2e5: {  	v9 =	vmul.f32 v58, v63;
	v63 =	vld [tilespmem:$0x1FEC0]  }
0x2e6: {  	v58 =	vld [tilespmem:$0x1FED0]  }
0x2e7: {  	v5 =	vadd.f32 v6, v5;
	v6 =	vld [tilespmem:$0x1FEA0]  }
0x2e8: {  	v35 =	vmul.f32 v35, v34;
	v59 =	vld [tilespmem:$0x1FEB0]  }
0x2e9: {  	v31 =	vmul.f32 v31, v30;
	v39 =	vmul.f32 v39, v38  }
0x2ea: {  	v41 =	vmul.f32 v41, v40;
	v5 =	vmax.f32 v5, $9.999999960e-13;
	v0 =	vmax.f32 v0, $9.999999960e-13  }
0x2eb: {  	v7 =	vadd.f32 v10, v7;
	v3 =	vadd.f32 v8, v3;
	v8 =	vmul.f32 v58, v63  }
0x2ec: {  	v49 =	vmul.f32 v49, v48;
	v0 =	vmul.f32 v0, v5;
	v63 =	vld [tilespmem:$0x1FEE0]  }
0x2ed: {  	v6 =	vmul.f32 v59, v6;
	v59 =	vmul.f32 v19, v29;
	v5 =	vadd.f32 v8, v7  }
0x2ee: {  	v7 =	vmul.f32 v20, v18;
	v20 =	vshra.s32 v0, $0x1;
	v0 =	vmul.f32 $5.000000000e-01, v0  }
0x2ef: {  	v4 =	vadd.f32 v6, v4;
	v6 =	vmul.f32 v24, v27;
	v8 =	vsub.s32 $0x5F3759DF, v20  }
0x2f0: {  	v3 =	vadd.f32 v59, v3;
	v24 =	vmul.f32 v22, v21;
	v27 =	vmul.f32 v8, v0  }
0x2f1: {  	v4 =	vadd.f32 v7, v4;
	v7 =	vmul.f32 v25, v23;
	v9 =	vadd.f32 v9, v63  }
0x2f2: {  	v29 =	vmul.f32 v28, v26;
	v5 =	vadd.f32 v24, v5;
	v10 =	vmul.f32 v8, v27  }
0x2f3: {  	v3 =	vadd.f32 v7, v3;
	v7 =	vmul.f32 v33, v32;
	v6 =	vadd.f32 v6, v9  }
0x2f4: {  	v45 =	vmul.f32 v45, v44;
	v15 =	vmul.f32 v15, v55;
	v10 =	vsub.f32 $1.500000000e+00, v10  }
0x2f5: {  	v5 =	vadd.f32 v7, v5;
	v7 =	vmul.f32 v37, v36;
	v6 =	vadd.f32 v29, v6  }
0x2f6: {  	v1 =	vmul.f32 v1, v60;
	v4 =	vadd.f32 v31, v4;
	v8 =	vmul.f32 v8, v10  }
0x2f7: {  	v3 =	vadd.f32 v35, v3;
	v6 =	vadd.f32 v7, v6;
	v7 =	vmul.f32 v43, v42  }
0x2f8: {  	v2 =	vmul.f32 v2, v11;
	v10 =	vmul.f32 v8, v0  }
0x2f9: {  	v4 =	vadd.f32 v39, v4;
	v3 =	vadd.f32 v7, v3;
	v7 =	vmul.f32 v47, v46  }
0x2fa: {  	v59 =	vmul.f32 v54, v53;
	v5 =	vadd.f32 v41, v5;
	v10 =	vmul.f32 v10, v8  }
0x2fb: {  	v6 =	vadd.f32 v45, v6;
	v4 =	vadd.f32 v7, v4;
	v7 =	vmul.f32 v61, v52  }
0x2fc: {  	v58 =	vmul.f32 v51, v50;
	v63 =	vmul.f32 v12, v62;
	v10 =	vsub.f32 $1.500000000e+00, v10  }
0x2fd: {  	v5 =	vadd.f32 v49, v5;
	v6 =	vadd.f32 v7, v6;
	v7 =	vmul.f32 v57, v56  }
0x2fe: {  	v3 =	vadd.f32 v58, v3;
	v61 =	vmul.f32 v16, v17;
	v8 =	vmul.f32 v10, v8  }
0x2ff: {  	v4 =	vadd.f32 v59, v4;
	v5 =	vadd.f32 v7, v5;
	v7 =	vmul.f32 v13, v14  }
0x300: {  	v3 =	vadd.f32 v61, v3;
	v6 =	vadd.f32 v15, v6;
	v0 =	vmul.f32 v8, v0  }
0x301: {  	v4 =	vadd.f32 v7, v4;
	v5 =	vadd.f32 v63, v5  }
0x302: {  	v2 =	vadd.f32 v2, v3;
	v1 =	vadd.f32 v1, v6;
	v0 =	vmul.f32 v0, v8  }
0x303: {  	v3 =	vadd.f32 v5, v4  }
0x304: {  	v1 =	vadd.f32 v1, v2;
	v0 =	vsub.f32 $1.500000000e+00, v0;
	_ =	sdelay $0x1  }
0x305: {  	v1 =	vadd.f32 v1, v3;
	v0 =	vmul.f32 v0, v8;
	_ =	sdelay $0x1  }
0x306: {  	v0 =	vmul.f32 v0, v1  }
0x307: {  	p0 =	sne.s32 s15, $0xF0  }
.Ltmp3:
0x308: {  	v0 =	vadd.f32 $1.000000000e+00, v0;
	(pc) =	sbr.rel @p0 .LBB2_8-.Ltmp3, $4  }
0x309: {  	_ = 	snop  }
0x30a: {  	v0 =	vmul.f32 $5.000000000e-01, v0  }
0x30b: {  	s0 =	sand.u32 $0xF0, s15  }
0x30c: {  	s15 =	sadd.s32 $0x10, s15;
	v4 =	vld [tilespmem:$0x1FFF0];
	[tilespmem:s0+$0x10500] =	vst v0  }
0x30d: {  	s0 =	rddreg [dreg:$0x19];
	s1 =	simm.s32 $0x10400;
	s5 =	simm.s32 $0x2  }
0x30e: {  	[hbm4b:s0+s2] =	stream.linear.scatter [tilespmem:s1], [sflag:$0x2], $0x200, $0x38;
	[tilespmem:$0x10600] =	vst v63  }
0x30f: {  	_ =	swait.ge [sflag:s5], $0x200  }
0x310: {  	s30 =	rddreg [dreg:$0x1b]  }
0x311: {  	s31 =	rddreg [dreg:$0x1a];
	s1 =	sadd.s32 $0x1, s30  }
0x312: {  	p0 =	sne.s32 s1, s31  }
.Ltmp4:
0x313: {  	_ = 	snop;
	(pc) =	sbr.rel @p0 .LBB2_1-.Ltmp4, $3  }
0x314: {  	_ =	sdelay $0x1  }
0x315: {  	[sflag:s5] =	ssyncset.done $0x0  }
0x316: {  	[sflag:s5] =	ssyncadd.s32 $0xFFFFFE00  }
0x317: {  	_ =	sfence.sel $0x180000  }
0x318: {  	[bflag:$0x0] =	sbarrier.arrive $0xFFFF  }
0x319: {  	_ =	strace $0x90000047  }
0x31a: {  	s0 =	stileid.u32;
	[bflag:$0x2] =	sbarrier.arrive $0xFFFF  }
0x31b: {  	p0 =	sne.s32 s0, $0x0;
	s0 =	rddreg [dreg:$0x4]  }
0x31c: {  	s0 =	sadd.s32 @!p0 $0x100000, s0  }
0x31d: {  	[sflag:s0] =	ssyncadd.tile.s32 @!p0 $0x1;
	_ =	shalt  }
.Lfunc_end2:
_tile_overlayer_lowered:
.L_overlay_start_2:
0x31e: {  	(tag) =	ssettag $0x2  }
0x31f: {  	s0 =	rddreg [dreg:$0x0];
	s2 =	stileid.u32  }
0x320: {  	s1 =	rddreg [dreg:$0x1];
	p0 =	sne.s32 s2, $0x0  }
0x321: {  	s3 =	rddreg [dreg:$0x2];
	[bflag:$0x3] =	sbarrier.arrive $0xFFFF;
	s2 =	simm.s32 @!p0 $0x1C02  }
0x322: {  	[timem:s3], [sflag:s2] =	dma.local @!p0 [hbm:s0], s1  }
0x323: {  	s0 =	simm.s32 @!p0 $0x2  }
0x324: {  	_ =	swait.ge @!p0 [sflag:s0], s1  }
0x325: {  	s1 =	ssub.s32 @!p0 $0x0, s1;
	[sflag:s0] =	ssyncset.done @!p0 $0x0  }
0x326: {  	[sflag:s0] =	ssyncadd.s32 @!p0 s1  }
0x327: {  	[bflag:$0x3] =	sbarrier.arrive $0xFFFF  }
0x328: {  	_ =	shalt  }

</sc_bundles>
